<compile_context>
chip_gen: v7x
topology: tpu7x:2x2x1
jax: 0.10.2.dev20260603
libtpu: 0.0.44.dev20260713+nightly
codegen_flags: <defaults>
</compile_context>

<pallas_src>
import functools

import jax
import jax.numpy as jnp
from jax import lax
from jax.experimental import pallas as pl
from jax.experimental.pallas import tpu as pltpu
from jax.experimental.pallas import tpu_sc as plsc

N = 10000
E = 320000
D = 128
NC, NS = 2, 16
NW = NC * NS
CH = 128
EW = 10368
PE = EW * NW
NCH = EW // CH
NSLOT = 3
NT = NCH // NSLOT
TCH = NW * NCH
C0_CH = 147
C1_CH = (TCH - NS * C0_CH) // NS
N_ACC = 10112
RPW = N_ACC // NS
BM = 1000

_mesh = plsc.VectorSubcoreMesh(
    core_axis_name="c", subcore_axis_name="s", num_cores=NC, num_subcores=NS)


def _fill(buf, nrows, value):
    v = jnp.full((16,), value, jnp.float32)

    @pl.loop(0, nrows)
    def _(r):
        @pl.loop(0, D, step=16)
        def _(cc):
            buf[r, pl.ds(cc, 16)] = v


def _zero_acc(tile, acc, r0):
    @pl.loop(0, RPW // CH)
    def _(k):
        pltpu.sync_copy(tile, acc.at[pl.ds(r0 + k * CH, CH)])

    rem = RPW % CH
    if rem:
        pltpu.sync_copy(tile.at[pl.ds(0, rem)],
                        acc.at[pl.ds(r0 + (RPW // CH) * CH, rem)])


@functools.partial(
    pl.kernel,
    out_type=jax.ShapeDtypeStruct((NC, N_ACC, D), jnp.float32),
    mesh=_mesh,
    scratch_types=[pltpu.VMEM((CH, D), jnp.float32),
                   pltpu.VMEM((NSLOT, CH), jnp.int32)]
      + [pltpu.SemaphoreType.DMA] * NSLOT
      + [pltpu.VMEM_SHARED((N_ACC, D), jnp.float32)],
)
def _sc_degree(dst_hbm, out_hbm, ones, didx, *rest):
    didxs = [didx.at[j] for j in range(NSLOT)]
    sems = rest[:NSLOT]
    acc = rest[NSLOT]
    core = lax.axis_index("c")
    sid = lax.axis_index("s")
    wid = sid * NC + core
    r0 = sid * RPW

    _fill(ones, CH, 0.0)
    _zero_acc(ones, acc, r0)
    _fill(ones, CH, 1.0)
    plsc.subcore_barrier()

    base = wid * NCH
    for j in range(NSLOT):
        pltpu.async_copy(dst_hbm.at[base + j], didxs[j], sems[j])

    @pl.loop(0, NT)
    def _(t):
        for j in range(NSLOT):
            pltpu.make_async_copy(dst_hbm.at[0], didxs[j], sems[j]).wait()
            pltpu.async_copy(ones, acc.at[didxs[j]], sems[j], add=True)
        for j in range(NSLOT):
            pltpu.make_async_copy(ones, acc.at[didxs[j]], sems[j]).wait()

            @pl.when(t < NT - 1)
            def _():
                pltpu.async_copy(dst_hbm.at[base + (t + 1) * NSLOT + j],
                                 didxs[j], sems[j])

    plsc.subcore_barrier()
    pltpu.sync_copy(acc.at[pl.ds(r0, RPW)], out_hbm.at[core, pl.ds(r0, RPW)])


@functools.partial(
    pl.kernel,
    out_type=jax.ShapeDtypeStruct((NC, N_ACC, D), jnp.float32),
    mesh=_mesh,
    scratch_types=[pltpu.VMEM((CH, D), jnp.float32)] * NSLOT
      + [pltpu.VMEM((NSLOT, CH), jnp.int32),
         pltpu.VMEM((NSLOT, CH), jnp.int32)]
      + [pltpu.SemaphoreType.DMA] * (2 * NSLOT)
      + [pltpu.VMEM_SHARED((N_ACC, D), jnp.float32)],
)
def _sc_segsum(y_hbm, src_hbm, dst_hbm, out_hbm, *rest):
    rows = rest[:NSLOT]
    sidx, didx = rest[NSLOT], rest[NSLOT + 1]
    didxs = [didx.at[j] for j in range(NSLOT)]
    semsa = rest[NSLOT + 2:2 * NSLOT + 2]
    semsb = rest[2 * NSLOT + 2:3 * NSLOT + 2]
    acc = rest[3 * NSLOT + 2]
    H = CH // 2
    core = lax.axis_index("c")
    sid = lax.axis_index("s")
    r0 = sid * RPW

    _fill(rows[0], CH, 0.0)
    _zero_acc(rows[0], acc, r0)
    plsc.subcore_barrier()

    base = jnp.where(core == 0, sid * C0_CH, NS * C0_CH + sid * C1_CH)
    my_nt = jnp.where(core == 0, C0_CH // NSLOT, C1_CH // NSLOT)

    def _issue_idx(j, c):
        pltpu.async_copy(src_hbm.at[base + c], sidx.at[j], semsb[j])
        pltpu.async_copy(dst_hbm.at[base + c], didxs[j], semsb[j])

    def _wait_idx(j):
        pltpu.make_async_copy(src_hbm.at[0], sidx.at[j], semsb[j]).wait()
        pltpu.make_async_copy(src_hbm.at[0], didxs[j], semsb[j]).wait()

    def _issue_gather(j):
        pltpu.async_copy(y_hbm.at[sidx.at[j, pl.ds(0, H)]],
                         rows[j].at[pl.ds(0, H)], semsa[j])
        pltpu.async_copy(y_hbm.at[sidx.at[j, pl.ds(H, H)]],
                         rows[j].at[pl.ds(H, H)], semsb[j])

    def _wait_gather(j):
        pltpu.make_async_copy(y_hbm.at[sidx.at[j, pl.ds(0, H)]],
                              rows[j].at[pl.ds(0, H)], semsa[j]).wait()
        pltpu.make_async_copy(y_hbm.at[sidx.at[j, pl.ds(0, H)]],
                              rows[j].at[pl.ds(H, H)], semsb[j]).wait()

    @pl.when(my_nt > 0)
    def _():
        for j in range(NSLOT):
            _issue_idx(j, j)

    @pl.loop(0, my_nt)
    def _(t):
        for j in range(NSLOT):
            _wait_idx(j)
            _issue_gather(j)
        for j in range(NSLOT):
            _wait_gather(j)
            pltpu.async_copy(rows[j], acc.at[didxs[j]], semsa[j], add=True)
        for j in range(NSLOT):
            pltpu.make_async_copy(rows[j], acc.at[didxs[j]], semsa[j]).wait()

            @pl.when(t < my_nt - 1)
            def _():
                _issue_idx(j, (t + 1) * NSLOT + j)

    plsc.subcore_barrier()
    pltpu.sync_copy(acc.at[pl.ds(r0, RPW)], out_hbm.at[core, pl.ds(r0, RPW)])


def _row_spec(i_map=lambda i: (i, 0)):
    return pl.BlockSpec((BM, D), i_map)


def _mm_body(x_ref, w_ref, o_ref):
    o_ref[...] = jnp.dot(x_ref[...], w_ref[...],
                         preferred_element_type=jnp.float32)


def _tc_mm(x, w):
    return pl.pallas_call(
        _mm_body,
        grid=(N // BM,),
        in_specs=[_row_spec(), pl.BlockSpec((D, D), lambda i: (0, 0))],
        out_specs=_row_spec(),
        out_shape=jax.ShapeDtypeStruct((N, D), jnp.float32),
    )(x, w)


def _scale_body(degp_ref, xw_ref, dis_ref, y_ref):
    deg = 1.0 + degp_ref[0] + degp_ref[1]
    dis = lax.rsqrt(deg)
    dis_ref[...] = dis
    y_ref[...] = dis * xw_ref[...]


def _tc_scale(degp, xw):
    return pl.pallas_call(
        _scale_body,
        grid=(N // BM,),
        in_specs=[pl.BlockSpec((NC, BM, D), lambda i: (0, i, 0)), _row_spec()],
        out_specs=[_row_spec(), _row_spec()],
        out_shape=[jax.ShapeDtypeStruct((N, D), jnp.float32),
                   jax.ShapeDtypeStruct((N, D), jnp.float32)],
    )(degp, xw)


def _l2_body(p_ref, y1_ref, dis_ref, b1_ref, w2_ref, o_ref):
    s = p_ref[0] + p_ref[1] + y1_ref[...]
    h = jnp.maximum(dis_ref[...] * s + b1_ref[...], 0.0)
    o_ref[...] = dis_ref[...] * jnp.dot(h, w2_ref[...],
                                        preferred_element_type=jnp.float32)


def _tc_layer2(p1, y1, dis, b1r, w2p):
    return pl.pallas_call(
        _l2_body,
        grid=(N // BM,),
        in_specs=[pl.BlockSpec((NC, BM, D), lambda i: (0, i, 0)),
                  _row_spec(), _row_spec(),
                  pl.BlockSpec((1, D), lambda i: (0, 0)),
                  pl.BlockSpec((D, D), lambda i: (0, 0))],
        out_specs=_row_spec(),
        out_shape=jax.ShapeDtypeStruct((N, D), jnp.float32),
    )(p1, y1, dis, b1r, w2p)


def _fin_body(p_ref, y2_ref, dis_ref, b2_ref, o_ref):
    z = dis_ref[...] * (p_ref[0] + p_ref[1] + y2_ref[...]) + b2_ref[...]
    col = lax.broadcasted_iota(jnp.int32, z.shape, 1)
    valid = col < 64
    zm = jnp.where(valid, z, -jnp.inf)
    m = jnp.max(zm, axis=1, keepdims=True)
    e = jnp.where(valid, jnp.exp(z - m), 0.0)
    ssum = jnp.sum(e, axis=1, keepdims=True)
    o_ref[...] = z - m - jnp.log(ssum)


def _tc_final(p2, y2, dis, b2r):
    return pl.pallas_call(
        _fin_body,
        grid=(N // BM,),
        in_specs=[pl.BlockSpec((NC, BM, D), lambda i: (0, i, 0)),
                  _row_spec(), _row_spec(),
                  pl.BlockSpec((1, D), lambda i: (0, 0))],
        out_specs=_row_spec(),
        out_shape=jax.ShapeDtypeStruct((N, D), jnp.float32),
    )(p2, y2, dis, b2r)


def kernel(x, edge_index, W1, b1, W2, b2):
    src = edge_index[0].astype(jnp.int32)
    dst = edge_index[1].astype(jnp.int32)
    src = jnp.concatenate([src, jnp.zeros((PE - E,), jnp.int32)])
    dst = jnp.concatenate([dst, jnp.full((PE - E,), N, jnp.int32)])
    src = src.reshape(NW * NCH, CH)
    dst = dst.reshape(NW * NCH, CH)

    w2p = jnp.pad(W2, ((0, 0), (0, D - W2.shape[1])))
    b1r = b1.reshape(1, D)
    b2r = jnp.pad(b2, (0, D - b2.shape[0])).reshape(1, D)

    degp = _sc_degree(dst)
    xw = _tc_mm(x, W1)
    dis, y1 = _tc_scale(degp, xw)
    p1 = _sc_segsum(y1, src, dst)
    y2 = _tc_layer2(p1, y1, dis, b1r, w2p)
    p2 = _sc_segsum(y2, src, dst)
    outp = _tc_final(p2, y2, dis, b2r)
    return outp[:, :64]

# --- scband reference (transcript-rebuilt; emitter-appended) ---
"""Pipeline reference for scband-mono-model-14723147891240 (READ-ONLY COPY).

The authoritative reference and input builder live on the scoring server;
editing this copy changes nothing except your own understanding.
"""

import jax, jax.numpy as jnp
import numpy as np

N_NODES = 10000
N_EDGES = 320000
D_IN = 128
D_HID = 128
D_OUT = 64


def setup_inputs(seed: int = 0) -> dict:
    key = jax.random.key(seed)
    k1, k2, k3, k4, k5, k6 = jax.random.split(key, 6)
    x = jax.random.normal(k1, (N_NODES, D_IN), dtype=jnp.float32)
    edge_index = jax.random.randint(k2, (2, N_EDGES), 0, N_NODES, dtype=jnp.int64)
    # GCNConv params (glorot-like init for weights, zeros for bias)
    W1 = jax.random.normal(k3, (D_IN, D_HID), dtype=jnp.float32) * (1.0 / np.sqrt(D_IN))
    b1 = jnp.zeros((D_HID,), dtype=jnp.float32)
    W2 = jax.random.normal(k4, (D_HID, D_OUT), dtype=jnp.float32) * (1.0 / np.sqrt(D_HID))
    b2 = jnp.zeros((D_OUT,), dtype=jnp.float32)
    return {"x": x, "edge_index": edge_index, "W1": W1, "b1": b1, "W2": W2, "b2": b2}


def _gcn_conv(x, src, dst, deg_inv_sqrt, W, b, n_nodes):
    # x' = D^{-1/2} (A + I) D^{-1/2} X W + b  (self-loops already appended to src/dst)
    xw = x @ W
    norm = deg_inv_sqrt[src] * deg_inv_sqrt[dst]
    msg = xw[src] * norm[:, None]
    out = jax.ops.segment_sum(msg, dst, num_segments=n_nodes)
    return out + b


def reference(x, edge_index, W1, b1, W2, b2):
    n_nodes = x.shape[0]
    # add self loops
    loop = jnp.arange(n_nodes, dtype=edge_index.dtype)
    src = jnp.concatenate([edge_index[0], loop])
    dst = jnp.concatenate([edge_index[1], loop])
    # symmetric normalization based on in-degree (with self loops)
    deg = jax.ops.segment_sum(jnp.ones(src.shape[0], dtype=x.dtype), dst, num_segments=n_nodes)
    deg_inv_sqrt = jnp.where(deg > 0, jax.lax.rsqrt(jnp.maximum(deg, 1e-12)), 0.0)
    # layer 1: conv -> relu (dropout inactive in eval mode)
    h = _gcn_conv(x, src, dst, deg_inv_sqrt, W1, b1, n_nodes)
    h = jax.nn.relu(h)
    # layer 2: conv -> log_softmax
    out = _gcn_conv(h, src, dst, deg_inv_sqrt, W2, b2, n_nodes)
    return jax.nn.log_softmax(out, axis=1)

if __name__ == "__main__":
    import jax
    _d = setup_inputs()
    print(jax.jit(kernel)(*tuple(_d.values())))

</pallas_src>

<mosaic_0001>
#map = affine_map<(d0, d1) -> (0, 0)>
#map1 = affine_map<(d0, d1) -> (0, 0, 0)>
module attributes {stable_mosaic.version = 14 : i64} {
  func.func @_sc_degree(%arg0: i32, %arg1: i32, %arg2: memref<2592x128xi32, #tpu.memory_space<hbm>>, %arg3: memref<2x10112x128xf32, #tpu.memory_space<hbm>>, %arg4: memref<128x128xf32, #tpu.memory_space<vmem>>, %arg5: memref<3x128xi32, #tpu.memory_space<vmem>>, %arg6: memref<!tpu.dma_semaphore, #tpu.memory_space<semaphore_mem>>, %arg7: memref<!tpu.dma_semaphore, #tpu.memory_space<semaphore_mem>>, %arg8: memref<!tpu.dma_semaphore, #tpu.memory_space<semaphore_mem>>, %arg9: memref<10112x128xf32, #tpu.memory_space<vmem_shared>>) attributes {dimension_semantics = [#tpu.dimension_semantics<core_parallel>, #tpu.dimension_semantics<subcore_parallel>], iteration_bounds = array<i64: 2, 16>, scalar_prefetch = 0 : i64, scratch_operands = 6 : i64, tpu.core_type = #tpu.core_type<sc_vector_subcore>, window_params = [{transform_indices = #map}, {transform_indices = #map1}]} {
    %mul3A = arith.constant 2 : i32
    %mul3A_0 = arith.muli %arg1, %mul3A : i32
    %add3A = arith.addi %mul3A_0, %arg0 : i32
    %mul3A_1 = arith.constant 632 : i32
    %mul3A_2 = arith.muli %arg1, %mul3A_1 : i32
    %broadcast_in_dim3A = arith.constant 0.000000e+00 : f32
    %broadcast_in_dim3A_3 = vector.broadcast %broadcast_in_dim3A : f32 to vector<16xf32>
    %scan3A = arith.constant 0 : i32
    %scan3A_4 = arith.constant 128 : i32
    %scan3A_5 = arith.addi %scan3A, %scan3A_4 : i32
    %scan3A_6 = arith.constant 1 : i32
    scf.for %scan3A_77 = %scan3A to %scan3A_5 step %scan3A_6  : i32 {
      %mul3A_78 = arith.constant 1 : i32
      %mul3A_79 = arith.muli %scan3A_77, %mul3A_78 : i32
      %add3A_80 = arith.constant 0 : i32
      %add3A_81 = arith.addi %add3A_80, %mul3A_79 : i32
      %scan3A_82 = arith.constant 0 : i32
      %scan3A_83 = arith.constant 8 : i32
      %scan3A_84 = arith.addi %scan3A_82, %scan3A_83 : i32
      %scan3A_85 = arith.constant 1 : i32
      scf.for %scan3A_87 = %scan3A_82 to %scan3A_84 step %scan3A_85  : i32 {
        %mul3A_88 = arith.constant 16 : i32
        %mul3A_89 = arith.muli %scan3A_87, %mul3A_88 : i32
        %add3A_90 = arith.constant 0 : i32
        %add3A_91 = arith.addi %add3A_90, %mul3A_89 : i32
        %swap3A = arith.index_cast %add3A_81 : i32 to index
        %swap3A_92 = arith.index_cast %add3A_91 : i32 to index
        %swap3A_93 = tpu.vector_load %arg4[%swap3A, %swap3A_92] {strides = array<i32>} : memref<128x128xf32, #tpu.memory_space<vmem>>, vector<1x16xf32>,
        %swap3A_94 = vector.shape_cast %swap3A_93 : vector<1x16xf32> to vector<16xf32>
        %swap3A_95 = vector.shape_cast %broadcast_in_dim3A_3 : vector<16xf32> to vector<1x16xf32>
        tpu.vector_store %arg4[%swap3A, %swap3A_92], %swap3A_95 {strides = array<i32>} : memref<128x128xf32, #tpu.memory_space<vmem>>, vector<1x16xf32>,
      }
      %scan3A_86 = arith.constant 8 : i32
    }
    %scan3A_7 = arith.constant 128 : i32
    %scan3A_8 = arith.constant 0 : i32
    %scan3A_9 = arith.constant 4 : i32
    %scan3A_10 = arith.addi %scan3A_8, %scan3A_9 : i32
    %scan3A_11 = arith.constant 1 : i32
    scf.for %scan3A_77 = %scan3A_8 to %scan3A_10 step %scan3A_11  : i32 {
      %mul3A_78 = arith.constant 1 : i32
      %mul3A_79 = arith.muli %scan3A_77, %mul3A_78 : i32
      %add3A_80 = arith.constant 0 : i32
      %add3A_81 = arith.addi %add3A_80, %mul3A_79 : i32
      %mul3A_82 = arith.constant 128 : i32
      %mul3A_83 = arith.muli %add3A_81, %mul3A_82 : i32
      %add3A_84 = arith.addi %mul3A_2, %mul3A_83 : i32
      "tpu.region"() ({
        %run_scoped3A = tpu.sem_alloc : memref<!tpu.dma_semaphore, #tpu.memory_space<semaphore_mem>>
        %dma_start3A_85 = arith.constant 0 : i32
        %dma_start3A_86 = tpu.memref_slice %arg9[%add3A_84, %dma_start3A_85] : memref<10112x128xf32, #tpu.memory_space<vmem_shared>> -> memref<128x128xf32, #tpu.memory_space<vmem_shared>>
        %dma_start3A_87 = arith.constant 0 : i32
        %dma_start3A_88 = tpu.memref_slice %arg9[%add3A_84, %dma_start3A_87] : memref<10112x128xf32, #tpu.memory_space<vmem_shared>> -> memref<128x128xf32, #tpu.memory_space<vmem_shared>>
        tpu.enqueue_dma source(%arg4 : memref<128x128xf32, #tpu.memory_space<vmem>>) target(%dma_start3A_88 : memref<128x128xf32, #tpu.memory_space<vmem_shared>>) target_semaphore(%run_scoped3A : memref<!tpu.dma_semaphore, #tpu.memory_space<semaphore_mem>>)
        %dma_wait3A = arith.constant 0 : i32
        %dma_wait3A_89 = tpu.memref_slice %arg9[%add3A_84, %dma_wait3A] : memref<10112x128xf32, #tpu.memory_space<vmem_shared>> -> memref<128x128xf32, #tpu.memory_space<vmem_shared>>
        %dma_wait3A_90 = arith.constant 0 : i32
        %dma_wait3A_91 = tpu.memref_slice %arg9[%add3A_84, %dma_wait3A_90] : memref<10112x128xf32, #tpu.memory_space<vmem_shared>> -> memref<128x128xf32, #tpu.memory_space<vmem_shared>>
        tpu.wait_dma2 semaphore(%run_scoped3A : memref<!tpu.dma_semaphore, #tpu.memory_space<semaphore_mem>>) src(%arg4 : memref<128x128xf32, #tpu.memory_space<vmem>>) dst(%dma_wait3A_91 : memref<128x128xf32, #tpu.memory_space<vmem_shared>>)
        tpu.yield
      }) : () -> ()
    }
    %scan3A_12 = arith.constant 4 : i32
    %add3A_13 = arith.constant 512 : i32
    %add3A_14 = arith.addi %mul3A_2, %add3A_13 : i32
    "tpu.region"() ({
      %run_scoped3A = tpu.sem_alloc : memref<!tpu.dma_semaphore, #tpu.memory_space<semaphore_mem>>
      %dma_start3A_77 = arith.constant 0 : i32
      %dma_start3A_78 = arith.constant 0 : i32
      %dma_start3A_79 = tpu.memref_slice %arg4[%dma_start3A_77, %dma_start3A_78] : memref<128x128xf32, #tpu.memory_space<vmem>> -> memref<120x128xf32, #tpu.memory_space<vmem>>
      %dma_start3A_80 = arith.constant 0 : i32
      %dma_start3A_81 = tpu.memref_slice %arg9[%add3A_14, %dma_start3A_80] : memref<10112x128xf32, #tpu.memory_space<vmem_shared>> -> memref<120x128xf32, #tpu.memory_space<vmem_shared>>
      %dma_start3A_82 = arith.constant 0 : i32
      %dma_start3A_83 = tpu.memref_slice %arg9[%add3A_14, %dma_start3A_82] : memref<10112x128xf32, #tpu.memory_space<vmem_shared>> -> memref<120x128xf32, #tpu.memory_space<vmem_shared>>
      %dma_start3A_84 = arith.constant 0 : i32
      %dma_start3A_85 = arith.constant 0 : i32
      %dma_start3A_86 = tpu.memref_slice %arg4[%dma_start3A_84, %dma_start3A_85] : memref<128x128xf32, #tpu.memory_space<vmem>> -> memref<120x128xf32, #tpu.memory_space<vmem>>
      tpu.enqueue_dma source(%dma_start3A_86 : memref<120x128xf32, #tpu.memory_space<vmem>>) target(%dma_start3A_83 : memref<120x128xf32, #tpu.memory_space<vmem_shared>>) target_semaphore(%run_scoped3A : memref<!tpu.dma_semaphore, #tpu.memory_space<semaphore_mem>>)
      %dma_wait3A = arith.constant 0 : i32
      %dma_wait3A_87 = arith.constant 0 : i32
      %dma_wait3A_88 = tpu.memref_slice %arg4[%dma_wait3A, %dma_wait3A_87] : memref<128x128xf32, #tpu.memory_space<vmem>> -> memref<120x128xf32, #tpu.memory_space<vmem>>
      %dma_wait3A_89 = arith.constant 0 : i32
      %dma_wait3A_90 = tpu.memref_slice %arg9[%add3A_14, %dma_wait3A_89] : memref<10112x128xf32, #tpu.memory_space<vmem_shared>> -> memref<120x128xf32, #tpu.memory_space<vmem_shared>>
      %dma_wait3A_91 = arith.constant 0 : i32
      %dma_wait3A_92 = tpu.memref_slice %arg9[%add3A_14, %dma_wait3A_91] : memref<10112x128xf32, #tpu.memory_space<vmem_shared>> -> memref<120x128xf32, #tpu.memory_space<vmem_shared>>
      %dma_wait3A_93 = arith.constant 0 : i32
      %dma_wait3A_94 = arith.constant 0 : i32
      %dma_wait3A_95 = tpu.memref_slice %arg4[%dma_wait3A_93, %dma_wait3A_94] : memref<128x128xf32, #tpu.memory_space<vmem>> -> memref<120x128xf32, #tpu.memory_space<vmem>>
      tpu.wait_dma2 semaphore(%run_scoped3A : memref<!tpu.dma_semaphore, #tpu.memory_space<semaphore_mem>>) src(%dma_wait3A_95 : memref<120x128xf32, #tpu.memory_space<vmem>>) dst(%dma_wait3A_92 : memref<120x128xf32, #tpu.memory_space<vmem_shared>>)
      tpu.yield
    }) : () -> ()
    %broadcast_in_dim3A_15 = arith.constant 1.000000e+00 : f32
    %broadcast_in_dim3A_16 = vector.broadcast %broadcast_in_dim3A_15 : f32 to vector<16xf32>
    %scan3A_17 = arith.constant 0 : i32
    %scan3A_18 = arith.constant 128 : i32
    %scan3A_19 = arith.addi %scan3A_17, %scan3A_18 : i32
    %scan3A_20 = arith.constant 1 : i32
    scf.for %scan3A_77 = %scan3A_17 to %scan3A_19 step %scan3A_20  : i32 {
      %mul3A_78 = arith.constant 1 : i32
      %mul3A_79 = arith.muli %scan3A_77, %mul3A_78 : i32
      %add3A_80 = arith.constant 0 : i32
      %add3A_81 = arith.addi %add3A_80, %mul3A_79 : i32
      %scan3A_82 = arith.constant 0 : i32
      %scan3A_83 = arith.constant 8 : i32
      %scan3A_84 = arith.addi %scan3A_82, %scan3A_83 : i32
      %scan3A_85 = arith.constant 1 : i32
      scf.for %scan3A_87 = %scan3A_82 to %scan3A_84 step %scan3A_85  : i32 {
        %mul3A_88 = arith.constant 16 : i32
        %mul3A_89 = arith.muli %scan3A_87, %mul3A_88 : i32
        %add3A_90 = arith.constant 0 : i32
        %add3A_91 = arith.addi %add3A_90, %mul3A_89 : i32
        %swap3A = arith.index_cast %add3A_81 : i32 to index
        %swap3A_92 = arith.index_cast %add3A_91 : i32 to index
        %swap3A_93 = tpu.vector_load %arg4[%swap3A, %swap3A_92] {strides = array<i32>} : memref<128x128xf32, #tpu.memory_space<vmem>>, vector<1x16xf32>,
        %swap3A_94 = vector.shape_cast %swap3A_93 : vector<1x16xf32> to vector<16xf32>
        %swap3A_95 = vector.shape_cast %broadcast_in_dim3A_16 : vector<16xf32> to vector<1x16xf32>
        tpu.vector_store %arg4[%swap3A, %swap3A_92], %swap3A_95 {strides = array<i32>} : memref<128x128xf32, #tpu.memory_space<vmem>>, vector<1x16xf32>,
      }
      %scan3A_86 = arith.constant 8 : i32
    }
    %scan3A_21 = arith.constant 128 : i32
    %barrier3A = arith.constant 0 : index
    tpu.barrier barrier_id(%barrier3A)
    %mul3A_22 = arith.constant 81 : i32
    %mul3A_23 = arith.muli %add3A, %mul3A_22 : i32
    %add3A_24 = arith.constant 0 : i32
    %add3A_25 = arith.addi %mul3A_23, %add3A_24 : i32
    %dma_start3A = arith.constant 0 : i32
    %dma_start3A_26 = arith.constant 0 : i32
    %dma_start3A_27 = tpu.memref_slice %arg5[%dma_start3A, %dma_start3A_26] : memref<3x128xi32, #tpu.memory_space<vmem>> -> memref<1x128xi32, #tpu.memory_space<vmem>>
    %dma_start3A_28 = tpu.memref_squeeze %dma_start3A_27 : memref<1x128xi32, #tpu.memory_space<vmem>> -> memref<128xi32, #tpu.memory_space<vmem>>
    %dma_start3A_29 = arith.constant 0 : i32
    %dma_start3A_30 = tpu.memref_slice %arg2[%add3A_25, %dma_start3A_29] : memref<2592x128xi32, #tpu.memory_space<hbm>> -> memref<1x128xi32, #tpu.memory_space<hbm>>
    %dma_start3A_31 = tpu.memref_squeeze %dma_start3A_30 : memref<1x128xi32, #tpu.memory_space<hbm>> -> memref<128xi32, #tpu.memory_space<hbm>>
    %dma_start3A_32 = arith.constant 0 : i32
    %dma_start3A_33 = tpu.memref_slice %arg5[%dma_start3A, %dma_start3A_32] : memref<3x128xi32, #tpu.memory_space<vmem>> -> memref<1x128xi32, #tpu.memory_space<vmem>>
    %dma_start3A_34 = tpu.memref_squeeze %dma_start3A_33 : memref<1x128xi32, #tpu.memory_space<vmem>> -> memref<128xi32, #tpu.memory_space<vmem>>
    %dma_start3A_35 = arith.constant 0 : i32
    %dma_start3A_36 = tpu.memref_slice %arg2[%add3A_25, %dma_start3A_35] : memref<2592x128xi32, #tpu.memory_space<hbm>> -> memref<1x128xi32, #tpu.memory_space<hbm>>
    %dma_start3A_37 = tpu.memref_squeeze %dma_start3A_36 : memref<1x128xi32, #tpu.memory_space<hbm>> -> memref<128xi32, #tpu.memory_space<hbm>>
    tpu.enqueue_dma source(%dma_start3A_37 : memref<128xi32, #tpu.memory_space<hbm>>) target(%dma_start3A_34 : memref<128xi32, #tpu.memory_space<vmem>>) target_semaphore(%arg6 : memref<!tpu.dma_semaphore, #tpu.memory_space<semaphore_mem>>)
    %add3A_38 = arith.constant 1 : i32
    %add3A_39 = arith.addi %mul3A_23, %add3A_38 : i32
    %dma_start3A_40 = arith.constant 1 : i32
    %dma_start3A_41 = arith.constant 0 : i32
    %dma_start3A_42 = tpu.memref_slice %arg5[%dma_start3A_40, %dma_start3A_41] : memref<3x128xi32, #tpu.memory_space<vmem>> -> memref<1x128xi32, #tpu.memory_space<vmem>>
    %dma_start3A_43 = tpu.memref_squeeze %dma_start3A_42 : memref<1x128xi32, #tpu.memory_space<vmem>> -> memref<128xi32, #tpu.memory_space<vmem>>
    %dma_start3A_44 = arith.constant 0 : i32
    %dma_start3A_45 = tpu.memref_slice %arg2[%add3A_39, %dma_start3A_44] : memref<2592x128xi32, #tpu.memory_space<hbm>> -> memref<1x128xi32, #tpu.memory_space<hbm>>
    %dma_start3A_46 = tpu.memref_squeeze %dma_start3A_45 : memref<1x128xi32, #tpu.memory_space<hbm>> -> memref<128xi32, #tpu.memory_space<hbm>>
    %dma_start3A_47 = arith.constant 0 : i32
    %dma_start3A_48 = tpu.memref_slice %arg5[%dma_start3A_40, %dma_start3A_47] : memref<3x128xi32, #tpu.memory_space<vmem>> -> memref<1x128xi32, #tpu.memory_space<vmem>>
    %dma_start3A_49 = tpu.memref_squeeze %dma_start3A_48 : memref<1x128xi32, #tpu.memory_space<vmem>> -> memref<128xi32, #tpu.memory_space<vmem>>
    %dma_start3A_50 = arith.constant 0 : i32
    %dma_start3A_51 = tpu.memref_slice %arg2[%add3A_39, %dma_start3A_50] : memref<2592x128xi32, #tpu.memory_space<hbm>> -> memref<1x128xi32, #tpu.memory_space<hbm>>
    %dma_start3A_52 = tpu.memref_squeeze %dma_start3A_51 : memref<1x128xi32, #tpu.memory_space<hbm>> -> memref<128xi32, #tpu.memory_space<hbm>>
    tpu.enqueue_dma source(%dma_start3A_52 : memref<128xi32, #tpu.memory_space<hbm>>) target(%dma_start3A_49 : memref<128xi32, #tpu.memory_space<vmem>>) target_semaphore(%arg7 : memref<!tpu.dma_semaphore, #tpu.memory_space<semaphore_mem>>)
    %add3A_53 = arith.constant 2 : i32
    %add3A_54 = arith.addi %mul3A_23, %add3A_53 : i32
    %dma_start3A_55 = arith.constant 2 : i32
    %dma_start3A_56 = arith.constant 0 : i32
    %dma_start3A_57 = tpu.memref_slice %arg5[%dma_start3A_55, %dma_start3A_56] : memref<3x128xi32, #tpu.memory_space<vmem>> -> memref<1x128xi32, #tpu.memory_space<vmem>>
    %dma_start3A_58 = tpu.memref_squeeze %dma_start3A_57 : memref<1x128xi32, #tpu.memory_space<vmem>> -> memref<128xi32, #tpu.memory_space<vmem>>
    %dma_start3A_59 = arith.constant 0 : i32
    %dma_start3A_60 = tpu.memref_slice %arg2[%add3A_54, %dma_start3A_59] : memref<2592x128xi32, #tpu.memory_space<hbm>> -> memref<1x128xi32, #tpu.memory_space<hbm>>
    %dma_start3A_61 = tpu.memref_squeeze %dma_start3A_60 : memref<1x128xi32, #tpu.memory_space<hbm>> -> memref<128xi32, #tpu.memory_space<hbm>>
    %dma_start3A_62 = arith.constant 0 : i32
    %dma_start3A_63 = tpu.memref_slice %arg5[%dma_start3A_55, %dma_start3A_62] : memref<3x128xi32, #tpu.memory_space<vmem>> -> memref<1x128xi32, #tpu.memory_space<vmem>>
    %dma_start3A_64 = tpu.memref_squeeze %dma_start3A_63 : memref<1x128xi32, #tpu.memory_space<vmem>> -> memref<128xi32, #tpu.memory_space<vmem>>
    %dma_start3A_65 = arith.constant 0 : i32
    %dma_start3A_66 = tpu.memref_slice %arg2[%add3A_54, %dma_start3A_65] : memref<2592x128xi32, #tpu.memory_space<hbm>> -> memref<1x128xi32, #tpu.memory_space<hbm>>
    %dma_start3A_67 = tpu.memref_squeeze %dma_start3A_66 : memref<1x128xi32, #tpu.memory_space<hbm>> -> memref<128xi32, #tpu.memory_space<hbm>>
    tpu.enqueue_dma source(%dma_start3A_67 : memref<128xi32, #tpu.memory_space<hbm>>) target(%dma_start3A_64 : memref<128xi32, #tpu.memory_space<vmem>>) target_semaphore(%arg8 : memref<!tpu.dma_semaphore, #tpu.memory_space<semaphore_mem>>)
    %scan3A_68 = arith.constant 0 : i32
    %scan3A_69 = arith.constant 1 : i32
    %scan3A_70 = arith.constant 2 : i32
    %scan3A_71 = arith.constant 0 : i32
    %scan3A_72 = arith.constant 27 : i32
    %scan3A_73 = arith.addi %scan3A_71, %scan3A_72 : i32
    %scan3A_74 = arith.constant 1 : i32
    scf.for %scan3A_77 = %scan3A_71 to %scan3A_73 step %scan3A_74  : i32 {
      %mul3A_78 = arith.constant 1 : i32
      %mul3A_79 = arith.muli %scan3A_77, %mul3A_78 : i32
      %add3A_80 = arith.constant 0 : i32
      %add3A_81 = arith.addi %add3A_80, %mul3A_79 : i32
      %dma_wait3A = arith.constant 0 : i32
      %dma_wait3A_82 = arith.constant 0 : i32
      %dma_wait3A_83 = tpu.memref_slice %arg5[%scan3A_68, %dma_wait3A_82] : memref<3x128xi32, #tpu.memory_space<vmem>> -> memref<1x128xi32, #tpu.memory_space<vmem>>
      %dma_wait3A_84 = tpu.memref_squeeze %dma_wait3A_83 : memref<1x128xi32, #tpu.memory_space<vmem>> -> memref<128xi32, #tpu.memory_space<vmem>>
      %dma_wait3A_85 = arith.constant 0 : i32
      %dma_wait3A_86 = tpu.memref_slice %arg2[%dma_wait3A, %dma_wait3A_85] : memref<2592x128xi32, #tpu.memory_space<hbm>> -> memref<1x128xi32, #tpu.memory_space<hbm>>
      %dma_wait3A_87 = tpu.memref_squeeze %dma_wait3A_86 : memref<1x128xi32, #tpu.memory_space<hbm>> -> memref<128xi32, #tpu.memory_space<hbm>>
      %dma_wait3A_88 = arith.constant 0 : i32
      %dma_wait3A_89 = tpu.memref_slice %arg5[%scan3A_68, %dma_wait3A_88] : memref<3x128xi32, #tpu.memory_space<vmem>> -> memref<1x128xi32, #tpu.memory_space<vmem>>
      %dma_wait3A_90 = tpu.memref_squeeze %dma_wait3A_89 : memref<1x128xi32, #tpu.memory_space<vmem>> -> memref<128xi32, #tpu.memory_space<vmem>>
      %dma_wait3A_91 = arith.constant 0 : i32
      %dma_wait3A_92 = tpu.memref_slice %arg2[%dma_wait3A, %dma_wait3A_91] : memref<2592x128xi32, #tpu.memory_space<hbm>> -> memref<1x128xi32, #tpu.memory_space<hbm>>
      %dma_wait3A_93 = tpu.memref_squeeze %dma_wait3A_92 : memref<1x128xi32, #tpu.memory_space<hbm>> -> memref<128xi32, #tpu.memory_space<hbm>>
      tpu.wait_dma2 semaphore(%arg6 : memref<!tpu.dma_semaphore, #tpu.memory_space<semaphore_mem>>) src(%dma_wait3A_93 : memref<128xi32, #tpu.memory_space<hbm>>) dst(%dma_wait3A_90 : memref<128xi32, #tpu.memory_space<vmem>>)
      %dma_start3A_94 = arith.constant 0 : i32
      %dma_start3A_95 = tpu.memref_slice %arg5[%scan3A_68, %dma_start3A_94] : memref<3x128xi32, #tpu.memory_space<vmem>> -> memref<1x128xi32, #tpu.memory_space<vmem>>
      %dma_start3A_96 = tpu.memref_squeeze %dma_start3A_95 : memref<1x128xi32, #tpu.memory_space<vmem>> -> memref<128xi32, #tpu.memory_space<vmem>>
      %dma_start3A_97 = arith.constant 0 : i32
      %dma_start3A_98 = arith.constant 0 : i32
      %dma_start3A_99 = tpu.memref_slice %arg9[%dma_start3A_97, %dma_start3A_98] : memref<10112x128xf32, #tpu.memory_space<vmem_shared>> -> memref<10112x128xf32, #tpu.memory_space<vmem_shared>>
      tpu.enqueue_indirect_dma source(%arg4 : memref<128x128xf32, #tpu.memory_space<vmem>>) target(%dma_start3A_99 : memref<10112x128xf32, #tpu.memory_space<vmem_shared>>) offsets(%dma_start3A_96 : memref<128xi32, #tpu.memory_space<vmem>>) semaphore(%arg6 : memref<!tpu.dma_semaphore, #tpu.memory_space<semaphore_mem>>) {add = true}
      %dma_wait3A_100 = arith.constant 0 : i32
      %dma_wait3A_101 = arith.constant 0 : i32
      %dma_wait3A_102 = tpu.memref_slice %arg5[%scan3A_69, %dma_wait3A_101] : memref<3x128xi32, #tpu.memory_space<vmem>> -> memref<1x128xi32, #tpu.memory_space<vmem>>
      %dma_wait3A_103 = tpu.memref_squeeze %dma_wait3A_102 : memref<1x128xi32, #tpu.memory_space<vmem>> -> memref<128xi32, #tpu.memory_space<vmem>>
      %dma_wait3A_104 = arith.constant 0 : i32
      %dma_wait3A_105 = tpu.memref_slice %arg2[%dma_wait3A_100, %dma_wait3A_104] : memref<2592x128xi32, #tpu.memory_space<hbm>> -> memref<1x128xi32, #tpu.memory_space<hbm>>
      %dma_wait3A_106 = tpu.memref_squeeze %dma_wait3A_105 : memref<1x128xi32, #tpu.memory_space<hbm>> -> memref<128xi32, #tpu.memory_space<hbm>>
      %dma_wait3A_107 = arith.constant 0 : i32
      %dma_wait3A_108 = tpu.memref_slice %arg5[%scan3A_69, %dma_wait3A_107] : memref<3x128xi32, #tpu.memory_space<vmem>> -> memref<1x128xi32, #tpu.memory_space<vmem>>
      %dma_wait3A_109 = tpu.memref_squeeze %dma_wait3A_108 : memref<1x128xi32, #tpu.memory_space<vmem>> -> memref<128xi32, #tpu.memory_space<vmem>>
      %dma_wait3A_110 = arith.constant 0 : i32
      %dma_wait3A_111 = tpu.memref_slice %arg2[%dma_wait3A_100, %dma_wait3A_110] : memref<2592x128xi32, #tpu.memory_space<hbm>> -> memref<1x128xi32, #tpu.memory_space<hbm>>
      %dma_wait3A_112 = tpu.memref_squeeze %dma_wait3A_111 : memref<1x128xi32, #tpu.memory_space<hbm>> -> memref<128xi32, #tpu.memory_space<hbm>>
      tpu.wait_dma2 semaphore(%arg7 : memref<!tpu.dma_semaphore, #tpu.memory_space<semaphore_mem>>) src(%dma_wait3A_112 : memref<128xi32, #tpu.memory_space<hbm>>) dst(%dma_wait3A_109 : memref<128xi32, #tpu.memory_space<vmem>>)
      %dma_start3A_113 = arith.constant 0 : i32
      %dma_start3A_114 = tpu.memref_slice %arg5[%scan3A_69, %dma_start3A_113] : memref<3x128xi32, #tpu.memory_space<vmem>> -> memref<1x128xi32, #tpu.memory_space<vmem>>
      %dma_start3A_115 = tpu.memref_squeeze %dma_start3A_114 : memref<1x128xi32, #tpu.memory_space<vmem>> -> memref<128xi32, #tpu.memory_space<vmem>>
      %dma_start3A_116 = arith.constant 0 : i32
      %dma_start3A_117 = arith.constant 0 : i32
      %dma_start3A_118 = tpu.memref_slice %arg9[%dma_start3A_116, %dma_start3A_117] : memref<10112x128xf32, #tpu.memory_space<vmem_shared>> -> memref<10112x128xf32, #tpu.memory_space<vmem_shared>>
      tpu.enqueue_indirect_dma source(%arg4 : memref<128x128xf32, #tpu.memory_space<vmem>>) target(%dma_start3A_118 : memref<10112x128xf32, #tpu.memory_space<vmem_shared>>) offsets(%dma_start3A_115 : memref<128xi32, #tpu.memory_space<vmem>>) semaphore(%arg7 : memref<!tpu.dma_semaphore, #tpu.memory_space<semaphore_mem>>) {add = true}
      %dma_wait3A_119 = arith.constant 0 : i32
      %dma_wait3A_120 = arith.constant 0 : i32
      %dma_wait3A_121 = tpu.memref_slice %arg5[%scan3A_70, %dma_wait3A_120] : memref<3x128xi32, #tpu.memory_space<vmem>> -> memref<1x128xi32, #tpu.memory_space<vmem>>
      %dma_wait3A_122 = tpu.memref_squeeze %dma_wait3A_121 : memref<1x128xi32, #tpu.memory_space<vmem>> -> memref<128xi32, #tpu.memory_space<vmem>>
      %dma_wait3A_123 = arith.constant 0 : i32
      %dma_wait3A_124 = tpu.memref_slice %arg2[%dma_wait3A_119, %dma_wait3A_123] : memref<2592x128xi32, #tpu.memory_space<hbm>> -> memref<1x128xi32, #tpu.memory_space<hbm>>
      %dma_wait3A_125 = tpu.memref_squeeze %dma_wait3A_124 : memref<1x128xi32, #tpu.memory_space<hbm>> -> memref<128xi32, #tpu.memory_space<hbm>>
      %dma_wait3A_126 = arith.constant 0 : i32
      %dma_wait3A_127 = tpu.memref_slice %arg5[%scan3A_70, %dma_wait3A_126] : memref<3x128xi32, #tpu.memory_space<vmem>> -> memref<1x128xi32, #tpu.memory_space<vmem>>
      %dma_wait3A_128 = tpu.memref_squeeze %dma_wait3A_127 : memref<1x128xi32, #tpu.memory_space<vmem>> -> memref<128xi32, #tpu.memory_space<vmem>>
      %dma_wait3A_129 = arith.constant 0 : i32
      %dma_wait3A_130 = tpu.memref_slice %arg2[%dma_wait3A_119, %dma_wait3A_129] : memref<2592x128xi32, #tpu.memory_space<hbm>> -> memref<1x128xi32, #tpu.memory_space<hbm>>
      %dma_wait3A_131 = tpu.memref_squeeze %dma_wait3A_130 : memref<1x128xi32, #tpu.memory_space<hbm>> -> memref<128xi32, #tpu.memory_space<hbm>>
      tpu.wait_dma2 semaphore(%arg8 : memref<!tpu.dma_semaphore, #tpu.memory_space<semaphore_mem>>) src(%dma_wait3A_131 : memref<128xi32, #tpu.memory_space<hbm>>) dst(%dma_wait3A_128 : memref<128xi32, #tpu.memory_space<vmem>>)
      %dma_start3A_132 = arith.constant 0 : i32
      %dma_start3A_133 = tpu.memref_slice %arg5[%scan3A_70, %dma_start3A_132] : memref<3x128xi32, #tpu.memory_space<vmem>> -> memref<1x128xi32, #tpu.memory_space<vmem>>
      %dma_start3A_134 = tpu.memref_squeeze %dma_start3A_133 : memref<1x128xi32, #tpu.memory_space<vmem>> -> memref<128xi32, #tpu.memory_space<vmem>>
      %dma_start3A_135 = arith.constant 0 : i32
      %dma_start3A_136 = arith.constant 0 : i32
      %dma_start3A_137 = tpu.memref_slice %arg9[%dma_start3A_135, %dma_start3A_136] : memref<10112x128xf32, #tpu.memory_space<vmem_shared>> -> memref<10112x128xf32, #tpu.memory_space<vmem_shared>>
      tpu.enqueue_indirect_dma source(%arg4 : memref<128x128xf32, #tpu.memory_space<vmem>>) target(%dma_start3A_137 : memref<10112x128xf32, #tpu.memory_space<vmem_shared>>) offsets(%dma_start3A_134 : memref<128xi32, #tpu.memory_space<vmem>>) semaphore(%arg8 : memref<!tpu.dma_semaphore, #tpu.memory_space<semaphore_mem>>) {add = true}
      %dma_wait3A_138 = arith.constant 0 : i32
      %dma_wait3A_139 = tpu.memref_slice %arg5[%scan3A_68, %dma_wait3A_138] : memref<3x128xi32, #tpu.memory_space<vmem>> -> memref<1x128xi32, #tpu.memory_space<vmem>>
      %dma_wait3A_140 = tpu.memref_squeeze %dma_wait3A_139 : memref<1x128xi32, #tpu.memory_space<vmem>> -> memref<128xi32, #tpu.memory_space<vmem>>
      %dma_wait3A_141 = arith.constant 0 : i32
      %dma_wait3A_142 = arith.constant 0 : i32
      %dma_wait3A_143 = tpu.memref_slice %arg9[%dma_wait3A_141, %dma_wait3A_142] : memref<10112x128xf32, #tpu.memory_space<vmem_shared>> -> memref<10112x128xf32, #tpu.memory_space<vmem_shared>>
      tpu.wait_indirect_dma semaphore(%arg6 : memref<!tpu.dma_semaphore, #tpu.memory_space<semaphore_mem>>) src(%arg4 : memref<128x128xf32, #tpu.memory_space<vmem>>) dst(%dma_wait3A_143 : memref<10112x128xf32, #tpu.memory_space<vmem_shared>>)
      %lt3A = arith.constant 26 : i32
      %lt3A_144 = arith.cmpi slt, %add3A_81, %lt3A : i32
      %convert_element_type3A = arith.extui %lt3A_144 : i1 to i32
      %cond3A = arith.constant 0 : i32
      %cond3A_145 = arith.cmpi ne, %convert_element_type3A, %cond3A : i32
      scf.if %cond3A_145 {
        %add3A_168 = arith.constant 1 : i32
        %add3A_169 = arith.addi %add3A_81, %add3A_168 : i32
        %mul3A_170 = arith.constant 3 : i32
        %mul3A_171 = arith.muli %add3A_169, %mul3A_170 : i32
        %add3A_172 = arith.addi %mul3A_23, %mul3A_171 : i32
        %add3A_173 = arith.constant 0 : i32
        %add3A_174 = arith.addi %add3A_172, %add3A_173 : i32
        %dma_start3A_175 = arith.constant 0 : i32
        %dma_start3A_176 = tpu.memref_slice %arg5[%scan3A_68, %dma_start3A_175] : memref<3x128xi32, #tpu.memory_space<vmem>> -> memref<1x128xi32, #tpu.memory_space<vmem>>
        %dma_start3A_177 = tpu.memref_squeeze %dma_start3A_176 : memref<1x128xi32, #tpu.memory_space<vmem>> -> memref<128xi32, #tpu.memory_space<vmem>>
        %dma_start3A_178 = arith.constant 0 : i32
        %dma_start3A_179 = tpu.memref_slice %arg2[%add3A_174, %dma_start3A_178] : memref<2592x128xi32, #tpu.memory_space<hbm>> -> memref<1x128xi32, #tpu.memory_space<hbm>>
        %dma_start3A_180 = tpu.memref_squeeze %dma_start3A_179 : memref<1x128xi32, #tpu.memory_space<hbm>> -> memref<128xi32, #tpu.memory_space<hbm>>
        %dma_start3A_181 = arith.constant 0 : i32
        %dma_start3A_182 = tpu.memref_slice %arg5[%scan3A_68, %dma_start3A_181] : memref<3x128xi32, #tpu.memory_space<vmem>> -> memref<1x128xi32, #tpu.memory_space<vmem>>
        %dma_start3A_183 = tpu.memref_squeeze %dma_start3A_182 : memref<1x128xi32, #tpu.memory_space<vmem>> -> memref<128xi32, #tpu.memory_space<vmem>>
        %dma_start3A_184 = arith.constant 0 : i32
        %dma_start3A_185 = tpu.memref_slice %arg2[%add3A_174, %dma_start3A_184] : memref<2592x128xi32, #tpu.memory_space<hbm>> -> memref<1x128xi32, #tpu.memory_space<hbm>>
        %dma_start3A_186 = tpu.memref_squeeze %dma_start3A_185 : memref<1x128xi32, #tpu.memory_space<hbm>> -> memref<128xi32, #tpu.memory_space<hbm>>
        tpu.enqueue_dma source(%dma_start3A_186 : memref<128xi32, #tpu.memory_space<hbm>>) target(%dma_start3A_183 : memref<128xi32, #tpu.memory_space<vmem>>) target_semaphore(%arg6 : memref<!tpu.dma_semaphore, #tpu.memory_space<semaphore_mem>>)
      } else {
      }
      %dma_wait3A_146 = arith.constant 0 : i32
      %dma_wait3A_147 = tpu.memref_slice %arg5[%scan3A_69, %dma_wait3A_146] : memref<3x128xi32, #tpu.memory_space<vmem>> -> memref<1x128xi32, #tpu.memory_space<vmem>>
      %dma_wait3A_148 = tpu.memref_squeeze %dma_wait3A_147 : memref<1x128xi32, #tpu.memory_space<vmem>> -> memref<128xi32, #tpu.memory_space<vmem>>
      %dma_wait3A_149 = arith.constant 0 : i32
      %dma_wait3A_150 = arith.constant 0 : i32
      %dma_wait3A_151 = tpu.memref_slice %arg9[%dma_wait3A_149, %dma_wait3A_150] : memref<10112x128xf32, #tpu.memory_space<vmem_shared>> -> memref<10112x128xf32, #tpu.memory_space<vmem_shared>>
      tpu.wait_indirect_dma semaphore(%arg7 : memref<!tpu.dma_semaphore, #tpu.memory_space<semaphore_mem>>) src(%arg4 : memref<128x128xf32, #tpu.memory_space<vmem>>) dst(%dma_wait3A_151 : memref<10112x128xf32, #tpu.memory_space<vmem_shared>>)
      %lt3A_152 = arith.constant 26 : i32
      %lt3A_153 = arith.cmpi slt, %add3A_81, %lt3A_152 : i32
      %convert_element_type3A_154 = arith.extui %lt3A_153 : i1 to i32
      %cond3A_155 = arith.constant 0 : i32
      %cond3A_156 = arith.cmpi ne, %convert_element_type3A_154, %cond3A_155 : i32
      scf.if %cond3A_156 {
        %add3A_168 = arith.constant 1 : i32
        %add3A_169 = arith.addi %add3A_81, %add3A_168 : i32
        %mul3A_170 = arith.constant 3 : i32
        %mul3A_171 = arith.muli %add3A_169, %mul3A_170 : i32
        %add3A_172 = arith.addi %mul3A_23, %mul3A_171 : i32
        %add3A_173 = arith.constant 1 : i32
        %add3A_174 = arith.addi %add3A_172, %add3A_173 : i32
        %dma_start3A_175 = arith.constant 0 : i32
        %dma_start3A_176 = tpu.memref_slice %arg5[%scan3A_69, %dma_start3A_175] : memref<3x128xi32, #tpu.memory_space<vmem>> -> memref<1x128xi32, #tpu.memory_space<vmem>>
        %dma_start3A_177 = tpu.memref_squeeze %dma_start3A_176 : memref<1x128xi32, #tpu.memory_space<vmem>> -> memref<128xi32, #tpu.memory_space<vmem>>
        %dma_start3A_178 = arith.constant 0 : i32
        %dma_start3A_179 = tpu.memref_slice %arg2[%add3A_174, %dma_start3A_178] : memref<2592x128xi32, #tpu.memory_space<hbm>> -> memref<1x128xi32, #tpu.memory_space<hbm>>
        %dma_start3A_180 = tpu.memref_squeeze %dma_start3A_179 : memref<1x128xi32, #tpu.memory_space<hbm>> -> memref<128xi32, #tpu.memory_space<hbm>>
        %dma_start3A_181 = arith.constant 0 : i32
        %dma_start3A_182 = tpu.memref_slice %arg5[%scan3A_69, %dma_start3A_181] : memref<3x128xi32, #tpu.memory_space<vmem>> -> memref<1x128xi32, #tpu.memory_space<vmem>>
        %dma_start3A_183 = tpu.memref_squeeze %dma_start3A_182 : memref<1x128xi32, #tpu.memory_space<vmem>> -> memref<128xi32, #tpu.memory_space<vmem>>
        %dma_start3A_184 = arith.constant 0 : i32
        %dma_start3A_185 = tpu.memref_slice %arg2[%add3A_174, %dma_start3A_184] : memref<2592x128xi32, #tpu.memory_space<hbm>> -> memref<1x128xi32, #tpu.memory_space<hbm>>
        %dma_start3A_186 = tpu.memref_squeeze %dma_start3A_185 : memref<1x128xi32, #tpu.memory_space<hbm>> -> memref<128xi32, #tpu.memory_space<hbm>>
        tpu.enqueue_dma source(%dma_start3A_186 : memref<128xi32, #tpu.memory_space<hbm>>) target(%dma_start3A_183 : memref<128xi32, #tpu.memory_space<vmem>>) target_semaphore(%arg7 : memref<!tpu.dma_semaphore, #tpu.memory_space<semaphore_mem>>)
      } else {
      }
      %dma_wait3A_157 = arith.constant 0 : i32
      %dma_wait3A_158 = tpu.memref_slice %arg5[%scan3A_70, %dma_wait3A_157] : memref<3x128xi32, #tpu.memory_space<vmem>> -> memref<1x128xi32, #tpu.memory_space<vmem>>
      %dma_wait3A_159 = tpu.memref_squeeze %dma_wait3A_158 : memref<1x128xi32, #tpu.memory_space<vmem>> -> memref<128xi32, #tpu.memory_space<vmem>>
      %dma_wait3A_160 = arith.constant 0 : i32
      %dma_wait3A_161 = arith.constant 0 : i32
      %dma_wait3A_162 = tpu.memref_slice %arg9[%dma_wait3A_160, %dma_wait3A_161] : memref<10112x128xf32, #tpu.memory_space<vmem_shared>> -> memref<10112x128xf32, #tpu.memory_space<vmem_shared>>
      tpu.wait_indirect_dma semaphore(%arg8 : memref<!tpu.dma_semaphore, #tpu.memory_space<semaphore_mem>>) src(%arg4 : memref<128x128xf32, #tpu.memory_space<vmem>>) dst(%dma_wait3A_162 : memref<10112x128xf32, #tpu.memory_space<vmem_shared>>)
      %lt3A_163 = arith.constant 26 : i32
      %lt3A_164 = arith.cmpi slt, %add3A_81, %lt3A_163 : i32
      %convert_element_type3A_165 = arith.extui %lt3A_164 : i1 to i32
      %cond3A_166 = arith.constant 0 : i32
      %cond3A_167 = arith.cmpi ne, %convert_element_type3A_165, %cond3A_166 : i32
      scf.if %cond3A_167 {
        %add3A_168 = arith.constant 1 : i32
        %add3A_169 = arith.addi %add3A_81, %add3A_168 : i32
        %mul3A_170 = arith.constant 3 : i32
        %mul3A_171 = arith.muli %add3A_169, %mul3A_170 : i32
        %add3A_172 = arith.addi %mul3A_23, %mul3A_171 : i32
        %add3A_173 = arith.constant 2 : i32
        %add3A_174 = arith.addi %add3A_172, %add3A_173 : i32
        %dma_start3A_175 = arith.constant 0 : i32
        %dma_start3A_176 = tpu.memref_slice %arg5[%scan3A_70, %dma_start3A_175] : memref<3x128xi32, #tpu.memory_space<vmem>> -> memref<1x128xi32, #tpu.memory_space<vmem>>
        %dma_start3A_177 = tpu.memref_squeeze %dma_start3A_176 : memref<1x128xi32, #tpu.memory_space<vmem>> -> memref<128xi32, #tpu.memory_space<vmem>>
        %dma_start3A_178 = arith.constant 0 : i32
        %dma_start3A_179 = tpu.memref_slice %arg2[%add3A_174, %dma_start3A_178] : memref<2592x128xi32, #tpu.memory_space<hbm>> -> memref<1x128xi32, #tpu.memory_space<hbm>>
        %dma_start3A_180 = tpu.memref_squeeze %dma_start3A_179 : memref<1x128xi32, #tpu.memory_space<hbm>> -> memref<128xi32, #tpu.memory_space<hbm>>
        %dma_start3A_181 = arith.constant 0 : i32
        %dma_start3A_182 = tpu.memref_slice %arg5[%scan3A_70, %dma_start3A_181] : memref<3x128xi32, #tpu.memory_space<vmem>> -> memref<1x128xi32, #tpu.memory_space<vmem>>
        %dma_start3A_183 = tpu.memref_squeeze %dma_start3A_182 : memref<1x128xi32, #tpu.memory_space<vmem>> -> memref<128xi32, #tpu.memory_space<vmem>>
        %dma_start3A_184 = arith.constant 0 : i32
        %dma_start3A_185 = tpu.memref_slice %arg2[%add3A_174, %dma_start3A_184] : memref<2592x128xi32, #tpu.memory_space<hbm>> -> memref<1x128xi32, #tpu.memory_space<hbm>>
        %dma_start3A_186 = tpu.memref_squeeze %dma_start3A_185 : memref<1x128xi32, #tpu.memory_space<hbm>> -> memref<128xi32, #tpu.memory_space<hbm>>
        tpu.enqueue_dma source(%dma_start3A_186 : memref<128xi32, #tpu.memory_space<hbm>>) target(%dma_start3A_183 : memref<128xi32, #tpu.memory_space<vmem>>) target_semaphore(%arg8 : memref<!tpu.dma_semaphore, #tpu.memory_space<semaphore_mem>>)
      } else {
      }
    }
    %scan3A_75 = arith.constant 27 : i32
    %barrier3A_76 = arith.constant 0 : index
    tpu.barrier barrier_id(%barrier3A_76)
    "tpu.region"() ({
      %run_scoped3A = tpu.sem_alloc : memref<!tpu.dma_semaphore, #tpu.memory_space<semaphore_mem>>
      %dma_start3A_77 = arith.constant 0 : i32
      %dma_start3A_78 = tpu.memref_slice %arg3[%arg0, %mul3A_2, %dma_start3A_77] : memref<2x10112x128xf32, #tpu.memory_space<hbm>> -> memref<1x632x128xf32, #tpu.memory_space<hbm>>
      %dma_start3A_79 = tpu.memref_squeeze %dma_start3A_78 : memref<1x632x128xf32, #tpu.memory_space<hbm>> -> memref<632x128xf32, #tpu.memory_space<hbm>>
      %dma_start3A_80 = arith.constant 0 : i32
      %dma_start3A_81 = tpu.memref_slice %arg9[%mul3A_2, %dma_start3A_80] : memref<10112x128xf32, #tpu.memory_space<vmem_shared>> -> memref<632x128xf32, #tpu.memory_space<vmem_shared>>
      tpu.enqueue_dma source(%dma_start3A_81 : memref<632x128xf32, #tpu.memory_space<vmem_shared>>) target(%dma_start3A_79 : memref<632x128xf32, #tpu.memory_space<hbm>>) target_semaphore(%run_scoped3A : memref<!tpu.dma_semaphore, #tpu.memory_space<semaphore_mem>>)
      %dma_wait3A = arith.constant 0 : i32
      %dma_wait3A_82 = tpu.memref_slice %arg3[%arg0, %mul3A_2, %dma_wait3A] : memref<2x10112x128xf32, #tpu.memory_space<hbm>> -> memref<1x632x128xf32, #tpu.memory_space<hbm>>
      %dma_wait3A_83 = tpu.memref_squeeze %dma_wait3A_82 : memref<1x632x128xf32, #tpu.memory_space<hbm>> -> memref<632x128xf32, #tpu.memory_space<hbm>>
      %dma_wait3A_84 = arith.constant 0 : i32
      %dma_wait3A_85 = tpu.memref_slice %arg9[%mul3A_2, %dma_wait3A_84] : memref<10112x128xf32, #tpu.memory_space<vmem_shared>> -> memref<632x128xf32, #tpu.memory_space<vmem_shared>>
      tpu.wait_dma2 semaphore(%run_scoped3A : memref<!tpu.dma_semaphore, #tpu.memory_space<semaphore_mem>>) src(%dma_wait3A_85 : memref<632x128xf32, #tpu.memory_space<vmem_shared>>) dst(%dma_wait3A_83 : memref<632x128xf32, #tpu.memory_space<hbm>>)
      tpu.yield
    }) : () -> ()
    return
  }
}

#map = affine_map<(d0, d1) -> (0, 0)>
#map1 = affine_map<(d0, d1) -> (0, 0, 0)>
module attributes {stable_mosaic.version = 14 : i64} {
  func.func @_sc_segsum(%arg0: i32, %arg1: i32, %arg2: memref<10000x128xf32, #tpu.memory_space<hbm>>, %arg3: memref<2592x128xi32, #tpu.memory_space<hbm>>, %arg4: memref<2592x128xi32, #tpu.memory_space<hbm>>, %arg5: memref<2x10112x128xf32, #tpu.memory_space<hbm>>, %arg6: memref<128x128xf32, #tpu.memory_space<vmem>>, %arg7: memref<128x128xf32, #tpu.memory_space<vmem>>, %arg8: memref<128x128xf32, #tpu.memory_space<vmem>>, %arg9: memref<3x128xi32, #tpu.memory_space<vmem>>, %arg10: memref<3x128xi32, #tpu.memory_space<vmem>>, %arg11: memref<!tpu.dma_semaphore, #tpu.memory_space<semaphore_mem>>, %arg12: memref<!tpu.dma_semaphore, #tpu.memory_space<semaphore_mem>>, %arg13: memref<!tpu.dma_semaphore, #tpu.memory_space<semaphore_mem>>, %arg14: memref<!tpu.dma_semaphore, #tpu.memory_space<semaphore_mem>>, %arg15: memref<!tpu.dma_semaphore, #tpu.memory_space<semaphore_mem>>, %arg16: memref<!tpu.dma_semaphore, #tpu.memory_space<semaphore_mem>>, %arg17: memref<10112x128xf32, #tpu.memory_space<vmem_shared>>) attributes {dimension_semantics = [#tpu.dimension_semantics<core_parallel>, #tpu.dimension_semantics<subcore_parallel>], iteration_bounds = array<i64: 2, 16>, scalar_prefetch = 0 : i64, scratch_operands = 12 : i64, tpu.core_type = #tpu.core_type<sc_vector_subcore>, window_params = [{transform_indices = #map}, {transform_indices = #map}, {transform_indices = #map}, {transform_indices = #map1}]} {
    %mul3A = arith.constant 632 : i32
    %mul3A_0 = arith.muli %arg1, %mul3A : i32
    %broadcast_in_dim3A = arith.constant 0.000000e+00 : f32
    %broadcast_in_dim3A_1 = vector.broadcast %broadcast_in_dim3A : f32 to vector<16xf32>
    %scan3A = arith.constant 0 : i32
    %scan3A_2 = arith.constant 128 : i32
    %scan3A_3 = arith.addi %scan3A, %scan3A_2 : i32
    %scan3A_4 = arith.constant 1 : i32
    scf.for %scan3A_48 = %scan3A to %scan3A_3 step %scan3A_4  : i32 {
      %mul3A_49 = arith.constant 1 : i32
      %mul3A_50 = arith.muli %scan3A_48, %mul3A_49 : i32
      %add3A_51 = arith.constant 0 : i32
      %add3A_52 = arith.addi %add3A_51, %mul3A_50 : i32
      %scan3A_53 = arith.constant 0 : i32
      %scan3A_54 = arith.constant 8 : i32
      %scan3A_55 = arith.addi %scan3A_53, %scan3A_54 : i32
      %scan3A_56 = arith.constant 1 : i32
      scf.for %scan3A_58 = %scan3A_53 to %scan3A_55 step %scan3A_56  : i32 {
        %mul3A_59 = arith.constant 16 : i32
        %mul3A_60 = arith.muli %scan3A_58, %mul3A_59 : i32
        %add3A_61 = arith.constant 0 : i32
        %add3A_62 = arith.addi %add3A_61, %mul3A_60 : i32
        %swap3A = arith.index_cast %add3A_52 : i32 to index
        %swap3A_63 = arith.index_cast %add3A_62 : i32 to index
        %swap3A_64 = tpu.vector_load %arg6[%swap3A, %swap3A_63] {strides = array<i32>} : memref<128x128xf32, #tpu.memory_space<vmem>>, vector<1x16xf32>,
        %swap3A_65 = vector.shape_cast %swap3A_64 : vector<1x16xf32> to vector<16xf32>
        %swap3A_66 = vector.shape_cast %broadcast_in_dim3A_1 : vector<16xf32> to vector<1x16xf32>
        tpu.vector_store %arg6[%swap3A, %swap3A_63], %swap3A_66 {strides = array<i32>} : memref<128x128xf32, #tpu.memory_space<vmem>>, vector<1x16xf32>,
      }
      %scan3A_57 = arith.constant 8 : i32
    }
    %scan3A_5 = arith.constant 128 : i32
    %scan3A_6 = arith.constant 0 : i32
    %scan3A_7 = arith.constant 4 : i32
    %scan3A_8 = arith.addi %scan3A_6, %scan3A_7 : i32
    %scan3A_9 = arith.constant 1 : i32
    scf.for %scan3A_48 = %scan3A_6 to %scan3A_8 step %scan3A_9  : i32 {
      %mul3A_49 = arith.constant 1 : i32
      %mul3A_50 = arith.muli %scan3A_48, %mul3A_49 : i32
      %add3A_51 = arith.constant 0 : i32
      %add3A_52 = arith.addi %add3A_51, %mul3A_50 : i32
      %mul3A_53 = arith.constant 128 : i32
      %mul3A_54 = arith.muli %add3A_52, %mul3A_53 : i32
      %add3A_55 = arith.addi %mul3A_0, %mul3A_54 : i32
      "tpu.region"() ({
        %run_scoped3A = tpu.sem_alloc : memref<!tpu.dma_semaphore, #tpu.memory_space<semaphore_mem>>
        %dma_start3A = arith.constant 0 : i32
        %dma_start3A_56 = tpu.memref_slice %arg17[%add3A_55, %dma_start3A] : memref<10112x128xf32, #tpu.memory_space<vmem_shared>> -> memref<128x128xf32, #tpu.memory_space<vmem_shared>>
        %dma_start3A_57 = arith.constant 0 : i32
        %dma_start3A_58 = tpu.memref_slice %arg17[%add3A_55, %dma_start3A_57] : memref<10112x128xf32, #tpu.memory_space<vmem_shared>> -> memref<128x128xf32, #tpu.memory_space<vmem_shared>>
        tpu.enqueue_dma source(%arg6 : memref<128x128xf32, #tpu.memory_space<vmem>>) target(%dma_start3A_58 : memref<128x128xf32, #tpu.memory_space<vmem_shared>>) target_semaphore(%run_scoped3A : memref<!tpu.dma_semaphore, #tpu.memory_space<semaphore_mem>>)
        %dma_wait3A = arith.constant 0 : i32
        %dma_wait3A_59 = tpu.memref_slice %arg17[%add3A_55, %dma_wait3A] : memref<10112x128xf32, #tpu.memory_space<vmem_shared>> -> memref<128x128xf32, #tpu.memory_space<vmem_shared>>
        %dma_wait3A_60 = arith.constant 0 : i32
        %dma_wait3A_61 = tpu.memref_slice %arg17[%add3A_55, %dma_wait3A_60] : memref<10112x128xf32, #tpu.memory_space<vmem_shared>> -> memref<128x128xf32, #tpu.memory_space<vmem_shared>>
        tpu.wait_dma2 semaphore(%run_scoped3A : memref<!tpu.dma_semaphore, #tpu.memory_space<semaphore_mem>>) src(%arg6 : memref<128x128xf32, #tpu.memory_space<vmem>>) dst(%dma_wait3A_61 : memref<128x128xf32, #tpu.memory_space<vmem_shared>>)
        tpu.yield
      }) : () -> ()
    }
    %scan3A_10 = arith.constant 4 : i32
    %add3A = arith.constant 512 : i32
    %add3A_11 = arith.addi %mul3A_0, %add3A : i32
    "tpu.region"() ({
      %run_scoped3A = tpu.sem_alloc : memref<!tpu.dma_semaphore, #tpu.memory_space<semaphore_mem>>
      %dma_start3A = arith.constant 0 : i32
      %dma_start3A_48 = arith.constant 0 : i32
      %dma_start3A_49 = tpu.memref_slice %arg6[%dma_start3A, %dma_start3A_48] : memref<128x128xf32, #tpu.memory_space<vmem>> -> memref<120x128xf32, #tpu.memory_space<vmem>>
      %dma_start3A_50 = arith.constant 0 : i32
      %dma_start3A_51 = tpu.memref_slice %arg17[%add3A_11, %dma_start3A_50] : memref<10112x128xf32, #tpu.memory_space<vmem_shared>> -> memref<120x128xf32, #tpu.memory_space<vmem_shared>>
      %dma_start3A_52 = arith.constant 0 : i32
      %dma_start3A_53 = tpu.memref_slice %arg17[%add3A_11, %dma_start3A_52] : memref<10112x128xf32, #tpu.memory_space<vmem_shared>> -> memref<120x128xf32, #tpu.memory_space<vmem_shared>>
      %dma_start3A_54 = arith.constant 0 : i32
      %dma_start3A_55 = arith.constant 0 : i32
      %dma_start3A_56 = tpu.memref_slice %arg6[%dma_start3A_54, %dma_start3A_55] : memref<128x128xf32, #tpu.memory_space<vmem>> -> memref<120x128xf32, #tpu.memory_space<vmem>>
      tpu.enqueue_dma source(%dma_start3A_56 : memref<120x128xf32, #tpu.memory_space<vmem>>) target(%dma_start3A_53 : memref<120x128xf32, #tpu.memory_space<vmem_shared>>) target_semaphore(%run_scoped3A : memref<!tpu.dma_semaphore, #tpu.memory_space<semaphore_mem>>)
      %dma_wait3A = arith.constant 0 : i32
      %dma_wait3A_57 = arith.constant 0 : i32
      %dma_wait3A_58 = tpu.memref_slice %arg6[%dma_wait3A, %dma_wait3A_57] : memref<128x128xf32, #tpu.memory_space<vmem>> -> memref<120x128xf32, #tpu.memory_space<vmem>>
      %dma_wait3A_59 = arith.constant 0 : i32
      %dma_wait3A_60 = tpu.memref_slice %arg17[%add3A_11, %dma_wait3A_59] : memref<10112x128xf32, #tpu.memory_space<vmem_shared>> -> memref<120x128xf32, #tpu.memory_space<vmem_shared>>
      %dma_wait3A_61 = arith.constant 0 : i32
      %dma_wait3A_62 = tpu.memref_slice %arg17[%add3A_11, %dma_wait3A_61] : memref<10112x128xf32, #tpu.memory_space<vmem_shared>> -> memref<120x128xf32, #tpu.memory_space<vmem_shared>>
      %dma_wait3A_63 = arith.constant 0 : i32
      %dma_wait3A_64 = arith.constant 0 : i32
      %dma_wait3A_65 = tpu.memref_slice %arg6[%dma_wait3A_63, %dma_wait3A_64] : memref<128x128xf32, #tpu.memory_space<vmem>> -> memref<120x128xf32, #tpu.memory_space<vmem>>
      tpu.wait_dma2 semaphore(%run_scoped3A : memref<!tpu.dma_semaphore, #tpu.memory_space<semaphore_mem>>) src(%dma_wait3A_65 : memref<120x128xf32, #tpu.memory_space<vmem>>) dst(%dma_wait3A_62 : memref<120x128xf32, #tpu.memory_space<vmem_shared>>)
      tpu.yield
    }) : () -> ()
    %barrier3A = arith.constant 0 : index
    tpu.barrier barrier_id(%barrier3A)
    %eq3A = arith.constant 0 : i32
    %eq3A_12 = arith.cmpi eq, %arg0, %eq3A : i32
    %mul3A_13 = arith.constant 147 : i32
    %mul3A_14 = arith.muli %arg1, %mul3A_13 : i32
    %mul3A_15 = arith.constant 15 : i32
    %mul3A_16 = arith.muli %arg1, %mul3A_15 : i32
    %add3A_17 = arith.constant 2352 : i32
    %add3A_18 = arith.addi %add3A_17, %mul3A_16 : i32
    %select_n3A = arith.select %eq3A_12, %mul3A_14, %add3A_18 : i32
    %eq3A_19 = arith.constant 0 : i32
    %eq3A_20 = arith.cmpi eq, %arg0, %eq3A_19 : i32
    %jit3A = arith.constant 49 : i32
    %jit3A_21 = arith.constant 5 : i32
    %select_n3A_22 = arith.select %eq3A_20, %jit3A, %jit3A_21 : i32
    %gt3A = arith.constant 0 : i32
    %gt3A_23 = arith.cmpi sgt, %select_n3A_22, %gt3A : i32
    %convert_element_type3A = arith.extui %gt3A_23 : i1 to i32
    %cond3A = arith.constant 0 : i32
    %cond3A_24 = arith.constant 1 : i32
    %cond3A_25 = arith.constant 2 : i32
    %cond3A_26 = arith.constant 0 : i32
    %cond3A_27 = arith.cmpi ne, %convert_element_type3A, %cond3A_26 : i32
    scf.if %cond3A_27 {
      %add3A_48 = arith.constant 0 : i32
      %add3A_49 = arith.addi %select_n3A, %add3A_48 : i32
      %dma_start3A = arith.constant 0 : i32
      %dma_start3A_50 = arith.constant 0 : i32
      %dma_start3A_51 = tpu.memref_slice %arg9[%dma_start3A, %dma_start3A_50] : memref<3x128xi32, #tpu.memory_space<vmem>> -> memref<1x128xi32, #tpu.memory_space<vmem>>
      %dma_start3A_52 = tpu.memref_squeeze %dma_start3A_51 : memref<1x128xi32, #tpu.memory_space<vmem>> -> memref<128xi32, #tpu.memory_space<vmem>>
      %dma_start3A_53 = arith.constant 0 : i32
      %dma_start3A_54 = tpu.memref_slice %arg3[%add3A_49, %dma_start3A_53] : memref<2592x128xi32, #tpu.memory_space<hbm>> -> memref<1x128xi32, #tpu.memory_space<hbm>>
      %dma_start3A_55 = tpu.memref_squeeze %dma_start3A_54 : memref<1x128xi32, #tpu.memory_space<hbm>> -> memref<128xi32, #tpu.memory_space<hbm>>
      %dma_start3A_56 = arith.constant 0 : i32
      %dma_start3A_57 = tpu.memref_slice %arg9[%dma_start3A, %dma_start3A_56] : memref<3x128xi32, #tpu.memory_space<vmem>> -> memref<1x128xi32, #tpu.memory_space<vmem>>
      %dma_start3A_58 = tpu.memref_squeeze %dma_start3A_57 : memref<1x128xi32, #tpu.memory_space<vmem>> -> memref<128xi32, #tpu.memory_space<vmem>>
      %dma_start3A_59 = arith.constant 0 : i32
      %dma_start3A_60 = tpu.memref_slice %arg3[%add3A_49, %dma_start3A_59] : memref<2592x128xi32, #tpu.memory_space<hbm>> -> memref<1x128xi32, #tpu.memory_space<hbm>>
      %dma_start3A_61 = tpu.memref_squeeze %dma_start3A_60 : memref<1x128xi32, #tpu.memory_space<hbm>> -> memref<128xi32, #tpu.memory_space<hbm>>
      tpu.enqueue_dma source(%dma_start3A_61 : memref<128xi32, #tpu.memory_space<hbm>>) target(%dma_start3A_58 : memref<128xi32, #tpu.memory_space<vmem>>) target_semaphore(%arg14 : memref<!tpu.dma_semaphore, #tpu.memory_space<semaphore_mem>>)
      %add3A_62 = arith.constant 0 : i32
      %add3A_63 = arith.addi %select_n3A, %add3A_62 : i32
      %dma_start3A_64 = arith.constant 0 : i32
      %dma_start3A_65 = tpu.memref_slice %arg10[%cond3A, %dma_start3A_64] : memref<3x128xi32, #tpu.memory_space<vmem>> -> memref<1x128xi32, #tpu.memory_space<vmem>>
      %dma_start3A_66 = tpu.memref_squeeze %dma_start3A_65 : memref<1x128xi32, #tpu.memory_space<vmem>> -> memref<128xi32, #tpu.memory_space<vmem>>
      %dma_start3A_67 = arith.constant 0 : i32
      %dma_start3A_68 = tpu.memref_slice %arg4[%add3A_63, %dma_start3A_67] : memref<2592x128xi32, #tpu.memory_space<hbm>> -> memref<1x128xi32, #tpu.memory_space<hbm>>
      %dma_start3A_69 = tpu.memref_squeeze %dma_start3A_68 : memref<1x128xi32, #tpu.memory_space<hbm>> -> memref<128xi32, #tpu.memory_space<hbm>>
      %dma_start3A_70 = arith.constant 0 : i32
      %dma_start3A_71 = tpu.memref_slice %arg10[%cond3A, %dma_start3A_70] : memref<3x128xi32, #tpu.memory_space<vmem>> -> memref<1x128xi32, #tpu.memory_space<vmem>>
      %dma_start3A_72 = tpu.memref_squeeze %dma_start3A_71 : memref<1x128xi32, #tpu.memory_space<vmem>> -> memref<128xi32, #tpu.memory_space<vmem>>
      %dma_start3A_73 = arith.constant 0 : i32
      %dma_start3A_74 = tpu.memref_slice %arg4[%add3A_63, %dma_start3A_73] : memref<2592x128xi32, #tpu.memory_space<hbm>> -> memref<1x128xi32, #tpu.memory_space<hbm>>
      %dma_start3A_75 = tpu.memref_squeeze %dma_start3A_74 : memref<1x128xi32, #tpu.memory_space<hbm>> -> memref<128xi32, #tpu.memory_space<hbm>>
      tpu.enqueue_dma source(%dma_start3A_75 : memref<128xi32, #tpu.memory_space<hbm>>) target(%dma_start3A_72 : memref<128xi32, #tpu.memory_space<vmem>>) target_semaphore(%arg14 : memref<!tpu.dma_semaphore, #tpu.memory_space<semaphore_mem>>)
      %add3A_76 = arith.constant 1 : i32
      %add3A_77 = arith.addi %select_n3A, %add3A_76 : i32
      %dma_start3A_78 = arith.constant 1 : i32
      %dma_start3A_79 = arith.constant 0 : i32
      %dma_start3A_80 = tpu.memref_slice %arg9[%dma_start3A_78, %dma_start3A_79] : memref<3x128xi32, #tpu.memory_space<vmem>> -> memref<1x128xi32, #tpu.memory_space<vmem>>
      %dma_start3A_81 = tpu.memref_squeeze %dma_start3A_80 : memref<1x128xi32, #tpu.memory_space<vmem>> -> memref<128xi32, #tpu.memory_space<vmem>>
      %dma_start3A_82 = arith.constant 0 : i32
      %dma_start3A_83 = tpu.memref_slice %arg3[%add3A_77, %dma_start3A_82] : memref<2592x128xi32, #tpu.memory_space<hbm>> -> memref<1x128xi32, #tpu.memory_space<hbm>>
      %dma_start3A_84 = tpu.memref_squeeze %dma_start3A_83 : memref<1x128xi32, #tpu.memory_space<hbm>> -> memref<128xi32, #tpu.memory_space<hbm>>
      %dma_start3A_85 = arith.constant 0 : i32
      %dma_start3A_86 = tpu.memref_slice %arg9[%dma_start3A_78, %dma_start3A_85] : memref<3x128xi32, #tpu.memory_space<vmem>> -> memref<1x128xi32, #tpu.memory_space<vmem>>
      %dma_start3A_87 = tpu.memref_squeeze %dma_start3A_86 : memref<1x128xi32, #tpu.memory_space<vmem>> -> memref<128xi32, #tpu.memory_space<vmem>>
      %dma_start3A_88 = arith.constant 0 : i32
      %dma_start3A_89 = tpu.memref_slice %arg3[%add3A_77, %dma_start3A_88] : memref<2592x128xi32, #tpu.memory_space<hbm>> -> memref<1x128xi32, #tpu.memory_space<hbm>>
      %dma_start3A_90 = tpu.memref_squeeze %dma_start3A_89 : memref<1x128xi32, #tpu.memory_space<hbm>> -> memref<128xi32, #tpu.memory_space<hbm>>
      tpu.enqueue_dma source(%dma_start3A_90 : memref<128xi32, #tpu.memory_space<hbm>>) target(%dma_start3A_87 : memref<128xi32, #tpu.memory_space<vmem>>) target_semaphore(%arg15 : memref<!tpu.dma_semaphore, #tpu.memory_space<semaphore_mem>>)
      %add3A_91 = arith.constant 1 : i32
      %add3A_92 = arith.addi %select_n3A, %add3A_91 : i32
      %dma_start3A_93 = arith.constant 0 : i32
      %dma_start3A_94 = tpu.memref_slice %arg10[%cond3A_24, %dma_start3A_93] : memref<3x128xi32, #tpu.memory_space<vmem>> -> memref<1x128xi32, #tpu.memory_space<vmem>>
      %dma_start3A_95 = tpu.memref_squeeze %dma_start3A_94 : memref<1x128xi32, #tpu.memory_space<vmem>> -> memref<128xi32, #tpu.memory_space<vmem>>
      %dma_start3A_96 = arith.constant 0 : i32
      %dma_start3A_97 = tpu.memref_slice %arg4[%add3A_92, %dma_start3A_96] : memref<2592x128xi32, #tpu.memory_space<hbm>> -> memref<1x128xi32, #tpu.memory_space<hbm>>
      %dma_start3A_98 = tpu.memref_squeeze %dma_start3A_97 : memref<1x128xi32, #tpu.memory_space<hbm>> -> memref<128xi32, #tpu.memory_space<hbm>>
      %dma_start3A_99 = arith.constant 0 : i32
      %dma_start3A_100 = tpu.memref_slice %arg10[%cond3A_24, %dma_start3A_99] : memref<3x128xi32, #tpu.memory_space<vmem>> -> memref<1x128xi32, #tpu.memory_space<vmem>>
      %dma_start3A_101 = tpu.memref_squeeze %dma_start3A_100 : memref<1x128xi32, #tpu.memory_space<vmem>> -> memref<128xi32, #tpu.memory_space<vmem>>
      %dma_start3A_102 = arith.constant 0 : i32
      %dma_start3A_103 = tpu.memref_slice %arg4[%add3A_92, %dma_start3A_102] : memref<2592x128xi32, #tpu.memory_space<hbm>> -> memref<1x128xi32, #tpu.memory_space<hbm>>
      %dma_start3A_104 = tpu.memref_squeeze %dma_start3A_103 : memref<1x128xi32, #tpu.memory_space<hbm>> -> memref<128xi32, #tpu.memory_space<hbm>>
      tpu.enqueue_dma source(%dma_start3A_104 : memref<128xi32, #tpu.memory_space<hbm>>) target(%dma_start3A_101 : memref<128xi32, #tpu.memory_space<vmem>>) target_semaphore(%arg15 : memref<!tpu.dma_semaphore, #tpu.memory_space<semaphore_mem>>)
      %add3A_105 = arith.constant 2 : i32
      %add3A_106 = arith.addi %select_n3A, %add3A_105 : i32
      %dma_start3A_107 = arith.constant 2 : i32
      %dma_start3A_108 = arith.constant 0 : i32
      %dma_start3A_109 = tpu.memref_slice %arg9[%dma_start3A_107, %dma_start3A_108] : memref<3x128xi32, #tpu.memory_space<vmem>> -> memref<1x128xi32, #tpu.memory_space<vmem>>
      %dma_start3A_110 = tpu.memref_squeeze %dma_start3A_109 : memref<1x128xi32, #tpu.memory_space<vmem>> -> memref<128xi32, #tpu.memory_space<vmem>>
      %dma_start3A_111 = arith.constant 0 : i32
      %dma_start3A_112 = tpu.memref_slice %arg3[%add3A_106, %dma_start3A_111] : memref<2592x128xi32, #tpu.memory_space<hbm>> -> memref<1x128xi32, #tpu.memory_space<hbm>>
      %dma_start3A_113 = tpu.memref_squeeze %dma_start3A_112 : memref<1x128xi32, #tpu.memory_space<hbm>> -> memref<128xi32, #tpu.memory_space<hbm>>
      %dma_start3A_114 = arith.constant 0 : i32
      %dma_start3A_115 = tpu.memref_slice %arg9[%dma_start3A_107, %dma_start3A_114] : memref<3x128xi32, #tpu.memory_space<vmem>> -> memref<1x128xi32, #tpu.memory_space<vmem>>
      %dma_start3A_116 = tpu.memref_squeeze %dma_start3A_115 : memref<1x128xi32, #tpu.memory_space<vmem>> -> memref<128xi32, #tpu.memory_space<vmem>>
      %dma_start3A_117 = arith.constant 0 : i32
      %dma_start3A_118 = tpu.memref_slice %arg3[%add3A_106, %dma_start3A_117] : memref<2592x128xi32, #tpu.memory_space<hbm>> -> memref<1x128xi32, #tpu.memory_space<hbm>>
      %dma_start3A_119 = tpu.memref_squeeze %dma_start3A_118 : memref<1x128xi32, #tpu.memory_space<hbm>> -> memref<128xi32, #tpu.memory_space<hbm>>
      tpu.enqueue_dma source(%dma_start3A_119 : memref<128xi32, #tpu.memory_space<hbm>>) target(%dma_start3A_116 : memref<128xi32, #tpu.memory_space<vmem>>) target_semaphore(%arg16 : memref<!tpu.dma_semaphore, #tpu.memory_space<semaphore_mem>>)
      %add3A_120 = arith.constant 2 : i32
      %add3A_121 = arith.addi %select_n3A, %add3A_120 : i32
      %dma_start3A_122 = arith.constant 0 : i32
      %dma_start3A_123 = tpu.memref_slice %arg10[%cond3A_25, %dma_start3A_122] : memref<3x128xi32, #tpu.memory_space<vmem>> -> memref<1x128xi32, #tpu.memory_space<vmem>>
      %dma_start3A_124 = tpu.memref_squeeze %dma_start3A_123 : memref<1x128xi32, #tpu.memory_space<vmem>> -> memref<128xi32, #tpu.memory_space<vmem>>
      %dma_start3A_125 = arith.constant 0 : i32
      %dma_start3A_126 = tpu.memref_slice %arg4[%add3A_121, %dma_start3A_125] : memref<2592x128xi32, #tpu.memory_space<hbm>> -> memref<1x128xi32, #tpu.memory_space<hbm>>
      %dma_start3A_127 = tpu.memref_squeeze %dma_start3A_126 : memref<1x128xi32, #tpu.memory_space<hbm>> -> memref<128xi32, #tpu.memory_space<hbm>>
      %dma_start3A_128 = arith.constant 0 : i32
      %dma_start3A_129 = tpu.memref_slice %arg10[%cond3A_25, %dma_start3A_128] : memref<3x128xi32, #tpu.memory_space<vmem>> -> memref<1x128xi32, #tpu.memory_space<vmem>>
      %dma_start3A_130 = tpu.memref_squeeze %dma_start3A_129 : memref<1x128xi32, #tpu.memory_space<vmem>> -> memref<128xi32, #tpu.memory_space<vmem>>
      %dma_start3A_131 = arith.constant 0 : i32
      %dma_start3A_132 = tpu.memref_slice %arg4[%add3A_121, %dma_start3A_131] : memref<2592x128xi32, #tpu.memory_space<hbm>> -> memref<1x128xi32, #tpu.memory_space<hbm>>
      %dma_start3A_133 = tpu.memref_squeeze %dma_start3A_132 : memref<1x128xi32, #tpu.memory_space<hbm>> -> memref<128xi32, #tpu.memory_space<hbm>>
      tpu.enqueue_dma source(%dma_start3A_133 : memref<128xi32, #tpu.memory_space<hbm>>) target(%dma_start3A_130 : memref<128xi32, #tpu.memory_space<vmem>>) target_semaphore(%arg16 : memref<!tpu.dma_semaphore, #tpu.memory_space<semaphore_mem>>)
    } else {
    }
    %sub3A = arith.constant 0 : i32
    %sub3A_28 = arith.subi %select_n3A_22, %sub3A : i32
    %sub3A_29 = arith.constant 1 : i32
    %sub3A_30 = arith.constant 1 : i32
    %sub3A_31 = arith.subi %sub3A_29, %sub3A_30 : i32
    %add3A_32 = arith.addi %sub3A_28, %sub3A_31 : i32
    %div3A = arith.constant 1 : i32
    %div3A_33 = arith.divsi %add3A_32, %div3A : i32
    %while3A = arith.constant 1 : i32
    %while3A_34 = arith.constant 0 : i32
    %while3A_35 = arith.constant 0 : i32
    %while3A_36 = arith.constant 1 : i32
    %while3A_37 = arith.constant 2 : i32
    %while3A_38 = arith.constant 0 : i32
    %while3A_39 = arith.subi %div3A_33, %while3A_38 : i32
    %while3A_40 = arith.addi %while3A_38, %while3A_39 : i32
    %while3A_41 = arith.constant 1 : i32
    %while3A_42 = arith.divsi %while3A_39, %while3A_41 : i32
    %while3A_43 = arith.muli %while3A_42, %while3A_41 : i32
    %while3A_44 = arith.addi %while3A_38, %while3A_43 : i32
    %while3A_45 = arith.constant 1 : i32
    scf.for %while3A_48 = %while3A_38 to %while3A_44 step %while3A_45  : i32 {
      %mul3A_49 = arith.muli %while3A_48, %while3A : i32
      %add3A_50 = arith.addi %while3A_34, %mul3A_49 : i32
      %dma_wait3A = arith.constant 0 : i32
      %dma_wait3A_51 = arith.constant 0 : i32
      %dma_wait3A_52 = arith.constant 0 : i32
      %dma_wait3A_53 = tpu.memref_slice %arg9[%dma_wait3A_51, %dma_wait3A_52] : memref<3x128xi32, #tpu.memory_space<vmem>> -> memref<1x128xi32, #tpu.memory_space<vmem>>
      %dma_wait3A_54 = tpu.memref_squeeze %dma_wait3A_53 : memref<1x128xi32, #tpu.memory_space<vmem>> -> memref<128xi32, #tpu.memory_space<vmem>>
      %dma_wait3A_55 = arith.constant 0 : i32
      %dma_wait3A_56 = tpu.memref_slice %arg3[%dma_wait3A, %dma_wait3A_55] : memref<2592x128xi32, #tpu.memory_space<hbm>> -> memref<1x128xi32, #tpu.memory_space<hbm>>
      %dma_wait3A_57 = tpu.memref_squeeze %dma_wait3A_56 : memref<1x128xi32, #tpu.memory_space<hbm>> -> memref<128xi32, #tpu.memory_space<hbm>>
      %dma_wait3A_58 = arith.constant 0 : i32
      %dma_wait3A_59 = tpu.memref_slice %arg9[%dma_wait3A_51, %dma_wait3A_58] : memref<3x128xi32, #tpu.memory_space<vmem>> -> memref<1x128xi32, #tpu.memory_space<vmem>>
      %dma_wait3A_60 = tpu.memref_squeeze %dma_wait3A_59 : memref<1x128xi32, #tpu.memory_space<vmem>> -> memref<128xi32, #tpu.memory_space<vmem>>
      %dma_wait3A_61 = arith.constant 0 : i32
      %dma_wait3A_62 = tpu.memref_slice %arg3[%dma_wait3A, %dma_wait3A_61] : memref<2592x128xi32, #tpu.memory_space<hbm>> -> memref<1x128xi32, #tpu.memory_space<hbm>>
      %dma_wait3A_63 = tpu.memref_squeeze %dma_wait3A_62 : memref<1x128xi32, #tpu.memory_space<hbm>> -> memref<128xi32, #tpu.memory_space<hbm>>
      tpu.wait_dma2 semaphore(%arg14 : memref<!tpu.dma_semaphore, #tpu.memory_space<semaphore_mem>>) src(%dma_wait3A_63 : memref<128xi32, #tpu.memory_space<hbm>>) dst(%dma_wait3A_60 : memref<128xi32, #tpu.memory_space<vmem>>)
      %dma_wait3A_64 = arith.constant 0 : i32
      %dma_wait3A_65 = arith.constant 0 : i32
      %dma_wait3A_66 = tpu.memref_slice %arg10[%while3A_35, %dma_wait3A_65] : memref<3x128xi32, #tpu.memory_space<vmem>> -> memref<1x128xi32, #tpu.memory_space<vmem>>
      %dma_wait3A_67 = tpu.memref_squeeze %dma_wait3A_66 : memref<1x128xi32, #tpu.memory_space<vmem>> -> memref<128xi32, #tpu.memory_space<vmem>>
      %dma_wait3A_68 = arith.constant 0 : i32
      %dma_wait3A_69 = tpu.memref_slice %arg3[%dma_wait3A_64, %dma_wait3A_68] : memref<2592x128xi32, #tpu.memory_space<hbm>> -> memref<1x128xi32, #tpu.memory_space<hbm>>
      %dma_wait3A_70 = tpu.memref_squeeze %dma_wait3A_69 : memref<1x128xi32, #tpu.memory_space<hbm>> -> memref<128xi32, #tpu.memory_space<hbm>>
      %dma_wait3A_71 = arith.constant 0 : i32
      %dma_wait3A_72 = tpu.memref_slice %arg10[%while3A_35, %dma_wait3A_71] : memref<3x128xi32, #tpu.memory_space<vmem>> -> memref<1x128xi32, #tpu.memory_space<vmem>>
      %dma_wait3A_73 = tpu.memref_squeeze %dma_wait3A_72 : memref<1x128xi32, #tpu.memory_space<vmem>> -> memref<128xi32, #tpu.memory_space<vmem>>
      %dma_wait3A_74 = arith.constant 0 : i32
      %dma_wait3A_75 = tpu.memref_slice %arg3[%dma_wait3A_64, %dma_wait3A_74] : memref<2592x128xi32, #tpu.memory_space<hbm>> -> memref<1x128xi32, #tpu.memory_space<hbm>>
      %dma_wait3A_76 = tpu.memref_squeeze %dma_wait3A_75 : memref<1x128xi32, #tpu.memory_space<hbm>> -> memref<128xi32, #tpu.memory_space<hbm>>
      tpu.wait_dma2 semaphore(%arg14 : memref<!tpu.dma_semaphore, #tpu.memory_space<semaphore_mem>>) src(%dma_wait3A_76 : memref<128xi32, #tpu.memory_space<hbm>>) dst(%dma_wait3A_73 : memref<128xi32, #tpu.memory_space<vmem>>)
      %dma_start3A = arith.constant 0 : i32
      %dma_start3A_77 = arith.constant 0 : i32
      %dma_start3A_78 = arith.constant 0 : i32
      %dma_start3A_79 = tpu.memref_slice %arg6[%dma_start3A_77, %dma_start3A_78] : memref<128x128xf32, #tpu.memory_space<vmem>> -> memref<64x128xf32, #tpu.memory_space<vmem>>
      %dma_start3A_80 = arith.constant 0 : i32
      %dma_start3A_81 = tpu.memref_slice %arg9[%dma_start3A, %dma_start3A_80] : memref<3x128xi32, #tpu.memory_space<vmem>> -> memref<1x64xi32, #tpu.memory_space<vmem>>
      %dma_start3A_82 = tpu.memref_squeeze %dma_start3A_81 : memref<1x64xi32, #tpu.memory_space<vmem>> -> memref<64xi32, #tpu.memory_space<vmem>>
      %dma_start3A_83 = arith.constant 0 : i32
      %dma_start3A_84 = arith.constant 0 : i32
      %dma_start3A_85 = tpu.memref_slice %arg2[%dma_start3A_83, %dma_start3A_84] : memref<10000x128xf32, #tpu.memory_space<hbm>> -> memref<10000x128xf32, #tpu.memory_space<hbm>>
      tpu.enqueue_indirect_dma source(%dma_start3A_85 : memref<10000x128xf32, #tpu.memory_space<hbm>>) target(%dma_start3A_79 : memref<64x128xf32, #tpu.memory_space<vmem>>) offsets(%dma_start3A_82 : memref<64xi32, #tpu.memory_space<vmem>>) semaphore(%arg11 : memref<!tpu.dma_semaphore, #tpu.memory_space<semaphore_mem>>)
      %dma_start3A_86 = arith.constant 0 : i32
      %dma_start3A_87 = arith.constant 64 : i32
      %dma_start3A_88 = arith.constant 0 : i32
      %dma_start3A_89 = tpu.memref_slice %arg6[%dma_start3A_87, %dma_start3A_88] : memref<128x128xf32, #tpu.memory_space<vmem>> -> memref<64x128xf32, #tpu.memory_space<vmem>>
      %dma_start3A_90 = arith.constant 64 : i32
      %dma_start3A_91 = tpu.memref_slice %arg9[%dma_start3A_86, %dma_start3A_90] : memref<3x128xi32, #tpu.memory_space<vmem>> -> memref<1x64xi32, #tpu.memory_space<vmem>>
      %dma_start3A_92 = tpu.memref_squeeze %dma_start3A_91 : memref<1x64xi32, #tpu.memory_space<vmem>> -> memref<64xi32, #tpu.memory_space<vmem>>
      %dma_start3A_93 = arith.constant 0 : i32
      %dma_start3A_94 = arith.constant 0 : i32
      %dma_start3A_95 = tpu.memref_slice %arg2[%dma_start3A_93, %dma_start3A_94] : memref<10000x128xf32, #tpu.memory_space<hbm>> -> memref<10000x128xf32, #tpu.memory_space<hbm>>
      tpu.enqueue_indirect_dma source(%dma_start3A_95 : memref<10000x128xf32, #tpu.memory_space<hbm>>) target(%dma_start3A_89 : memref<64x128xf32, #tpu.memory_space<vmem>>) offsets(%dma_start3A_92 : memref<64xi32, #tpu.memory_space<vmem>>) semaphore(%arg14 : memref<!tpu.dma_semaphore, #tpu.memory_space<semaphore_mem>>)
      %dma_wait3A_96 = arith.constant 0 : i32
      %dma_wait3A_97 = arith.constant 1 : i32
      %dma_wait3A_98 = arith.constant 0 : i32
      %dma_wait3A_99 = tpu.memref_slice %arg9[%dma_wait3A_97, %dma_wait3A_98] : memref<3x128xi32, #tpu.memory_space<vmem>> -> memref<1x128xi32, #tpu.memory_space<vmem>>
      %dma_wait3A_100 = tpu.memref_squeeze %dma_wait3A_99 : memref<1x128xi32, #tpu.memory_space<vmem>> -> memref<128xi32, #tpu.memory_space<vmem>>
      %dma_wait3A_101 = arith.constant 0 : i32
      %dma_wait3A_102 = tpu.memref_slice %arg3[%dma_wait3A_96, %dma_wait3A_101] : memref<2592x128xi32, #tpu.memory_space<hbm>> -> memref<1x128xi32, #tpu.memory_space<hbm>>
      %dma_wait3A_103 = tpu.memref_squeeze %dma_wait3A_102 : memref<1x128xi32, #tpu.memory_space<hbm>> -> memref<128xi32, #tpu.memory_space<hbm>>
      %dma_wait3A_104 = arith.constant 0 : i32
      %dma_wait3A_105 = tpu.memref_slice %arg9[%dma_wait3A_97, %dma_wait3A_104] : memref<3x128xi32, #tpu.memory_space<vmem>> -> memref<1x128xi32, #tpu.memory_space<vmem>>
      %dma_wait3A_106 = tpu.memref_squeeze %dma_wait3A_105 : memref<1x128xi32, #tpu.memory_space<vmem>> -> memref<128xi32, #tpu.memory_space<vmem>>
      %dma_wait3A_107 = arith.constant 0 : i32
      %dma_wait3A_108 = tpu.memref_slice %arg3[%dma_wait3A_96, %dma_wait3A_107] : memref<2592x128xi32, #tpu.memory_space<hbm>> -> memref<1x128xi32, #tpu.memory_space<hbm>>
      %dma_wait3A_109 = tpu.memref_squeeze %dma_wait3A_108 : memref<1x128xi32, #tpu.memory_space<hbm>> -> memref<128xi32, #tpu.memory_space<hbm>>
      tpu.wait_dma2 semaphore(%arg15 : memref<!tpu.dma_semaphore, #tpu.memory_space<semaphore_mem>>) src(%dma_wait3A_109 : memref<128xi32, #tpu.memory_space<hbm>>) dst(%dma_wait3A_106 : memref<128xi32, #tpu.memory_space<vmem>>)
      %dma_wait3A_110 = arith.constant 0 : i32
      %dma_wait3A_111 = arith.constant 0 : i32
      %dma_wait3A_112 = tpu.memref_slice %arg10[%while3A_36, %dma_wait3A_111] : memref<3x128xi32, #tpu.memory_space<vmem>> -> memref<1x128xi32, #tpu.memory_space<vmem>>
      %dma_wait3A_113 = tpu.memref_squeeze %dma_wait3A_112 : memref<1x128xi32, #tpu.memory_space<vmem>> -> memref<128xi32, #tpu.memory_space<vmem>>
      %dma_wait3A_114 = arith.constant 0 : i32
      %dma_wait3A_115 = tpu.memref_slice %arg3[%dma_wait3A_110, %dma_wait3A_114] : memref<2592x128xi32, #tpu.memory_space<hbm>> -> memref<1x128xi32, #tpu.memory_space<hbm>>
      %dma_wait3A_116 = tpu.memref_squeeze %dma_wait3A_115 : memref<1x128xi32, #tpu.memory_space<hbm>> -> memref<128xi32, #tpu.memory_space<hbm>>
      %dma_wait3A_117 = arith.constant 0 : i32
      %dma_wait3A_118 = tpu.memref_slice %arg10[%while3A_36, %dma_wait3A_117] : memref<3x128xi32, #tpu.memory_space<vmem>> -> memref<1x128xi32, #tpu.memory_space<vmem>>
      %dma_wait3A_119 = tpu.memref_squeeze %dma_wait3A_118 : memref<1x128xi32, #tpu.memory_space<vmem>> -> memref<128xi32, #tpu.memory_space<vmem>>
      %dma_wait3A_120 = arith.constant 0 : i32
      %dma_wait3A_121 = tpu.memref_slice %arg3[%dma_wait3A_110, %dma_wait3A_120] : memref<2592x128xi32, #tpu.memory_space<hbm>> -> memref<1x128xi32, #tpu.memory_space<hbm>>
      %dma_wait3A_122 = tpu.memref_squeeze %dma_wait3A_121 : memref<1x128xi32, #tpu.memory_space<hbm>> -> memref<128xi32, #tpu.memory_space<hbm>>
      tpu.wait_dma2 semaphore(%arg15 : memref<!tpu.dma_semaphore, #tpu.memory_space<semaphore_mem>>) src(%dma_wait3A_122 : memref<128xi32, #tpu.memory_space<hbm>>) dst(%dma_wait3A_119 : memref<128xi32, #tpu.memory_space<vmem>>)
      %dma_start3A_123 = arith.constant 1 : i32
      %dma_start3A_124 = arith.constant 0 : i32
      %dma_start3A_125 = arith.constant 0 : i32
      %dma_start3A_126 = tpu.memref_slice %arg7[%dma_start3A_124, %dma_start3A_125] : memref<128x128xf32, #tpu.memory_space<vmem>> -> memref<64x128xf32, #tpu.memory_space<vmem>>
      %dma_start3A_127 = arith.constant 0 : i32
      %dma_start3A_128 = tpu.memref_slice %arg9[%dma_start3A_123, %dma_start3A_127] : memref<3x128xi32, #tpu.memory_space<vmem>> -> memref<1x64xi32, #tpu.memory_space<vmem>>
      %dma_start3A_129 = tpu.memref_squeeze %dma_start3A_128 : memref<1x64xi32, #tpu.memory_space<vmem>> -> memref<64xi32, #tpu.memory_space<vmem>>
      %dma_start3A_130 = arith.constant 0 : i32
      %dma_start3A_131 = arith.constant 0 : i32
      %dma_start3A_132 = tpu.memref_slice %arg2[%dma_start3A_130, %dma_start3A_131] : memref<10000x128xf32, #tpu.memory_space<hbm>> -> memref<10000x128xf32, #tpu.memory_space<hbm>>
      tpu.enqueue_indirect_dma source(%dma_start3A_132 : memref<10000x128xf32, #tpu.memory_space<hbm>>) target(%dma_start3A_126 : memref<64x128xf32, #tpu.memory_space<vmem>>) offsets(%dma_start3A_129 : memref<64xi32, #tpu.memory_space<vmem>>) semaphore(%arg12 : memref<!tpu.dma_semaphore, #tpu.memory_space<semaphore_mem>>)
      %dma_start3A_133 = arith.constant 1 : i32
      %dma_start3A_134 = arith.constant 64 : i32
      %dma_start3A_135 = arith.constant 0 : i32
      %dma_start3A_136 = tpu.memref_slice %arg7[%dma_start3A_134, %dma_start3A_135] : memref<128x128xf32, #tpu.memory_space<vmem>> -> memref<64x128xf32, #tpu.memory_space<vmem>>
      %dma_start3A_137 = arith.constant 64 : i32
      %dma_start3A_138 = tpu.memref_slice %arg9[%dma_start3A_133, %dma_start3A_137] : memref<3x128xi32, #tpu.memory_space<vmem>> -> memref<1x64xi32, #tpu.memory_space<vmem>>
      %dma_start3A_139 = tpu.memref_squeeze %dma_start3A_138 : memref<1x64xi32, #tpu.memory_space<vmem>> -> memref<64xi32, #tpu.memory_space<vmem>>
      %dma_start3A_140 = arith.constant 0 : i32
      %dma_start3A_141 = arith.constant 0 : i32
      %dma_start3A_142 = tpu.memref_slice %arg2[%dma_start3A_140, %dma_start3A_141] : memref<10000x128xf32, #tpu.memory_space<hbm>> -> memref<10000x128xf32, #tpu.memory_space<hbm>>
      tpu.enqueue_indirect_dma source(%dma_start3A_142 : memref<10000x128xf32, #tpu.memory_space<hbm>>) target(%dma_start3A_136 : memref<64x128xf32, #tpu.memory_space<vmem>>) offsets(%dma_start3A_139 : memref<64xi32, #tpu.memory_space<vmem>>) semaphore(%arg15 : memref<!tpu.dma_semaphore, #tpu.memory_space<semaphore_mem>>)
      %dma_wait3A_143 = arith.constant 0 : i32
      %dma_wait3A_144 = arith.constant 2 : i32
      %dma_wait3A_145 = arith.constant 0 : i32
      %dma_wait3A_146 = tpu.memref_slice %arg9[%dma_wait3A_144, %dma_wait3A_145] : memref<3x128xi32, #tpu.memory_space<vmem>> -> memref<1x128xi32, #tpu.memory_space<vmem>>
      %dma_wait3A_147 = tpu.memref_squeeze %dma_wait3A_146 : memref<1x128xi32, #tpu.memory_space<vmem>> -> memref<128xi32, #tpu.memory_space<vmem>>
      %dma_wait3A_148 = arith.constant 0 : i32
      %dma_wait3A_149 = tpu.memref_slice %arg3[%dma_wait3A_143, %dma_wait3A_148] : memref<2592x128xi32, #tpu.memory_space<hbm>> -> memref<1x128xi32, #tpu.memory_space<hbm>>
      %dma_wait3A_150 = tpu.memref_squeeze %dma_wait3A_149 : memref<1x128xi32, #tpu.memory_space<hbm>> -> memref<128xi32, #tpu.memory_space<hbm>>
      %dma_wait3A_151 = arith.constant 0 : i32
      %dma_wait3A_152 = tpu.memref_slice %arg9[%dma_wait3A_144, %dma_wait3A_151] : memref<3x128xi32, #tpu.memory_space<vmem>> -> memref<1x128xi32, #tpu.memory_space<vmem>>
      %dma_wait3A_153 = tpu.memref_squeeze %dma_wait3A_152 : memref<1x128xi32, #tpu.memory_space<vmem>> -> memref<128xi32, #tpu.memory_space<vmem>>
      %dma_wait3A_154 = arith.constant 0 : i32
      %dma_wait3A_155 = tpu.memref_slice %arg3[%dma_wait3A_143, %dma_wait3A_154] : memref<2592x128xi32, #tpu.memory_space<hbm>> -> memref<1x128xi32, #tpu.memory_space<hbm>>
      %dma_wait3A_156 = tpu.memref_squeeze %dma_wait3A_155 : memref<1x128xi32, #tpu.memory_space<hbm>> -> memref<128xi32, #tpu.memory_space<hbm>>
      tpu.wait_dma2 semaphore(%arg16 : memref<!tpu.dma_semaphore, #tpu.memory_space<semaphore_mem>>) src(%dma_wait3A_156 : memref<128xi32, #tpu.memory_space<hbm>>) dst(%dma_wait3A_153 : memref<128xi32, #tpu.memory_space<vmem>>)
      %dma_wait3A_157 = arith.constant 0 : i32
      %dma_wait3A_158 = arith.constant 0 : i32
      %dma_wait3A_159 = tpu.memref_slice %arg10[%while3A_37, %dma_wait3A_158] : memref<3x128xi32, #tpu.memory_space<vmem>> -> memref<1x128xi32, #tpu.memory_space<vmem>>
      %dma_wait3A_160 = tpu.memref_squeeze %dma_wait3A_159 : memref<1x128xi32, #tpu.memory_space<vmem>> -> memref<128xi32, #tpu.memory_space<vmem>>
      %dma_wait3A_161 = arith.constant 0 : i32
      %dma_wait3A_162 = tpu.memref_slice %arg3[%dma_wait3A_157, %dma_wait3A_161] : memref<2592x128xi32, #tpu.memory_space<hbm>> -> memref<1x128xi32, #tpu.memory_space<hbm>>
      %dma_wait3A_163 = tpu.memref_squeeze %dma_wait3A_162 : memref<1x128xi32, #tpu.memory_space<hbm>> -> memref<128xi32, #tpu.memory_space<hbm>>
      %dma_wait3A_164 = arith.constant 0 : i32
      %dma_wait3A_165 = tpu.memref_slice %arg10[%while3A_37, %dma_wait3A_164] : memref<3x128xi32, #tpu.memory_space<vmem>> -> memref<1x128xi32, #tpu.memory_space<vmem>>
      %dma_wait3A_166 = tpu.memref_squeeze %dma_wait3A_165 : memref<1x128xi32, #tpu.memory_space<vmem>> -> memref<128xi32, #tpu.memory_space<vmem>>
      %dma_wait3A_167 = arith.constant 0 : i32
      %dma_wait3A_168 = tpu.memref_slice %arg3[%dma_wait3A_157, %dma_wait3A_167] : memref<2592x128xi32, #tpu.memory_space<hbm>> -> memref<1x128xi32, #tpu.memory_space<hbm>>
      %dma_wait3A_169 = tpu.memref_squeeze %dma_wait3A_168 : memref<1x128xi32, #tpu.memory_space<hbm>> -> memref<128xi32, #tpu.memory_space<hbm>>
      tpu.wait_dma2 semaphore(%arg16 : memref<!tpu.dma_semaphore, #tpu.memory_space<semaphore_mem>>) src(%dma_wait3A_169 : memref<128xi32, #tpu.memory_space<hbm>>) dst(%dma_wait3A_166 : memref<128xi32, #tpu.memory_space<vmem>>)
      %dma_start3A_170 = arith.constant 2 : i32
      %dma_start3A_171 = arith.constant 0 : i32
      %dma_start3A_172 = arith.constant 0 : i32
      %dma_start3A_173 = tpu.memref_slice %arg8[%dma_start3A_171, %dma_start3A_172] : memref<128x128xf32, #tpu.memory_space<vmem>> -> memref<64x128xf32, #tpu.memory_space<vmem>>
      %dma_start3A_174 = arith.constant 0 : i32
      %dma_start3A_175 = tpu.memref_slice %arg9[%dma_start3A_170, %dma_start3A_174] : memref<3x128xi32, #tpu.memory_space<vmem>> -> memref<1x64xi32, #tpu.memory_space<vmem>>
      %dma_start3A_176 = tpu.memref_squeeze %dma_start3A_175 : memref<1x64xi32, #tpu.memory_space<vmem>> -> memref<64xi32, #tpu.memory_space<vmem>>
      %dma_start3A_177 = arith.constant 0 : i32
      %dma_start3A_178 = arith.constant 0 : i32
      %dma_start3A_179 = tpu.memref_slice %arg2[%dma_start3A_177, %dma_start3A_178] : memref<10000x128xf32, #tpu.memory_space<hbm>> -> memref<10000x128xf32, #tpu.memory_space<hbm>>
      tpu.enqueue_indirect_dma source(%dma_start3A_179 : memref<10000x128xf32, #tpu.memory_space<hbm>>) target(%dma_start3A_173 : memref<64x128xf32, #tpu.memory_space<vmem>>) offsets(%dma_start3A_176 : memref<64xi32, #tpu.memory_space<vmem>>) semaphore(%arg13 : memref<!tpu.dma_semaphore, #tpu.memory_space<semaphore_mem>>)
      %dma_start3A_180 = arith.constant 2 : i32
      %dma_start3A_181 = arith.constant 64 : i32
      %dma_start3A_182 = arith.constant 0 : i32
      %dma_start3A_183 = tpu.memref_slice %arg8[%dma_start3A_181, %dma_start3A_182] : memref<128x128xf32, #tpu.memory_space<vmem>> -> memref<64x128xf32, #tpu.memory_space<vmem>>
      %dma_start3A_184 = arith.constant 64 : i32
      %dma_start3A_185 = tpu.memref_slice %arg9[%dma_start3A_180, %dma_start3A_184] : memref<3x128xi32, #tpu.memory_space<vmem>> -> memref<1x64xi32, #tpu.memory_space<vmem>>
      %dma_start3A_186 = tpu.memref_squeeze %dma_start3A_185 : memref<1x64xi32, #tpu.memory_space<vmem>> -> memref<64xi32, #tpu.memory_space<vmem>>
      %dma_start3A_187 = arith.constant 0 : i32
      %dma_start3A_188 = arith.constant 0 : i32
      %dma_start3A_189 = tpu.memref_slice %arg2[%dma_start3A_187, %dma_start3A_188] : memref<10000x128xf32, #tpu.memory_space<hbm>> -> memref<10000x128xf32, #tpu.memory_space<hbm>>
      tpu.enqueue_indirect_dma source(%dma_start3A_189 : memref<10000x128xf32, #tpu.memory_space<hbm>>) target(%dma_start3A_183 : memref<64x128xf32, #tpu.memory_space<vmem>>) offsets(%dma_start3A_186 : memref<64xi32, #tpu.memory_space<vmem>>) semaphore(%arg16 : memref<!tpu.dma_semaphore, #tpu.memory_space<semaphore_mem>>)
      %dma_wait3A_190 = arith.constant 0 : i32
      %dma_wait3A_191 = arith.constant 0 : i32
      %dma_wait3A_192 = arith.constant 0 : i32
      %dma_wait3A_193 = tpu.memref_slice %arg6[%dma_wait3A_191, %dma_wait3A_192] : memref<128x128xf32, #tpu.memory_space<vmem>> -> memref<64x128xf32, #tpu.memory_space<vmem>>
      %dma_wait3A_194 = arith.constant 0 : i32
      %dma_wait3A_195 = tpu.memref_slice %arg9[%dma_wait3A_190, %dma_wait3A_194] : memref<3x128xi32, #tpu.memory_space<vmem>> -> memref<1x64xi32, #tpu.memory_space<vmem>>
      %dma_wait3A_196 = tpu.memref_squeeze %dma_wait3A_195 : memref<1x64xi32, #tpu.memory_space<vmem>> -> memref<64xi32, #tpu.memory_space<vmem>>
      %dma_wait3A_197 = arith.constant 0 : i32
      %dma_wait3A_198 = arith.constant 0 : i32
      %dma_wait3A_199 = tpu.memref_slice %arg2[%dma_wait3A_197, %dma_wait3A_198] : memref<10000x128xf32, #tpu.memory_space<hbm>> -> memref<10000x128xf32, #tpu.memory_space<hbm>>
      tpu.wait_indirect_dma semaphore(%arg11 : memref<!tpu.dma_semaphore, #tpu.memory_space<semaphore_mem>>) src(%dma_wait3A_199 : memref<10000x128xf32, #tpu.memory_space<hbm>>) dst(%dma_wait3A_193 : memref<64x128xf32, #tpu.memory_space<vmem>>)
      %dma_wait3A_200 = arith.constant 0 : i32
      %dma_wait3A_201 = arith.constant 64 : i32
      %dma_wait3A_202 = arith.constant 0 : i32
      %dma_wait3A_203 = tpu.memref_slice %arg6[%dma_wait3A_201, %dma_wait3A_202] : memref<128x128xf32, #tpu.memory_space<vmem>> -> memref<64x128xf32, #tpu.memory_space<vmem>>
      %dma_wait3A_204 = arith.constant 0 : i32
      %dma_wait3A_205 = tpu.memref_slice %arg9[%dma_wait3A_200, %dma_wait3A_204] : memref<3x128xi32, #tpu.memory_space<vmem>> -> memref<1x64xi32, #tpu.memory_space<vmem>>
      %dma_wait3A_206 = tpu.memref_squeeze %dma_wait3A_205 : memref<1x64xi32, #tpu.memory_space<vmem>> -> memref<64xi32, #tpu.memory_space<vmem>>
      %dma_wait3A_207 = arith.constant 0 : i32
      %dma_wait3A_208 = arith.constant 0 : i32
      %dma_wait3A_209 = tpu.memref_slice %arg2[%dma_wait3A_207, %dma_wait3A_208] : memref<10000x128xf32, #tpu.memory_space<hbm>> -> memref<10000x128xf32, #tpu.memory_space<hbm>>
      tpu.wait_indirect_dma semaphore(%arg14 : memref<!tpu.dma_semaphore, #tpu.memory_space<semaphore_mem>>) src(%dma_wait3A_209 : memref<10000x128xf32, #tpu.memory_space<hbm>>) dst(%dma_wait3A_203 : memref<64x128xf32, #tpu.memory_space<vmem>>)
      %dma_start3A_210 = arith.constant 0 : i32
      %dma_start3A_211 = tpu.memref_slice %arg10[%while3A_35, %dma_start3A_210] : memref<3x128xi32, #tpu.memory_space<vmem>> -> memref<1x128xi32, #tpu.memory_space<vmem>>
      %dma_start3A_212 = tpu.memref_squeeze %dma_start3A_211 : memref<1x128xi32, #tpu.memory_space<vmem>> -> memref<128xi32, #tpu.memory_space<vmem>>
      %dma_start3A_213 = arith.constant 0 : i32
      %dma_start3A_214 = arith.constant 0 : i32
      %dma_start3A_215 = tpu.memref_slice %arg17[%dma_start3A_213, %dma_start3A_214] : memref<10112x128xf32, #tpu.memory_space<vmem_shared>> -> memref<10112x128xf32, #tpu.memory_space<vmem_shared>>
      tpu.enqueue_indirect_dma source(%arg6 : memref<128x128xf32, #tpu.memory_space<vmem>>) target(%dma_start3A_215 : memref<10112x128xf32, #tpu.memory_space<vmem_shared>>) offsets(%dma_start3A_212 : memref<128xi32, #tpu.memory_space<vmem>>) semaphore(%arg11 : memref<!tpu.dma_semaphore, #tpu.memory_space<semaphore_mem>>) {add = true}
      %dma_wait3A_216 = arith.constant 1 : i32
      %dma_wait3A_217 = arith.constant 0 : i32
      %dma_wait3A_218 = arith.constant 0 : i32
      %dma_wait3A_219 = tpu.memref_slice %arg7[%dma_wait3A_217, %dma_wait3A_218] : memref<128x128xf32, #tpu.memory_space<vmem>> -> memref<64x128xf32, #tpu.memory_space<vmem>>
      %dma_wait3A_220 = arith.constant 0 : i32
      %dma_wait3A_221 = tpu.memref_slice %arg9[%dma_wait3A_216, %dma_wait3A_220] : memref<3x128xi32, #tpu.memory_space<vmem>> -> memref<1x64xi32, #tpu.memory_space<vmem>>
      %dma_wait3A_222 = tpu.memref_squeeze %dma_wait3A_221 : memref<1x64xi32, #tpu.memory_space<vmem>> -> memref<64xi32, #tpu.memory_space<vmem>>
      %dma_wait3A_223 = arith.constant 0 : i32
      %dma_wait3A_224 = arith.constant 0 : i32
      %dma_wait3A_225 = tpu.memref_slice %arg2[%dma_wait3A_223, %dma_wait3A_224] : memref<10000x128xf32, #tpu.memory_space<hbm>> -> memref<10000x128xf32, #tpu.memory_space<hbm>>
      tpu.wait_indirect_dma semaphore(%arg12 : memref<!tpu.dma_semaphore, #tpu.memory_space<semaphore_mem>>) src(%dma_wait3A_225 : memref<10000x128xf32, #tpu.memory_space<hbm>>) dst(%dma_wait3A_219 : memref<64x128xf32, #tpu.memory_space<vmem>>)
      %dma_wait3A_226 = arith.constant 1 : i32
      %dma_wait3A_227 = arith.constant 64 : i32
      %dma_wait3A_228 = arith.constant 0 : i32
      %dma_wait3A_229 = tpu.memref_slice %arg7[%dma_wait3A_227, %dma_wait3A_228] : memref<128x128xf32, #tpu.memory_space<vmem>> -> memref<64x128xf32, #tpu.memory_space<vmem>>
      %dma_wait3A_230 = arith.constant 0 : i32
      %dma_wait3A_231 = tpu.memref_slice %arg9[%dma_wait3A_226, %dma_wait3A_230] : memref<3x128xi32, #tpu.memory_space<vmem>> -> memref<1x64xi32, #tpu.memory_space<vmem>>
      %dma_wait3A_232 = tpu.memref_squeeze %dma_wait3A_231 : memref<1x64xi32, #tpu.memory_space<vmem>> -> memref<64xi32, #tpu.memory_space<vmem>>
      %dma_wait3A_233 = arith.constant 0 : i32
      %dma_wait3A_234 = arith.constant 0 : i32
      %dma_wait3A_235 = tpu.memref_slice %arg2[%dma_wait3A_233, %dma_wait3A_234] : memref<10000x128xf32, #tpu.memory_space<hbm>> -> memref<10000x128xf32, #tpu.memory_space<hbm>>
      tpu.wait_indirect_dma semaphore(%arg15 : memref<!tpu.dma_semaphore, #tpu.memory_space<semaphore_mem>>) src(%dma_wait3A_235 : memref<10000x128xf32, #tpu.memory_space<hbm>>) dst(%dma_wait3A_229 : memref<64x128xf32, #tpu.memory_space<vmem>>)
      %dma_start3A_236 = arith.constant 0 : i32
      %dma_start3A_237 = tpu.memref_slice %arg10[%while3A_36, %dma_start3A_236] : memref<3x128xi32, #tpu.memory_space<vmem>> -> memref<1x128xi32, #tpu.memory_space<vmem>>
      %dma_start3A_238 = tpu.memref_squeeze %dma_start3A_237 : memref<1x128xi32, #tpu.memory_space<vmem>> -> memref<128xi32, #tpu.memory_space<vmem>>
      %dma_start3A_239 = arith.constant 0 : i32
      %dma_start3A_240 = arith.constant 0 : i32
      %dma_start3A_241 = tpu.memref_slice %arg17[%dma_start3A_239, %dma_start3A_240] : memref<10112x128xf32, #tpu.memory_space<vmem_shared>> -> memref<10112x128xf32, #tpu.memory_space<vmem_shared>>
      tpu.enqueue_indirect_dma source(%arg7 : memref<128x128xf32, #tpu.memory_space<vmem>>) target(%dma_start3A_241 : memref<10112x128xf32, #tpu.memory_space<vmem_shared>>) offsets(%dma_start3A_238 : memref<128xi32, #tpu.memory_space<vmem>>) semaphore(%arg12 : memref<!tpu.dma_semaphore, #tpu.memory_space<semaphore_mem>>) {add = true}
      %dma_wait3A_242 = arith.constant 2 : i32
      %dma_wait3A_243 = arith.constant 0 : i32
      %dma_wait3A_244 = arith.constant 0 : i32
      %dma_wait3A_245 = tpu.memref_slice %arg8[%dma_wait3A_243, %dma_wait3A_244] : memref<128x128xf32, #tpu.memory_space<vmem>> -> memref<64x128xf32, #tpu.memory_space<vmem>>
      %dma_wait3A_246 = arith.constant 0 : i32
      %dma_wait3A_247 = tpu.memref_slice %arg9[%dma_wait3A_242, %dma_wait3A_246] : memref<3x128xi32, #tpu.memory_space<vmem>> -> memref<1x64xi32, #tpu.memory_space<vmem>>
      %dma_wait3A_248 = tpu.memref_squeeze %dma_wait3A_247 : memref<1x64xi32, #tpu.memory_space<vmem>> -> memref<64xi32, #tpu.memory_space<vmem>>
      %dma_wait3A_249 = arith.constant 0 : i32
      %dma_wait3A_250 = arith.constant 0 : i32
      %dma_wait3A_251 = tpu.memref_slice %arg2[%dma_wait3A_249, %dma_wait3A_250] : memref<10000x128xf32, #tpu.memory_space<hbm>> -> memref<10000x128xf32, #tpu.memory_space<hbm>>
      tpu.wait_indirect_dma semaphore(%arg13 : memref<!tpu.dma_semaphore, #tpu.memory_space<semaphore_mem>>) src(%dma_wait3A_251 : memref<10000x128xf32, #tpu.memory_space<hbm>>) dst(%dma_wait3A_245 : memref<64x128xf32, #tpu.memory_space<vmem>>)
      %dma_wait3A_252 = arith.constant 2 : i32
      %dma_wait3A_253 = arith.constant 64 : i32
      %dma_wait3A_254 = arith.constant 0 : i32
      %dma_wait3A_255 = tpu.memref_slice %arg8[%dma_wait3A_253, %dma_wait3A_254] : memref<128x128xf32, #tpu.memory_space<vmem>> -> memref<64x128xf32, #tpu.memory_space<vmem>>
      %dma_wait3A_256 = arith.constant 0 : i32
      %dma_wait3A_257 = tpu.memref_slice %arg9[%dma_wait3A_252, %dma_wait3A_256] : memref<3x128xi32, #tpu.memory_space<vmem>> -> memref<1x64xi32, #tpu.memory_space<vmem>>
      %dma_wait3A_258 = tpu.memref_squeeze %dma_wait3A_257 : memref<1x64xi32, #tpu.memory_space<vmem>> -> memref<64xi32, #tpu.memory_space<vmem>>
      %dma_wait3A_259 = arith.constant 0 : i32
      %dma_wait3A_260 = arith.constant 0 : i32
      %dma_wait3A_261 = tpu.memref_slice %arg2[%dma_wait3A_259, %dma_wait3A_260] : memref<10000x128xf32, #tpu.memory_space<hbm>> -> memref<10000x128xf32, #tpu.memory_space<hbm>>
      tpu.wait_indirect_dma semaphore(%arg16 : memref<!tpu.dma_semaphore, #tpu.memory_space<semaphore_mem>>) src(%dma_wait3A_261 : memref<10000x128xf32, #tpu.memory_space<hbm>>) dst(%dma_wait3A_255 : memref<64x128xf32, #tpu.memory_space<vmem>>)
      %dma_start3A_262 = arith.constant 0 : i32
      %dma_start3A_263 = tpu.memref_slice %arg10[%while3A_37, %dma_start3A_262] : memref<3x128xi32, #tpu.memory_space<vmem>> -> memref<1x128xi32, #tpu.memory_space<vmem>>
      %dma_start3A_264 = tpu.memref_squeeze %dma_start3A_263 : memref<1x128xi32, #tpu.memory_space<vmem>> -> memref<128xi32, #tpu.memory_space<vmem>>
      %dma_start3A_265 = arith.constant 0 : i32
      %dma_start3A_266 = arith.constant 0 : i32
      %dma_start3A_267 = tpu.memref_slice %arg17[%dma_start3A_265, %dma_start3A_266] : memref<10112x128xf32, #tpu.memory_space<vmem_shared>> -> memref<10112x128xf32, #tpu.memory_space<vmem_shared>>
      tpu.enqueue_indirect_dma source(%arg8 : memref<128x128xf32, #tpu.memory_space<vmem>>) target(%dma_start3A_267 : memref<10112x128xf32, #tpu.memory_space<vmem_shared>>) offsets(%dma_start3A_264 : memref<128xi32, #tpu.memory_space<vmem>>) semaphore(%arg13 : memref<!tpu.dma_semaphore, #tpu.memory_space<semaphore_mem>>) {add = true}
      %dma_wait3A_268 = arith.constant 0 : i32
      %dma_wait3A_269 = tpu.memref_slice %arg10[%while3A_35, %dma_wait3A_268] : memref<3x128xi32, #tpu.memory_space<vmem>> -> memref<1x128xi32, #tpu.memory_space<vmem>>
      %dma_wait3A_270 = tpu.memref_squeeze %dma_wait3A_269 : memref<1x128xi32, #tpu.memory_space<vmem>> -> memref<128xi32, #tpu.memory_space<vmem>>
      %dma_wait3A_271 = arith.constant 0 : i32
      %dma_wait3A_272 = arith.constant 0 : i32
      %dma_wait3A_273 = tpu.memref_slice %arg17[%dma_wait3A_271, %dma_wait3A_272] : memref<10112x128xf32, #tpu.memory_space<vmem_shared>> -> memref<10112x128xf32, #tpu.memory_space<vmem_shared>>
      tpu.wait_indirect_dma semaphore(%arg11 : memref<!tpu.dma_semaphore, #tpu.memory_space<semaphore_mem>>) src(%arg6 : memref<128x128xf32, #tpu.memory_space<vmem>>) dst(%dma_wait3A_273 : memref<10112x128xf32, #tpu.memory_space<vmem_shared>>)
      %sub3A_274 = arith.constant 1 : i32
      %sub3A_275 = arith.subi %select_n3A_22, %sub3A_274 : i32
      %lt3A = arith.cmpi slt, %add3A_50, %sub3A_275 : i32
      %convert_element_type3A_276 = arith.extui %lt3A : i1 to i32
      %cond3A_277 = arith.constant 0 : i32
      %cond3A_278 = arith.cmpi ne, %convert_element_type3A_276, %cond3A_277 : i32
      scf.if %cond3A_278 {
        %add3A_303 = arith.constant 1 : i32
        %add3A_304 = arith.addi %add3A_50, %add3A_303 : i32
        %mul3A_305 = arith.constant 3 : i32
        %mul3A_306 = arith.muli %add3A_304, %mul3A_305 : i32
        %add3A_307 = arith.constant 0 : i32
        %add3A_308 = arith.addi %mul3A_306, %add3A_307 : i32
        %add3A_309 = arith.addi %select_n3A, %add3A_308 : i32
        %dma_start3A_310 = arith.constant 0 : i32
        %dma_start3A_311 = arith.constant 0 : i32
        %dma_start3A_312 = tpu.memref_slice %arg9[%dma_start3A_310, %dma_start3A_311] : memref<3x128xi32, #tpu.memory_space<vmem>> -> memref<1x128xi32, #tpu.memory_space<vmem>>
        %dma_start3A_313 = tpu.memref_squeeze %dma_start3A_312 : memref<1x128xi32, #tpu.memory_space<vmem>> -> memref<128xi32, #tpu.memory_space<vmem>>
        %dma_start3A_314 = arith.constant 0 : i32
        %dma_start3A_315 = tpu.memref_slice %arg3[%add3A_309, %dma_start3A_314] : memref<2592x128xi32, #tpu.memory_space<hbm>> -> memref<1x128xi32, #tpu.memory_space<hbm>>
        %dma_start3A_316 = tpu.memref_squeeze %dma_start3A_315 : memref<1x128xi32, #tpu.memory_space<hbm>> -> memref<128xi32, #tpu.memory_space<hbm>>
        %dma_start3A_317 = arith.constant 0 : i32
        %dma_start3A_318 = tpu.memref_slice %arg9[%dma_start3A_310, %dma_start3A_317] : memref<3x128xi32, #tpu.memory_space<vmem>> -> memref<1x128xi32, #tpu.memory_space<vmem>>
        %dma_start3A_319 = tpu.memref_squeeze %dma_start3A_318 : memref<1x128xi32, #tpu.memory_space<vmem>> -> memref<128xi32, #tpu.memory_space<vmem>>
        %dma_start3A_320 = arith.constant 0 : i32
        %dma_start3A_321 = tpu.memref_slice %arg3[%add3A_309, %dma_start3A_320] : memref<2592x128xi32, #tpu.memory_space<hbm>> -> memref<1x128xi32, #tpu.memory_space<hbm>>
        %dma_start3A_322 = tpu.memref_squeeze %dma_start3A_321 : memref<1x128xi32, #tpu.memory_space<hbm>> -> memref<128xi32, #tpu.memory_space<hbm>>
        tpu.enqueue_dma source(%dma_start3A_322 : memref<128xi32, #tpu.memory_space<hbm>>) target(%dma_start3A_319 : memref<128xi32, #tpu.memory_space<vmem>>) target_semaphore(%arg14 : memref<!tpu.dma_semaphore, #tpu.memory_space<semaphore_mem>>)
        %add3A_323 = arith.addi %select_n3A, %add3A_308 : i32
        %dma_start3A_324 = arith.constant 0 : i32
        %dma_start3A_325 = tpu.memref_slice %arg10[%while3A_35, %dma_start3A_324] : memref<3x128xi32, #tpu.memory_space<vmem>> -> memref<1x128xi32, #tpu.memory_space<vmem>>
        %dma_start3A_326 = tpu.memref_squeeze %dma_start3A_325 : memref<1x128xi32, #tpu.memory_space<vmem>> -> memref<128xi32, #tpu.memory_space<vmem>>
        %dma_start3A_327 = arith.constant 0 : i32
        %dma_start3A_328 = tpu.memref_slice %arg4[%add3A_323, %dma_start3A_327] : memref<2592x128xi32, #tpu.memory_space<hbm>> -> memref<1x128xi32, #tpu.memory_space<hbm>>
        %dma_start3A_329 = tpu.memref_squeeze %dma_start3A_328 : memref<1x128xi32, #tpu.memory_space<hbm>> -> memref<128xi32, #tpu.memory_space<hbm>>
        %dma_start3A_330 = arith.constant 0 : i32
        %dma_start3A_331 = tpu.memref_slice %arg10[%while3A_35, %dma_start3A_330] : memref<3x128xi32, #tpu.memory_space<vmem>> -> memref<1x128xi32, #tpu.memory_space<vmem>>
        %dma_start3A_332 = tpu.memref_squeeze %dma_start3A_331 : memref<1x128xi32, #tpu.memory_space<vmem>> -> memref<128xi32, #tpu.memory_space<vmem>>
        %dma_start3A_333 = arith.constant 0 : i32
        %dma_start3A_334 = tpu.memref_slice %arg4[%add3A_323, %dma_start3A_333] : memref<2592x128xi32, #tpu.memory_space<hbm>> -> memref<1x128xi32, #tpu.memory_space<hbm>>
        %dma_start3A_335 = tpu.memref_squeeze %dma_start3A_334 : memref<1x128xi32, #tpu.memory_space<hbm>> -> memref<128xi32, #tpu.memory_space<hbm>>
        tpu.enqueue_dma source(%dma_start3A_335 : memref<128xi32, #tpu.memory_space<hbm>>) target(%dma_start3A_332 : memref<128xi32, #tpu.memory_space<vmem>>) target_semaphore(%arg14 : memref<!tpu.dma_semaphore, #tpu.memory_space<semaphore_mem>>)
      } else {
      }
      %dma_wait3A_279 = arith.constant 0 : i32
      %dma_wait3A_280 = tpu.memref_slice %arg10[%while3A_36, %dma_wait3A_279] : memref<3x128xi32, #tpu.memory_space<vmem>> -> memref<1x128xi32, #tpu.memory_space<vmem>>
      %dma_wait3A_281 = tpu.memref_squeeze %dma_wait3A_280 : memref<1x128xi32, #tpu.memory_space<vmem>> -> memref<128xi32, #tpu.memory_space<vmem>>
      %dma_wait3A_282 = arith.constant 0 : i32
      %dma_wait3A_283 = arith.constant 0 : i32
      %dma_wait3A_284 = tpu.memref_slice %arg17[%dma_wait3A_282, %dma_wait3A_283] : memref<10112x128xf32, #tpu.memory_space<vmem_shared>> -> memref<10112x128xf32, #tpu.memory_space<vmem_shared>>
      tpu.wait_indirect_dma semaphore(%arg12 : memref<!tpu.dma_semaphore, #tpu.memory_space<semaphore_mem>>) src(%arg7 : memref<128x128xf32, #tpu.memory_space<vmem>>) dst(%dma_wait3A_284 : memref<10112x128xf32, #tpu.memory_space<vmem_shared>>)
      %sub3A_285 = arith.constant 1 : i32
      %sub3A_286 = arith.subi %select_n3A_22, %sub3A_285 : i32
      %lt3A_287 = arith.cmpi slt, %add3A_50, %sub3A_286 : i32
      %convert_element_type3A_288 = arith.extui %lt3A_287 : i1 to i32
      %cond3A_289 = arith.constant 0 : i32
      %cond3A_290 = arith.cmpi ne, %convert_element_type3A_288, %cond3A_289 : i32
      scf.if %cond3A_290 {
        %add3A_303 = arith.constant 1 : i32
        %add3A_304 = arith.addi %add3A_50, %add3A_303 : i32
        %mul3A_305 = arith.constant 3 : i32
        %mul3A_306 = arith.muli %add3A_304, %mul3A_305 : i32
        %add3A_307 = arith.constant 1 : i32
        %add3A_308 = arith.addi %mul3A_306, %add3A_307 : i32
        %add3A_309 = arith.addi %select_n3A, %add3A_308 : i32
        %dma_start3A_310 = arith.constant 1 : i32
        %dma_start3A_311 = arith.constant 0 : i32
        %dma_start3A_312 = tpu.memref_slice %arg9[%dma_start3A_310, %dma_start3A_311] : memref<3x128xi32, #tpu.memory_space<vmem>> -> memref<1x128xi32, #tpu.memory_space<vmem>>
        %dma_start3A_313 = tpu.memref_squeeze %dma_start3A_312 : memref<1x128xi32, #tpu.memory_space<vmem>> -> memref<128xi32, #tpu.memory_space<vmem>>
        %dma_start3A_314 = arith.constant 0 : i32
        %dma_start3A_315 = tpu.memref_slice %arg3[%add3A_309, %dma_start3A_314] : memref<2592x128xi32, #tpu.memory_space<hbm>> -> memref<1x128xi32, #tpu.memory_space<hbm>>
        %dma_start3A_316 = tpu.memref_squeeze %dma_start3A_315 : memref<1x128xi32, #tpu.memory_space<hbm>> -> memref<128xi32, #tpu.memory_space<hbm>>
        %dma_start3A_317 = arith.constant 0 : i32
        %dma_start3A_318 = tpu.memref_slice %arg9[%dma_start3A_310, %dma_start3A_317] : memref<3x128xi32, #tpu.memory_space<vmem>> -> memref<1x128xi32, #tpu.memory_space<vmem>>
        %dma_start3A_319 = tpu.memref_squeeze %dma_start3A_318 : memref<1x128xi32, #tpu.memory_space<vmem>> -> memref<128xi32, #tpu.memory_space<vmem>>
        %dma_start3A_320 = arith.constant 0 : i32
        %dma_start3A_321 = tpu.memref_slice %arg3[%add3A_309, %dma_start3A_320] : memref<2592x128xi32, #tpu.memory_space<hbm>> -> memref<1x128xi32, #tpu.memory_space<hbm>>
        %dma_start3A_322 = tpu.memref_squeeze %dma_start3A_321 : memref<1x128xi32, #tpu.memory_space<hbm>> -> memref<128xi32, #tpu.memory_space<hbm>>
        tpu.enqueue_dma source(%dma_start3A_322 : memref<128xi32, #tpu.memory_space<hbm>>) target(%dma_start3A_319 : memref<128xi32, #tpu.memory_space<vmem>>) target_semaphore(%arg15 : memref<!tpu.dma_semaphore, #tpu.memory_space<semaphore_mem>>)
        %add3A_323 = arith.addi %select_n3A, %add3A_308 : i32
        %dma_start3A_324 = arith.constant 0 : i32
        %dma_start3A_325 = tpu.memref_slice %arg10[%while3A_36, %dma_start3A_324] : memref<3x128xi32, #tpu.memory_space<vmem>> -> memref<1x128xi32, #tpu.memory_space<vmem>>
        %dma_start3A_326 = tpu.memref_squeeze %dma_start3A_325 : memref<1x128xi32, #tpu.memory_space<vmem>> -> memref<128xi32, #tpu.memory_space<vmem>>
        %dma_start3A_327 = arith.constant 0 : i32
        %dma_start3A_328 = tpu.memref_slice %arg4[%add3A_323, %dma_start3A_327] : memref<2592x128xi32, #tpu.memory_space<hbm>> -> memref<1x128xi32, #tpu.memory_space<hbm>>
        %dma_start3A_329 = tpu.memref_squeeze %dma_start3A_328 : memref<1x128xi32, #tpu.memory_space<hbm>> -> memref<128xi32, #tpu.memory_space<hbm>>
        %dma_start3A_330 = arith.constant 0 : i32
        %dma_start3A_331 = tpu.memref_slice %arg10[%while3A_36, %dma_start3A_330] : memref<3x128xi32, #tpu.memory_space<vmem>> -> memref<1x128xi32, #tpu.memory_space<vmem>>
        %dma_start3A_332 = tpu.memref_squeeze %dma_start3A_331 : memref<1x128xi32, #tpu.memory_space<vmem>> -> memref<128xi32, #tpu.memory_space<vmem>>
        %dma_start3A_333 = arith.constant 0 : i32
        %dma_start3A_334 = tpu.memref_slice %arg4[%add3A_323, %dma_start3A_333] : memref<2592x128xi32, #tpu.memory_space<hbm>> -> memref<1x128xi32, #tpu.memory_space<hbm>>
        %dma_start3A_335 = tpu.memref_squeeze %dma_start3A_334 : memref<1x128xi32, #tpu.memory_space<hbm>> -> memref<128xi32, #tpu.memory_space<hbm>>
        tpu.enqueue_dma source(%dma_start3A_335 : memref<128xi32, #tpu.memory_space<hbm>>) target(%dma_start3A_332 : memref<128xi32, #tpu.memory_space<vmem>>) target_semaphore(%arg15 : memref<!tpu.dma_semaphore, #tpu.memory_space<semaphore_mem>>)
      } else {
      }
      %dma_wait3A_291 = arith.constant 0 : i32
      %dma_wait3A_292 = tpu.memref_slice %arg10[%while3A_37, %dma_wait3A_291] : memref<3x128xi32, #tpu.memory_space<vmem>> -> memref<1x128xi32, #tpu.memory_space<vmem>>
      %dma_wait3A_293 = tpu.memref_squeeze %dma_wait3A_292 : memref<1x128xi32, #tpu.memory_space<vmem>> -> memref<128xi32, #tpu.memory_space<vmem>>
      %dma_wait3A_294 = arith.constant 0 : i32
      %dma_wait3A_295 = arith.constant 0 : i32
      %dma_wait3A_296 = tpu.memref_slice %arg17[%dma_wait3A_294, %dma_wait3A_295] : memref<10112x128xf32, #tpu.memory_space<vmem_shared>> -> memref<10112x128xf32, #tpu.memory_space<vmem_shared>>
      tpu.wait_indirect_dma semaphore(%arg13 : memref<!tpu.dma_semaphore, #tpu.memory_space<semaphore_mem>>) src(%arg8 : memref<128x128xf32, #tpu.memory_space<vmem>>) dst(%dma_wait3A_296 : memref<10112x128xf32, #tpu.memory_space<vmem_shared>>)
      %sub3A_297 = arith.constant 1 : i32
      %sub3A_298 = arith.subi %select_n3A_22, %sub3A_297 : i32
      %lt3A_299 = arith.cmpi slt, %add3A_50, %sub3A_298 : i32
      %convert_element_type3A_300 = arith.extui %lt3A_299 : i1 to i32
      %cond3A_301 = arith.constant 0 : i32
      %cond3A_302 = arith.cmpi ne, %convert_element_type3A_300, %cond3A_301 : i32
      scf.if %cond3A_302 {
        %add3A_303 = arith.constant 1 : i32
        %add3A_304 = arith.addi %add3A_50, %add3A_303 : i32
        %mul3A_305 = arith.constant 3 : i32
        %mul3A_306 = arith.muli %add3A_304, %mul3A_305 : i32
        %add3A_307 = arith.constant 2 : i32
        %add3A_308 = arith.addi %mul3A_306, %add3A_307 : i32
        %add3A_309 = arith.addi %select_n3A, %add3A_308 : i32
        %dma_start3A_310 = arith.constant 2 : i32
        %dma_start3A_311 = arith.constant 0 : i32
        %dma_start3A_312 = tpu.memref_slice %arg9[%dma_start3A_310, %dma_start3A_311] : memref<3x128xi32, #tpu.memory_space<vmem>> -> memref<1x128xi32, #tpu.memory_space<vmem>>
        %dma_start3A_313 = tpu.memref_squeeze %dma_start3A_312 : memref<1x128xi32, #tpu.memory_space<vmem>> -> memref<128xi32, #tpu.memory_space<vmem>>
        %dma_start3A_314 = arith.constant 0 : i32
        %dma_start3A_315 = tpu.memref_slice %arg3[%add3A_309, %dma_start3A_314] : memref<2592x128xi32, #tpu.memory_space<hbm>> -> memref<1x128xi32, #tpu.memory_space<hbm>>
        %dma_start3A_316 = tpu.memref_squeeze %dma_start3A_315 : memref<1x128xi32, #tpu.memory_space<hbm>> -> memref<128xi32, #tpu.memory_space<hbm>>
        %dma_start3A_317 = arith.constant 0 : i32
        %dma_start3A_318 = tpu.memref_slice %arg9[%dma_start3A_310, %dma_start3A_317] : memref<3x128xi32, #tpu.memory_space<vmem>> -> memref<1x128xi32, #tpu.memory_space<vmem>>
        %dma_start3A_319 = tpu.memref_squeeze %dma_start3A_318 : memref<1x128xi32, #tpu.memory_space<vmem>> -> memref<128xi32, #tpu.memory_space<vmem>>
        %dma_start3A_320 = arith.constant 0 : i32
        %dma_start3A_321 = tpu.memref_slice %arg3[%add3A_309, %dma_start3A_320] : memref<2592x128xi32, #tpu.memory_space<hbm>> -> memref<1x128xi32, #tpu.memory_space<hbm>>
        %dma_start3A_322 = tpu.memref_squeeze %dma_start3A_321 : memref<1x128xi32, #tpu.memory_space<hbm>> -> memref<128xi32, #tpu.memory_space<hbm>>
        tpu.enqueue_dma source(%dma_start3A_322 : memref<128xi32, #tpu.memory_space<hbm>>) target(%dma_start3A_319 : memref<128xi32, #tpu.memory_space<vmem>>) target_semaphore(%arg16 : memref<!tpu.dma_semaphore, #tpu.memory_space<semaphore_mem>>)
        %add3A_323 = arith.addi %select_n3A, %add3A_308 : i32
        %dma_start3A_324 = arith.constant 0 : i32
        %dma_start3A_325 = tpu.memref_slice %arg10[%while3A_37, %dma_start3A_324] : memref<3x128xi32, #tpu.memory_space<vmem>> -> memref<1x128xi32, #tpu.memory_space<vmem>>
        %dma_start3A_326 = tpu.memref_squeeze %dma_start3A_325 : memref<1x128xi32, #tpu.memory_space<vmem>> -> memref<128xi32, #tpu.memory_space<vmem>>
        %dma_start3A_327 = arith.constant 0 : i32
        %dma_start3A_328 = tpu.memref_slice %arg4[%add3A_323, %dma_start3A_327] : memref<2592x128xi32, #tpu.memory_space<hbm>> -> memref<1x128xi32, #tpu.memory_space<hbm>>
        %dma_start3A_329 = tpu.memref_squeeze %dma_start3A_328 : memref<1x128xi32, #tpu.memory_space<hbm>> -> memref<128xi32, #tpu.memory_space<hbm>>
        %dma_start3A_330 = arith.constant 0 : i32
        %dma_start3A_331 = tpu.memref_slice %arg10[%while3A_37, %dma_start3A_330] : memref<3x128xi32, #tpu.memory_space<vmem>> -> memref<1x128xi32, #tpu.memory_space<vmem>>
        %dma_start3A_332 = tpu.memref_squeeze %dma_start3A_331 : memref<1x128xi32, #tpu.memory_space<vmem>> -> memref<128xi32, #tpu.memory_space<vmem>>
        %dma_start3A_333 = arith.constant 0 : i32
        %dma_start3A_334 = tpu.memref_slice %arg4[%add3A_323, %dma_start3A_333] : memref<2592x128xi32, #tpu.memory_space<hbm>> -> memref<1x128xi32, #tpu.memory_space<hbm>>
        %dma_start3A_335 = tpu.memref_squeeze %dma_start3A_334 : memref<1x128xi32, #tpu.memory_space<hbm>> -> memref<128xi32, #tpu.memory_space<hbm>>
        tpu.enqueue_dma source(%dma_start3A_335 : memref<128xi32, #tpu.memory_space<hbm>>) target(%dma_start3A_332 : memref<128xi32, #tpu.memory_space<vmem>>) target_semaphore(%arg16 : memref<!tpu.dma_semaphore, #tpu.memory_space<semaphore_mem>>)
      } else {
      }
    }
    %while3A_46 = arith.constant 1 : i32
    scf.for %while3A_48 = %while3A_44 to %while3A_40 step %while3A_46  : i32 {
      %mul3A_49 = arith.muli %while3A_48, %while3A : i32
      %add3A_50 = arith.addi %while3A_34, %mul3A_49 : i32
      %dma_wait3A = arith.constant 0 : i32
      %dma_wait3A_51 = arith.constant 0 : i32
      %dma_wait3A_52 = arith.constant 0 : i32
      %dma_wait3A_53 = tpu.memref_slice %arg9[%dma_wait3A_51, %dma_wait3A_52] : memref<3x128xi32, #tpu.memory_space<vmem>> -> memref<1x128xi32, #tpu.memory_space<vmem>>
      %dma_wait3A_54 = tpu.memref_squeeze %dma_wait3A_53 : memref<1x128xi32, #tpu.memory_space<vmem>> -> memref<128xi32, #tpu.memory_space<vmem>>
      %dma_wait3A_55 = arith.constant 0 : i32
      %dma_wait3A_56 = tpu.memref_slice %arg3[%dma_wait3A, %dma_wait3A_55] : memref<2592x128xi32, #tpu.memory_space<hbm>> -> memref<1x128xi32, #tpu.memory_space<hbm>>
      %dma_wait3A_57 = tpu.memref_squeeze %dma_wait3A_56 : memref<1x128xi32, #tpu.memory_space<hbm>> -> memref<128xi32, #tpu.memory_space<hbm>>
      %dma_wait3A_58 = arith.constant 0 : i32
      %dma_wait3A_59 = tpu.memref_slice %arg9[%dma_wait3A_51, %dma_wait3A_58] : memref<3x128xi32, #tpu.memory_space<vmem>> -> memref<1x128xi32, #tpu.memory_space<vmem>>
      %dma_wait3A_60 = tpu.memref_squeeze %dma_wait3A_59 : memref<1x128xi32, #tpu.memory_space<vmem>> -> memref<128xi32, #tpu.memory_space<vmem>>
      %dma_wait3A_61 = arith.constant 0 : i32
      %dma_wait3A_62 = tpu.memref_slice %arg3[%dma_wait3A, %dma_wait3A_61] : memref<2592x128xi32, #tpu.memory_space<hbm>> -> memref<1x128xi32, #tpu.memory_space<hbm>>
      %dma_wait3A_63 = tpu.memref_squeeze %dma_wait3A_62 : memref<1x128xi32, #tpu.memory_space<hbm>> -> memref<128xi32, #tpu.memory_space<hbm>>
      tpu.wait_dma2 semaphore(%arg14 : memref<!tpu.dma_semaphore, #tpu.memory_space<semaphore_mem>>) src(%dma_wait3A_63 : memref<128xi32, #tpu.memory_space<hbm>>) dst(%dma_wait3A_60 : memref<128xi32, #tpu.memory_space<vmem>>)
      %dma_wait3A_64 = arith.constant 0 : i32
      %dma_wait3A_65 = arith.constant 0 : i32
      %dma_wait3A_66 = tpu.memref_slice %arg10[%while3A_35, %dma_wait3A_65] : memref<3x128xi32, #tpu.memory_space<vmem>> -> memref<1x128xi32, #tpu.memory_space<vmem>>
      %dma_wait3A_67 = tpu.memref_squeeze %dma_wait3A_66 : memref<1x128xi32, #tpu.memory_space<vmem>> -> memref<128xi32, #tpu.memory_space<vmem>>
      %dma_wait3A_68 = arith.constant 0 : i32
      %dma_wait3A_69 = tpu.memref_slice %arg3[%dma_wait3A_64, %dma_wait3A_68] : memref<2592x128xi32, #tpu.memory_space<hbm>> -> memref<1x128xi32, #tpu.memory_space<hbm>>
      %dma_wait3A_70 = tpu.memref_squeeze %dma_wait3A_69 : memref<1x128xi32, #tpu.memory_space<hbm>> -> memref<128xi32, #tpu.memory_space<hbm>>
      %dma_wait3A_71 = arith.constant 0 : i32
      %dma_wait3A_72 = tpu.memref_slice %arg10[%while3A_35, %dma_wait3A_71] : memref<3x128xi32, #tpu.memory_space<vmem>> -> memref<1x128xi32, #tpu.memory_space<vmem>>
      %dma_wait3A_73 = tpu.memref_squeeze %dma_wait3A_72 : memref<1x128xi32, #tpu.memory_space<vmem>> -> memref<128xi32, #tpu.memory_space<vmem>>
      %dma_wait3A_74 = arith.constant 0 : i32
      %dma_wait3A_75 = tpu.memref_slice %arg3[%dma_wait3A_64, %dma_wait3A_74] : memref<2592x128xi32, #tpu.memory_space<hbm>> -> memref<1x128xi32, #tpu.memory_space<hbm>>
      %dma_wait3A_76 = tpu.memref_squeeze %dma_wait3A_75 : memref<1x128xi32, #tpu.memory_space<hbm>> -> memref<128xi32, #tpu.memory_space<hbm>>
      tpu.wait_dma2 semaphore(%arg14 : memref<!tpu.dma_semaphore, #tpu.memory_space<semaphore_mem>>) src(%dma_wait3A_76 : memref<128xi32, #tpu.memory_space<hbm>>) dst(%dma_wait3A_73 : memref<128xi32, #tpu.memory_space<vmem>>)
      %dma_start3A = arith.constant 0 : i32
      %dma_start3A_77 = arith.constant 0 : i32
      %dma_start3A_78 = arith.constant 0 : i32
      %dma_start3A_79 = tpu.memref_slice %arg6[%dma_start3A_77, %dma_start3A_78] : memref<128x128xf32, #tpu.memory_space<vmem>> -> memref<64x128xf32, #tpu.memory_space<vmem>>
      %dma_start3A_80 = arith.constant 0 : i32
      %dma_start3A_81 = tpu.memref_slice %arg9[%dma_start3A, %dma_start3A_80] : memref<3x128xi32, #tpu.memory_space<vmem>> -> memref<1x64xi32, #tpu.memory_space<vmem>>
      %dma_start3A_82 = tpu.memref_squeeze %dma_start3A_81 : memref<1x64xi32, #tpu.memory_space<vmem>> -> memref<64xi32, #tpu.memory_space<vmem>>
      %dma_start3A_83 = arith.constant 0 : i32
      %dma_start3A_84 = arith.constant 0 : i32
      %dma_start3A_85 = tpu.memref_slice %arg2[%dma_start3A_83, %dma_start3A_84] : memref<10000x128xf32, #tpu.memory_space<hbm>> -> memref<10000x128xf32, #tpu.memory_space<hbm>>
      tpu.enqueue_indirect_dma source(%dma_start3A_85 : memref<10000x128xf32, #tpu.memory_space<hbm>>) target(%dma_start3A_79 : memref<64x128xf32, #tpu.memory_space<vmem>>) offsets(%dma_start3A_82 : memref<64xi32, #tpu.memory_space<vmem>>) semaphore(%arg11 : memref<!tpu.dma_semaphore, #tpu.memory_space<semaphore_mem>>)
      %dma_start3A_86 = arith.constant 0 : i32
      %dma_start3A_87 = arith.constant 64 : i32
      %dma_start3A_88 = arith.constant 0 : i32
      %dma_start3A_89 = tpu.memref_slice %arg6[%dma_start3A_87, %dma_start3A_88] : memref<128x128xf32, #tpu.memory_space<vmem>> -> memref<64x128xf32, #tpu.memory_space<vmem>>
      %dma_start3A_90 = arith.constant 64 : i32
      %dma_start3A_91 = tpu.memref_slice %arg9[%dma_start3A_86, %dma_start3A_90] : memref<3x128xi32, #tpu.memory_space<vmem>> -> memref<1x64xi32, #tpu.memory_space<vmem>>
      %dma_start3A_92 = tpu.memref_squeeze %dma_start3A_91 : memref<1x64xi32, #tpu.memory_space<vmem>> -> memref<64xi32, #tpu.memory_space<vmem>>
      %dma_start3A_93 = arith.constant 0 : i32
      %dma_start3A_94 = arith.constant 0 : i32
      %dma_start3A_95 = tpu.memref_slice %arg2[%dma_start3A_93, %dma_start3A_94] : memref<10000x128xf32, #tpu.memory_space<hbm>> -> memref<10000x128xf32, #tpu.memory_space<hbm>>
      tpu.enqueue_indirect_dma source(%dma_start3A_95 : memref<10000x128xf32, #tpu.memory_space<hbm>>) target(%dma_start3A_89 : memref<64x128xf32, #tpu.memory_space<vmem>>) offsets(%dma_start3A_92 : memref<64xi32, #tpu.memory_space<vmem>>) semaphore(%arg14 : memref<!tpu.dma_semaphore, #tpu.memory_space<semaphore_mem>>)
      %dma_wait3A_96 = arith.constant 0 : i32
      %dma_wait3A_97 = arith.constant 1 : i32
      %dma_wait3A_98 = arith.constant 0 : i32
      %dma_wait3A_99 = tpu.memref_slice %arg9[%dma_wait3A_97, %dma_wait3A_98] : memref<3x128xi32, #tpu.memory_space<vmem>> -> memref<1x128xi32, #tpu.memory_space<vmem>>
      %dma_wait3A_100 = tpu.memref_squeeze %dma_wait3A_99 : memref<1x128xi32, #tpu.memory_space<vmem>> -> memref<128xi32, #tpu.memory_space<vmem>>
      %dma_wait3A_101 = arith.constant 0 : i32
      %dma_wait3A_102 = tpu.memref_slice %arg3[%dma_wait3A_96, %dma_wait3A_101] : memref<2592x128xi32, #tpu.memory_space<hbm>> -> memref<1x128xi32, #tpu.memory_space<hbm>>
      %dma_wait3A_103 = tpu.memref_squeeze %dma_wait3A_102 : memref<1x128xi32, #tpu.memory_space<hbm>> -> memref<128xi32, #tpu.memory_space<hbm>>
      %dma_wait3A_104 = arith.constant 0 : i32
      %dma_wait3A_105 = tpu.memref_slice %arg9[%dma_wait3A_97, %dma_wait3A_104] : memref<3x128xi32, #tpu.memory_space<vmem>> -> memref<1x128xi32, #tpu.memory_space<vmem>>
      %dma_wait3A_106 = tpu.memref_squeeze %dma_wait3A_105 : memref<1x128xi32, #tpu.memory_space<vmem>> -> memref<128xi32, #tpu.memory_space<vmem>>
      %dma_wait3A_107 = arith.constant 0 : i32
      %dma_wait3A_108 = tpu.memref_slice %arg3[%dma_wait3A_96, %dma_wait3A_107] : memref<2592x128xi32, #tpu.memory_space<hbm>> -> memref<1x128xi32, #tpu.memory_space<hbm>>
      %dma_wait3A_109 = tpu.memref_squeeze %dma_wait3A_108 : memref<1x128xi32, #tpu.memory_space<hbm>> -> memref<128xi32, #tpu.memory_space<hbm>>
      tpu.wait_dma2 semaphore(%arg15 : memref<!tpu.dma_semaphore, #tpu.memory_space<semaphore_mem>>) src(%dma_wait3A_109 : memref<128xi32, #tpu.memory_space<hbm>>) dst(%dma_wait3A_106 : memref<128xi32, #tpu.memory_space<vmem>>)
      %dma_wait3A_110 = arith.constant 0 : i32
      %dma_wait3A_111 = arith.constant 0 : i32
      %dma_wait3A_112 = tpu.memref_slice %arg10[%while3A_36, %dma_wait3A_111] : memref<3x128xi32, #tpu.memory_space<vmem>> -> memref<1x128xi32, #tpu.memory_space<vmem>>
      %dma_wait3A_113 = tpu.memref_squeeze %dma_wait3A_112 : memref<1x128xi32, #tpu.memory_space<vmem>> -> memref<128xi32, #tpu.memory_space<vmem>>
      %dma_wait3A_114 = arith.constant 0 : i32
      %dma_wait3A_115 = tpu.memref_slice %arg3[%dma_wait3A_110, %dma_wait3A_114] : memref<2592x128xi32, #tpu.memory_space<hbm>> -> memref<1x128xi32, #tpu.memory_space<hbm>>
      %dma_wait3A_116 = tpu.memref_squeeze %dma_wait3A_115 : memref<1x128xi32, #tpu.memory_space<hbm>> -> memref<128xi32, #tpu.memory_space<hbm>>
      %dma_wait3A_117 = arith.constant 0 : i32
      %dma_wait3A_118 = tpu.memref_slice %arg10[%while3A_36, %dma_wait3A_117] : memref<3x128xi32, #tpu.memory_space<vmem>> -> memref<1x128xi32, #tpu.memory_space<vmem>>
      %dma_wait3A_119 = tpu.memref_squeeze %dma_wait3A_118 : memref<1x128xi32, #tpu.memory_space<vmem>> -> memref<128xi32, #tpu.memory_space<vmem>>
      %dma_wait3A_120 = arith.constant 0 : i32
      %dma_wait3A_121 = tpu.memref_slice %arg3[%dma_wait3A_110, %dma_wait3A_120] : memref<2592x128xi32, #tpu.memory_space<hbm>> -> memref<1x128xi32, #tpu.memory_space<hbm>>
      %dma_wait3A_122 = tpu.memref_squeeze %dma_wait3A_121 : memref<1x128xi32, #tpu.memory_space<hbm>> -> memref<128xi32, #tpu.memory_space<hbm>>
      tpu.wait_dma2 semaphore(%arg15 : memref<!tpu.dma_semaphore, #tpu.memory_space<semaphore_mem>>) src(%dma_wait3A_122 : memref<128xi32, #tpu.memory_space<hbm>>) dst(%dma_wait3A_119 : memref<128xi32, #tpu.memory_space<vmem>>)
      %dma_start3A_123 = arith.constant 1 : i32
      %dma_start3A_124 = arith.constant 0 : i32
      %dma_start3A_125 = arith.constant 0 : i32
      %dma_start3A_126 = tpu.memref_slice %arg7[%dma_start3A_124, %dma_start3A_125] : memref<128x128xf32, #tpu.memory_space<vmem>> -> memref<64x128xf32, #tpu.memory_space<vmem>>
      %dma_start3A_127 = arith.constant 0 : i32
      %dma_start3A_128 = tpu.memref_slice %arg9[%dma_start3A_123, %dma_start3A_127] : memref<3x128xi32, #tpu.memory_space<vmem>> -> memref<1x64xi32, #tpu.memory_space<vmem>>
      %dma_start3A_129 = tpu.memref_squeeze %dma_start3A_128 : memref<1x64xi32, #tpu.memory_space<vmem>> -> memref<64xi32, #tpu.memory_space<vmem>>
      %dma_start3A_130 = arith.constant 0 : i32
      %dma_start3A_131 = arith.constant 0 : i32
      %dma_start3A_132 = tpu.memref_slice %arg2[%dma_start3A_130, %dma_start3A_131] : memref<10000x128xf32, #tpu.memory_space<hbm>> -> memref<10000x128xf32, #tpu.memory_space<hbm>>
      tpu.enqueue_indirect_dma source(%dma_start3A_132 : memref<10000x128xf32, #tpu.memory_space<hbm>>) target(%dma_start3A_126 : memref<64x128xf32, #tpu.memory_space<vmem>>) offsets(%dma_start3A_129 : memref<64xi32, #tpu.memory_space<vmem>>) semaphore(%arg12 : memref<!tpu.dma_semaphore, #tpu.memory_space<semaphore_mem>>)
      %dma_start3A_133 = arith.constant 1 : i32
      %dma_start3A_134 = arith.constant 64 : i32
      %dma_start3A_135 = arith.constant 0 : i32
      %dma_start3A_136 = tpu.memref_slice %arg7[%dma_start3A_134, %dma_start3A_135] : memref<128x128xf32, #tpu.memory_space<vmem>> -> memref<64x128xf32, #tpu.memory_space<vmem>>
      %dma_start3A_137 = arith.constant 64 : i32
      %dma_start3A_138 = tpu.memref_slice %arg9[%dma_start3A_133, %dma_start3A_137] : memref<3x128xi32, #tpu.memory_space<vmem>> -> memref<1x64xi32, #tpu.memory_space<vmem>>
      %dma_start3A_139 = tpu.memref_squeeze %dma_start3A_138 : memref<1x64xi32, #tpu.memory_space<vmem>> -> memref<64xi32, #tpu.memory_space<vmem>>
      %dma_start3A_140 = arith.constant 0 : i32
      %dma_start3A_141 = arith.constant 0 : i32
      %dma_start3A_142 = tpu.memref_slice %arg2[%dma_start3A_140, %dma_start3A_141] : memref<10000x128xf32, #tpu.memory_space<hbm>> -> memref<10000x128xf32, #tpu.memory_space<hbm>>
      tpu.enqueue_indirect_dma source(%dma_start3A_142 : memref<10000x128xf32, #tpu.memory_space<hbm>>) target(%dma_start3A_136 : memref<64x128xf32, #tpu.memory_space<vmem>>) offsets(%dma_start3A_139 : memref<64xi32, #tpu.memory_space<vmem>>) semaphore(%arg15 : memref<!tpu.dma_semaphore, #tpu.memory_space<semaphore_mem>>)
      %dma_wait3A_143 = arith.constant 0 : i32
      %dma_wait3A_144 = arith.constant 2 : i32
      %dma_wait3A_145 = arith.constant 0 : i32
      %dma_wait3A_146 = tpu.memref_slice %arg9[%dma_wait3A_144, %dma_wait3A_145] : memref<3x128xi32, #tpu.memory_space<vmem>> -> memref<1x128xi32, #tpu.memory_space<vmem>>
      %dma_wait3A_147 = tpu.memref_squeeze %dma_wait3A_146 : memref<1x128xi32, #tpu.memory_space<vmem>> -> memref<128xi32, #tpu.memory_space<vmem>>
      %dma_wait3A_148 = arith.constant 0 : i32
      %dma_wait3A_149 = tpu.memref_slice %arg3[%dma_wait3A_143, %dma_wait3A_148] : memref<2592x128xi32, #tpu.memory_space<hbm>> -> memref<1x128xi32, #tpu.memory_space<hbm>>
      %dma_wait3A_150 = tpu.memref_squeeze %dma_wait3A_149 : memref<1x128xi32, #tpu.memory_space<hbm>> -> memref<128xi32, #tpu.memory_space<hbm>>
      %dma_wait3A_151 = arith.constant 0 : i32
      %dma_wait3A_152 = tpu.memref_slice %arg9[%dma_wait3A_144, %dma_wait3A_151] : memref<3x128xi32, #tpu.memory_space<vmem>> -> memref<1x128xi32, #tpu.memory_space<vmem>>
      %dma_wait3A_153 = tpu.memref_squeeze %dma_wait3A_152 : memref<1x128xi32, #tpu.memory_space<vmem>> -> memref<128xi32, #tpu.memory_space<vmem>>
      %dma_wait3A_154 = arith.constant 0 : i32
      %dma_wait3A_155 = tpu.memref_slice %arg3[%dma_wait3A_143, %dma_wait3A_154] : memref<2592x128xi32, #tpu.memory_space<hbm>> -> memref<1x128xi32, #tpu.memory_space<hbm>>
      %dma_wait3A_156 = tpu.memref_squeeze %dma_wait3A_155 : memref<1x128xi32, #tpu.memory_space<hbm>> -> memref<128xi32, #tpu.memory_space<hbm>>
      tpu.wait_dma2 semaphore(%arg16 : memref<!tpu.dma_semaphore, #tpu.memory_space<semaphore_mem>>) src(%dma_wait3A_156 : memref<128xi32, #tpu.memory_space<hbm>>) dst(%dma_wait3A_153 : memref<128xi32, #tpu.memory_space<vmem>>)
      %dma_wait3A_157 = arith.constant 0 : i32
      %dma_wait3A_158 = arith.constant 0 : i32
      %dma_wait3A_159 = tpu.memref_slice %arg10[%while3A_37, %dma_wait3A_158] : memref<3x128xi32, #tpu.memory_space<vmem>> -> memref<1x128xi32, #tpu.memory_space<vmem>>
      %dma_wait3A_160 = tpu.memref_squeeze %dma_wait3A_159 : memref<1x128xi32, #tpu.memory_space<vmem>> -> memref<128xi32, #tpu.memory_space<vmem>>
      %dma_wait3A_161 = arith.constant 0 : i32
      %dma_wait3A_162 = tpu.memref_slice %arg3[%dma_wait3A_157, %dma_wait3A_161] : memref<2592x128xi32, #tpu.memory_space<hbm>> -> memref<1x128xi32, #tpu.memory_space<hbm>>
      %dma_wait3A_163 = tpu.memref_squeeze %dma_wait3A_162 : memref<1x128xi32, #tpu.memory_space<hbm>> -> memref<128xi32, #tpu.memory_space<hbm>>
      %dma_wait3A_164 = arith.constant 0 : i32
      %dma_wait3A_165 = tpu.memref_slice %arg10[%while3A_37, %dma_wait3A_164] : memref<3x128xi32, #tpu.memory_space<vmem>> -> memref<1x128xi32, #tpu.memory_space<vmem>>
      %dma_wait3A_166 = tpu.memref_squeeze %dma_wait3A_165 : memref<1x128xi32, #tpu.memory_space<vmem>> -> memref<128xi32, #tpu.memory_space<vmem>>
      %dma_wait3A_167 = arith.constant 0 : i32
      %dma_wait3A_168 = tpu.memref_slice %arg3[%dma_wait3A_157, %dma_wait3A_167] : memref<2592x128xi32, #tpu.memory_space<hbm>> -> memref<1x128xi32, #tpu.memory_space<hbm>>
      %dma_wait3A_169 = tpu.memref_squeeze %dma_wait3A_168 : memref<1x128xi32, #tpu.memory_space<hbm>> -> memref<128xi32, #tpu.memory_space<hbm>>
      tpu.wait_dma2 semaphore(%arg16 : memref<!tpu.dma_semaphore, #tpu.memory_space<semaphore_mem>>) src(%dma_wait3A_169 : memref<128xi32, #tpu.memory_space<hbm>>) dst(%dma_wait3A_166 : memref<128xi32, #tpu.memory_space<vmem>>)
      %dma_start3A_170 = arith.constant 2 : i32
      %dma_start3A_171 = arith.constant 0 : i32
      %dma_start3A_172 = arith.constant 0 : i32
      %dma_start3A_173 = tpu.memref_slice %arg8[%dma_start3A_171, %dma_start3A_172] : memref<128x128xf32, #tpu.memory_space<vmem>> -> memref<64x128xf32, #tpu.memory_space<vmem>>
      %dma_start3A_174 = arith.constant 0 : i32
      %dma_start3A_175 = tpu.memref_slice %arg9[%dma_start3A_170, %dma_start3A_174] : memref<3x128xi32, #tpu.memory_space<vmem>> -> memref<1x64xi32, #tpu.memory_space<vmem>>
      %dma_start3A_176 = tpu.memref_squeeze %dma_start3A_175 : memref<1x64xi32, #tpu.memory_space<vmem>> -> memref<64xi32, #tpu.memory_space<vmem>>
      %dma_start3A_177 = arith.constant 0 : i32
      %dma_start3A_178 = arith.constant 0 : i32
      %dma_start3A_179 = tpu.memref_slice %arg2[%dma_start3A_177, %dma_start3A_178] : memref<10000x128xf32, #tpu.memory_space<hbm>> -> memref<10000x128xf32, #tpu.memory_space<hbm>>
      tpu.enqueue_indirect_dma source(%dma_start3A_179 : memref<10000x128xf32, #tpu.memory_space<hbm>>) target(%dma_start3A_173 : memref<64x128xf32, #tpu.memory_space<vmem>>) offsets(%dma_start3A_176 : memref<64xi32, #tpu.memory_space<vmem>>) semaphore(%arg13 : memref<!tpu.dma_semaphore, #tpu.memory_space<semaphore_mem>>)
      %dma_start3A_180 = arith.constant 2 : i32
      %dma_start3A_181 = arith.constant 64 : i32
      %dma_start3A_182 = arith.constant 0 : i32
      %dma_start3A_183 = tpu.memref_slice %arg8[%dma_start3A_181, %dma_start3A_182] : memref<128x128xf32, #tpu.memory_space<vmem>> -> memref<64x128xf32, #tpu.memory_space<vmem>>
      %dma_start3A_184 = arith.constant 64 : i32
      %dma_start3A_185 = tpu.memref_slice %arg9[%dma_start3A_180, %dma_start3A_184] : memref<3x128xi32, #tpu.memory_space<vmem>> -> memref<1x64xi32, #tpu.memory_space<vmem>>
      %dma_start3A_186 = tpu.memref_squeeze %dma_start3A_185 : memref<1x64xi32, #tpu.memory_space<vmem>> -> memref<64xi32, #tpu.memory_space<vmem>>
      %dma_start3A_187 = arith.constant 0 : i32
      %dma_start3A_188 = arith.constant 0 : i32
      %dma_start3A_189 = tpu.memref_slice %arg2[%dma_start3A_187, %dma_start3A_188] : memref<10000x128xf32, #tpu.memory_space<hbm>> -> memref<10000x128xf32, #tpu.memory_space<hbm>>
      tpu.enqueue_indirect_dma source(%dma_start3A_189 : memref<10000x128xf32, #tpu.memory_space<hbm>>) target(%dma_start3A_183 : memref<64x128xf32, #tpu.memory_space<vmem>>) offsets(%dma_start3A_186 : memref<64xi32, #tpu.memory_space<vmem>>) semaphore(%arg16 : memref<!tpu.dma_semaphore, #tpu.memory_space<semaphore_mem>>)
      %dma_wait3A_190 = arith.constant 0 : i32
      %dma_wait3A_191 = arith.constant 0 : i32
      %dma_wait3A_192 = arith.constant 0 : i32
      %dma_wait3A_193 = tpu.memref_slice %arg6[%dma_wait3A_191, %dma_wait3A_192] : memref<128x128xf32, #tpu.memory_space<vmem>> -> memref<64x128xf32, #tpu.memory_space<vmem>>
      %dma_wait3A_194 = arith.constant 0 : i32
      %dma_wait3A_195 = tpu.memref_slice %arg9[%dma_wait3A_190, %dma_wait3A_194] : memref<3x128xi32, #tpu.memory_space<vmem>> -> memref<1x64xi32, #tpu.memory_space<vmem>>
      %dma_wait3A_196 = tpu.memref_squeeze %dma_wait3A_195 : memref<1x64xi32, #tpu.memory_space<vmem>> -> memref<64xi32, #tpu.memory_space<vmem>>
      %dma_wait3A_197 = arith.constant 0 : i32
      %dma_wait3A_198 = arith.constant 0 : i32
      %dma_wait3A_199 = tpu.memref_slice %arg2[%dma_wait3A_197, %dma_wait3A_198] : memref<10000x128xf32, #tpu.memory_space<hbm>> -> memref<10000x128xf32, #tpu.memory_space<hbm>>
      tpu.wait_indirect_dma semaphore(%arg11 : memref<!tpu.dma_semaphore, #tpu.memory_space<semaphore_mem>>) src(%dma_wait3A_199 : memref<10000x128xf32, #tpu.memory_space<hbm>>) dst(%dma_wait3A_193 : memref<64x128xf32, #tpu.memory_space<vmem>>)
      %dma_wait3A_200 = arith.constant 0 : i32
      %dma_wait3A_201 = arith.constant 64 : i32
      %dma_wait3A_202 = arith.constant 0 : i32
      %dma_wait3A_203 = tpu.memref_slice %arg6[%dma_wait3A_201, %dma_wait3A_202] : memref<128x128xf32, #tpu.memory_space<vmem>> -> memref<64x128xf32, #tpu.memory_space<vmem>>
      %dma_wait3A_204 = arith.constant 0 : i32
      %dma_wait3A_205 = tpu.memref_slice %arg9[%dma_wait3A_200, %dma_wait3A_204] : memref<3x128xi32, #tpu.memory_space<vmem>> -> memref<1x64xi32, #tpu.memory_space<vmem>>
      %dma_wait3A_206 = tpu.memref_squeeze %dma_wait3A_205 : memref<1x64xi32, #tpu.memory_space<vmem>> -> memref<64xi32, #tpu.memory_space<vmem>>
      %dma_wait3A_207 = arith.constant 0 : i32
      %dma_wait3A_208 = arith.constant 0 : i32
      %dma_wait3A_209 = tpu.memref_slice %arg2[%dma_wait3A_207, %dma_wait3A_208] : memref<10000x128xf32, #tpu.memory_space<hbm>> -> memref<10000x128xf32, #tpu.memory_space<hbm>>
      tpu.wait_indirect_dma semaphore(%arg14 : memref<!tpu.dma_semaphore, #tpu.memory_space<semaphore_mem>>) src(%dma_wait3A_209 : memref<10000x128xf32, #tpu.memory_space<hbm>>) dst(%dma_wait3A_203 : memref<64x128xf32, #tpu.memory_space<vmem>>)
      %dma_start3A_210 = arith.constant 0 : i32
      %dma_start3A_211 = tpu.memref_slice %arg10[%while3A_35, %dma_start3A_210] : memref<3x128xi32, #tpu.memory_space<vmem>> -> memref<1x128xi32, #tpu.memory_space<vmem>>
      %dma_start3A_212 = tpu.memref_squeeze %dma_start3A_211 : memref<1x128xi32, #tpu.memory_space<vmem>> -> memref<128xi32, #tpu.memory_space<vmem>>
      %dma_start3A_213 = arith.constant 0 : i32
      %dma_start3A_214 = arith.constant 0 : i32
      %dma_start3A_215 = tpu.memref_slice %arg17[%dma_start3A_213, %dma_start3A_214] : memref<10112x128xf32, #tpu.memory_space<vmem_shared>> -> memref<10112x128xf32, #tpu.memory_space<vmem_shared>>
      tpu.enqueue_indirect_dma source(%arg6 : memref<128x128xf32, #tpu.memory_space<vmem>>) target(%dma_start3A_215 : memref<10112x128xf32, #tpu.memory_space<vmem_shared>>) offsets(%dma_start3A_212 : memref<128xi32, #tpu.memory_space<vmem>>) semaphore(%arg11 : memref<!tpu.dma_semaphore, #tpu.memory_space<semaphore_mem>>) {add = true}
      %dma_wait3A_216 = arith.constant 1 : i32
      %dma_wait3A_217 = arith.constant 0 : i32
      %dma_wait3A_218 = arith.constant 0 : i32
      %dma_wait3A_219 = tpu.memref_slice %arg7[%dma_wait3A_217, %dma_wait3A_218] : memref<128x128xf32, #tpu.memory_space<vmem>> -> memref<64x128xf32, #tpu.memory_space<vmem>>
      %dma_wait3A_220 = arith.constant 0 : i32
      %dma_wait3A_221 = tpu.memref_slice %arg9[%dma_wait3A_216, %dma_wait3A_220] : memref<3x128xi32, #tpu.memory_space<vmem>> -> memref<1x64xi32, #tpu.memory_space<vmem>>
      %dma_wait3A_222 = tpu.memref_squeeze %dma_wait3A_221 : memref<1x64xi32, #tpu.memory_space<vmem>> -> memref<64xi32, #tpu.memory_space<vmem>>
      %dma_wait3A_223 = arith.constant 0 : i32
      %dma_wait3A_224 = arith.constant 0 : i32
      %dma_wait3A_225 = tpu.memref_slice %arg2[%dma_wait3A_223, %dma_wait3A_224] : memref<10000x128xf32, #tpu.memory_space<hbm>> -> memref<10000x128xf32, #tpu.memory_space<hbm>>
      tpu.wait_indirect_dma semaphore(%arg12 : memref<!tpu.dma_semaphore, #tpu.memory_space<semaphore_mem>>) src(%dma_wait3A_225 : memref<10000x128xf32, #tpu.memory_space<hbm>>) dst(%dma_wait3A_219 : memref<64x128xf32, #tpu.memory_space<vmem>>)
      %dma_wait3A_226 = arith.constant 1 : i32
      %dma_wait3A_227 = arith.constant 64 : i32
      %dma_wait3A_228 = arith.constant 0 : i32
      %dma_wait3A_229 = tpu.memref_slice %arg7[%dma_wait3A_227, %dma_wait3A_228] : memref<128x128xf32, #tpu.memory_space<vmem>> -> memref<64x128xf32, #tpu.memory_space<vmem>>
      %dma_wait3A_230 = arith.constant 0 : i32
      %dma_wait3A_231 = tpu.memref_slice %arg9[%dma_wait3A_226, %dma_wait3A_230] : memref<3x128xi32, #tpu.memory_space<vmem>> -> memref<1x64xi32, #tpu.memory_space<vmem>>
      %dma_wait3A_232 = tpu.memref_squeeze %dma_wait3A_231 : memref<1x64xi32, #tpu.memory_space<vmem>> -> memref<64xi32, #tpu.memory_space<vmem>>
      %dma_wait3A_233 = arith.constant 0 : i32
      %dma_wait3A_234 = arith.constant 0 : i32
      %dma_wait3A_235 = tpu.memref_slice %arg2[%dma_wait3A_233, %dma_wait3A_234] : memref<10000x128xf32, #tpu.memory_space<hbm>> -> memref<10000x128xf32, #tpu.memory_space<hbm>>
      tpu.wait_indirect_dma semaphore(%arg15 : memref<!tpu.dma_semaphore, #tpu.memory_space<semaphore_mem>>) src(%dma_wait3A_235 : memref<10000x128xf32, #tpu.memory_space<hbm>>) dst(%dma_wait3A_229 : memref<64x128xf32, #tpu.memory_space<vmem>>)
      %dma_start3A_236 = arith.constant 0 : i32
      %dma_start3A_237 = tpu.memref_slice %arg10[%while3A_36, %dma_start3A_236] : memref<3x128xi32, #tpu.memory_space<vmem>> -> memref<1x128xi32, #tpu.memory_space<vmem>>
      %dma_start3A_238 = tpu.memref_squeeze %dma_start3A_237 : memref<1x128xi32, #tpu.memory_space<vmem>> -> memref<128xi32, #tpu.memory_space<vmem>>
      %dma_start3A_239 = arith.constant 0 : i32
      %dma_start3A_240 = arith.constant 0 : i32
      %dma_start3A_241 = tpu.memref_slice %arg17[%dma_start3A_239, %dma_start3A_240] : memref<10112x128xf32, #tpu.memory_space<vmem_shared>> -> memref<10112x128xf32, #tpu.memory_space<vmem_shared>>
      tpu.enqueue_indirect_dma source(%arg7 : memref<128x128xf32, #tpu.memory_space<vmem>>) target(%dma_start3A_241 : memref<10112x128xf32, #tpu.memory_space<vmem_shared>>) offsets(%dma_start3A_238 : memref<128xi32, #tpu.memory_space<vmem>>) semaphore(%arg12 : memref<!tpu.dma_semaphore, #tpu.memory_space<semaphore_mem>>) {add = true}
      %dma_wait3A_242 = arith.constant 2 : i32
      %dma_wait3A_243 = arith.constant 0 : i32
      %dma_wait3A_244 = arith.constant 0 : i32
      %dma_wait3A_245 = tpu.memref_slice %arg8[%dma_wait3A_243, %dma_wait3A_244] : memref<128x128xf32, #tpu.memory_space<vmem>> -> memref<64x128xf32, #tpu.memory_space<vmem>>
      %dma_wait3A_246 = arith.constant 0 : i32
      %dma_wait3A_247 = tpu.memref_slice %arg9[%dma_wait3A_242, %dma_wait3A_246] : memref<3x128xi32, #tpu.memory_space<vmem>> -> memref<1x64xi32, #tpu.memory_space<vmem>>
      %dma_wait3A_248 = tpu.memref_squeeze %dma_wait3A_247 : memref<1x64xi32, #tpu.memory_space<vmem>> -> memref<64xi32, #tpu.memory_space<vmem>>
      %dma_wait3A_249 = arith.constant 0 : i32
      %dma_wait3A_250 = arith.constant 0 : i32
      %dma_wait3A_251 = tpu.memref_slice %arg2[%dma_wait3A_249, %dma_wait3A_250] : memref<10000x128xf32, #tpu.memory_space<hbm>> -> memref<10000x128xf32, #tpu.memory_space<hbm>>
      tpu.wait_indirect_dma semaphore(%arg13 : memref<!tpu.dma_semaphore, #tpu.memory_space<semaphore_mem>>) src(%dma_wait3A_251 : memref<10000x128xf32, #tpu.memory_space<hbm>>) dst(%dma_wait3A_245 : memref<64x128xf32, #tpu.memory_space<vmem>>)
      %dma_wait3A_252 = arith.constant 2 : i32
      %dma_wait3A_253 = arith.constant 64 : i32
      %dma_wait3A_254 = arith.constant 0 : i32
      %dma_wait3A_255 = tpu.memref_slice %arg8[%dma_wait3A_253, %dma_wait3A_254] : memref<128x128xf32, #tpu.memory_space<vmem>> -> memref<64x128xf32, #tpu.memory_space<vmem>>
      %dma_wait3A_256 = arith.constant 0 : i32
      %dma_wait3A_257 = tpu.memref_slice %arg9[%dma_wait3A_252, %dma_wait3A_256] : memref<3x128xi32, #tpu.memory_space<vmem>> -> memref<1x64xi32, #tpu.memory_space<vmem>>
      %dma_wait3A_258 = tpu.memref_squeeze %dma_wait3A_257 : memref<1x64xi32, #tpu.memory_space<vmem>> -> memref<64xi32, #tpu.memory_space<vmem>>
      %dma_wait3A_259 = arith.constant 0 : i32
      %dma_wait3A_260 = arith.constant 0 : i32
      %dma_wait3A_261 = tpu.memref_slice %arg2[%dma_wait3A_259, %dma_wait3A_260] : memref<10000x128xf32, #tpu.memory_space<hbm>> -> memref<10000x128xf32, #tpu.memory_space<hbm>>
      tpu.wait_indirect_dma semaphore(%arg16 : memref<!tpu.dma_semaphore, #tpu.memory_space<semaphore_mem>>) src(%dma_wait3A_261 : memref<10000x128xf32, #tpu.memory_space<hbm>>) dst(%dma_wait3A_255 : memref<64x128xf32, #tpu.memory_space<vmem>>)
      %dma_start3A_262 = arith.constant 0 : i32
      %dma_start3A_263 = tpu.memref_slice %arg10[%while3A_37, %dma_start3A_262] : memref<3x128xi32, #tpu.memory_space<vmem>> -> memref<1x128xi32, #tpu.memory_space<vmem>>
      %dma_start3A_264 = tpu.memref_squeeze %dma_start3A_263 : memref<1x128xi32, #tpu.memory_space<vmem>> -> memref<128xi32, #tpu.memory_space<vmem>>
      %dma_start3A_265 = arith.constant 0 : i32
      %dma_start3A_266 = arith.constant 0 : i32
      %dma_start3A_267 = tpu.memref_slice %arg17[%dma_start3A_265, %dma_start3A_266] : memref<10112x128xf32, #tpu.memory_space<vmem_shared>> -> memref<10112x128xf32, #tpu.memory_space<vmem_shared>>
      tpu.enqueue_indirect_dma source(%arg8 : memref<128x128xf32, #tpu.memory_space<vmem>>) target(%dma_start3A_267 : memref<10112x128xf32, #tpu.memory_space<vmem_shared>>) offsets(%dma_start3A_264 : memref<128xi32, #tpu.memory_space<vmem>>) semaphore(%arg13 : memref<!tpu.dma_semaphore, #tpu.memory_space<semaphore_mem>>) {add = true}
      %dma_wait3A_268 = arith.constant 0 : i32
      %dma_wait3A_269 = tpu.memref_slice %arg10[%while3A_35, %dma_wait3A_268] : memref<3x128xi32, #tpu.memory_space<vmem>> -> memref<1x128xi32, #tpu.memory_space<vmem>>
      %dma_wait3A_270 = tpu.memref_squeeze %dma_wait3A_269 : memref<1x128xi32, #tpu.memory_space<vmem>> -> memref<128xi32, #tpu.memory_space<vmem>>
      %dma_wait3A_271 = arith.constant 0 : i32
      %dma_wait3A_272 = arith.constant 0 : i32
      %dma_wait3A_273 = tpu.memref_slice %arg17[%dma_wait3A_271, %dma_wait3A_272] : memref<10112x128xf32, #tpu.memory_space<vmem_shared>> -> memref<10112x128xf32, #tpu.memory_space<vmem_shared>>
      tpu.wait_indirect_dma semaphore(%arg11 : memref<!tpu.dma_semaphore, #tpu.memory_space<semaphore_mem>>) src(%arg6 : memref<128x128xf32, #tpu.memory_space<vmem>>) dst(%dma_wait3A_273 : memref<10112x128xf32, #tpu.memory_space<vmem_shared>>)
      %sub3A_274 = arith.constant 1 : i32
      %sub3A_275 = arith.subi %select_n3A_22, %sub3A_274 : i32
      %lt3A = arith.cmpi slt, %add3A_50, %sub3A_275 : i32
      %convert_element_type3A_276 = arith.extui %lt3A : i1 to i32
      %cond3A_277 = arith.constant 0 : i32
      %cond3A_278 = arith.cmpi ne, %convert_element_type3A_276, %cond3A_277 : i32
      scf.if %cond3A_278 {
        %add3A_303 = arith.constant 1 : i32
        %add3A_304 = arith.addi %add3A_50, %add3A_303 : i32
        %mul3A_305 = arith.constant 3 : i32
        %mul3A_306 = arith.muli %add3A_304, %mul3A_305 : i32
        %add3A_307 = arith.constant 0 : i32
        %add3A_308 = arith.addi %mul3A_306, %add3A_307 : i32
        %add3A_309 = arith.addi %select_n3A, %add3A_308 : i32
        %dma_start3A_310 = arith.constant 0 : i32
        %dma_start3A_311 = arith.constant 0 : i32
        %dma_start3A_312 = tpu.memref_slice %arg9[%dma_start3A_310, %dma_start3A_311] : memref<3x128xi32, #tpu.memory_space<vmem>> -> memref<1x128xi32, #tpu.memory_space<vmem>>
        %dma_start3A_313 = tpu.memref_squeeze %dma_start3A_312 : memref<1x128xi32, #tpu.memory_space<vmem>> -> memref<128xi32, #tpu.memory_space<vmem>>
        %dma_start3A_314 = arith.constant 0 : i32
        %dma_start3A_315 = tpu.memref_slice %arg3[%add3A_309, %dma_start3A_314] : memref<2592x128xi32, #tpu.memory_space<hbm>> -> memref<1x128xi32, #tpu.memory_space<hbm>>
        %dma_start3A_316 = tpu.memref_squeeze %dma_start3A_315 : memref<1x128xi32, #tpu.memory_space<hbm>> -> memref<128xi32, #tpu.memory_space<hbm>>
        %dma_start3A_317 = arith.constant 0 : i32
        %dma_start3A_318 = tpu.memref_slice %arg9[%dma_start3A_310, %dma_start3A_317] : memref<3x128xi32, #tpu.memory_space<vmem>> -> memref<1x128xi32, #tpu.memory_space<vmem>>
        %dma_start3A_319 = tpu.memref_squeeze %dma_start3A_318 : memref<1x128xi32, #tpu.memory_space<vmem>> -> memref<128xi32, #tpu.memory_space<vmem>>
        %dma_start3A_320 = arith.constant 0 : i32
        %dma_start3A_321 = tpu.memref_slice %arg3[%add3A_309, %dma_start3A_320] : memref<2592x128xi32, #tpu.memory_space<hbm>> -> memref<1x128xi32, #tpu.memory_space<hbm>>
        %dma_start3A_322 = tpu.memref_squeeze %dma_start3A_321 : memref<1x128xi32, #tpu.memory_space<hbm>> -> memref<128xi32, #tpu.memory_space<hbm>>
        tpu.enqueue_dma source(%dma_start3A_322 : memref<128xi32, #tpu.memory_space<hbm>>) target(%dma_start3A_319 : memref<128xi32, #tpu.memory_space<vmem>>) target_semaphore(%arg14 : memref<!tpu.dma_semaphore, #tpu.memory_space<semaphore_mem>>)
        %add3A_323 = arith.addi %select_n3A, %add3A_308 : i32
        %dma_start3A_324 = arith.constant 0 : i32
        %dma_start3A_325 = tpu.memref_slice %arg10[%while3A_35, %dma_start3A_324] : memref<3x128xi32, #tpu.memory_space<vmem>> -> memref<1x128xi32, #tpu.memory_space<vmem>>
        %dma_start3A_326 = tpu.memref_squeeze %dma_start3A_325 : memref<1x128xi32, #tpu.memory_space<vmem>> -> memref<128xi32, #tpu.memory_space<vmem>>
        %dma_start3A_327 = arith.constant 0 : i32
        %dma_start3A_328 = tpu.memref_slice %arg4[%add3A_323, %dma_start3A_327] : memref<2592x128xi32, #tpu.memory_space<hbm>> -> memref<1x128xi32, #tpu.memory_space<hbm>>
        %dma_start3A_329 = tpu.memref_squeeze %dma_start3A_328 : memref<1x128xi32, #tpu.memory_space<hbm>> -> memref<128xi32, #tpu.memory_space<hbm>>
        %dma_start3A_330 = arith.constant 0 : i32
        %dma_start3A_331 = tpu.memref_slice %arg10[%while3A_35, %dma_start3A_330] : memref<3x128xi32, #tpu.memory_space<vmem>> -> memref<1x128xi32, #tpu.memory_space<vmem>>
        %dma_start3A_332 = tpu.memref_squeeze %dma_start3A_331 : memref<1x128xi32, #tpu.memory_space<vmem>> -> memref<128xi32, #tpu.memory_space<vmem>>
        %dma_start3A_333 = arith.constant 0 : i32
        %dma_start3A_334 = tpu.memref_slice %arg4[%add3A_323, %dma_start3A_333] : memref<2592x128xi32, #tpu.memory_space<hbm>> -> memref<1x128xi32, #tpu.memory_space<hbm>>
        %dma_start3A_335 = tpu.memref_squeeze %dma_start3A_334 : memref<1x128xi32, #tpu.memory_space<hbm>> -> memref<128xi32, #tpu.memory_space<hbm>>
        tpu.enqueue_dma source(%dma_start3A_335 : memref<128xi32, #tpu.memory_space<hbm>>) target(%dma_start3A_332 : memref<128xi32, #tpu.memory_space<vmem>>) target_semaphore(%arg14 : memref<!tpu.dma_semaphore, #tpu.memory_space<semaphore_mem>>)
      } else {
      }
      %dma_wait3A_279 = arith.constant 0 : i32
      %dma_wait3A_280 = tpu.memref_slice %arg10[%while3A_36, %dma_wait3A_279] : memref<3x128xi32, #tpu.memory_space<vmem>> -> memref<1x128xi32, #tpu.memory_space<vmem>>
      %dma_wait3A_281 = tpu.memref_squeeze %dma_wait3A_280 : memref<1x128xi32, #tpu.memory_space<vmem>> -> memref<128xi32, #tpu.memory_space<vmem>>
      %dma_wait3A_282 = arith.constant 0 : i32
      %dma_wait3A_283 = arith.constant 0 : i32
      %dma_wait3A_284 = tpu.memref_slice %arg17[%dma_wait3A_282, %dma_wait3A_283] : memref<10112x128xf32, #tpu.memory_space<vmem_shared>> -> memref<10112x128xf32, #tpu.memory_space<vmem_shared>>
      tpu.wait_indirect_dma semaphore(%arg12 : memref<!tpu.dma_semaphore, #tpu.memory_space<semaphore_mem>>) src(%arg7 : memref<128x128xf32, #tpu.memory_space<vmem>>) dst(%dma_wait3A_284 : memref<10112x128xf32, #tpu.memory_space<vmem_shared>>)
      %sub3A_285 = arith.constant 1 : i32
      %sub3A_286 = arith.subi %select_n3A_22, %sub3A_285 : i32
      %lt3A_287 = arith.cmpi slt, %add3A_50, %sub3A_286 : i32
      %convert_element_type3A_288 = arith.extui %lt3A_287 : i1 to i32
      %cond3A_289 = arith.constant 0 : i32
      %cond3A_290 = arith.cmpi ne, %convert_element_type3A_288, %cond3A_289 : i32
      scf.if %cond3A_290 {
        %add3A_303 = arith.constant 1 : i32
        %add3A_304 = arith.addi %add3A_50, %add3A_303 : i32
        %mul3A_305 = arith.constant 3 : i32
        %mul3A_306 = arith.muli %add3A_304, %mul3A_305 : i32
        %add3A_307 = arith.constant 1 : i32
        %add3A_308 = arith.addi %mul3A_306, %add3A_307 : i32
        %add3A_309 = arith.addi %select_n3A, %add3A_308 : i32
        %dma_start3A_310 = arith.constant 1 : i32
        %dma_start3A_311 = arith.constant 0 : i32
        %dma_start3A_312 = tpu.memref_slice %arg9[%dma_start3A_310, %dma_start3A_311] : memref<3x128xi32, #tpu.memory_space<vmem>> -> memref<1x128xi32, #tpu.memory_space<vmem>>
        %dma_start3A_313 = tpu.memref_squeeze %dma_start3A_312 : memref<1x128xi32, #tpu.memory_space<vmem>> -> memref<128xi32, #tpu.memory_space<vmem>>
        %dma_start3A_314 = arith.constant 0 : i32
        %dma_start3A_315 = tpu.memref_slice %arg3[%add3A_309, %dma_start3A_314] : memref<2592x128xi32, #tpu.memory_space<hbm>> -> memref<1x128xi32, #tpu.memory_space<hbm>>
        %dma_start3A_316 = tpu.memref_squeeze %dma_start3A_315 : memref<1x128xi32, #tpu.memory_space<hbm>> -> memref<128xi32, #tpu.memory_space<hbm>>
        %dma_start3A_317 = arith.constant 0 : i32
        %dma_start3A_318 = tpu.memref_slice %arg9[%dma_start3A_310, %dma_start3A_317] : memref<3x128xi32, #tpu.memory_space<vmem>> -> memref<1x128xi32, #tpu.memory_space<vmem>>
        %dma_start3A_319 = tpu.memref_squeeze %dma_start3A_318 : memref<1x128xi32, #tpu.memory_space<vmem>> -> memref<128xi32, #tpu.memory_space<vmem>>
        %dma_start3A_320 = arith.constant 0 : i32
        %dma_start3A_321 = tpu.memref_slice %arg3[%add3A_309, %dma_start3A_320] : memref<2592x128xi32, #tpu.memory_space<hbm>> -> memref<1x128xi32, #tpu.memory_space<hbm>>
        %dma_start3A_322 = tpu.memref_squeeze %dma_start3A_321 : memref<1x128xi32, #tpu.memory_space<hbm>> -> memref<128xi32, #tpu.memory_space<hbm>>
        tpu.enqueue_dma source(%dma_start3A_322 : memref<128xi32, #tpu.memory_space<hbm>>) target(%dma_start3A_319 : memref<128xi32, #tpu.memory_space<vmem>>) target_semaphore(%arg15 : memref<!tpu.dma_semaphore, #tpu.memory_space<semaphore_mem>>)
        %add3A_323 = arith.addi %select_n3A, %add3A_308 : i32
        %dma_start3A_324 = arith.constant 0 : i32
        %dma_start3A_325 = tpu.memref_slice %arg10[%while3A_36, %dma_start3A_324] : memref<3x128xi32, #tpu.memory_space<vmem>> -> memref<1x128xi32, #tpu.memory_space<vmem>>
        %dma_start3A_326 = tpu.memref_squeeze %dma_start3A_325 : memref<1x128xi32, #tpu.memory_space<vmem>> -> memref<128xi32, #tpu.memory_space<vmem>>
        %dma_start3A_327 = arith.constant 0 : i32
        %dma_start3A_328 = tpu.memref_slice %arg4[%add3A_323, %dma_start3A_327] : memref<2592x128xi32, #tpu.memory_space<hbm>> -> memref<1x128xi32, #tpu.memory_space<hbm>>
        %dma_start3A_329 = tpu.memref_squeeze %dma_start3A_328 : memref<1x128xi32, #tpu.memory_space<hbm>> -> memref<128xi32, #tpu.memory_space<hbm>>
        %dma_start3A_330 = arith.constant 0 : i32
        %dma_start3A_331 = tpu.memref_slice %arg10[%while3A_36, %dma_start3A_330] : memref<3x128xi32, #tpu.memory_space<vmem>> -> memref<1x128xi32, #tpu.memory_space<vmem>>
        %dma_start3A_332 = tpu.memref_squeeze %dma_start3A_331 : memref<1x128xi32, #tpu.memory_space<vmem>> -> memref<128xi32, #tpu.memory_space<vmem>>
        %dma_start3A_333 = arith.constant 0 : i32
        %dma_start3A_334 = tpu.memref_slice %arg4[%add3A_323, %dma_start3A_333] : memref<2592x128xi32, #tpu.memory_space<hbm>> -> memref<1x128xi32, #tpu.memory_space<hbm>>
        %dma_start3A_335 = tpu.memref_squeeze %dma_start3A_334 : memref<1x128xi32, #tpu.memory_space<hbm>> -> memref<128xi32, #tpu.memory_space<hbm>>
        tpu.enqueue_dma source(%dma_start3A_335 : memref<128xi32, #tpu.memory_space<hbm>>) target(%dma_start3A_332 : memref<128xi32, #tpu.memory_space<vmem>>) target_semaphore(%arg15 : memref<!tpu.dma_semaphore, #tpu.memory_space<semaphore_mem>>)
      } else {
      }
      %dma_wait3A_291 = arith.constant 0 : i32
      %dma_wait3A_292 = tpu.memref_slice %arg10[%while3A_37, %dma_wait3A_291] : memref<3x128xi32, #tpu.memory_space<vmem>> -> memref<1x128xi32, #tpu.memory_space<vmem>>
      %dma_wait3A_293 = tpu.memref_squeeze %dma_wait3A_292 : memref<1x128xi32, #tpu.memory_space<vmem>> -> memref<128xi32, #tpu.memory_space<vmem>>
      %dma_wait3A_294 = arith.constant 0 : i32
      %dma_wait3A_295 = arith.constant 0 : i32
      %dma_wait3A_296 = tpu.memref_slice %arg17[%dma_wait3A_294, %dma_wait3A_295] : memref<10112x128xf32, #tpu.memory_space<vmem_shared>> -> memref<10112x128xf32, #tpu.memory_space<vmem_shared>>
      tpu.wait_indirect_dma semaphore(%arg13 : memref<!tpu.dma_semaphore, #tpu.memory_space<semaphore_mem>>) src(%arg8 : memref<128x128xf32, #tpu.memory_space<vmem>>) dst(%dma_wait3A_296 : memref<10112x128xf32, #tpu.memory_space<vmem_shared>>)
      %sub3A_297 = arith.constant 1 : i32
      %sub3A_298 = arith.subi %select_n3A_22, %sub3A_297 : i32
      %lt3A_299 = arith.cmpi slt, %add3A_50, %sub3A_298 : i32
      %convert_element_type3A_300 = arith.extui %lt3A_299 : i1 to i32
      %cond3A_301 = arith.constant 0 : i32
      %cond3A_302 = arith.cmpi ne, %convert_element_type3A_300, %cond3A_301 : i32
      scf.if %cond3A_302 {
        %add3A_303 = arith.constant 1 : i32
        %add3A_304 = arith.addi %add3A_50, %add3A_303 : i32
        %mul3A_305 = arith.constant 3 : i32
        %mul3A_306 = arith.muli %add3A_304, %mul3A_305 : i32
        %add3A_307 = arith.constant 2 : i32
        %add3A_308 = arith.addi %mul3A_306, %add3A_307 : i32
        %add3A_309 = arith.addi %select_n3A, %add3A_308 : i32
        %dma_start3A_310 = arith.constant 2 : i32
        %dma_start3A_311 = arith.constant 0 : i32
        %dma_start3A_312 = tpu.memref_slice %arg9[%dma_start3A_310, %dma_start3A_311] : memref<3x128xi32, #tpu.memory_space<vmem>> -> memref<1x128xi32, #tpu.memory_space<vmem>>
        %dma_start3A_313 = tpu.memref_squeeze %dma_start3A_312 : memref<1x128xi32, #tpu.memory_space<vmem>> -> memref<128xi32, #tpu.memory_space<vmem>>
        %dma_start3A_314 = arith.constant 0 : i32
        %dma_start3A_315 = tpu.memref_slice %arg3[%add3A_309, %dma_start3A_314] : memref<2592x128xi32, #tpu.memory_space<hbm>> -> memref<1x128xi32, #tpu.memory_space<hbm>>
        %dma_start3A_316 = tpu.memref_squeeze %dma_start3A_315 : memref<1x128xi32, #tpu.memory_space<hbm>> -> memref<128xi32, #tpu.memory_space<hbm>>
        %dma_start3A_317 = arith.constant 0 : i32
        %dma_start3A_318 = tpu.memref_slice %arg9[%dma_start3A_310, %dma_start3A_317] : memref<3x128xi32, #tpu.memory_space<vmem>> -> memref<1x128xi32, #tpu.memory_space<vmem>>
        %dma_start3A_319 = tpu.memref_squeeze %dma_start3A_318 : memref<1x128xi32, #tpu.memory_space<vmem>> -> memref<128xi32, #tpu.memory_space<vmem>>
        %dma_start3A_320 = arith.constant 0 : i32
        %dma_start3A_321 = tpu.memref_slice %arg3[%add3A_309, %dma_start3A_320] : memref<2592x128xi32, #tpu.memory_space<hbm>> -> memref<1x128xi32, #tpu.memory_space<hbm>>
        %dma_start3A_322 = tpu.memref_squeeze %dma_start3A_321 : memref<1x128xi32, #tpu.memory_space<hbm>> -> memref<128xi32, #tpu.memory_space<hbm>>
        tpu.enqueue_dma source(%dma_start3A_322 : memref<128xi32, #tpu.memory_space<hbm>>) target(%dma_start3A_319 : memref<128xi32, #tpu.memory_space<vmem>>) target_semaphore(%arg16 : memref<!tpu.dma_semaphore, #tpu.memory_space<semaphore_mem>>)
        %add3A_323 = arith.addi %select_n3A, %add3A_308 : i32
        %dma_start3A_324 = arith.constant 0 : i32
        %dma_start3A_325 = tpu.memref_slice %arg10[%while3A_37, %dma_start3A_324] : memref<3x128xi32, #tpu.memory_space<vmem>> -> memref<1x128xi32, #tpu.memory_space<vmem>>
        %dma_start3A_326 = tpu.memref_squeeze %dma_start3A_325 : memref<1x128xi32, #tpu.memory_space<vmem>> -> memref<128xi32, #tpu.memory_space<vmem>>
        %dma_start3A_327 = arith.constant 0 : i32
        %dma_start3A_328 = tpu.memref_slice %arg4[%add3A_323, %dma_start3A_327] : memref<2592x128xi32, #tpu.memory_space<hbm>> -> memref<1x128xi32, #tpu.memory_space<hbm>>
        %dma_start3A_329 = tpu.memref_squeeze %dma_start3A_328 : memref<1x128xi32, #tpu.memory_space<hbm>> -> memref<128xi32, #tpu.memory_space<hbm>>
        %dma_start3A_330 = arith.constant 0 : i32
        %dma_start3A_331 = tpu.memref_slice %arg10[%while3A_37, %dma_start3A_330] : memref<3x128xi32, #tpu.memory_space<vmem>> -> memref<1x128xi32, #tpu.memory_space<vmem>>
        %dma_start3A_332 = tpu.memref_squeeze %dma_start3A_331 : memref<1x128xi32, #tpu.memory_space<vmem>> -> memref<128xi32, #tpu.memory_space<vmem>>
        %dma_start3A_333 = arith.constant 0 : i32
        %dma_start3A_334 = tpu.memref_slice %arg4[%add3A_323, %dma_start3A_333] : memref<2592x128xi32, #tpu.memory_space<hbm>> -> memref<1x128xi32, #tpu.memory_space<hbm>>
        %dma_start3A_335 = tpu.memref_squeeze %dma_start3A_334 : memref<1x128xi32, #tpu.memory_space<hbm>> -> memref<128xi32, #tpu.memory_space<hbm>>
        tpu.enqueue_dma source(%dma_start3A_335 : memref<128xi32, #tpu.memory_space<hbm>>) target(%dma_start3A_332 : memref<128xi32, #tpu.memory_space<vmem>>) target_semaphore(%arg16 : memref<!tpu.dma_semaphore, #tpu.memory_space<semaphore_mem>>)
      } else {
      }
    }
    %barrier3A_47 = arith.constant 0 : index
    tpu.barrier barrier_id(%barrier3A_47)
    "tpu.region"() ({
      %run_scoped3A = tpu.sem_alloc : memref<!tpu.dma_semaphore, #tpu.memory_space<semaphore_mem>>
      %dma_start3A = arith.constant 0 : i32
      %dma_start3A_48 = tpu.memref_slice %arg5[%arg0, %mul3A_0, %dma_start3A] : memref<2x10112x128xf32, #tpu.memory_space<hbm>> -> memref<1x632x128xf32, #tpu.memory_space<hbm>>
      %dma_start3A_49 = tpu.memref_squeeze %dma_start3A_48 : memref<1x632x128xf32, #tpu.memory_space<hbm>> -> memref<632x128xf32, #tpu.memory_space<hbm>>
      %dma_start3A_50 = arith.constant 0 : i32
      %dma_start3A_51 = tpu.memref_slice %arg17[%mul3A_0, %dma_start3A_50] : memref<10112x128xf32, #tpu.memory_space<vmem_shared>> -> memref<632x128xf32, #tpu.memory_space<vmem_shared>>
      tpu.enqueue_dma source(%dma_start3A_51 : memref<632x128xf32, #tpu.memory_space<vmem_shared>>) target(%dma_start3A_49 : memref<632x128xf32, #tpu.memory_space<hbm>>) target_semaphore(%run_scoped3A : memref<!tpu.dma_semaphore, #tpu.memory_space<semaphore_mem>>)
      %dma_wait3A = arith.constant 0 : i32
      %dma_wait3A_52 = tpu.memref_slice %arg5[%arg0, %mul3A_0, %dma_wait3A] : memref<2x10112x128xf32, #tpu.memory_space<hbm>> -> memref<1x632x128xf32, #tpu.memory_space<hbm>>
      %dma_wait3A_53 = tpu.memref_squeeze %dma_wait3A_52 : memref<1x632x128xf32, #tpu.memory_space<hbm>> -> memref<632x128xf32, #tpu.memory_space<hbm>>
      %dma_wait3A_54 = arith.constant 0 : i32
      %dma_wait3A_55 = tpu.memref_slice %arg17[%mul3A_0, %dma_wait3A_54] : memref<10112x128xf32, #tpu.memory_space<vmem_shared>> -> memref<632x128xf32, #tpu.memory_space<vmem_shared>>
      tpu.wait_dma2 semaphore(%run_scoped3A : memref<!tpu.dma_semaphore, #tpu.memory_space<semaphore_mem>>) src(%dma_wait3A_55 : memref<632x128xf32, #tpu.memory_space<vmem_shared>>) dst(%dma_wait3A_53 : memref<632x128xf32, #tpu.memory_space<hbm>>)
      tpu.yield
    }) : () -> ()
    return
  }
}

#map = affine_map<(d0, d1) -> (0, 0)>
#map1 = affine_map<(d0, d1) -> (0, 0, 0)>
module attributes {stable_mosaic.version = 14 : i64} {
  func.func @_sc_segsum(%arg0: i32, %arg1: i32, %arg2: memref<10000x128xf32, #tpu.memory_space<hbm>>, %arg3: memref<2592x128xi32, #tpu.memory_space<hbm>>, %arg4: memref<2592x128xi32, #tpu.memory_space<hbm>>, %arg5: memref<2x10112x128xf32, #tpu.memory_space<hbm>>, %arg6: memref<128x128xf32, #tpu.memory_space<vmem>>, %arg7: memref<128x128xf32, #tpu.memory_space<vmem>>, %arg8: memref<128x128xf32, #tpu.memory_space<vmem>>, %arg9: memref<3x128xi32, #tpu.memory_space<vmem>>, %arg10: memref<3x128xi32, #tpu.memory_space<vmem>>, %arg11: memref<!tpu.dma_semaphore, #tpu.memory_space<semaphore_mem>>, %arg12: memref<!tpu.dma_semaphore, #tpu.memory_space<semaphore_mem>>, %arg13: memref<!tpu.dma_semaphore, #tpu.memory_space<semaphore_mem>>, %arg14: memref<!tpu.dma_semaphore, #tpu.memory_space<semaphore_mem>>, %arg15: memref<!tpu.dma_semaphore, #tpu.memory_space<semaphore_mem>>, %arg16: memref<!tpu.dma_semaphore, #tpu.memory_space<semaphore_mem>>, %arg17: memref<10112x128xf32, #tpu.memory_space<vmem_shared>>) attributes {dimension_semantics = [#tpu.dimension_semantics<core_parallel>, #tpu.dimension_semantics<subcore_parallel>], iteration_bounds = array<i64: 2, 16>, scalar_prefetch = 0 : i64, scratch_operands = 12 : i64, tpu.core_type = #tpu.core_type<sc_vector_subcore>, window_params = [{transform_indices = #map}, {transform_indices = #map}, {transform_indices = #map}, {transform_indices = #map1}]} {
    %mul3A = arith.constant 632 : i32
    %mul3A_0 = arith.muli %arg1, %mul3A : i32
    %broadcast_in_dim3A = arith.constant 0.000000e+00 : f32
    %broadcast_in_dim3A_1 = vector.broadcast %broadcast_in_dim3A : f32 to vector<16xf32>
    %scan3A = arith.constant 0 : i32
    %scan3A_2 = arith.constant 128 : i32
    %scan3A_3 = arith.addi %scan3A, %scan3A_2 : i32
    %scan3A_4 = arith.constant 1 : i32
    scf.for %scan3A_48 = %scan3A to %scan3A_3 step %scan3A_4  : i32 {
      %mul3A_49 = arith.constant 1 : i32
      %mul3A_50 = arith.muli %scan3A_48, %mul3A_49 : i32
      %add3A_51 = arith.constant 0 : i32
      %add3A_52 = arith.addi %add3A_51, %mul3A_50 : i32
      %scan3A_53 = arith.constant 0 : i32
      %scan3A_54 = arith.constant 8 : i32
      %scan3A_55 = arith.addi %scan3A_53, %scan3A_54 : i32
      %scan3A_56 = arith.constant 1 : i32
      scf.for %scan3A_58 = %scan3A_53 to %scan3A_55 step %scan3A_56  : i32 {
        %mul3A_59 = arith.constant 16 : i32
        %mul3A_60 = arith.muli %scan3A_58, %mul3A_59 : i32
        %add3A_61 = arith.constant 0 : i32
        %add3A_62 = arith.addi %add3A_61, %mul3A_60 : i32
        %swap3A = arith.index_cast %add3A_52 : i32 to index
        %swap3A_63 = arith.index_cast %add3A_62 : i32 to index
        %swap3A_64 = tpu.vector_load %arg6[%swap3A, %swap3A_63] {strides = array<i32>} : memref<128x128xf32, #tpu.memory_space<vmem>>, vector<1x16xf32>,
        %swap3A_65 = vector.shape_cast %swap3A_64 : vector<1x16xf32> to vector<16xf32>
        %swap3A_66 = vector.shape_cast %broadcast_in_dim3A_1 : vector<16xf32> to vector<1x16xf32>
        tpu.vector_store %arg6[%swap3A, %swap3A_63], %swap3A_66 {strides = array<i32>} : memref<128x128xf32, #tpu.memory_space<vmem>>, vector<1x16xf32>,
      }
      %scan3A_57 = arith.constant 8 : i32
    }
    %scan3A_5 = arith.constant 128 : i32
    %scan3A_6 = arith.constant 0 : i32
    %scan3A_7 = arith.constant 4 : i32
    %scan3A_8 = arith.addi %scan3A_6, %scan3A_7 : i32
    %scan3A_9 = arith.constant 1 : i32
    scf.for %scan3A_48 = %scan3A_6 to %scan3A_8 step %scan3A_9  : i32 {
      %mul3A_49 = arith.constant 1 : i32
      %mul3A_50 = arith.muli %scan3A_48, %mul3A_49 : i32
      %add3A_51 = arith.constant 0 : i32
      %add3A_52 = arith.addi %add3A_51, %mul3A_50 : i32
      %mul3A_53 = arith.constant 128 : i32
      %mul3A_54 = arith.muli %add3A_52, %mul3A_53 : i32
      %add3A_55 = arith.addi %mul3A_0, %mul3A_54 : i32
      "tpu.region"() ({
        %run_scoped3A = tpu.sem_alloc : memref<!tpu.dma_semaphore, #tpu.memory_space<semaphore_mem>>
        %dma_start3A = arith.constant 0 : i32
        %dma_start3A_56 = tpu.memref_slice %arg17[%add3A_55, %dma_start3A] : memref<10112x128xf32, #tpu.memory_space<vmem_shared>> -> memref<128x128xf32, #tpu.memory_space<vmem_shared>>
        %dma_start3A_57 = arith.constant 0 : i32
        %dma_start3A_58 = tpu.memref_slice %arg17[%add3A_55, %dma_start3A_57] : memref<10112x128xf32, #tpu.memory_space<vmem_shared>> -> memref<128x128xf32, #tpu.memory_space<vmem_shared>>
        tpu.enqueue_dma source(%arg6 : memref<128x128xf32, #tpu.memory_space<vmem>>) target(%dma_start3A_58 : memref<128x128xf32, #tpu.memory_space<vmem_shared>>) target_semaphore(%run_scoped3A : memref<!tpu.dma_semaphore, #tpu.memory_space<semaphore_mem>>)
        %dma_wait3A = arith.constant 0 : i32
        %dma_wait3A_59 = tpu.memref_slice %arg17[%add3A_55, %dma_wait3A] : memref<10112x128xf32, #tpu.memory_space<vmem_shared>> -> memref<128x128xf32, #tpu.memory_space<vmem_shared>>
        %dma_wait3A_60 = arith.constant 0 : i32
        %dma_wait3A_61 = tpu.memref_slice %arg17[%add3A_55, %dma_wait3A_60] : memref<10112x128xf32, #tpu.memory_space<vmem_shared>> -> memref<128x128xf32, #tpu.memory_space<vmem_shared>>
        tpu.wait_dma2 semaphore(%run_scoped3A : memref<!tpu.dma_semaphore, #tpu.memory_space<semaphore_mem>>) src(%arg6 : memref<128x128xf32, #tpu.memory_space<vmem>>) dst(%dma_wait3A_61 : memref<128x128xf32, #tpu.memory_space<vmem_shared>>)
        tpu.yield
      }) : () -> ()
    }
    %scan3A_10 = arith.constant 4 : i32
    %add3A = arith.constant 512 : i32
    %add3A_11 = arith.addi %mul3A_0, %add3A : i32
    "tpu.region"() ({
      %run_scoped3A = tpu.sem_alloc : memref<!tpu.dma_semaphore, #tpu.memory_space<semaphore_mem>>
      %dma_start3A = arith.constant 0 : i32
      %dma_start3A_48 = arith.constant 0 : i32
      %dma_start3A_49 = tpu.memref_slice %arg6[%dma_start3A, %dma_start3A_48] : memref<128x128xf32, #tpu.memory_space<vmem>> -> memref<120x128xf32, #tpu.memory_space<vmem>>
      %dma_start3A_50 = arith.constant 0 : i32
      %dma_start3A_51 = tpu.memref_slice %arg17[%add3A_11, %dma_start3A_50] : memref<10112x128xf32, #tpu.memory_space<vmem_shared>> -> memref<120x128xf32, #tpu.memory_space<vmem_shared>>
      %dma_start3A_52 = arith.constant 0 : i32
      %dma_start3A_53 = tpu.memref_slice %arg17[%add3A_11, %dma_start3A_52] : memref<10112x128xf32, #tpu.memory_space<vmem_shared>> -> memref<120x128xf32, #tpu.memory_space<vmem_shared>>
      %dma_start3A_54 = arith.constant 0 : i32
      %dma_start3A_55 = arith.constant 0 : i32
      %dma_start3A_56 = tpu.memref_slice %arg6[%dma_start3A_54, %dma_start3A_55] : memref<128x128xf32, #tpu.memory_space<vmem>> -> memref<120x128xf32, #tpu.memory_space<vmem>>
      tpu.enqueue_dma source(%dma_start3A_56 : memref<120x128xf32, #tpu.memory_space<vmem>>) target(%dma_start3A_53 : memref<120x128xf32, #tpu.memory_space<vmem_shared>>) target_semaphore(%run_scoped3A : memref<!tpu.dma_semaphore, #tpu.memory_space<semaphore_mem>>)
      %dma_wait3A = arith.constant 0 : i32
      %dma_wait3A_57 = arith.constant 0 : i32
      %dma_wait3A_58 = tpu.memref_slice %arg6[%dma_wait3A, %dma_wait3A_57] : memref<128x128xf32, #tpu.memory_space<vmem>> -> memref<120x128xf32, #tpu.memory_space<vmem>>
      %dma_wait3A_59 = arith.constant 0 : i32
      %dma_wait3A_60 = tpu.memref_slice %arg17[%add3A_11, %dma_wait3A_59] : memref<10112x128xf32, #tpu.memory_space<vmem_shared>> -> memref<120x128xf32, #tpu.memory_space<vmem_shared>>
      %dma_wait3A_61 = arith.constant 0 : i32
      %dma_wait3A_62 = tpu.memref_slice %arg17[%add3A_11, %dma_wait3A_61] : memref<10112x128xf32, #tpu.memory_space<vmem_shared>> -> memref<120x128xf32, #tpu.memory_space<vmem_shared>>
      %dma_wait3A_63 = arith.constant 0 : i32
      %dma_wait3A_64 = arith.constant 0 : i32
      %dma_wait3A_65 = tpu.memref_slice %arg6[%dma_wait3A_63, %dma_wait3A_64] : memref<128x128xf32, #tpu.memory_space<vmem>> -> memref<120x128xf32, #tpu.memory_space<vmem>>
      tpu.wait_dma2 semaphore(%run_scoped3A : memref<!tpu.dma_semaphore, #tpu.memory_space<semaphore_mem>>) src(%dma_wait3A_65 : memref<120x128xf32, #tpu.memory_space<vmem>>) dst(%dma_wait3A_62 : memref<120x128xf32, #tpu.memory_space<vmem_shared>>)
      tpu.yield
    }) : () -> ()
    %barrier3A = arith.constant 0 : index
    tpu.barrier barrier_id(%barrier3A)
    %eq3A = arith.constant 0 : i32
    %eq3A_12 = arith.cmpi eq, %arg0, %eq3A : i32
    %mul3A_13 = arith.constant 147 : i32
    %mul3A_14 = arith.muli %arg1, %mul3A_13 : i32
    %mul3A_15 = arith.constant 15 : i32
    %mul3A_16 = arith.muli %arg1, %mul3A_15 : i32
    %add3A_17 = arith.constant 2352 : i32
    %add3A_18 = arith.addi %add3A_17, %mul3A_16 : i32
    %select_n3A = arith.select %eq3A_12, %mul3A_14, %add3A_18 : i32
    %eq3A_19 = arith.constant 0 : i32
    %eq3A_20 = arith.cmpi eq, %arg0, %eq3A_19 : i32
    %jit3A = arith.constant 49 : i32
    %jit3A_21 = arith.constant 5 : i32
    %select_n3A_22 = arith.select %eq3A_20, %jit3A, %jit3A_21 : i32
    %gt3A = arith.constant 0 : i32
    %gt3A_23 = arith.cmpi sgt, %select_n3A_22, %gt3A : i32
    %convert_element_type3A = arith.extui %gt3A_23 : i1 to i32
    %cond3A = arith.constant 0 : i32
    %cond3A_24 = arith.constant 1 : i32
    %cond3A_25 = arith.constant 2 : i32
    %cond3A_26 = arith.constant 0 : i32
    %cond3A_27 = arith.cmpi ne, %convert_element_type3A, %cond3A_26 : i32
    scf.if %cond3A_27 {
      %add3A_48 = arith.constant 0 : i32
      %add3A_49 = arith.addi %select_n3A, %add3A_48 : i32
      %dma_start3A = arith.constant 0 : i32
      %dma_start3A_50 = arith.constant 0 : i32
      %dma_start3A_51 = tpu.memref_slice %arg9[%dma_start3A, %dma_start3A_50] : memref<3x128xi32, #tpu.memory_space<vmem>> -> memref<1x128xi32, #tpu.memory_space<vmem>>
      %dma_start3A_52 = tpu.memref_squeeze %dma_start3A_51 : memref<1x128xi32, #tpu.memory_space<vmem>> -> memref<128xi32, #tpu.memory_space<vmem>>
      %dma_start3A_53 = arith.constant 0 : i32
      %dma_start3A_54 = tpu.memref_slice %arg3[%add3A_49, %dma_start3A_53] : memref<2592x128xi32, #tpu.memory_space<hbm>> -> memref<1x128xi32, #tpu.memory_space<hbm>>
      %dma_start3A_55 = tpu.memref_squeeze %dma_start3A_54 : memref<1x128xi32, #tpu.memory_space<hbm>> -> memref<128xi32, #tpu.memory_space<hbm>>
      %dma_start3A_56 = arith.constant 0 : i32
      %dma_start3A_57 = tpu.memref_slice %arg9[%dma_start3A, %dma_start3A_56] : memref<3x128xi32, #tpu.memory_space<vmem>> -> memref<1x128xi32, #tpu.memory_space<vmem>>
      %dma_start3A_58 = tpu.memref_squeeze %dma_start3A_57 : memref<1x128xi32, #tpu.memory_space<vmem>> -> memref<128xi32, #tpu.memory_space<vmem>>
      %dma_start3A_59 = arith.constant 0 : i32
      %dma_start3A_60 = tpu.memref_slice %arg3[%add3A_49, %dma_start3A_59] : memref<2592x128xi32, #tpu.memory_space<hbm>> -> memref<1x128xi32, #tpu.memory_space<hbm>>
      %dma_start3A_61 = tpu.memref_squeeze %dma_start3A_60 : memref<1x128xi32, #tpu.memory_space<hbm>> -> memref<128xi32, #tpu.memory_space<hbm>>
      tpu.enqueue_dma source(%dma_start3A_61 : memref<128xi32, #tpu.memory_space<hbm>>) target(%dma_start3A_58 : memref<128xi32, #tpu.memory_space<vmem>>) target_semaphore(%arg14 : memref<!tpu.dma_semaphore, #tpu.memory_space<semaphore_mem>>)
      %add3A_62 = arith.constant 0 : i32
      %add3A_63 = arith.addi %select_n3A, %add3A_62 : i32
      %dma_start3A_64 = arith.constant 0 : i32
      %dma_start3A_65 = tpu.memref_slice %arg10[%cond3A, %dma_start3A_64] : memref<3x128xi32, #tpu.memory_space<vmem>> -> memref<1x128xi32, #tpu.memory_space<vmem>>
      %dma_start3A_66 = tpu.memref_squeeze %dma_start3A_65 : memref<1x128xi32, #tpu.memory_space<vmem>> -> memref<128xi32, #tpu.memory_space<vmem>>
      %dma_start3A_67 = arith.constant 0 : i32
      %dma_start3A_68 = tpu.memref_slice %arg4[%add3A_63, %dma_start3A_67] : memref<2592x128xi32, #tpu.memory_space<hbm>> -> memref<1x128xi32, #tpu.memory_space<hbm>>
      %dma_start3A_69 = tpu.memref_squeeze %dma_start3A_68 : memref<1x128xi32, #tpu.memory_space<hbm>> -> memref<128xi32, #tpu.memory_space<hbm>>
      %dma_start3A_70 = arith.constant 0 : i32
      %dma_start3A_71 = tpu.memref_slice %arg10[%cond3A, %dma_start3A_70] : memref<3x128xi32, #tpu.memory_space<vmem>> -> memref<1x128xi32, #tpu.memory_space<vmem>>
      %dma_start3A_72 = tpu.memref_squeeze %dma_start3A_71 : memref<1x128xi32, #tpu.memory_space<vmem>> -> memref<128xi32, #tpu.memory_space<vmem>>
      %dma_start3A_73 = arith.constant 0 : i32
      %dma_start3A_74 = tpu.memref_slice %arg4[%add3A_63, %dma_start3A_73] : memref<2592x128xi32, #tpu.memory_space<hbm>> -> memref<1x128xi32, #tpu.memory_space<hbm>>
      %dma_start3A_75 = tpu.memref_squeeze %dma_start3A_74 : memref<1x128xi32, #tpu.memory_space<hbm>> -> memref<128xi32, #tpu.memory_space<hbm>>
      tpu.enqueue_dma source(%dma_start3A_75 : memref<128xi32, #tpu.memory_space<hbm>>) target(%dma_start3A_72 : memref<128xi32, #tpu.memory_space<vmem>>) target_semaphore(%arg14 : memref<!tpu.dma_semaphore, #tpu.memory_space<semaphore_mem>>)
      %add3A_76 = arith.constant 1 : i32
      %add3A_77 = arith.addi %select_n3A, %add3A_76 : i32
      %dma_start3A_78 = arith.constant 1 : i32
      %dma_start3A_79 = arith.constant 0 : i32
      %dma_start3A_80 = tpu.memref_slice %arg9[%dma_start3A_78, %dma_start3A_79] : memref<3x128xi32, #tpu.memory_space<vmem>> -> memref<1x128xi32, #tpu.memory_space<vmem>>
      %dma_start3A_81 = tpu.memref_squeeze %dma_start3A_80 : memref<1x128xi32, #tpu.memory_space<vmem>> -> memref<128xi32, #tpu.memory_space<vmem>>
      %dma_start3A_82 = arith.constant 0 : i32
      %dma_start3A_83 = tpu.memref_slice %arg3[%add3A_77, %dma_start3A_82] : memref<2592x128xi32, #tpu.memory_space<hbm>> -> memref<1x128xi32, #tpu.memory_space<hbm>>
      %dma_start3A_84 = tpu.memref_squeeze %dma_start3A_83 : memref<1x128xi32, #tpu.memory_space<hbm>> -> memref<128xi32, #tpu.memory_space<hbm>>
      %dma_start3A_85 = arith.constant 0 : i32
      %dma_start3A_86 = tpu.memref_slice %arg9[%dma_start3A_78, %dma_start3A_85] : memref<3x128xi32, #tpu.memory_space<vmem>> -> memref<1x128xi32, #tpu.memory_space<vmem>>
      %dma_start3A_87 = tpu.memref_squeeze %dma_start3A_86 : memref<1x128xi32, #tpu.memory_space<vmem>> -> memref<128xi32, #tpu.memory_space<vmem>>
      %dma_start3A_88 = arith.constant 0 : i32
      %dma_start3A_89 = tpu.memref_slice %arg3[%add3A_77, %dma_start3A_88] : memref<2592x128xi32, #tpu.memory_space<hbm>> -> memref<1x128xi32, #tpu.memory_space<hbm>>
      %dma_start3A_90 = tpu.memref_squeeze %dma_start3A_89 : memref<1x128xi32, #tpu.memory_space<hbm>> -> memref<128xi32, #tpu.memory_space<hbm>>
      tpu.enqueue_dma source(%dma_start3A_90 : memref<128xi32, #tpu.memory_space<hbm>>) target(%dma_start3A_87 : memref<128xi32, #tpu.memory_space<vmem>>) target_semaphore(%arg15 : memref<!tpu.dma_semaphore, #tpu.memory_space<semaphore_mem>>)
      %add3A_91 = arith.constant 1 : i32
      %add3A_92 = arith.addi %select_n3A, %add3A_91 : i32
      %dma_start3A_93 = arith.constant 0 : i32
      %dma_start3A_94 = tpu.memref_slice %arg10[%cond3A_24, %dma_start3A_93] : memref<3x128xi32, #tpu.memory_space<vmem>> -> memref<1x128xi32, #tpu.memory_space<vmem>>
      %dma_start3A_95 = tpu.memref_squeeze %dma_start3A_94 : memref<1x128xi32, #tpu.memory_space<vmem>> -> memref<128xi32, #tpu.memory_space<vmem>>
      %dma_start3A_96 = arith.constant 0 : i32
      %dma_start3A_97 = tpu.memref_slice %arg4[%add3A_92, %dma_start3A_96] : memref<2592x128xi32, #tpu.memory_space<hbm>> -> memref<1x128xi32, #tpu.memory_space<hbm>>
      %dma_start3A_98 = tpu.memref_squeeze %dma_start3A_97 : memref<1x128xi32, #tpu.memory_space<hbm>> -> memref<128xi32, #tpu.memory_space<hbm>>
      %dma_start3A_99 = arith.constant 0 : i32
      %dma_start3A_100 = tpu.memref_slice %arg10[%cond3A_24, %dma_start3A_99] : memref<3x128xi32, #tpu.memory_space<vmem>> -> memref<1x128xi32, #tpu.memory_space<vmem>>
      %dma_start3A_101 = tpu.memref_squeeze %dma_start3A_100 : memref<1x128xi32, #tpu.memory_space<vmem>> -> memref<128xi32, #tpu.memory_space<vmem>>
      %dma_start3A_102 = arith.constant 0 : i32
      %dma_start3A_103 = tpu.memref_slice %arg4[%add3A_92, %dma_start3A_102] : memref<2592x128xi32, #tpu.memory_space<hbm>> -> memref<1x128xi32, #tpu.memory_space<hbm>>
      %dma_start3A_104 = tpu.memref_squeeze %dma_start3A_103 : memref<1x128xi32, #tpu.memory_space<hbm>> -> memref<128xi32, #tpu.memory_space<hbm>>
      tpu.enqueue_dma source(%dma_start3A_104 : memref<128xi32, #tpu.memory_space<hbm>>) target(%dma_start3A_101 : memref<128xi32, #tpu.memory_space<vmem>>) target_semaphore(%arg15 : memref<!tpu.dma_semaphore, #tpu.memory_space<semaphore_mem>>)
      %add3A_105 = arith.constant 2 : i32
      %add3A_106 = arith.addi %select_n3A, %add3A_105 : i32
      %dma_start3A_107 = arith.constant 2 : i32
      %dma_start3A_108 = arith.constant 0 : i32
      %dma_start3A_109 = tpu.memref_slice %arg9[%dma_start3A_107, %dma_start3A_108] : memref<3x128xi32, #tpu.memory_space<vmem>> -> memref<1x128xi32, #tpu.memory_space<vmem>>
      %dma_start3A_110 = tpu.memref_squeeze %dma_start3A_109 : memref<1x128xi32, #tpu.memory_space<vmem>> -> memref<128xi32, #tpu.memory_space<vmem>>
      %dma_start3A_111 = arith.constant 0 : i32
      %dma_start3A_112 = tpu.memref_slice %arg3[%add3A_106, %dma_start3A_111] : memref<2592x128xi32, #tpu.memory_space<hbm>> -> memref<1x128xi32, #tpu.memory_space<hbm>>
      %dma_start3A_113 = tpu.memref_squeeze %dma_start3A_112 : memref<1x128xi32, #tpu.memory_space<hbm>> -> memref<128xi32, #tpu.memory_space<hbm>>
      %dma_start3A_114 = arith.constant 0 : i32
      %dma_start3A_115 = tpu.memref_slice %arg9[%dma_start3A_107, %dma_start3A_114] : memref<3x128xi32, #tpu.memory_space<vmem>> -> memref<1x128xi32, #tpu.memory_space<vmem>>
      %dma_start3A_116 = tpu.memref_squeeze %dma_start3A_115 : memref<1x128xi32, #tpu.memory_space<vmem>> -> memref<128xi32, #tpu.memory_space<vmem>>
      %dma_start3A_117 = arith.constant 0 : i32
      %dma_start3A_118 = tpu.memref_slice %arg3[%add3A_106, %dma_start3A_117] : memref<2592x128xi32, #tpu.memory_space<hbm>> -> memref<1x128xi32, #tpu.memory_space<hbm>>
      %dma_start3A_119 = tpu.memref_squeeze %dma_start3A_118 : memref<1x128xi32, #tpu.memory_space<hbm>> -> memref<128xi32, #tpu.memory_space<hbm>>
      tpu.enqueue_dma source(%dma_start3A_119 : memref<128xi32, #tpu.memory_space<hbm>>) target(%dma_start3A_116 : memref<128xi32, #tpu.memory_space<vmem>>) target_semaphore(%arg16 : memref<!tpu.dma_semaphore, #tpu.memory_space<semaphore_mem>>)
      %add3A_120 = arith.constant 2 : i32
      %add3A_121 = arith.addi %select_n3A, %add3A_120 : i32
      %dma_start3A_122 = arith.constant 0 : i32
      %dma_start3A_123 = tpu.memref_slice %arg10[%cond3A_25, %dma_start3A_122] : memref<3x128xi32, #tpu.memory_space<vmem>> -> memref<1x128xi32, #tpu.memory_space<vmem>>
      %dma_start3A_124 = tpu.memref_squeeze %dma_start3A_123 : memref<1x128xi32, #tpu.memory_space<vmem>> -> memref<128xi32, #tpu.memory_space<vmem>>
      %dma_start3A_125 = arith.constant 0 : i32
      %dma_start3A_126 = tpu.memref_slice %arg4[%add3A_121, %dma_start3A_125] : memref<2592x128xi32, #tpu.memory_space<hbm>> -> memref<1x128xi32, #tpu.memory_space<hbm>>
      %dma_start3A_127 = tpu.memref_squeeze %dma_start3A_126 : memref<1x128xi32, #tpu.memory_space<hbm>> -> memref<128xi32, #tpu.memory_space<hbm>>
      %dma_start3A_128 = arith.constant 0 : i32
      %dma_start3A_129 = tpu.memref_slice %arg10[%cond3A_25, %dma_start3A_128] : memref<3x128xi32, #tpu.memory_space<vmem>> -> memref<1x128xi32, #tpu.memory_space<vmem>>
      %dma_start3A_130 = tpu.memref_squeeze %dma_start3A_129 : memref<1x128xi32, #tpu.memory_space<vmem>> -> memref<128xi32, #tpu.memory_space<vmem>>
      %dma_start3A_131 = arith.constant 0 : i32
      %dma_start3A_132 = tpu.memref_slice %arg4[%add3A_121, %dma_start3A_131] : memref<2592x128xi32, #tpu.memory_space<hbm>> -> memref<1x128xi32, #tpu.memory_space<hbm>>
      %dma_start3A_133 = tpu.memref_squeeze %dma_start3A_132 : memref<1x128xi32, #tpu.memory_space<hbm>> -> memref<128xi32, #tpu.memory_space<hbm>>
      tpu.enqueue_dma source(%dma_start3A_133 : memref<128xi32, #tpu.memory_space<hbm>>) target(%dma_start3A_130 : memref<128xi32, #tpu.memory_space<vmem>>) target_semaphore(%arg16 : memref<!tpu.dma_semaphore, #tpu.memory_space<semaphore_mem>>)
    } else {
    }
    %sub3A = arith.constant 0 : i32
    %sub3A_28 = arith.subi %select_n3A_22, %sub3A : i32
    %sub3A_29 = arith.constant 1 : i32
    %sub3A_30 = arith.constant 1 : i32
    %sub3A_31 = arith.subi %sub3A_29, %sub3A_30 : i32
    %add3A_32 = arith.addi %sub3A_28, %sub3A_31 : i32
    %div3A = arith.constant 1 : i32
    %div3A_33 = arith.divsi %add3A_32, %div3A : i32
    %while3A = arith.constant 1 : i32
    %while3A_34 = arith.constant 0 : i32
    %while3A_35 = arith.constant 0 : i32
    %while3A_36 = arith.constant 1 : i32
    %while3A_37 = arith.constant 2 : i32
    %while3A_38 = arith.constant 0 : i32
    %while3A_39 = arith.subi %div3A_33, %while3A_38 : i32
    %while3A_40 = arith.addi %while3A_38, %while3A_39 : i32
    %while3A_41 = arith.constant 1 : i32
    %while3A_42 = arith.divsi %while3A_39, %while3A_41 : i32
    %while3A_43 = arith.muli %while3A_42, %while3A_41 : i32
    %while3A_44 = arith.addi %while3A_38, %while3A_43 : i32
    %while3A_45 = arith.constant 1 : i32
    scf.for %while3A_48 = %while3A_38 to %while3A_44 step %while3A_45  : i32 {
      %mul3A_49 = arith.muli %while3A_48, %while3A : i32
      %add3A_50 = arith.addi %while3A_34, %mul3A_49 : i32
      %dma_wait3A = arith.constant 0 : i32
      %dma_wait3A_51 = arith.constant 0 : i32
      %dma_wait3A_52 = arith.constant 0 : i32
      %dma_wait3A_53 = tpu.memref_slice %arg9[%dma_wait3A_51, %dma_wait3A_52] : memref<3x128xi32, #tpu.memory_space<vmem>> -> memref<1x128xi32, #tpu.memory_space<vmem>>
      %dma_wait3A_54 = tpu.memref_squeeze %dma_wait3A_53 : memref<1x128xi32, #tpu.memory_space<vmem>> -> memref<128xi32, #tpu.memory_space<vmem>>
      %dma_wait3A_55 = arith.constant 0 : i32
      %dma_wait3A_56 = tpu.memref_slice %arg3[%dma_wait3A, %dma_wait3A_55] : memref<2592x128xi32, #tpu.memory_space<hbm>> -> memref<1x128xi32, #tpu.memory_space<hbm>>
      %dma_wait3A_57 = tpu.memref_squeeze %dma_wait3A_56 : memref<1x128xi32, #tpu.memory_space<hbm>> -> memref<128xi32, #tpu.memory_space<hbm>>
      %dma_wait3A_58 = arith.constant 0 : i32
      %dma_wait3A_59 = tpu.memref_slice %arg9[%dma_wait3A_51, %dma_wait3A_58] : memref<3x128xi32, #tpu.memory_space<vmem>> -> memref<1x128xi32, #tpu.memory_space<vmem>>
      %dma_wait3A_60 = tpu.memref_squeeze %dma_wait3A_59 : memref<1x128xi32, #tpu.memory_space<vmem>> -> memref<128xi32, #tpu.memory_space<vmem>>
      %dma_wait3A_61 = arith.constant 0 : i32
      %dma_wait3A_62 = tpu.memref_slice %arg3[%dma_wait3A, %dma_wait3A_61] : memref<2592x128xi32, #tpu.memory_space<hbm>> -> memref<1x128xi32, #tpu.memory_space<hbm>>
      %dma_wait3A_63 = tpu.memref_squeeze %dma_wait3A_62 : memref<1x128xi32, #tpu.memory_space<hbm>> -> memref<128xi32, #tpu.memory_space<hbm>>
      tpu.wait_dma2 semaphore(%arg14 : memref<!tpu.dma_semaphore, #tpu.memory_space<semaphore_mem>>) src(%dma_wait3A_63 : memref<128xi32, #tpu.memory_space<hbm>>) dst(%dma_wait3A_60 : memref<128xi32, #tpu.memory_space<vmem>>)
      %dma_wait3A_64 = arith.constant 0 : i32
      %dma_wait3A_65 = arith.constant 0 : i32
      %dma_wait3A_66 = tpu.memref_slice %arg10[%while3A_35, %dma_wait3A_65] : memref<3x128xi32, #tpu.memory_space<vmem>> -> memref<1x128xi32, #tpu.memory_space<vmem>>
      %dma_wait3A_67 = tpu.memref_squeeze %dma_wait3A_66 : memref<1x128xi32, #tpu.memory_space<vmem>> -> memref<128xi32, #tpu.memory_space<vmem>>
      %dma_wait3A_68 = arith.constant 0 : i32
      %dma_wait3A_69 = tpu.memref_slice %arg3[%dma_wait3A_64, %dma_wait3A_68] : memref<2592x128xi32, #tpu.memory_space<hbm>> -> memref<1x128xi32, #tpu.memory_space<hbm>>
      %dma_wait3A_70 = tpu.memref_squeeze %dma_wait3A_69 : memref<1x128xi32, #tpu.memory_space<hbm>> -> memref<128xi32, #tpu.memory_space<hbm>>
      %dma_wait3A_71 = arith.constant 0 : i32
      %dma_wait3A_72 = tpu.memref_slice %arg10[%while3A_35, %dma_wait3A_71] : memref<3x128xi32, #tpu.memory_space<vmem>> -> memref<1x128xi32, #tpu.memory_space<vmem>>
      %dma_wait3A_73 = tpu.memref_squeeze %dma_wait3A_72 : memref<1x128xi32, #tpu.memory_space<vmem>> -> memref<128xi32, #tpu.memory_space<vmem>>
      %dma_wait3A_74 = arith.constant 0 : i32
      %dma_wait3A_75 = tpu.memref_slice %arg3[%dma_wait3A_64, %dma_wait3A_74] : memref<2592x128xi32, #tpu.memory_space<hbm>> -> memref<1x128xi32, #tpu.memory_space<hbm>>
      %dma_wait3A_76 = tpu.memref_squeeze %dma_wait3A_75 : memref<1x128xi32, #tpu.memory_space<hbm>> -> memref<128xi32, #tpu.memory_space<hbm>>
      tpu.wait_dma2 semaphore(%arg14 : memref<!tpu.dma_semaphore, #tpu.memory_space<semaphore_mem>>) src(%dma_wait3A_76 : memref<128xi32, #tpu.memory_space<hbm>>) dst(%dma_wait3A_73 : memref<128xi32, #tpu.memory_space<vmem>>)
      %dma_start3A = arith.constant 0 : i32
      %dma_start3A_77 = arith.constant 0 : i32
      %dma_start3A_78 = arith.constant 0 : i32
      %dma_start3A_79 = tpu.memref_slice %arg6[%dma_start3A_77, %dma_start3A_78] : memref<128x128xf32, #tpu.memory_space<vmem>> -> memref<64x128xf32, #tpu.memory_space<vmem>>
      %dma_start3A_80 = arith.constant 0 : i32
      %dma_start3A_81 = tpu.memref_slice %arg9[%dma_start3A, %dma_start3A_80] : memref<3x128xi32, #tpu.memory_space<vmem>> -> memref<1x64xi32, #tpu.memory_space<vmem>>
      %dma_start3A_82 = tpu.memref_squeeze %dma_start3A_81 : memref<1x64xi32, #tpu.memory_space<vmem>> -> memref<64xi32, #tpu.memory_space<vmem>>
      %dma_start3A_83 = arith.constant 0 : i32
      %dma_start3A_84 = arith.constant 0 : i32
      %dma_start3A_85 = tpu.memref_slice %arg2[%dma_start3A_83, %dma_start3A_84] : memref<10000x128xf32, #tpu.memory_space<hbm>> -> memref<10000x128xf32, #tpu.memory_space<hbm>>
      tpu.enqueue_indirect_dma source(%dma_start3A_85 : memref<10000x128xf32, #tpu.memory_space<hbm>>) target(%dma_start3A_79 : memref<64x128xf32, #tpu.memory_space<vmem>>) offsets(%dma_start3A_82 : memref<64xi32, #tpu.memory_space<vmem>>) semaphore(%arg11 : memref<!tpu.dma_semaphore, #tpu.memory_space<semaphore_mem>>)
      %dma_start3A_86 = arith.constant 0 : i32
      %dma_start3A_87 = arith.constant 64 : i32
      %dma_start3A_88 = arith.constant 0 : i32
      %dma_start3A_89 = tpu.memref_slice %arg6[%dma_start3A_87, %dma_start3A_88] : memref<128x128xf32, #tpu.memory_space<vmem>> -> memref<64x128xf32, #tpu.memory_space<vmem>>
      %dma_start3A_90 = arith.constant 64 : i32
      %dma_start3A_91 = tpu.memref_slice %arg9[%dma_start3A_86, %dma_start3A_90] : memref<3x128xi32, #tpu.memory_space<vmem>> -> memref<1x64xi32, #tpu.memory_space<vmem>>
      %dma_start3A_92 = tpu.memref_squeeze %dma_start3A_91 : memref<1x64xi32, #tpu.memory_space<vmem>> -> memref<64xi32, #tpu.memory_space<vmem>>
      %dma_start3A_93 = arith.constant 0 : i32
      %dma_start3A_94 = arith.constant 0 : i32
      %dma_start3A_95 = tpu.memref_slice %arg2[%dma_start3A_93, %dma_start3A_94] : memref<10000x128xf32, #tpu.memory_space<hbm>> -> memref<10000x128xf32, #tpu.memory_space<hbm>>
      tpu.enqueue_indirect_dma source(%dma_start3A_95 : memref<10000x128xf32, #tpu.memory_space<hbm>>) target(%dma_start3A_89 : memref<64x128xf32, #tpu.memory_space<vmem>>) offsets(%dma_start3A_92 : memref<64xi32, #tpu.memory_space<vmem>>) semaphore(%arg14 : memref<!tpu.dma_semaphore, #tpu.memory_space<semaphore_mem>>)
      %dma_wait3A_96 = arith.constant 0 : i32
      %dma_wait3A_97 = arith.constant 1 : i32
      %dma_wait3A_98 = arith.constant 0 : i32
      %dma_wait3A_99 = tpu.memref_slice %arg9[%dma_wait3A_97, %dma_wait3A_98] : memref<3x128xi32, #tpu.memory_space<vmem>> -> memref<1x128xi32, #tpu.memory_space<vmem>>
      %dma_wait3A_100 = tpu.memref_squeeze %dma_wait3A_99 : memref<1x128xi32, #tpu.memory_space<vmem>> -> memref<128xi32, #tpu.memory_space<vmem>>
      %dma_wait3A_101 = arith.constant 0 : i32
      %dma_wait3A_102 = tpu.memref_slice %arg3[%dma_wait3A_96, %dma_wait3A_101] : memref<2592x128xi32, #tpu.memory_space<hbm>> -> memref<1x128xi32, #tpu.memory_space<hbm>>
      %dma_wait3A_103 = tpu.memref_squeeze %dma_wait3A_102 : memref<1x128xi32, #tpu.memory_space<hbm>> -> memref<128xi32, #tpu.memory_space<hbm>>
      %dma_wait3A_104 = arith.constant 0 : i32
      %dma_wait3A_105 = tpu.memref_slice %arg9[%dma_wait3A_97, %dma_wait3A_104] : memref<3x128xi32, #tpu.memory_space<vmem>> -> memref<1x128xi32, #tpu.memory_space<vmem>>
      %dma_wait3A_106 = tpu.memref_squeeze %dma_wait3A_105 : memref<1x128xi32, #tpu.memory_space<vmem>> -> memref<128xi32, #tpu.memory_space<vmem>>
      %dma_wait3A_107 = arith.constant 0 : i32
      %dma_wait3A_108 = tpu.memref_slice %arg3[%dma_wait3A_96, %dma_wait3A_107] : memref<2592x128xi32, #tpu.memory_space<hbm>> -> memref<1x128xi32, #tpu.memory_space<hbm>>
      %dma_wait3A_109 = tpu.memref_squeeze %dma_wait3A_108 : memref<1x128xi32, #tpu.memory_space<hbm>> -> memref<128xi32, #tpu.memory_space<hbm>>
      tpu.wait_dma2 semaphore(%arg15 : memref<!tpu.dma_semaphore, #tpu.memory_space<semaphore_mem>>) src(%dma_wait3A_109 : memref<128xi32, #tpu.memory_space<hbm>>) dst(%dma_wait3A_106 : memref<128xi32, #tpu.memory_space<vmem>>)
      %dma_wait3A_110 = arith.constant 0 : i32
      %dma_wait3A_111 = arith.constant 0 : i32
      %dma_wait3A_112 = tpu.memref_slice %arg10[%while3A_36, %dma_wait3A_111] : memref<3x128xi32, #tpu.memory_space<vmem>> -> memref<1x128xi32, #tpu.memory_space<vmem>>
      %dma_wait3A_113 = tpu.memref_squeeze %dma_wait3A_112 : memref<1x128xi32, #tpu.memory_space<vmem>> -> memref<128xi32, #tpu.memory_space<vmem>>
      %dma_wait3A_114 = arith.constant 0 : i32
      %dma_wait3A_115 = tpu.memref_slice %arg3[%dma_wait3A_110, %dma_wait3A_114] : memref<2592x128xi32, #tpu.memory_space<hbm>> -> memref<1x128xi32, #tpu.memory_space<hbm>>
      %dma_wait3A_116 = tpu.memref_squeeze %dma_wait3A_115 : memref<1x128xi32, #tpu.memory_space<hbm>> -> memref<128xi32, #tpu.memory_space<hbm>>
      %dma_wait3A_117 = arith.constant 0 : i32
      %dma_wait3A_118 = tpu.memref_slice %arg10[%while3A_36, %dma_wait3A_117] : memref<3x128xi32, #tpu.memory_space<vmem>> -> memref<1x128xi32, #tpu.memory_space<vmem>>
      %dma_wait3A_119 = tpu.memref_squeeze %dma_wait3A_118 : memref<1x128xi32, #tpu.memory_space<vmem>> -> memref<128xi32, #tpu.memory_space<vmem>>
      %dma_wait3A_120 = arith.constant 0 : i32
      %dma_wait3A_121 = tpu.memref_slice %arg3[%dma_wait3A_110, %dma_wait3A_120] : memref<2592x128xi32, #tpu.memory_space<hbm>> -> memref<1x128xi32, #tpu.memory_space<hbm>>
      %dma_wait3A_122 = tpu.memref_squeeze %dma_wait3A_121 : memref<1x128xi32, #tpu.memory_space<hbm>> -> memref<128xi32, #tpu.memory_space<hbm>>
      tpu.wait_dma2 semaphore(%arg15 : memref<!tpu.dma_semaphore, #tpu.memory_space<semaphore_mem>>) src(%dma_wait3A_122 : memref<128xi32, #tpu.memory_space<hbm>>) dst(%dma_wait3A_119 : memref<128xi32, #tpu.memory_space<vmem>>)
      %dma_start3A_123 = arith.constant 1 : i32
      %dma_start3A_124 = arith.constant 0 : i32
      %dma_start3A_125 = arith.constant 0 : i32
      %dma_start3A_126 = tpu.memref_slice %arg7[%dma_start3A_124, %dma_start3A_125] : memref<128x128xf32, #tpu.memory_space<vmem>> -> memref<64x128xf32, #tpu.memory_space<vmem>>
      %dma_start3A_127 = arith.constant 0 : i32
      %dma_start3A_128 = tpu.memref_slice %arg9[%dma_start3A_123, %dma_start3A_127] : memref<3x128xi32, #tpu.memory_space<vmem>> -> memref<1x64xi32, #tpu.memory_space<vmem>>
      %dma_start3A_129 = tpu.memref_squeeze %dma_start3A_128 : memref<1x64xi32, #tpu.memory_space<vmem>> -> memref<64xi32, #tpu.memory_space<vmem>>
      %dma_start3A_130 = arith.constant 0 : i32
      %dma_start3A_131 = arith.constant 0 : i32
      %dma_start3A_132 = tpu.memref_slice %arg2[%dma_start3A_130, %dma_start3A_131] : memref<10000x128xf32, #tpu.memory_space<hbm>> -> memref<10000x128xf32, #tpu.memory_space<hbm>>
      tpu.enqueue_indirect_dma source(%dma_start3A_132 : memref<10000x128xf32, #tpu.memory_space<hbm>>) target(%dma_start3A_126 : memref<64x128xf32, #tpu.memory_space<vmem>>) offsets(%dma_start3A_129 : memref<64xi32, #tpu.memory_space<vmem>>) semaphore(%arg12 : memref<!tpu.dma_semaphore, #tpu.memory_space<semaphore_mem>>)
      %dma_start3A_133 = arith.constant 1 : i32
      %dma_start3A_134 = arith.constant 64 : i32
      %dma_start3A_135 = arith.constant 0 : i32
      %dma_start3A_136 = tpu.memref_slice %arg7[%dma_start3A_134, %dma_start3A_135] : memref<128x128xf32, #tpu.memory_space<vmem>> -> memref<64x128xf32, #tpu.memory_space<vmem>>
      %dma_start3A_137 = arith.constant 64 : i32
      %dma_start3A_138 = tpu.memref_slice %arg9[%dma_start3A_133, %dma_start3A_137] : memref<3x128xi32, #tpu.memory_space<vmem>> -> memref<1x64xi32, #tpu.memory_space<vmem>>
      %dma_start3A_139 = tpu.memref_squeeze %dma_start3A_138 : memref<1x64xi32, #tpu.memory_space<vmem>> -> memref<64xi32, #tpu.memory_space<vmem>>
      %dma_start3A_140 = arith.constant 0 : i32
      %dma_start3A_141 = arith.constant 0 : i32
      %dma_start3A_142 = tpu.memref_slice %arg2[%dma_start3A_140, %dma_start3A_141] : memref<10000x128xf32, #tpu.memory_space<hbm>> -> memref<10000x128xf32, #tpu.memory_space<hbm>>
      tpu.enqueue_indirect_dma source(%dma_start3A_142 : memref<10000x128xf32, #tpu.memory_space<hbm>>) target(%dma_start3A_136 : memref<64x128xf32, #tpu.memory_space<vmem>>) offsets(%dma_start3A_139 : memref<64xi32, #tpu.memory_space<vmem>>) semaphore(%arg15 : memref<!tpu.dma_semaphore, #tpu.memory_space<semaphore_mem>>)
      %dma_wait3A_143 = arith.constant 0 : i32
      %dma_wait3A_144 = arith.constant 2 : i32
      %dma_wait3A_145 = arith.constant 0 : i32
      %dma_wait3A_146 = tpu.memref_slice %arg9[%dma_wait3A_144, %dma_wait3A_145] : memref<3x128xi32, #tpu.memory_space<vmem>> -> memref<1x128xi32, #tpu.memory_space<vmem>>
      %dma_wait3A_147 = tpu.memref_squeeze %dma_wait3A_146 : memref<1x128xi32, #tpu.memory_space<vmem>> -> memref<128xi32, #tpu.memory_space<vmem>>
      %dma_wait3A_148 = arith.constant 0 : i32
      %dma_wait3A_149 = tpu.memref_slice %arg3[%dma_wait3A_143, %dma_wait3A_148] : memref<2592x128xi32, #tpu.memory_space<hbm>> -> memref<1x128xi32, #tpu.memory_space<hbm>>
      %dma_wait3A_150 = tpu.memref_squeeze %dma_wait3A_149 : memref<1x128xi32, #tpu.memory_space<hbm>> -> memref<128xi32, #tpu.memory_space<hbm>>
      %dma_wait3A_151 = arith.constant 0 : i32
      %dma_wait3A_152 = tpu.memref_slice %arg9[%dma_wait3A_144, %dma_wait3A_151] : memref<3x128xi32, #tpu.memory_space<vmem>> -> memref<1x128xi32, #tpu.memory_space<vmem>>
      %dma_wait3A_153 = tpu.memref_squeeze %dma_wait3A_152 : memref<1x128xi32, #tpu.memory_space<vmem>> -> memref<128xi32, #tpu.memory_space<vmem>>
      %dma_wait3A_154 = arith.constant 0 : i32
      %dma_wait3A_155 = tpu.memref_slice %arg3[%dma_wait3A_143, %dma_wait3A_154] : memref<2592x128xi32, #tpu.memory_space<hbm>> -> memref<1x128xi32, #tpu.memory_space<hbm>>
      %dma_wait3A_156 = tpu.memref_squeeze %dma_wait3A_155 : memref<1x128xi32, #tpu.memory_space<hbm>> -> memref<128xi32, #tpu.memory_space<hbm>>
      tpu.wait_dma2 semaphore(%arg16 : memref<!tpu.dma_semaphore, #tpu.memory_space<semaphore_mem>>) src(%dma_wait3A_156 : memref<128xi32, #tpu.memory_space<hbm>>) dst(%dma_wait3A_153 : memref<128xi32, #tpu.memory_space<vmem>>)
      %dma_wait3A_157 = arith.constant 0 : i32
      %dma_wait3A_158 = arith.constant 0 : i32
      %dma_wait3A_159 = tpu.memref_slice %arg10[%while3A_37, %dma_wait3A_158] : memref<3x128xi32, #tpu.memory_space<vmem>> -> memref<1x128xi32, #tpu.memory_space<vmem>>
      %dma_wait3A_160 = tpu.memref_squeeze %dma_wait3A_159 : memref<1x128xi32, #tpu.memory_space<vmem>> -> memref<128xi32, #tpu.memory_space<vmem>>
      %dma_wait3A_161 = arith.constant 0 : i32
      %dma_wait3A_162 = tpu.memref_slice %arg3[%dma_wait3A_157, %dma_wait3A_161] : memref<2592x128xi32, #tpu.memory_space<hbm>> -> memref<1x128xi32, #tpu.memory_space<hbm>>
      %dma_wait3A_163 = tpu.memref_squeeze %dma_wait3A_162 : memref<1x128xi32, #tpu.memory_space<hbm>> -> memref<128xi32, #tpu.memory_space<hbm>>
      %dma_wait3A_164 = arith.constant 0 : i32
      %dma_wait3A_165 = tpu.memref_slice %arg10[%while3A_37, %dma_wait3A_164] : memref<3x128xi32, #tpu.memory_space<vmem>> -> memref<1x128xi32, #tpu.memory_space<vmem>>
      %dma_wait3A_166 = tpu.memref_squeeze %dma_wait3A_165 : memref<1x128xi32, #tpu.memory_space<vmem>> -> memref<128xi32, #tpu.memory_space<vmem>>
      %dma_wait3A_167 = arith.constant 0 : i32
      %dma_wait3A_168 = tpu.memref_slice %arg3[%dma_wait3A_157, %dma_wait3A_167] : memref<2592x128xi32, #tpu.memory_space<hbm>> -> memref<1x128xi32, #tpu.memory_space<hbm>>
      %dma_wait3A_169 = tpu.memref_squeeze %dma_wait3A_168 : memref<1x128xi32, #tpu.memory_space<hbm>> -> memref<128xi32, #tpu.memory_space<hbm>>
      tpu.wait_dma2 semaphore(%arg16 : memref<!tpu.dma_semaphore, #tpu.memory_space<semaphore_mem>>) src(%dma_wait3A_169 : memref<128xi32, #tpu.memory_space<hbm>>) dst(%dma_wait3A_166 : memref<128xi32, #tpu.memory_space<vmem>>)
      %dma_start3A_170 = arith.constant 2 : i32
      %dma_start3A_171 = arith.constant 0 : i32
      %dma_start3A_172 = arith.constant 0 : i32
      %dma_start3A_173 = tpu.memref_slice %arg8[%dma_start3A_171, %dma_start3A_172] : memref<128x128xf32, #tpu.memory_space<vmem>> -> memref<64x128xf32, #tpu.memory_space<vmem>>
      %dma_start3A_174 = arith.constant 0 : i32
      %dma_start3A_175 = tpu.memref_slice %arg9[%dma_start3A_170, %dma_start3A_174] : memref<3x128xi32, #tpu.memory_space<vmem>> -> memref<1x64xi32, #tpu.memory_space<vmem>>
      %dma_start3A_176 = tpu.memref_squeeze %dma_start3A_175 : memref<1x64xi32, #tpu.memory_space<vmem>> -> memref<64xi32, #tpu.memory_space<vmem>>
      %dma_start3A_177 = arith.constant 0 : i32
      %dma_start3A_178 = arith.constant 0 : i32
      %dma_start3A_179 = tpu.memref_slice %arg2[%dma_start3A_177, %dma_start3A_178] : memref<10000x128xf32, #tpu.memory_space<hbm>> -> memref<10000x128xf32, #tpu.memory_space<hbm>>
      tpu.enqueue_indirect_dma source(%dma_start3A_179 : memref<10000x128xf32, #tpu.memory_space<hbm>>) target(%dma_start3A_173 : memref<64x128xf32, #tpu.memory_space<vmem>>) offsets(%dma_start3A_176 : memref<64xi32, #tpu.memory_space<vmem>>) semaphore(%arg13 : memref<!tpu.dma_semaphore, #tpu.memory_space<semaphore_mem>>)
      %dma_start3A_180 = arith.constant 2 : i32
      %dma_start3A_181 = arith.constant 64 : i32
      %dma_start3A_182 = arith.constant 0 : i32
      %dma_start3A_183 = tpu.memref_slice %arg8[%dma_start3A_181, %dma_start3A_182] : memref<128x128xf32, #tpu.memory_space<vmem>> -> memref<64x128xf32, #tpu.memory_space<vmem>>
      %dma_start3A_184 = arith.constant 64 : i32
      %dma_start3A_185 = tpu.memref_slice %arg9[%dma_start3A_180, %dma_start3A_184] : memref<3x128xi32, #tpu.memory_space<vmem>> -> memref<1x64xi32, #tpu.memory_space<vmem>>
      %dma_start3A_186 = tpu.memref_squeeze %dma_start3A_185 : memref<1x64xi32, #tpu.memory_space<vmem>> -> memref<64xi32, #tpu.memory_space<vmem>>
      %dma_start3A_187 = arith.constant 0 : i32
      %dma_start3A_188 = arith.constant 0 : i32
      %dma_start3A_189 = tpu.memref_slice %arg2[%dma_start3A_187, %dma_start3A_188] : memref<10000x128xf32, #tpu.memory_space<hbm>> -> memref<10000x128xf32, #tpu.memory_space<hbm>>
      tpu.enqueue_indirect_dma source(%dma_start3A_189 : memref<10000x128xf32, #tpu.memory_space<hbm>>) target(%dma_start3A_183 : memref<64x128xf32, #tpu.memory_space<vmem>>) offsets(%dma_start3A_186 : memref<64xi32, #tpu.memory_space<vmem>>) semaphore(%arg16 : memref<!tpu.dma_semaphore, #tpu.memory_space<semaphore_mem>>)
      %dma_wait3A_190 = arith.constant 0 : i32
      %dma_wait3A_191 = arith.constant 0 : i32
      %dma_wait3A_192 = arith.constant 0 : i32
      %dma_wait3A_193 = tpu.memref_slice %arg6[%dma_wait3A_191, %dma_wait3A_192] : memref<128x128xf32, #tpu.memory_space<vmem>> -> memref<64x128xf32, #tpu.memory_space<vmem>>
      %dma_wait3A_194 = arith.constant 0 : i32
      %dma_wait3A_195 = tpu.memref_slice %arg9[%dma_wait3A_190, %dma_wait3A_194] : memref<3x128xi32, #tpu.memory_space<vmem>> -> memref<1x64xi32, #tpu.memory_space<vmem>>
      %dma_wait3A_196 = tpu.memref_squeeze %dma_wait3A_195 : memref<1x64xi32, #tpu.memory_space<vmem>> -> memref<64xi32, #tpu.memory_space<vmem>>
      %dma_wait3A_197 = arith.constant 0 : i32
      %dma_wait3A_198 = arith.constant 0 : i32
      %dma_wait3A_199 = tpu.memref_slice %arg2[%dma_wait3A_197, %dma_wait3A_198] : memref<10000x128xf32, #tpu.memory_space<hbm>> -> memref<10000x128xf32, #tpu.memory_space<hbm>>
      tpu.wait_indirect_dma semaphore(%arg11 : memref<!tpu.dma_semaphore, #tpu.memory_space<semaphore_mem>>) src(%dma_wait3A_199 : memref<10000x128xf32, #tpu.memory_space<hbm>>) dst(%dma_wait3A_193 : memref<64x128xf32, #tpu.memory_space<vmem>>)
      %dma_wait3A_200 = arith.constant 0 : i32
      %dma_wait3A_201 = arith.constant 64 : i32
      %dma_wait3A_202 = arith.constant 0 : i32
      %dma_wait3A_203 = tpu.memref_slice %arg6[%dma_wait3A_201, %dma_wait3A_202] : memref<128x128xf32, #tpu.memory_space<vmem>> -> memref<64x128xf32, #tpu.memory_space<vmem>>
      %dma_wait3A_204 = arith.constant 0 : i32
      %dma_wait3A_205 = tpu.memref_slice %arg9[%dma_wait3A_200, %dma_wait3A_204] : memref<3x128xi32, #tpu.memory_space<vmem>> -> memref<1x64xi32, #tpu.memory_space<vmem>>
      %dma_wait3A_206 = tpu.memref_squeeze %dma_wait3A_205 : memref<1x64xi32, #tpu.memory_space<vmem>> -> memref<64xi32, #tpu.memory_space<vmem>>
      %dma_wait3A_207 = arith.constant 0 : i32
      %dma_wait3A_208 = arith.constant 0 : i32
      %dma_wait3A_209 = tpu.memref_slice %arg2[%dma_wait3A_207, %dma_wait3A_208] : memref<10000x128xf32, #tpu.memory_space<hbm>> -> memref<10000x128xf32, #tpu.memory_space<hbm>>
      tpu.wait_indirect_dma semaphore(%arg14 : memref<!tpu.dma_semaphore, #tpu.memory_space<semaphore_mem>>) src(%dma_wait3A_209 : memref<10000x128xf32, #tpu.memory_space<hbm>>) dst(%dma_wait3A_203 : memref<64x128xf32, #tpu.memory_space<vmem>>)
      %dma_start3A_210 = arith.constant 0 : i32
      %dma_start3A_211 = tpu.memref_slice %arg10[%while3A_35, %dma_start3A_210] : memref<3x128xi32, #tpu.memory_space<vmem>> -> memref<1x128xi32, #tpu.memory_space<vmem>>
      %dma_start3A_212 = tpu.memref_squeeze %dma_start3A_211 : memref<1x128xi32, #tpu.memory_space<vmem>> -> memref<128xi32, #tpu.memory_space<vmem>>
      %dma_start3A_213 = arith.constant 0 : i32
      %dma_start3A_214 = arith.constant 0 : i32
      %dma_start3A_215 = tpu.memref_slice %arg17[%dma_start3A_213, %dma_start3A_214] : memref<10112x128xf32, #tpu.memory_space<vmem_shared>> -> memref<10112x128xf32, #tpu.memory_space<vmem_shared>>
      tpu.enqueue_indirect_dma source(%arg6 : memref<128x128xf32, #tpu.memory_space<vmem>>) target(%dma_start3A_215 : memref<10112x128xf32, #tpu.memory_space<vmem_shared>>) offsets(%dma_start3A_212 : memref<128xi32, #tpu.memory_space<vmem>>) semaphore(%arg11 : memref<!tpu.dma_semaphore, #tpu.memory_space<semaphore_mem>>) {add = true}
      %dma_wait3A_216 = arith.constant 1 : i32
      %dma_wait3A_217 = arith.constant 0 : i32
      %dma_wait3A_218 = arith.constant 0 : i32
      %dma_wait3A_219 = tpu.memref_slice %arg7[%dma_wait3A_217, %dma_wait3A_218] : memref<128x128xf32, #tpu.memory_space<vmem>> -> memref<64x128xf32, #tpu.memory_space<vmem>>
      %dma_wait3A_220 = arith.constant 0 : i32
      %dma_wait3A_221 = tpu.memref_slice %arg9[%dma_wait3A_216, %dma_wait3A_220] : memref<3x128xi32, #tpu.memory_space<vmem>> -> memref<1x64xi32, #tpu.memory_space<vmem>>
      %dma_wait3A_222 = tpu.memref_squeeze %dma_wait3A_221 : memref<1x64xi32, #tpu.memory_space<vmem>> -> memref<64xi32, #tpu.memory_space<vmem>>
      %dma_wait3A_223 = arith.constant 0 : i32
      %dma_wait3A_224 = arith.constant 0 : i32
      %dma_wait3A_225 = tpu.memref_slice %arg2[%dma_wait3A_223, %dma_wait3A_224] : memref<10000x128xf32, #tpu.memory_space<hbm>> -> memref<10000x128xf32, #tpu.memory_space<hbm>>
      tpu.wait_indirect_dma semaphore(%arg12 : memref<!tpu.dma_semaphore, #tpu.memory_space<semaphore_mem>>) src(%dma_wait3A_225 : memref<10000x128xf32, #tpu.memory_space<hbm>>) dst(%dma_wait3A_219 : memref<64x128xf32, #tpu.memory_space<vmem>>)
      %dma_wait3A_226 = arith.constant 1 : i32
      %dma_wait3A_227 = arith.constant 64 : i32
      %dma_wait3A_228 = arith.constant 0 : i32
      %dma_wait3A_229 = tpu.memref_slice %arg7[%dma_wait3A_227, %dma_wait3A_228] : memref<128x128xf32, #tpu.memory_space<vmem>> -> memref<64x128xf32, #tpu.memory_space<vmem>>
      %dma_wait3A_230 = arith.constant 0 : i32
      %dma_wait3A_231 = tpu.memref_slice %arg9[%dma_wait3A_226, %dma_wait3A_230] : memref<3x128xi32, #tpu.memory_space<vmem>> -> memref<1x64xi32, #tpu.memory_space<vmem>>
      %dma_wait3A_232 = tpu.memref_squeeze %dma_wait3A_231 : memref<1x64xi32, #tpu.memory_space<vmem>> -> memref<64xi32, #tpu.memory_space<vmem>>
      %dma_wait3A_233 = arith.constant 0 : i32
      %dma_wait3A_234 = arith.constant 0 : i32
      %dma_wait3A_235 = tpu.memref_slice %arg2[%dma_wait3A_233, %dma_wait3A_234] : memref<10000x128xf32, #tpu.memory_space<hbm>> -> memref<10000x128xf32, #tpu.memory_space<hbm>>
      tpu.wait_indirect_dma semaphore(%arg15 : memref<!tpu.dma_semaphore, #tpu.memory_space<semaphore_mem>>) src(%dma_wait3A_235 : memref<10000x128xf32, #tpu.memory_space<hbm>>) dst(%dma_wait3A_229 : memref<64x128xf32, #tpu.memory_space<vmem>>)
      %dma_start3A_236 = arith.constant 0 : i32
      %dma_start3A_237 = tpu.memref_slice %arg10[%while3A_36, %dma_start3A_236] : memref<3x128xi32, #tpu.memory_space<vmem>> -> memref<1x128xi32, #tpu.memory_space<vmem>>
      %dma_start3A_238 = tpu.memref_squeeze %dma_start3A_237 : memref<1x128xi32, #tpu.memory_space<vmem>> -> memref<128xi32, #tpu.memory_space<vmem>>
      %dma_start3A_239 = arith.constant 0 : i32
      %dma_start3A_240 = arith.constant 0 : i32
      %dma_start3A_241 = tpu.memref_slice %arg17[%dma_start3A_239, %dma_start3A_240] : memref<10112x128xf32, #tpu.memory_space<vmem_shared>> -> memref<10112x128xf32, #tpu.memory_space<vmem_shared>>
      tpu.enqueue_indirect_dma source(%arg7 : memref<128x128xf32, #tpu.memory_space<vmem>>) target(%dma_start3A_241 : memref<10112x128xf32, #tpu.memory_space<vmem_shared>>) offsets(%dma_start3A_238 : memref<128xi32, #tpu.memory_space<vmem>>) semaphore(%arg12 : memref<!tpu.dma_semaphore, #tpu.memory_space<semaphore_mem>>) {add = true}
      %dma_wait3A_242 = arith.constant 2 : i32
      %dma_wait3A_243 = arith.constant 0 : i32
      %dma_wait3A_244 = arith.constant 0 : i32
      %dma_wait3A_245 = tpu.memref_slice %arg8[%dma_wait3A_243, %dma_wait3A_244] : memref<128x128xf32, #tpu.memory_space<vmem>> -> memref<64x128xf32, #tpu.memory_space<vmem>>
      %dma_wait3A_246 = arith.constant 0 : i32
      %dma_wait3A_247 = tpu.memref_slice %arg9[%dma_wait3A_242, %dma_wait3A_246] : memref<3x128xi32, #tpu.memory_space<vmem>> -> memref<1x64xi32, #tpu.memory_space<vmem>>
      %dma_wait3A_248 = tpu.memref_squeeze %dma_wait3A_247 : memref<1x64xi32, #tpu.memory_space<vmem>> -> memref<64xi32, #tpu.memory_space<vmem>>
      %dma_wait3A_249 = arith.constant 0 : i32
      %dma_wait3A_250 = arith.constant 0 : i32
      %dma_wait3A_251 = tpu.memref_slice %arg2[%dma_wait3A_249, %dma_wait3A_250] : memref<10000x128xf32, #tpu.memory_space<hbm>> -> memref<10000x128xf32, #tpu.memory_space<hbm>>
      tpu.wait_indirect_dma semaphore(%arg13 : memref<!tpu.dma_semaphore, #tpu.memory_space<semaphore_mem>>) src(%dma_wait3A_251 : memref<10000x128xf32, #tpu.memory_space<hbm>>) dst(%dma_wait3A_245 : memref<64x128xf32, #tpu.memory_space<vmem>>)
      %dma_wait3A_252 = arith.constant 2 : i32
      %dma_wait3A_253 = arith.constant 64 : i32
      %dma_wait3A_254 = arith.constant 0 : i32
      %dma_wait3A_255 = tpu.memref_slice %arg8[%dma_wait3A_253, %dma_wait3A_254] : memref<128x128xf32, #tpu.memory_space<vmem>> -> memref<64x128xf32, #tpu.memory_space<vmem>>
      %dma_wait3A_256 = arith.constant 0 : i32
      %dma_wait3A_257 = tpu.memref_slice %arg9[%dma_wait3A_252, %dma_wait3A_256] : memref<3x128xi32, #tpu.memory_space<vmem>> -> memref<1x64xi32, #tpu.memory_space<vmem>>
      %dma_wait3A_258 = tpu.memref_squeeze %dma_wait3A_257 : memref<1x64xi32, #tpu.memory_space<vmem>> -> memref<64xi32, #tpu.memory_space<vmem>>
      %dma_wait3A_259 = arith.constant 0 : i32
      %dma_wait3A_260 = arith.constant 0 : i32
      %dma_wait3A_261 = tpu.memref_slice %arg2[%dma_wait3A_259, %dma_wait3A_260] : memref<10000x128xf32, #tpu.memory_space<hbm>> -> memref<10000x128xf32, #tpu.memory_space<hbm>>
      tpu.wait_indirect_dma semaphore(%arg16 : memref<!tpu.dma_semaphore, #tpu.memory_space<semaphore_mem>>) src(%dma_wait3A_261 : memref<10000x128xf32, #tpu.memory_space<hbm>>) dst(%dma_wait3A_255 : memref<64x128xf32, #tpu.memory_space<vmem>>)
      %dma_start3A_262 = arith.constant 0 : i32
      %dma_start3A_263 = tpu.memref_slice %arg10[%while3A_37, %dma_start3A_262] : memref<3x128xi32, #tpu.memory_space<vmem>> -> memref<1x128xi32, #tpu.memory_space<vmem>>
      %dma_start3A_264 = tpu.memref_squeeze %dma_start3A_263 : memref<1x128xi32, #tpu.memory_space<vmem>> -> memref<128xi32, #tpu.memory_space<vmem>>
      %dma_start3A_265 = arith.constant 0 : i32
      %dma_start3A_266 = arith.constant 0 : i32
      %dma_start3A_267 = tpu.memref_slice %arg17[%dma_start3A_265, %dma_start3A_266] : memref<10112x128xf32, #tpu.memory_space<vmem_shared>> -> memref<10112x128xf32, #tpu.memory_space<vmem_shared>>
      tpu.enqueue_indirect_dma source(%arg8 : memref<128x128xf32, #tpu.memory_space<vmem>>) target(%dma_start3A_267 : memref<10112x128xf32, #tpu.memory_space<vmem_shared>>) offsets(%dma_start3A_264 : memref<128xi32, #tpu.memory_space<vmem>>) semaphore(%arg13 : memref<!tpu.dma_semaphore, #tpu.memory_space<semaphore_mem>>) {add = true}
      %dma_wait3A_268 = arith.constant 0 : i32
      %dma_wait3A_269 = tpu.memref_slice %arg10[%while3A_35, %dma_wait3A_268] : memref<3x128xi32, #tpu.memory_space<vmem>> -> memref<1x128xi32, #tpu.memory_space<vmem>>
      %dma_wait3A_270 = tpu.memref_squeeze %dma_wait3A_269 : memref<1x128xi32, #tpu.memory_space<vmem>> -> memref<128xi32, #tpu.memory_space<vmem>>
      %dma_wait3A_271 = arith.constant 0 : i32
      %dma_wait3A_272 = arith.constant 0 : i32
      %dma_wait3A_273 = tpu.memref_slice %arg17[%dma_wait3A_271, %dma_wait3A_272] : memref<10112x128xf32, #tpu.memory_space<vmem_shared>> -> memref<10112x128xf32, #tpu.memory_space<vmem_shared>>
      tpu.wait_indirect_dma semaphore(%arg11 : memref<!tpu.dma_semaphore, #tpu.memory_space<semaphore_mem>>) src(%arg6 : memref<128x128xf32, #tpu.memory_space<vmem>>) dst(%dma_wait3A_273 : memref<10112x128xf32, #tpu.memory_space<vmem_shared>>)
      %sub3A_274 = arith.constant 1 : i32
      %sub3A_275 = arith.subi %select_n3A_22, %sub3A_274 : i32
      %lt3A = arith.cmpi slt, %add3A_50, %sub3A_275 : i32
      %convert_element_type3A_276 = arith.extui %lt3A : i1 to i32
      %cond3A_277 = arith.constant 0 : i32
      %cond3A_278 = arith.cmpi ne, %convert_element_type3A_276, %cond3A_277 : i32
      scf.if %cond3A_278 {
        %add3A_303 = arith.constant 1 : i32
        %add3A_304 = arith.addi %add3A_50, %add3A_303 : i32
        %mul3A_305 = arith.constant 3 : i32
        %mul3A_306 = arith.muli %add3A_304, %mul3A_305 : i32
        %add3A_307 = arith.constant 0 : i32
        %add3A_308 = arith.addi %mul3A_306, %add3A_307 : i32
        %add3A_309 = arith.addi %select_n3A, %add3A_308 : i32
        %dma_start3A_310 = arith.constant 0 : i32
        %dma_start3A_311 = arith.constant 0 : i32
        %dma_start3A_312 = tpu.memref_slice %arg9[%dma_start3A_310, %dma_start3A_311] : memref<3x128xi32, #tpu.memory_space<vmem>> -> memref<1x128xi32, #tpu.memory_space<vmem>>
        %dma_start3A_313 = tpu.memref_squeeze %dma_start3A_312 : memref<1x128xi32, #tpu.memory_space<vmem>> -> memref<128xi32, #tpu.memory_space<vmem>>
        %dma_start3A_314 = arith.constant 0 : i32
        %dma_start3A_315 = tpu.memref_slice %arg3[%add3A_309, %dma_start3A_314] : memref<2592x128xi32, #tpu.memory_space<hbm>> -> memref<1x128xi32, #tpu.memory_space<hbm>>
        %dma_start3A_316 = tpu.memref_squeeze %dma_start3A_315 : memref<1x128xi32, #tpu.memory_space<hbm>> -> memref<128xi32, #tpu.memory_space<hbm>>
        %dma_start3A_317 = arith.constant 0 : i32
        %dma_start3A_318 = tpu.memref_slice %arg9[%dma_start3A_310, %dma_start3A_317] : memref<3x128xi32, #tpu.memory_space<vmem>> -> memref<1x128xi32, #tpu.memory_space<vmem>>
        %dma_start3A_319 = tpu.memref_squeeze %dma_start3A_318 : memref<1x128xi32, #tpu.memory_space<vmem>> -> memref<128xi32, #tpu.memory_space<vmem>>
        %dma_start3A_320 = arith.constant 0 : i32
        %dma_start3A_321 = tpu.memref_slice %arg3[%add3A_309, %dma_start3A_320] : memref<2592x128xi32, #tpu.memory_space<hbm>> -> memref<1x128xi32, #tpu.memory_space<hbm>>
        %dma_start3A_322 = tpu.memref_squeeze %dma_start3A_321 : memref<1x128xi32, #tpu.memory_space<hbm>> -> memref<128xi32, #tpu.memory_space<hbm>>
        tpu.enqueue_dma source(%dma_start3A_322 : memref<128xi32, #tpu.memory_space<hbm>>) target(%dma_start3A_319 : memref<128xi32, #tpu.memory_space<vmem>>) target_semaphore(%arg14 : memref<!tpu.dma_semaphore, #tpu.memory_space<semaphore_mem>>)
        %add3A_323 = arith.addi %select_n3A, %add3A_308 : i32
        %dma_start3A_324 = arith.constant 0 : i32
        %dma_start3A_325 = tpu.memref_slice %arg10[%while3A_35, %dma_start3A_324] : memref<3x128xi32, #tpu.memory_space<vmem>> -> memref<1x128xi32, #tpu.memory_space<vmem>>
        %dma_start3A_326 = tpu.memref_squeeze %dma_start3A_325 : memref<1x128xi32, #tpu.memory_space<vmem>> -> memref<128xi32, #tpu.memory_space<vmem>>
        %dma_start3A_327 = arith.constant 0 : i32
        %dma_start3A_328 = tpu.memref_slice %arg4[%add3A_323, %dma_start3A_327] : memref<2592x128xi32, #tpu.memory_space<hbm>> -> memref<1x128xi32, #tpu.memory_space<hbm>>
        %dma_start3A_329 = tpu.memref_squeeze %dma_start3A_328 : memref<1x128xi32, #tpu.memory_space<hbm>> -> memref<128xi32, #tpu.memory_space<hbm>>
        %dma_start3A_330 = arith.constant 0 : i32
        %dma_start3A_331 = tpu.memref_slice %arg10[%while3A_35, %dma_start3A_330] : memref<3x128xi32, #tpu.memory_space<vmem>> -> memref<1x128xi32, #tpu.memory_space<vmem>>
        %dma_start3A_332 = tpu.memref_squeeze %dma_start3A_331 : memref<1x128xi32, #tpu.memory_space<vmem>> -> memref<128xi32, #tpu.memory_space<vmem>>
        %dma_start3A_333 = arith.constant 0 : i32
        %dma_start3A_334 = tpu.memref_slice %arg4[%add3A_323, %dma_start3A_333] : memref<2592x128xi32, #tpu.memory_space<hbm>> -> memref<1x128xi32, #tpu.memory_space<hbm>>
        %dma_start3A_335 = tpu.memref_squeeze %dma_start3A_334 : memref<1x128xi32, #tpu.memory_space<hbm>> -> memref<128xi32, #tpu.memory_space<hbm>>
        tpu.enqueue_dma source(%dma_start3A_335 : memref<128xi32, #tpu.memory_space<hbm>>) target(%dma_start3A_332 : memref<128xi32, #tpu.memory_space<vmem>>) target_semaphore(%arg14 : memref<!tpu.dma_semaphore, #tpu.memory_space<semaphore_mem>>)
      } else {
      }
      %dma_wait3A_279 = arith.constant 0 : i32
      %dma_wait3A_280 = tpu.memref_slice %arg10[%while3A_36, %dma_wait3A_279] : memref<3x128xi32, #tpu.memory_space<vmem>> -> memref<1x128xi32, #tpu.memory_space<vmem>>
      %dma_wait3A_281 = tpu.memref_squeeze %dma_wait3A_280 : memref<1x128xi32, #tpu.memory_space<vmem>> -> memref<128xi32, #tpu.memory_space<vmem>>
      %dma_wait3A_282 = arith.constant 0 : i32
      %dma_wait3A_283 = arith.constant 0 : i32
      %dma_wait3A_284 = tpu.memref_slice %arg17[%dma_wait3A_282, %dma_wait3A_283] : memref<10112x128xf32, #tpu.memory_space<vmem_shared>> -> memref<10112x128xf32, #tpu.memory_space<vmem_shared>>
      tpu.wait_indirect_dma semaphore(%arg12 : memref<!tpu.dma_semaphore, #tpu.memory_space<semaphore_mem>>) src(%arg7 : memref<128x128xf32, #tpu.memory_space<vmem>>) dst(%dma_wait3A_284 : memref<10112x128xf32, #tpu.memory_space<vmem_shared>>)
      %sub3A_285 = arith.constant 1 : i32
      %sub3A_286 = arith.subi %select_n3A_22, %sub3A_285 : i32
      %lt3A_287 = arith.cmpi slt, %add3A_50, %sub3A_286 : i32
      %convert_element_type3A_288 = arith.extui %lt3A_287 : i1 to i32
      %cond3A_289 = arith.constant 0 : i32
      %cond3A_290 = arith.cmpi ne, %convert_element_type3A_288, %cond3A_289 : i32
      scf.if %cond3A_290 {
        %add3A_303 = arith.constant 1 : i32
        %add3A_304 = arith.addi %add3A_50, %add3A_303 : i32
        %mul3A_305 = arith.constant 3 : i32
        %mul3A_306 = arith.muli %add3A_304, %mul3A_305 : i32
        %add3A_307 = arith.constant 1 : i32
        %add3A_308 = arith.addi %mul3A_306, %add3A_307 : i32
        %add3A_309 = arith.addi %select_n3A, %add3A_308 : i32
        %dma_start3A_310 = arith.constant 1 : i32
        %dma_start3A_311 = arith.constant 0 : i32
        %dma_start3A_312 = tpu.memref_slice %arg9[%dma_start3A_310, %dma_start3A_311] : memref<3x128xi32, #tpu.memory_space<vmem>> -> memref<1x128xi32, #tpu.memory_space<vmem>>
        %dma_start3A_313 = tpu.memref_squeeze %dma_start3A_312 : memref<1x128xi32, #tpu.memory_space<vmem>> -> memref<128xi32, #tpu.memory_space<vmem>>
        %dma_start3A_314 = arith.constant 0 : i32
        %dma_start3A_315 = tpu.memref_slice %arg3[%add3A_309, %dma_start3A_314] : memref<2592x128xi32, #tpu.memory_space<hbm>> -> memref<1x128xi32, #tpu.memory_space<hbm>>
        %dma_start3A_316 = tpu.memref_squeeze %dma_start3A_315 : memref<1x128xi32, #tpu.memory_space<hbm>> -> memref<128xi32, #tpu.memory_space<hbm>>
        %dma_start3A_317 = arith.constant 0 : i32
        %dma_start3A_318 = tpu.memref_slice %arg9[%dma_start3A_310, %dma_start3A_317] : memref<3x128xi32, #tpu.memory_space<vmem>> -> memref<1x128xi32, #tpu.memory_space<vmem>>
        %dma_start3A_319 = tpu.memref_squeeze %dma_start3A_318 : memref<1x128xi32, #tpu.memory_space<vmem>> -> memref<128xi32, #tpu.memory_space<vmem>>
        %dma_start3A_320 = arith.constant 0 : i32
        %dma_start3A_321 = tpu.memref_slice %arg3[%add3A_309, %dma_start3A_320] : memref<2592x128xi32, #tpu.memory_space<hbm>> -> memref<1x128xi32, #tpu.memory_space<hbm>>
        %dma_start3A_322 = tpu.memref_squeeze %dma_start3A_321 : memref<1x128xi32, #tpu.memory_space<hbm>> -> memref<128xi32, #tpu.memory_space<hbm>>
        tpu.enqueue_dma source(%dma_start3A_322 : memref<128xi32, #tpu.memory_space<hbm>>) target(%dma_start3A_319 : memref<128xi32, #tpu.memory_space<vmem>>) target_semaphore(%arg15 : memref<!tpu.dma_semaphore, #tpu.memory_space<semaphore_mem>>)
        %add3A_323 = arith.addi %select_n3A, %add3A_308 : i32
        %dma_start3A_324 = arith.constant 0 : i32
        %dma_start3A_325 = tpu.memref_slice %arg10[%while3A_36, %dma_start3A_324] : memref<3x128xi32, #tpu.memory_space<vmem>> -> memref<1x128xi32, #tpu.memory_space<vmem>>
        %dma_start3A_326 = tpu.memref_squeeze %dma_start3A_325 : memref<1x128xi32, #tpu.memory_space<vmem>> -> memref<128xi32, #tpu.memory_space<vmem>>
        %dma_start3A_327 = arith.constant 0 : i32
        %dma_start3A_328 = tpu.memref_slice %arg4[%add3A_323, %dma_start3A_327] : memref<2592x128xi32, #tpu.memory_space<hbm>> -> memref<1x128xi32, #tpu.memory_space<hbm>>
        %dma_start3A_329 = tpu.memref_squeeze %dma_start3A_328 : memref<1x128xi32, #tpu.memory_space<hbm>> -> memref<128xi32, #tpu.memory_space<hbm>>
        %dma_start3A_330 = arith.constant 0 : i32
        %dma_start3A_331 = tpu.memref_slice %arg10[%while3A_36, %dma_start3A_330] : memref<3x128xi32, #tpu.memory_space<vmem>> -> memref<1x128xi32, #tpu.memory_space<vmem>>
        %dma_start3A_332 = tpu.memref_squeeze %dma_start3A_331 : memref<1x128xi32, #tpu.memory_space<vmem>> -> memref<128xi32, #tpu.memory_space<vmem>>
        %dma_start3A_333 = arith.constant 0 : i32
        %dma_start3A_334 = tpu.memref_slice %arg4[%add3A_323, %dma_start3A_333] : memref<2592x128xi32, #tpu.memory_space<hbm>> -> memref<1x128xi32, #tpu.memory_space<hbm>>
        %dma_start3A_335 = tpu.memref_squeeze %dma_start3A_334 : memref<1x128xi32, #tpu.memory_space<hbm>> -> memref<128xi32, #tpu.memory_space<hbm>>
        tpu.enqueue_dma source(%dma_start3A_335 : memref<128xi32, #tpu.memory_space<hbm>>) target(%dma_start3A_332 : memref<128xi32, #tpu.memory_space<vmem>>) target_semaphore(%arg15 : memref<!tpu.dma_semaphore, #tpu.memory_space<semaphore_mem>>)
      } else {
      }
      %dma_wait3A_291 = arith.constant 0 : i32
      %dma_wait3A_292 = tpu.memref_slice %arg10[%while3A_37, %dma_wait3A_291] : memref<3x128xi32, #tpu.memory_space<vmem>> -> memref<1x128xi32, #tpu.memory_space<vmem>>
      %dma_wait3A_293 = tpu.memref_squeeze %dma_wait3A_292 : memref<1x128xi32, #tpu.memory_space<vmem>> -> memref<128xi32, #tpu.memory_space<vmem>>
      %dma_wait3A_294 = arith.constant 0 : i32
      %dma_wait3A_295 = arith.constant 0 : i32
      %dma_wait3A_296 = tpu.memref_slice %arg17[%dma_wait3A_294, %dma_wait3A_295] : memref<10112x128xf32, #tpu.memory_space<vmem_shared>> -> memref<10112x128xf32, #tpu.memory_space<vmem_shared>>
      tpu.wait_indirect_dma semaphore(%arg13 : memref<!tpu.dma_semaphore, #tpu.memory_space<semaphore_mem>>) src(%arg8 : memref<128x128xf32, #tpu.memory_space<vmem>>) dst(%dma_wait3A_296 : memref<10112x128xf32, #tpu.memory_space<vmem_shared>>)
      %sub3A_297 = arith.constant 1 : i32
      %sub3A_298 = arith.subi %select_n3A_22, %sub3A_297 : i32
      %lt3A_299 = arith.cmpi slt, %add3A_50, %sub3A_298 : i32
      %convert_element_type3A_300 = arith.extui %lt3A_299 : i1 to i32
      %cond3A_301 = arith.constant 0 : i32
      %cond3A_302 = arith.cmpi ne, %convert_element_type3A_300, %cond3A_301 : i32
      scf.if %cond3A_302 {
        %add3A_303 = arith.constant 1 : i32
        %add3A_304 = arith.addi %add3A_50, %add3A_303 : i32
        %mul3A_305 = arith.constant 3 : i32
        %mul3A_306 = arith.muli %add3A_304, %mul3A_305 : i32
        %add3A_307 = arith.constant 2 : i32
        %add3A_308 = arith.addi %mul3A_306, %add3A_307 : i32
        %add3A_309 = arith.addi %select_n3A, %add3A_308 : i32
        %dma_start3A_310 = arith.constant 2 : i32
        %dma_start3A_311 = arith.constant 0 : i32
        %dma_start3A_312 = tpu.memref_slice %arg9[%dma_start3A_310, %dma_start3A_311] : memref<3x128xi32, #tpu.memory_space<vmem>> -> memref<1x128xi32, #tpu.memory_space<vmem>>
        %dma_start3A_313 = tpu.memref_squeeze %dma_start3A_312 : memref<1x128xi32, #tpu.memory_space<vmem>> -> memref<128xi32, #tpu.memory_space<vmem>>
        %dma_start3A_314 = arith.constant 0 : i32
        %dma_start3A_315 = tpu.memref_slice %arg3[%add3A_309, %dma_start3A_314] : memref<2592x128xi32, #tpu.memory_space<hbm>> -> memref<1x128xi32, #tpu.memory_space<hbm>>
        %dma_start3A_316 = tpu.memref_squeeze %dma_start3A_315 : memref<1x128xi32, #tpu.memory_space<hbm>> -> memref<128xi32, #tpu.memory_space<hbm>>
        %dma_start3A_317 = arith.constant 0 : i32
        %dma_start3A_318 = tpu.memref_slice %arg9[%dma_start3A_310, %dma_start3A_317] : memref<3x128xi32, #tpu.memory_space<vmem>> -> memref<1x128xi32, #tpu.memory_space<vmem>>
        %dma_start3A_319 = tpu.memref_squeeze %dma_start3A_318 : memref<1x128xi32, #tpu.memory_space<vmem>> -> memref<128xi32, #tpu.memory_space<vmem>>
        %dma_start3A_320 = arith.constant 0 : i32
        %dma_start3A_321 = tpu.memref_slice %arg3[%add3A_309, %dma_start3A_320] : memref<2592x128xi32, #tpu.memory_space<hbm>> -> memref<1x128xi32, #tpu.memory_space<hbm>>
        %dma_start3A_322 = tpu.memref_squeeze %dma_start3A_321 : memref<1x128xi32, #tpu.memory_space<hbm>> -> memref<128xi32, #tpu.memory_space<hbm>>
        tpu.enqueue_dma source(%dma_start3A_322 : memref<128xi32, #tpu.memory_space<hbm>>) target(%dma_start3A_319 : memref<128xi32, #tpu.memory_space<vmem>>) target_semaphore(%arg16 : memref<!tpu.dma_semaphore, #tpu.memory_space<semaphore_mem>>)
        %add3A_323 = arith.addi %select_n3A, %add3A_308 : i32
        %dma_start3A_324 = arith.constant 0 : i32
        %dma_start3A_325 = tpu.memref_slice %arg10[%while3A_37, %dma_start3A_324] : memref<3x128xi32, #tpu.memory_space<vmem>> -> memref<1x128xi32, #tpu.memory_space<vmem>>
        %dma_start3A_326 = tpu.memref_squeeze %dma_start3A_325 : memref<1x128xi32, #tpu.memory_space<vmem>> -> memref<128xi32, #tpu.memory_space<vmem>>
        %dma_start3A_327 = arith.constant 0 : i32
        %dma_start3A_328 = tpu.memref_slice %arg4[%add3A_323, %dma_start3A_327] : memref<2592x128xi32, #tpu.memory_space<hbm>> -> memref<1x128xi32, #tpu.memory_space<hbm>>
        %dma_start3A_329 = tpu.memref_squeeze %dma_start3A_328 : memref<1x128xi32, #tpu.memory_space<hbm>> -> memref<128xi32, #tpu.memory_space<hbm>>
        %dma_start3A_330 = arith.constant 0 : i32
        %dma_start3A_331 = tpu.memref_slice %arg10[%while3A_37, %dma_start3A_330] : memref<3x128xi32, #tpu.memory_space<vmem>> -> memref<1x128xi32, #tpu.memory_space<vmem>>
        %dma_start3A_332 = tpu.memref_squeeze %dma_start3A_331 : memref<1x128xi32, #tpu.memory_space<vmem>> -> memref<128xi32, #tpu.memory_space<vmem>>
        %dma_start3A_333 = arith.constant 0 : i32
        %dma_start3A_334 = tpu.memref_slice %arg4[%add3A_323, %dma_start3A_333] : memref<2592x128xi32, #tpu.memory_space<hbm>> -> memref<1x128xi32, #tpu.memory_space<hbm>>
        %dma_start3A_335 = tpu.memref_squeeze %dma_start3A_334 : memref<1x128xi32, #tpu.memory_space<hbm>> -> memref<128xi32, #tpu.memory_space<hbm>>
        tpu.enqueue_dma source(%dma_start3A_335 : memref<128xi32, #tpu.memory_space<hbm>>) target(%dma_start3A_332 : memref<128xi32, #tpu.memory_space<vmem>>) target_semaphore(%arg16 : memref<!tpu.dma_semaphore, #tpu.memory_space<semaphore_mem>>)
      } else {
      }
    }
    %while3A_46 = arith.constant 1 : i32
    scf.for %while3A_48 = %while3A_44 to %while3A_40 step %while3A_46  : i32 {
      %mul3A_49 = arith.muli %while3A_48, %while3A : i32
      %add3A_50 = arith.addi %while3A_34, %mul3A_49 : i32
      %dma_wait3A = arith.constant 0 : i32
      %dma_wait3A_51 = arith.constant 0 : i32
      %dma_wait3A_52 = arith.constant 0 : i32
      %dma_wait3A_53 = tpu.memref_slice %arg9[%dma_wait3A_51, %dma_wait3A_52] : memref<3x128xi32, #tpu.memory_space<vmem>> -> memref<1x128xi32, #tpu.memory_space<vmem>>
      %dma_wait3A_54 = tpu.memref_squeeze %dma_wait3A_53 : memref<1x128xi32, #tpu.memory_space<vmem>> -> memref<128xi32, #tpu.memory_space<vmem>>
      %dma_wait3A_55 = arith.constant 0 : i32
      %dma_wait3A_56 = tpu.memref_slice %arg3[%dma_wait3A, %dma_wait3A_55] : memref<2592x128xi32, #tpu.memory_space<hbm>> -> memref<1x128xi32, #tpu.memory_space<hbm>>
      %dma_wait3A_57 = tpu.memref_squeeze %dma_wait3A_56 : memref<1x128xi32, #tpu.memory_space<hbm>> -> memref<128xi32, #tpu.memory_space<hbm>>
      %dma_wait3A_58 = arith.constant 0 : i32
      %dma_wait3A_59 = tpu.memref_slice %arg9[%dma_wait3A_51, %dma_wait3A_58] : memref<3x128xi32, #tpu.memory_space<vmem>> -> memref<1x128xi32, #tpu.memory_space<vmem>>
      %dma_wait3A_60 = tpu.memref_squeeze %dma_wait3A_59 : memref<1x128xi32, #tpu.memory_space<vmem>> -> memref<128xi32, #tpu.memory_space<vmem>>
      %dma_wait3A_61 = arith.constant 0 : i32
      %dma_wait3A_62 = tpu.memref_slice %arg3[%dma_wait3A, %dma_wait3A_61] : memref<2592x128xi32, #tpu.memory_space<hbm>> -> memref<1x128xi32, #tpu.memory_space<hbm>>
      %dma_wait3A_63 = tpu.memref_squeeze %dma_wait3A_62 : memref<1x128xi32, #tpu.memory_space<hbm>> -> memref<128xi32, #tpu.memory_space<hbm>>
      tpu.wait_dma2 semaphore(%arg14 : memref<!tpu.dma_semaphore, #tpu.memory_space<semaphore_mem>>) src(%dma_wait3A_63 : memref<128xi32, #tpu.memory_space<hbm>>) dst(%dma_wait3A_60 : memref<128xi32, #tpu.memory_space<vmem>>)
      %dma_wait3A_64 = arith.constant 0 : i32
      %dma_wait3A_65 = arith.constant 0 : i32
      %dma_wait3A_66 = tpu.memref_slice %arg10[%while3A_35, %dma_wait3A_65] : memref<3x128xi32, #tpu.memory_space<vmem>> -> memref<1x128xi32, #tpu.memory_space<vmem>>
      %dma_wait3A_67 = tpu.memref_squeeze %dma_wait3A_66 : memref<1x128xi32, #tpu.memory_space<vmem>> -> memref<128xi32, #tpu.memory_space<vmem>>
      %dma_wait3A_68 = arith.constant 0 : i32
      %dma_wait3A_69 = tpu.memref_slice %arg3[%dma_wait3A_64, %dma_wait3A_68] : memref<2592x128xi32, #tpu.memory_space<hbm>> -> memref<1x128xi32, #tpu.memory_space<hbm>>
      %dma_wait3A_70 = tpu.memref_squeeze %dma_wait3A_69 : memref<1x128xi32, #tpu.memory_space<hbm>> -> memref<128xi32, #tpu.memory_space<hbm>>
      %dma_wait3A_71 = arith.constant 0 : i32
      %dma_wait3A_72 = tpu.memref_slice %arg10[%while3A_35, %dma_wait3A_71] : memref<3x128xi32, #tpu.memory_space<vmem>> -> memref<1x128xi32, #tpu.memory_space<vmem>>
      %dma_wait3A_73 = tpu.memref_squeeze %dma_wait3A_72 : memref<1x128xi32, #tpu.memory_space<vmem>> -> memref<128xi32, #tpu.memory_space<vmem>>
      %dma_wait3A_74 = arith.constant 0 : i32
      %dma_wait3A_75 = tpu.memref_slice %arg3[%dma_wait3A_64, %dma_wait3A_74] : memref<2592x128xi32, #tpu.memory_space<hbm>> -> memref<1x128xi32, #tpu.memory_space<hbm>>
      %dma_wait3A_76 = tpu.memref_squeeze %dma_wait3A_75 : memref<1x128xi32, #tpu.memory_space<hbm>> -> memref<128xi32, #tpu.memory_space<hbm>>
      tpu.wait_dma2 semaphore(%arg14 : memref<!tpu.dma_semaphore, #tpu.memory_space<semaphore_mem>>) src(%dma_wait3A_76 : memref<128xi32, #tpu.memory_space<hbm>>) dst(%dma_wait3A_73 : memref<128xi32, #tpu.memory_space<vmem>>)
      %dma_start3A = arith.constant 0 : i32
      %dma_start3A_77 = arith.constant 0 : i32
      %dma_start3A_78 = arith.constant 0 : i32
      %dma_start3A_79 = tpu.memref_slice %arg6[%dma_start3A_77, %dma_start3A_78] : memref<128x128xf32, #tpu.memory_space<vmem>> -> memref<64x128xf32, #tpu.memory_space<vmem>>
      %dma_start3A_80 = arith.constant 0 : i32
      %dma_start3A_81 = tpu.memref_slice %arg9[%dma_start3A, %dma_start3A_80] : memref<3x128xi32, #tpu.memory_space<vmem>> -> memref<1x64xi32, #tpu.memory_space<vmem>>
      %dma_start3A_82 = tpu.memref_squeeze %dma_start3A_81 : memref<1x64xi32, #tpu.memory_space<vmem>> -> memref<64xi32, #tpu.memory_space<vmem>>
      %dma_start3A_83 = arith.constant 0 : i32
      %dma_start3A_84 = arith.constant 0 : i32
      %dma_start3A_85 = tpu.memref_slice %arg2[%dma_start3A_83, %dma_start3A_84] : memref<10000x128xf32, #tpu.memory_space<hbm>> -> memref<10000x128xf32, #tpu.memory_space<hbm>>
      tpu.enqueue_indirect_dma source(%dma_start3A_85 : memref<10000x128xf32, #tpu.memory_space<hbm>>) target(%dma_start3A_79 : memref<64x128xf32, #tpu.memory_space<vmem>>) offsets(%dma_start3A_82 : memref<64xi32, #tpu.memory_space<vmem>>) semaphore(%arg11 : memref<!tpu.dma_semaphore, #tpu.memory_space<semaphore_mem>>)
      %dma_start3A_86 = arith.constant 0 : i32
      %dma_start3A_87 = arith.constant 64 : i32
      %dma_start3A_88 = arith.constant 0 : i32
      %dma_start3A_89 = tpu.memref_slice %arg6[%dma_start3A_87, %dma_start3A_88] : memref<128x128xf32, #tpu.memory_space<vmem>> -> memref<64x128xf32, #tpu.memory_space<vmem>>
      %dma_start3A_90 = arith.constant 64 : i32
      %dma_start3A_91 = tpu.memref_slice %arg9[%dma_start3A_86, %dma_start3A_90] : memref<3x128xi32, #tpu.memory_space<vmem>> -> memref<1x64xi32, #tpu.memory_space<vmem>>
      %dma_start3A_92 = tpu.memref_squeeze %dma_start3A_91 : memref<1x64xi32, #tpu.memory_space<vmem>> -> memref<64xi32, #tpu.memory_space<vmem>>
      %dma_start3A_93 = arith.constant 0 : i32
      %dma_start3A_94 = arith.constant 0 : i32
      %dma_start3A_95 = tpu.memref_slice %arg2[%dma_start3A_93, %dma_start3A_94] : memref<10000x128xf32, #tpu.memory_space<hbm>> -> memref<10000x128xf32, #tpu.memory_space<hbm>>
      tpu.enqueue_indirect_dma source(%dma_start3A_95 : memref<10000x128xf32, #tpu.memory_space<hbm>>) target(%dma_start3A_89 : memref<64x128xf32, #tpu.memory_space<vmem>>) offsets(%dma_start3A_92 : memref<64xi32, #tpu.memory_space<vmem>>) semaphore(%arg14 : memref<!tpu.dma_semaphore, #tpu.memory_space<semaphore_mem>>)
      %dma_wait3A_96 = arith.constant 0 : i32
      %dma_wait3A_97 = arith.constant 1 : i32
      %dma_wait3A_98 = arith.constant 0 : i32
      %dma_wait3A_99 = tpu.memref_slice %arg9[%dma_wait3A_97, %dma_wait3A_98] : memref<3x128xi32, #tpu.memory_space<vmem>> -> memref<1x128xi32, #tpu.memory_space<vmem>>
      %dma_wait3A_100 = tpu.memref_squeeze %dma_wait3A_99 : memref<1x128xi32, #tpu.memory_space<vmem>> -> memref<128xi32, #tpu.memory_space<vmem>>
      %dma_wait3A_101 = arith.constant 0 : i32
      %dma_wait3A_102 = tpu.memref_slice %arg3[%dma_wait3A_96, %dma_wait3A_101] : memref<2592x128xi32, #tpu.memory_space<hbm>> -> memref<1x128xi32, #tpu.memory_space<hbm>>
      %dma_wait3A_103 = tpu.memref_squeeze %dma_wait3A_102 : memref<1x128xi32, #tpu.memory_space<hbm>> -> memref<128xi32, #tpu.memory_space<hbm>>
      %dma_wait3A_104 = arith.constant 0 : i32
      %dma_wait3A_105 = tpu.memref_slice %arg9[%dma_wait3A_97, %dma_wait3A_104] : memref<3x128xi32, #tpu.memory_space<vmem>> -> memref<1x128xi32, #tpu.memory_space<vmem>>
      %dma_wait3A_106 = tpu.memref_squeeze %dma_wait3A_105 : memref<1x128xi32, #tpu.memory_space<vmem>> -> memref<128xi32, #tpu.memory_space<vmem>>
      %dma_wait3A_107 = arith.constant 0 : i32
      %dma_wait3A_108 = tpu.memref_slice %arg3[%dma_wait3A_96, %dma_wait3A_107] : memref<2592x128xi32, #tpu.memory_space<hbm>> -> memref<1x128xi32, #tpu.memory_space<hbm>>
      %dma_wait3A_109 = tpu.memref_squeeze %dma_wait3A_108 : memref<1x128xi32, #tpu.memory_space<hbm>> -> memref<128xi32, #tpu.memory_space<hbm>>
      tpu.wait_dma2 semaphore(%arg15 : memref<!tpu.dma_semaphore, #tpu.memory_space<semaphore_mem>>) src(%dma_wait3A_109 : memref<128xi32, #tpu.memory_space<hbm>>) dst(%dma_wait3A_106 : memref<128xi32, #tpu.memory_space<vmem>>)
      %dma_wait3A_110 = arith.constant 0 : i32
      %dma_wait3A_111 = arith.constant 0 : i32
      %dma_wait3A_112 = tpu.memref_slice %arg10[%while3A_36, %dma_wait3A_111] : memref<3x128xi32, #tpu.memory_space<vmem>> -> memref<1x128xi32, #tpu.memory_space<vmem>>
      %dma_wait3A_113 = tpu.memref_squeeze %dma_wait3A_112 : memref<1x128xi32, #tpu.memory_space<vmem>> -> memref<128xi32, #tpu.memory_space<vmem>>
      %dma_wait3A_114 = arith.constant 0 : i32
      %dma_wait3A_115 = tpu.memref_slice %arg3[%dma_wait3A_110, %dma_wait3A_114] : memref<2592x128xi32, #tpu.memory_space<hbm>> -> memref<1x128xi32, #tpu.memory_space<hbm>>
      %dma_wait3A_116 = tpu.memref_squeeze %dma_wait3A_115 : memref<1x128xi32, #tpu.memory_space<hbm>> -> memref<128xi32, #tpu.memory_space<hbm>>
      %dma_wait3A_117 = arith.constant 0 : i32
      %dma_wait3A_118 = tpu.memref_slice %arg10[%while3A_36, %dma_wait3A_117] : memref<3x128xi32, #tpu.memory_space<vmem>> -> memref<1x128xi32, #tpu.memory_space<vmem>>
      %dma_wait3A_119 = tpu.memref_squeeze %dma_wait3A_118 : memref<1x128xi32, #tpu.memory_space<vmem>> -> memref<128xi32, #tpu.memory_space<vmem>>
      %dma_wait3A_120 = arith.constant 0 : i32
      %dma_wait3A_121 = tpu.memref_slice %arg3[%dma_wait3A_110, %dma_wait3A_120] : memref<2592x128xi32, #tpu.memory_space<hbm>> -> memref<1x128xi32, #tpu.memory_space<hbm>>
      %dma_wait3A_122 = tpu.memref_squeeze %dma_wait3A_121 : memref<1x128xi32, #tpu.memory_space<hbm>> -> memref<128xi32, #tpu.memory_space<hbm>>
      tpu.wait_dma2 semaphore(%arg15 : memref<!tpu.dma_semaphore, #tpu.memory_space<semaphore_mem>>) src(%dma_wait3A_122 : memref<128xi32, #tpu.memory_space<hbm>>) dst(%dma_wait3A_119 : memref<128xi32, #tpu.memory_space<vmem>>)
      %dma_start3A_123 = arith.constant 1 : i32
      %dma_start3A_124 = arith.constant 0 : i32
      %dma_start3A_125 = arith.constant 0 : i32
      %dma_start3A_126 = tpu.memref_slice %arg7[%dma_start3A_124, %dma_start3A_125] : memref<128x128xf32, #tpu.memory_space<vmem>> -> memref<64x128xf32, #tpu.memory_space<vmem>>
      %dma_start3A_127 = arith.constant 0 : i32
      %dma_start3A_128 = tpu.memref_slice %arg9[%dma_start3A_123, %dma_start3A_127] : memref<3x128xi32, #tpu.memory_space<vmem>> -> memref<1x64xi32, #tpu.memory_space<vmem>>
      %dma_start3A_129 = tpu.memref_squeeze %dma_start3A_128 : memref<1x64xi32, #tpu.memory_space<vmem>> -> memref<64xi32, #tpu.memory_space<vmem>>
      %dma_start3A_130 = arith.constant 0 : i32
      %dma_start3A_131 = arith.constant 0 : i32
      %dma_start3A_132 = tpu.memref_slice %arg2[%dma_start3A_130, %dma_start3A_131] : memref<10000x128xf32, #tpu.memory_space<hbm>> -> memref<10000x128xf32, #tpu.memory_space<hbm>>
      tpu.enqueue_indirect_dma source(%dma_start3A_132 : memref<10000x128xf32, #tpu.memory_space<hbm>>) target(%dma_start3A_126 : memref<64x128xf32, #tpu.memory_space<vmem>>) offsets(%dma_start3A_129 : memref<64xi32, #tpu.memory_space<vmem>>) semaphore(%arg12 : memref<!tpu.dma_semaphore, #tpu.memory_space<semaphore_mem>>)
      %dma_start3A_133 = arith.constant 1 : i32
      %dma_start3A_134 = arith.constant 64 : i32
      %dma_start3A_135 = arith.constant 0 : i32
      %dma_start3A_136 = tpu.memref_slice %arg7[%dma_start3A_134, %dma_start3A_135] : memref<128x128xf32, #tpu.memory_space<vmem>> -> memref<64x128xf32, #tpu.memory_space<vmem>>
      %dma_start3A_137 = arith.constant 64 : i32
      %dma_start3A_138 = tpu.memref_slice %arg9[%dma_start3A_133, %dma_start3A_137] : memref<3x128xi32, #tpu.memory_space<vmem>> -> memref<1x64xi32, #tpu.memory_space<vmem>>
      %dma_start3A_139 = tpu.memref_squeeze %dma_start3A_138 : memref<1x64xi32, #tpu.memory_space<vmem>> -> memref<64xi32, #tpu.memory_space<vmem>>
      %dma_start3A_140 = arith.constant 0 : i32
      %dma_start3A_141 = arith.constant 0 : i32
      %dma_start3A_142 = tpu.memref_slice %arg2[%dma_start3A_140, %dma_start3A_141] : memref<10000x128xf32, #tpu.memory_space<hbm>> -> memref<10000x128xf32, #tpu.memory_space<hbm>>
      tpu.enqueue_indirect_dma source(%dma_start3A_142 : memref<10000x128xf32, #tpu.memory_space<hbm>>) target(%dma_start3A_136 : memref<64x128xf32, #tpu.memory_space<vmem>>) offsets(%dma_start3A_139 : memref<64xi32, #tpu.memory_space<vmem>>) semaphore(%arg15 : memref<!tpu.dma_semaphore, #tpu.memory_space<semaphore_mem>>)
      %dma_wait3A_143 = arith.constant 0 : i32
      %dma_wait3A_144 = arith.constant 2 : i32
      %dma_wait3A_145 = arith.constant 0 : i32
      %dma_wait3A_146 = tpu.memref_slice %arg9[%dma_wait3A_144, %dma_wait3A_145] : memref<3x128xi32, #tpu.memory_space<vmem>> -> memref<1x128xi32, #tpu.memory_space<vmem>>
      %dma_wait3A_147 = tpu.memref_squeeze %dma_wait3A_146 : memref<1x128xi32, #tpu.memory_space<vmem>> -> memref<128xi32, #tpu.memory_space<vmem>>
      %dma_wait3A_148 = arith.constant 0 : i32
      %dma_wait3A_149 = tpu.memref_slice %arg3[%dma_wait3A_143, %dma_wait3A_148] : memref<2592x128xi32, #tpu.memory_space<hbm>> -> memref<1x128xi32, #tpu.memory_space<hbm>>
      %dma_wait3A_150 = tpu.memref_squeeze %dma_wait3A_149 : memref<1x128xi32, #tpu.memory_space<hbm>> -> memref<128xi32, #tpu.memory_space<hbm>>
      %dma_wait3A_151 = arith.constant 0 : i32
      %dma_wait3A_152 = tpu.memref_slice %arg9[%dma_wait3A_144, %dma_wait3A_151] : memref<3x128xi32, #tpu.memory_space<vmem>> -> memref<1x128xi32, #tpu.memory_space<vmem>>
      %dma_wait3A_153 = tpu.memref_squeeze %dma_wait3A_152 : memref<1x128xi32, #tpu.memory_space<vmem>> -> memref<128xi32, #tpu.memory_space<vmem>>
      %dma_wait3A_154 = arith.constant 0 : i32
      %dma_wait3A_155 = tpu.memref_slice %arg3[%dma_wait3A_143, %dma_wait3A_154] : memref<2592x128xi32, #tpu.memory_space<hbm>> -> memref<1x128xi32, #tpu.memory_space<hbm>>
      %dma_wait3A_156 = tpu.memref_squeeze %dma_wait3A_155 : memref<1x128xi32, #tpu.memory_space<hbm>> -> memref<128xi32, #tpu.memory_space<hbm>>
      tpu.wait_dma2 semaphore(%arg16 : memref<!tpu.dma_semaphore, #tpu.memory_space<semaphore_mem>>) src(%dma_wait3A_156 : memref<128xi32, #tpu.memory_space<hbm>>) dst(%dma_wait3A_153 : memref<128xi32, #tpu.memory_space<vmem>>)
      %dma_wait3A_157 = arith.constant 0 : i32
      %dma_wait3A_158 = arith.constant 0 : i32
      %dma_wait3A_159 = tpu.memref_slice %arg10[%while3A_37, %dma_wait3A_158] : memref<3x128xi32, #tpu.memory_space<vmem>> -> memref<1x128xi32, #tpu.memory_space<vmem>>
      %dma_wait3A_160 = tpu.memref_squeeze %dma_wait3A_159 : memref<1x128xi32, #tpu.memory_space<vmem>> -> memref<128xi32, #tpu.memory_space<vmem>>
      %dma_wait3A_161 = arith.constant 0 : i32
      %dma_wait3A_162 = tpu.memref_slice %arg3[%dma_wait3A_157, %dma_wait3A_161] : memref<2592x128xi32, #tpu.memory_space<hbm>> -> memref<1x128xi32, #tpu.memory_space<hbm>>
      %dma_wait3A_163 = tpu.memref_squeeze %dma_wait3A_162 : memref<1x128xi32, #tpu.memory_space<hbm>> -> memref<128xi32, #tpu.memory_space<hbm>>
      %dma_wait3A_164 = arith.constant 0 : i32
      %dma_wait3A_165 = tpu.memref_slice %arg10[%while3A_37, %dma_wait3A_164] : memref<3x128xi32, #tpu.memory_space<vmem>> -> memref<1x128xi32, #tpu.memory_space<vmem>>
      %dma_wait3A_166 = tpu.memref_squeeze %dma_wait3A_165 : memref<1x128xi32, #tpu.memory_space<vmem>> -> memref<128xi32, #tpu.memory_space<vmem>>
      %dma_wait3A_167 = arith.constant 0 : i32
      %dma_wait3A_168 = tpu.memref_slice %arg3[%dma_wait3A_157, %dma_wait3A_167] : memref<2592x128xi32, #tpu.memory_space<hbm>> -> memref<1x128xi32, #tpu.memory_space<hbm>>
      %dma_wait3A_169 = tpu.memref_squeeze %dma_wait3A_168 : memref<1x128xi32, #tpu.memory_space<hbm>> -> memref<128xi32, #tpu.memory_space<hbm>>
      tpu.wait_dma2 semaphore(%arg16 : memref<!tpu.dma_semaphore, #tpu.memory_space<semaphore_mem>>) src(%dma_wait3A_169 : memref<128xi32, #tpu.memory_space<hbm>>) dst(%dma_wait3A_166 : memref<128xi32, #tpu.memory_space<vmem>>)
      %dma_start3A_170 = arith.constant 2 : i32
      %dma_start3A_171 = arith.constant 0 : i32
      %dma_start3A_172 = arith.constant 0 : i32
      %dma_start3A_173 = tpu.memref_slice %arg8[%dma_start3A_171, %dma_start3A_172] : memref<128x128xf32, #tpu.memory_space<vmem>> -> memref<64x128xf32, #tpu.memory_space<vmem>>
      %dma_start3A_174 = arith.constant 0 : i32
      %dma_start3A_175 = tpu.memref_slice %arg9[%dma_start3A_170, %dma_start3A_174] : memref<3x128xi32, #tpu.memory_space<vmem>> -> memref<1x64xi32, #tpu.memory_space<vmem>>
      %dma_start3A_176 = tpu.memref_squeeze %dma_start3A_175 : memref<1x64xi32, #tpu.memory_space<vmem>> -> memref<64xi32, #tpu.memory_space<vmem>>
      %dma_start3A_177 = arith.constant 0 : i32
      %dma_start3A_178 = arith.constant 0 : i32
      %dma_start3A_179 = tpu.memref_slice %arg2[%dma_start3A_177, %dma_start3A_178] : memref<10000x128xf32, #tpu.memory_space<hbm>> -> memref<10000x128xf32, #tpu.memory_space<hbm>>
      tpu.enqueue_indirect_dma source(%dma_start3A_179 : memref<10000x128xf32, #tpu.memory_space<hbm>>) target(%dma_start3A_173 : memref<64x128xf32, #tpu.memory_space<vmem>>) offsets(%dma_start3A_176 : memref<64xi32, #tpu.memory_space<vmem>>) semaphore(%arg13 : memref<!tpu.dma_semaphore, #tpu.memory_space<semaphore_mem>>)
      %dma_start3A_180 = arith.constant 2 : i32
      %dma_start3A_181 = arith.constant 64 : i32
      %dma_start3A_182 = arith.constant 0 : i32
      %dma_start3A_183 = tpu.memref_slice %arg8[%dma_start3A_181, %dma_start3A_182] : memref<128x128xf32, #tpu.memory_space<vmem>> -> memref<64x128xf32, #tpu.memory_space<vmem>>
      %dma_start3A_184 = arith.constant 64 : i32
      %dma_start3A_185 = tpu.memref_slice %arg9[%dma_start3A_180, %dma_start3A_184] : memref<3x128xi32, #tpu.memory_space<vmem>> -> memref<1x64xi32, #tpu.memory_space<vmem>>
      %dma_start3A_186 = tpu.memref_squeeze %dma_start3A_185 : memref<1x64xi32, #tpu.memory_space<vmem>> -> memref<64xi32, #tpu.memory_space<vmem>>
      %dma_start3A_187 = arith.constant 0 : i32
      %dma_start3A_188 = arith.constant 0 : i32
      %dma_start3A_189 = tpu.memref_slice %arg2[%dma_start3A_187, %dma_start3A_188] : memref<10000x128xf32, #tpu.memory_space<hbm>> -> memref<10000x128xf32, #tpu.memory_space<hbm>>
      tpu.enqueue_indirect_dma source(%dma_start3A_189 : memref<10000x128xf32, #tpu.memory_space<hbm>>) target(%dma_start3A_183 : memref<64x128xf32, #tpu.memory_space<vmem>>) offsets(%dma_start3A_186 : memref<64xi32, #tpu.memory_space<vmem>>) semaphore(%arg16 : memref<!tpu.dma_semaphore, #tpu.memory_space<semaphore_mem>>)
      %dma_wait3A_190 = arith.constant 0 : i32
      %dma_wait3A_191 = arith.constant 0 : i32
      %dma_wait3A_192 = arith.constant 0 : i32
      %dma_wait3A_193 = tpu.memref_slice %arg6[%dma_wait3A_191, %dma_wait3A_192] : memref<128x128xf32, #tpu.memory_space<vmem>> -> memref<64x128xf32, #tpu.memory_space<vmem>>
      %dma_wait3A_194 = arith.constant 0 : i32
      %dma_wait3A_195 = tpu.memref_slice %arg9[%dma_wait3A_190, %dma_wait3A_194] : memref<3x128xi32, #tpu.memory_space<vmem>> -> memref<1x64xi32, #tpu.memory_space<vmem>>
      %dma_wait3A_196 = tpu.memref_squeeze %dma_wait3A_195 : memref<1x64xi32, #tpu.memory_space<vmem>> -> memref<64xi32, #tpu.memory_space<vmem>>
      %dma_wait3A_197 = arith.constant 0 : i32
      %dma_wait3A_198 = arith.constant 0 : i32
      %dma_wait3A_199 = tpu.memref_slice %arg2[%dma_wait3A_197, %dma_wait3A_198] : memref<10000x128xf32, #tpu.memory_space<hbm>> -> memref<10000x128xf32, #tpu.memory_space<hbm>>
      tpu.wait_indirect_dma semaphore(%arg11 : memref<!tpu.dma_semaphore, #tpu.memory_space<semaphore_mem>>) src(%dma_wait3A_199 : memref<10000x128xf32, #tpu.memory_space<hbm>>) dst(%dma_wait3A_193 : memref<64x128xf32, #tpu.memory_space<vmem>>)
      %dma_wait3A_200 = arith.constant 0 : i32
      %dma_wait3A_201 = arith.constant 64 : i32
      %dma_wait3A_202 = arith.constant 0 : i32
      %dma_wait3A_203 = tpu.memref_slice %arg6[%dma_wait3A_201, %dma_wait3A_202] : memref<128x128xf32, #tpu.memory_space<vmem>> -> memref<64x128xf32, #tpu.memory_space<vmem>>
      %dma_wait3A_204 = arith.constant 0 : i32
      %dma_wait3A_205 = tpu.memref_slice %arg9[%dma_wait3A_200, %dma_wait3A_204] : memref<3x128xi32, #tpu.memory_space<vmem>> -> memref<1x64xi32, #tpu.memory_space<vmem>>
      %dma_wait3A_206 = tpu.memref_squeeze %dma_wait3A_205 : memref<1x64xi32, #tpu.memory_space<vmem>> -> memref<64xi32, #tpu.memory_space<vmem>>
      %dma_wait3A_207 = arith.constant 0 : i32
      %dma_wait3A_208 = arith.constant 0 : i32
      %dma_wait3A_209 = tpu.memref_slice %arg2[%dma_wait3A_207, %dma_wait3A_208] : memref<10000x128xf32, #tpu.memory_space<hbm>> -> memref<10000x128xf32, #tpu.memory_space<hbm>>
      tpu.wait_indirect_dma semaphore(%arg14 : memref<!tpu.dma_semaphore, #tpu.memory_space<semaphore_mem>>) src(%dma_wait3A_209 : memref<10000x128xf32, #tpu.memory_space<hbm>>) dst(%dma_wait3A_203 : memref<64x128xf32, #tpu.memory_space<vmem>>)
      %dma_start3A_210 = arith.constant 0 : i32
      %dma_start3A_211 = tpu.memref_slice %arg10[%while3A_35, %dma_start3A_210] : memref<3x128xi32, #tpu.memory_space<vmem>> -> memref<1x128xi32, #tpu.memory_space<vmem>>
      %dma_start3A_212 = tpu.memref_squeeze %dma_start3A_211 : memref<1x128xi32, #tpu.memory_space<vmem>> -> memref<128xi32, #tpu.memory_space<vmem>>
      %dma_start3A_213 = arith.constant 0 : i32
      %dma_start3A_214 = arith.constant 0 : i32
      %dma_start3A_215 = tpu.memref_slice %arg17[%dma_start3A_213, %dma_start3A_214] : memref<10112x128xf32, #tpu.memory_space<vmem_shared>> -> memref<10112x128xf32, #tpu.memory_space<vmem_shared>>
      tpu.enqueue_indirect_dma source(%arg6 : memref<128x128xf32, #tpu.memory_space<vmem>>) target(%dma_start3A_215 : memref<10112x128xf32, #tpu.memory_space<vmem_shared>>) offsets(%dma_start3A_212 : memref<128xi32, #tpu.memory_space<vmem>>) semaphore(%arg11 : memref<!tpu.dma_semaphore, #tpu.memory_space<semaphore_mem>>) {add = true}
      %dma_wait3A_216 = arith.constant 1 : i32
      %dma_wait3A_217 = arith.constant 0 : i32
      %dma_wait3A_218 = arith.constant 0 : i32
      %dma_wait3A_219 = tpu.memref_slice %arg7[%dma_wait3A_217, %dma_wait3A_218] : memref<128x128xf32, #tpu.memory_space<vmem>> -> memref<64x128xf32, #tpu.memory_space<vmem>>
      %dma_wait3A_220 = arith.constant 0 : i32
      %dma_wait3A_221 = tpu.memref_slice %arg9[%dma_wait3A_216, %dma_wait3A_220] : memref<3x128xi32, #tpu.memory_space<vmem>> -> memref<1x64xi32, #tpu.memory_space<vmem>>
      %dma_wait3A_222 = tpu.memref_squeeze %dma_wait3A_221 : memref<1x64xi32, #tpu.memory_space<vmem>> -> memref<64xi32, #tpu.memory_space<vmem>>
      %dma_wait3A_223 = arith.constant 0 : i32
      %dma_wait3A_224 = arith.constant 0 : i32
      %dma_wait3A_225 = tpu.memref_slice %arg2[%dma_wait3A_223, %dma_wait3A_224] : memref<10000x128xf32, #tpu.memory_space<hbm>> -> memref<10000x128xf32, #tpu.memory_space<hbm>>
      tpu.wait_indirect_dma semaphore(%arg12 : memref<!tpu.dma_semaphore, #tpu.memory_space<semaphore_mem>>) src(%dma_wait3A_225 : memref<10000x128xf32, #tpu.memory_space<hbm>>) dst(%dma_wait3A_219 : memref<64x128xf32, #tpu.memory_space<vmem>>)
      %dma_wait3A_226 = arith.constant 1 : i32
      %dma_wait3A_227 = arith.constant 64 : i32
      %dma_wait3A_228 = arith.constant 0 : i32
      %dma_wait3A_229 = tpu.memref_slice %arg7[%dma_wait3A_227, %dma_wait3A_228] : memref<128x128xf32, #tpu.memory_space<vmem>> -> memref<64x128xf32, #tpu.memory_space<vmem>>
      %dma_wait3A_230 = arith.constant 0 : i32
      %dma_wait3A_231 = tpu.memref_slice %arg9[%dma_wait3A_226, %dma_wait3A_230] : memref<3x128xi32, #tpu.memory_space<vmem>> -> memref<1x64xi32, #tpu.memory_space<vmem>>
      %dma_wait3A_232 = tpu.memref_squeeze %dma_wait3A_231 : memref<1x64xi32, #tpu.memory_space<vmem>> -> memref<64xi32, #tpu.memory_space<vmem>>
      %dma_wait3A_233 = arith.constant 0 : i32
      %dma_wait3A_234 = arith.constant 0 : i32
      %dma_wait3A_235 = tpu.memref_slice %arg2[%dma_wait3A_233, %dma_wait3A_234] : memref<10000x128xf32, #tpu.memory_space<hbm>> -> memref<10000x128xf32, #tpu.memory_space<hbm>>
      tpu.wait_indirect_dma semaphore(%arg15 : memref<!tpu.dma_semaphore, #tpu.memory_space<semaphore_mem>>) src(%dma_wait3A_235 : memref<10000x128xf32, #tpu.memory_space<hbm>>) dst(%dma_wait3A_229 : memref<64x128xf32, #tpu.memory_space<vmem>>)
      %dma_start3A_236 = arith.constant 0 : i32
      %dma_start3A_237 = tpu.memref_slice %arg10[%while3A_36, %dma_start3A_236] : memref<3x128xi32, #tpu.memory_space<vmem>> -> memref<1x128xi32, #tpu.memory_space<vmem>>
      %dma_start3A_238 = tpu.memref_squeeze %dma_start3A_237 : memref<1x128xi32, #tpu.memory_space<vmem>> -> memref<128xi32, #tpu.memory_space<vmem>>
      %dma_start3A_239 = arith.constant 0 : i32
      %dma_start3A_240 = arith.constant 0 : i32
      %dma_start3A_241 = tpu.memref_slice %arg17[%dma_start3A_239, %dma_start3A_240] : memref<10112x128xf32, #tpu.memory_space<vmem_shared>> -> memref<10112x128xf32, #tpu.memory_space<vmem_shared>>
      tpu.enqueue_indirect_dma source(%arg7 : memref<128x128xf32, #tpu.memory_space<vmem>>) target(%dma_start3A_241 : memref<10112x128xf32, #tpu.memory_space<vmem_shared>>) offsets(%dma_start3A_238 : memref<128xi32, #tpu.memory_space<vmem>>) semaphore(%arg12 : memref<!tpu.dma_semaphore, #tpu.memory_space<semaphore_mem>>) {add = true}
      %dma_wait3A_242 = arith.constant 2 : i32
      %dma_wait3A_243 = arith.constant 0 : i32
      %dma_wait3A_244 = arith.constant 0 : i32
      %dma_wait3A_245 = tpu.memref_slice %arg8[%dma_wait3A_243, %dma_wait3A_244] : memref<128x128xf32, #tpu.memory_space<vmem>> -> memref<64x128xf32, #tpu.memory_space<vmem>>
      %dma_wait3A_246 = arith.constant 0 : i32
      %dma_wait3A_247 = tpu.memref_slice %arg9[%dma_wait3A_242, %dma_wait3A_246] : memref<3x128xi32, #tpu.memory_space<vmem>> -> memref<1x64xi32, #tpu.memory_space<vmem>>
      %dma_wait3A_248 = tpu.memref_squeeze %dma_wait3A_247 : memref<1x64xi32, #tpu.memory_space<vmem>> -> memref<64xi32, #tpu.memory_space<vmem>>
      %dma_wait3A_249 = arith.constant 0 : i32
      %dma_wait3A_250 = arith.constant 0 : i32
      %dma_wait3A_251 = tpu.memref_slice %arg2[%dma_wait3A_249, %dma_wait3A_250] : memref<10000x128xf32, #tpu.memory_space<hbm>> -> memref<10000x128xf32, #tpu.memory_space<hbm>>
      tpu.wait_indirect_dma semaphore(%arg13 : memref<!tpu.dma_semaphore, #tpu.memory_space<semaphore_mem>>) src(%dma_wait3A_251 : memref<10000x128xf32, #tpu.memory_space<hbm>>) dst(%dma_wait3A_245 : memref<64x128xf32, #tpu.memory_space<vmem>>)
      %dma_wait3A_252 = arith.constant 2 : i32
      %dma_wait3A_253 = arith.constant 64 : i32
      %dma_wait3A_254 = arith.constant 0 : i32
      %dma_wait3A_255 = tpu.memref_slice %arg8[%dma_wait3A_253, %dma_wait3A_254] : memref<128x128xf32, #tpu.memory_space<vmem>> -> memref<64x128xf32, #tpu.memory_space<vmem>>
      %dma_wait3A_256 = arith.constant 0 : i32
      %dma_wait3A_257 = tpu.memref_slice %arg9[%dma_wait3A_252, %dma_wait3A_256] : memref<3x128xi32, #tpu.memory_space<vmem>> -> memref<1x64xi32, #tpu.memory_space<vmem>>
      %dma_wait3A_258 = tpu.memref_squeeze %dma_wait3A_257 : memref<1x64xi32, #tpu.memory_space<vmem>> -> memref<64xi32, #tpu.memory_space<vmem>>
      %dma_wait3A_259 = arith.constant 0 : i32
      %dma_wait3A_260 = arith.constant 0 : i32
      %dma_wait3A_261 = tpu.memref_slice %arg2[%dma_wait3A_259, %dma_wait3A_260] : memref<10000x128xf32, #tpu.memory_space<hbm>> -> memref<10000x128xf32, #tpu.memory_space<hbm>>
      tpu.wait_indirect_dma semaphore(%arg16 : memref<!tpu.dma_semaphore, #tpu.memory_space<semaphore_mem>>) src(%dma_wait3A_261 : memref<10000x128xf32, #tpu.memory_space<hbm>>) dst(%dma_wait3A_255 : memref<64x128xf32, #tpu.memory_space<vmem>>)
      %dma_start3A_262 = arith.constant 0 : i32
      %dma_start3A_263 = tpu.memref_slice %arg10[%while3A_37, %dma_start3A_262] : memref<3x128xi32, #tpu.memory_space<vmem>> -> memref<1x128xi32, #tpu.memory_space<vmem>>
      %dma_start3A_264 = tpu.memref_squeeze %dma_start3A_263 : memref<1x128xi32, #tpu.memory_space<vmem>> -> memref<128xi32, #tpu.memory_space<vmem>>
      %dma_start3A_265 = arith.constant 0 : i32
      %dma_start3A_266 = arith.constant 0 : i32
      %dma_start3A_267 = tpu.memref_slice %arg17[%dma_start3A_265, %dma_start3A_266] : memref<10112x128xf32, #tpu.memory_space<vmem_shared>> -> memref<10112x128xf32, #tpu.memory_space<vmem_shared>>
      tpu.enqueue_indirect_dma source(%arg8 : memref<128x128xf32, #tpu.memory_space<vmem>>) target(%dma_start3A_267 : memref<10112x128xf32, #tpu.memory_space<vmem_shared>>) offsets(%dma_start3A_264 : memref<128xi32, #tpu.memory_space<vmem>>) semaphore(%arg13 : memref<!tpu.dma_semaphore, #tpu.memory_space<semaphore_mem>>) {add = true}
      %dma_wait3A_268 = arith.constant 0 : i32
      %dma_wait3A_269 = tpu.memref_slice %arg10[%while3A_35, %dma_wait3A_268] : memref<3x128xi32, #tpu.memory_space<vmem>> -> memref<1x128xi32, #tpu.memory_space<vmem>>
      %dma_wait3A_270 = tpu.memref_squeeze %dma_wait3A_269 : memref<1x128xi32, #tpu.memory_space<vmem>> -> memref<128xi32, #tpu.memory_space<vmem>>
      %dma_wait3A_271 = arith.constant 0 : i32
      %dma_wait3A_272 = arith.constant 0 : i32
      %dma_wait3A_273 = tpu.memref_slice %arg17[%dma_wait3A_271, %dma_wait3A_272] : memref<10112x128xf32, #tpu.memory_space<vmem_shared>> -> memref<10112x128xf32, #tpu.memory_space<vmem_shared>>
      tpu.wait_indirect_dma semaphore(%arg11 : memref<!tpu.dma_semaphore, #tpu.memory_space<semaphore_mem>>) src(%arg6 : memref<128x128xf32, #tpu.memory_space<vmem>>) dst(%dma_wait3A_273 : memref<10112x128xf32, #tpu.memory_space<vmem_shared>>)
      %sub3A_274 = arith.constant 1 : i32
      %sub3A_275 = arith.subi %select_n3A_22, %sub3A_274 : i32
      %lt3A = arith.cmpi slt, %add3A_50, %sub3A_275 : i32
      %convert_element_type3A_276 = arith.extui %lt3A : i1 to i32
      %cond3A_277 = arith.constant 0 : i32
      %cond3A_278 = arith.cmpi ne, %convert_element_type3A_276, %cond3A_277 : i32
      scf.if %cond3A_278 {
        %add3A_303 = arith.constant 1 : i32
        %add3A_304 = arith.addi %add3A_50, %add3A_303 : i32
        %mul3A_305 = arith.constant 3 : i32
        %mul3A_306 = arith.muli %add3A_304, %mul3A_305 : i32
        %add3A_307 = arith.constant 0 : i32
        %add3A_308 = arith.addi %mul3A_306, %add3A_307 : i32
        %add3A_309 = arith.addi %select_n3A, %add3A_308 : i32
        %dma_start3A_310 = arith.constant 0 : i32
        %dma_start3A_311 = arith.constant 0 : i32
        %dma_start3A_312 = tpu.memref_slice %arg9[%dma_start3A_310, %dma_start3A_311] : memref<3x128xi32, #tpu.memory_space<vmem>> -> memref<1x128xi32, #tpu.memory_space<vmem>>
        %dma_start3A_313 = tpu.memref_squeeze %dma_start3A_312 : memref<1x128xi32, #tpu.memory_space<vmem>> -> memref<128xi32, #tpu.memory_space<vmem>>
        %dma_start3A_314 = arith.constant 0 : i32
        %dma_start3A_315 = tpu.memref_slice %arg3[%add3A_309, %dma_start3A_314] : memref<2592x128xi32, #tpu.memory_space<hbm>> -> memref<1x128xi32, #tpu.memory_space<hbm>>
        %dma_start3A_316 = tpu.memref_squeeze %dma_start3A_315 : memref<1x128xi32, #tpu.memory_space<hbm>> -> memref<128xi32, #tpu.memory_space<hbm>>
        %dma_start3A_317 = arith.constant 0 : i32
        %dma_start3A_318 = tpu.memref_slice %arg9[%dma_start3A_310, %dma_start3A_317] : memref<3x128xi32, #tpu.memory_space<vmem>> -> memref<1x128xi32, #tpu.memory_space<vmem>>
        %dma_start3A_319 = tpu.memref_squeeze %dma_start3A_318 : memref<1x128xi32, #tpu.memory_space<vmem>> -> memref<128xi32, #tpu.memory_space<vmem>>
        %dma_start3A_320 = arith.constant 0 : i32
        %dma_start3A_321 = tpu.memref_slice %arg3[%add3A_309, %dma_start3A_320] : memref<2592x128xi32, #tpu.memory_space<hbm>> -> memref<1x128xi32, #tpu.memory_space<hbm>>
        %dma_start3A_322 = tpu.memref_squeeze %dma_start3A_321 : memref<1x128xi32, #tpu.memory_space<hbm>> -> memref<128xi32, #tpu.memory_space<hbm>>
        tpu.enqueue_dma source(%dma_start3A_322 : memref<128xi32, #tpu.memory_space<hbm>>) target(%dma_start3A_319 : memref<128xi32, #tpu.memory_space<vmem>>) target_semaphore(%arg14 : memref<!tpu.dma_semaphore, #tpu.memory_space<semaphore_mem>>)
        %add3A_323 = arith.addi %select_n3A, %add3A_308 : i32
        %dma_start3A_324 = arith.constant 0 : i32
        %dma_start3A_325 = tpu.memref_slice %arg10[%while3A_35, %dma_start3A_324] : memref<3x128xi32, #tpu.memory_space<vmem>> -> memref<1x128xi32, #tpu.memory_space<vmem>>
        %dma_start3A_326 = tpu.memref_squeeze %dma_start3A_325 : memref<1x128xi32, #tpu.memory_space<vmem>> -> memref<128xi32, #tpu.memory_space<vmem>>
        %dma_start3A_327 = arith.constant 0 : i32
        %dma_start3A_328 = tpu.memref_slice %arg4[%add3A_323, %dma_start3A_327] : memref<2592x128xi32, #tpu.memory_space<hbm>> -> memref<1x128xi32, #tpu.memory_space<hbm>>
        %dma_start3A_329 = tpu.memref_squeeze %dma_start3A_328 : memref<1x128xi32, #tpu.memory_space<hbm>> -> memref<128xi32, #tpu.memory_space<hbm>>
        %dma_start3A_330 = arith.constant 0 : i32
        %dma_start3A_331 = tpu.memref_slice %arg10[%while3A_35, %dma_start3A_330] : memref<3x128xi32, #tpu.memory_space<vmem>> -> memref<1x128xi32, #tpu.memory_space<vmem>>
        %dma_start3A_332 = tpu.memref_squeeze %dma_start3A_331 : memref<1x128xi32, #tpu.memory_space<vmem>> -> memref<128xi32, #tpu.memory_space<vmem>>
        %dma_start3A_333 = arith.constant 0 : i32
        %dma_start3A_334 = tpu.memref_slice %arg4[%add3A_323, %dma_start3A_333] : memref<2592x128xi32, #tpu.memory_space<hbm>> -> memref<1x128xi32, #tpu.memory_space<hbm>>
        %dma_start3A_335 = tpu.memref_squeeze %dma_start3A_334 : memref<1x128xi32, #tpu.memory_space<hbm>> -> memref<128xi32, #tpu.memory_space<hbm>>
        tpu.enqueue_dma source(%dma_start3A_335 : memref<128xi32, #tpu.memory_space<hbm>>) target(%dma_start3A_332 : memref<128xi32, #tpu.memory_space<vmem>>) target_semaphore(%arg14 : memref<!tpu.dma_semaphore, #tpu.memory_space<semaphore_mem>>)
      } else {
      }
      %dma_wait3A_279 = arith.constant 0 : i32
      %dma_wait3A_280 = tpu.memref_slice %arg10[%while3A_36, %dma_wait3A_279] : memref<3x128xi32, #tpu.memory_space<vmem>> -> memref<1x128xi32, #tpu.memory_space<vmem>>
      %dma_wait3A_281 = tpu.memref_squeeze %dma_wait3A_280 : memref<1x128xi32, #tpu.memory_space<vmem>> -> memref<128xi32, #tpu.memory_space<vmem>>
      %dma_wait3A_282 = arith.constant 0 : i32
      %dma_wait3A_283 = arith.constant 0 : i32
      %dma_wait3A_284 = tpu.memref_slice %arg17[%dma_wait3A_282, %dma_wait3A_283] : memref<10112x128xf32, #tpu.memory_space<vmem_shared>> -> memref<10112x128xf32, #tpu.memory_space<vmem_shared>>
      tpu.wait_indirect_dma semaphore(%arg12 : memref<!tpu.dma_semaphore, #tpu.memory_space<semaphore_mem>>) src(%arg7 : memref<128x128xf32, #tpu.memory_space<vmem>>) dst(%dma_wait3A_284 : memref<10112x128xf32, #tpu.memory_space<vmem_shared>>)
      %sub3A_285 = arith.constant 1 : i32
      %sub3A_286 = arith.subi %select_n3A_22, %sub3A_285 : i32
      %lt3A_287 = arith.cmpi slt, %add3A_50, %sub3A_286 : i32
      %convert_element_type3A_288 = arith.extui %lt3A_287 : i1 to i32
      %cond3A_289 = arith.constant 0 : i32
      %cond3A_290 = arith.cmpi ne, %convert_element_type3A_288, %cond3A_289 : i32
      scf.if %cond3A_290 {
        %add3A_303 = arith.constant 1 : i32
        %add3A_304 = arith.addi %add3A_50, %add3A_303 : i32
        %mul3A_305 = arith.constant 3 : i32
        %mul3A_306 = arith.muli %add3A_304, %mul3A_305 : i32
        %add3A_307 = arith.constant 1 : i32
        %add3A_308 = arith.addi %mul3A_306, %add3A_307 : i32
        %add3A_309 = arith.addi %select_n3A, %add3A_308 : i32
        %dma_start3A_310 = arith.constant 1 : i32
        %dma_start3A_311 = arith.constant 0 : i32
        %dma_start3A_312 = tpu.memref_slice %arg9[%dma_start3A_310, %dma_start3A_311] : memref<3x128xi32, #tpu.memory_space<vmem>> -> memref<1x128xi32, #tpu.memory_space<vmem>>
        %dma_start3A_313 = tpu.memref_squeeze %dma_start3A_312 : memref<1x128xi32, #tpu.memory_space<vmem>> -> memref<128xi32, #tpu.memory_space<vmem>>
        %dma_start3A_314 = arith.constant 0 : i32
        %dma_start3A_315 = tpu.memref_slice %arg3[%add3A_309, %dma_start3A_314] : memref<2592x128xi32, #tpu.memory_space<hbm>> -> memref<1x128xi32, #tpu.memory_space<hbm>>
        %dma_start3A_316 = tpu.memref_squeeze %dma_start3A_315 : memref<1x128xi32, #tpu.memory_space<hbm>> -> memref<128xi32, #tpu.memory_space<hbm>>
        %dma_start3A_317 = arith.constant 0 : i32
        %dma_start3A_318 = tpu.memref_slice %arg9[%dma_start3A_310, %dma_start3A_317] : memref<3x128xi32, #tpu.memory_space<vmem>> -> memref<1x128xi32, #tpu.memory_space<vmem>>
        %dma_start3A_319 = tpu.memref_squeeze %dma_start3A_318 : memref<1x128xi32, #tpu.memory_space<vmem>> -> memref<128xi32, #tpu.memory_space<vmem>>
        %dma_start3A_320 = arith.constant 0 : i32
        %dma_start3A_321 = tpu.memref_slice %arg3[%add3A_309, %dma_start3A_320] : memref<2592x128xi32, #tpu.memory_space<hbm>> -> memref<1x128xi32, #tpu.memory_space<hbm>>
        %dma_start3A_322 = tpu.memref_squeeze %dma_start3A_321 : memref<1x128xi32, #tpu.memory_space<hbm>> -> memref<128xi32, #tpu.memory_space<hbm>>
        tpu.enqueue_dma source(%dma_start3A_322 : memref<128xi32, #tpu.memory_space<hbm>>) target(%dma_start3A_319 : memref<128xi32, #tpu.memory_space<vmem>>) target_semaphore(%arg15 : memref<!tpu.dma_semaphore, #tpu.memory_space<semaphore_mem>>)
        %add3A_323 = arith.addi %select_n3A, %add3A_308 : i32
        %dma_start3A_324 = arith.constant 0 : i32
        %dma_start3A_325 = tpu.memref_slice %arg10[%while3A_36, %dma_start3A_324] : memref<3x128xi32, #tpu.memory_space<vmem>> -> memref<1x128xi32, #tpu.memory_space<vmem>>
        %dma_start3A_326 = tpu.memref_squeeze %dma_start3A_325 : memref<1x128xi32, #tpu.memory_space<vmem>> -> memref<128xi32, #tpu.memory_space<vmem>>
        %dma_start3A_327 = arith.constant 0 : i32
        %dma_start3A_328 = tpu.memref_slice %arg4[%add3A_323, %dma_start3A_327] : memref<2592x128xi32, #tpu.memory_space<hbm>> -> memref<1x128xi32, #tpu.memory_space<hbm>>
        %dma_start3A_329 = tpu.memref_squeeze %dma_start3A_328 : memref<1x128xi32, #tpu.memory_space<hbm>> -> memref<128xi32, #tpu.memory_space<hbm>>
        %dma_start3A_330 = arith.constant 0 : i32
        %dma_start3A_331 = tpu.memref_slice %arg10[%while3A_36, %dma_start3A_330] : memref<3x128xi32, #tpu.memory_space<vmem>> -> memref<1x128xi32, #tpu.memory_space<vmem>>
        %dma_start3A_332 = tpu.memref_squeeze %dma_start3A_331 : memref<1x128xi32, #tpu.memory_space<vmem>> -> memref<128xi32, #tpu.memory_space<vmem>>
        %dma_start3A_333 = arith.constant 0 : i32
        %dma_start3A_334 = tpu.memref_slice %arg4[%add3A_323, %dma_start3A_333] : memref<2592x128xi32, #tpu.memory_space<hbm>> -> memref<1x128xi32, #tpu.memory_space<hbm>>
        %dma_start3A_335 = tpu.memref_squeeze %dma_start3A_334 : memref<1x128xi32, #tpu.memory_space<hbm>> -> memref<128xi32, #tpu.memory_space<hbm>>
        tpu.enqueue_dma source(%dma_start3A_335 : memref<128xi32, #tpu.memory_space<hbm>>) target(%dma_start3A_332 : memref<128xi32, #tpu.memory_space<vmem>>) target_semaphore(%arg15 : memref<!tpu.dma_semaphore, #tpu.memory_space<semaphore_mem>>)
      } else {
      }
      %dma_wait3A_291 = arith.constant 0 : i32
      %dma_wait3A_292 = tpu.memref_slice %arg10[%while3A_37, %dma_wait3A_291] : memref<3x128xi32, #tpu.memory_space<vmem>> -> memref<1x128xi32, #tpu.memory_space<vmem>>
      %dma_wait3A_293 = tpu.memref_squeeze %dma_wait3A_292 : memref<1x128xi32, #tpu.memory_space<vmem>> -> memref<128xi32, #tpu.memory_space<vmem>>
      %dma_wait3A_294 = arith.constant 0 : i32
      %dma_wait3A_295 = arith.constant 0 : i32
      %dma_wait3A_296 = tpu.memref_slice %arg17[%dma_wait3A_294, %dma_wait3A_295] : memref<10112x128xf32, #tpu.memory_space<vmem_shared>> -> memref<10112x128xf32, #tpu.memory_space<vmem_shared>>
      tpu.wait_indirect_dma semaphore(%arg13 : memref<!tpu.dma_semaphore, #tpu.memory_space<semaphore_mem>>) src(%arg8 : memref<128x128xf32, #tpu.memory_space<vmem>>) dst(%dma_wait3A_296 : memref<10112x128xf32, #tpu.memory_space<vmem_shared>>)
      %sub3A_297 = arith.constant 1 : i32
      %sub3A_298 = arith.subi %select_n3A_22, %sub3A_297 : i32
      %lt3A_299 = arith.cmpi slt, %add3A_50, %sub3A_298 : i32
      %convert_element_type3A_300 = arith.extui %lt3A_299 : i1 to i32
      %cond3A_301 = arith.constant 0 : i32
      %cond3A_302 = arith.cmpi ne, %convert_element_type3A_300, %cond3A_301 : i32
      scf.if %cond3A_302 {
        %add3A_303 = arith.constant 1 : i32
        %add3A_304 = arith.addi %add3A_50, %add3A_303 : i32
        %mul3A_305 = arith.constant 3 : i32
        %mul3A_306 = arith.muli %add3A_304, %mul3A_305 : i32
        %add3A_307 = arith.constant 2 : i32
        %add3A_308 = arith.addi %mul3A_306, %add3A_307 : i32
        %add3A_309 = arith.addi %select_n3A, %add3A_308 : i32
        %dma_start3A_310 = arith.constant 2 : i32
        %dma_start3A_311 = arith.constant 0 : i32
        %dma_start3A_312 = tpu.memref_slice %arg9[%dma_start3A_310, %dma_start3A_311] : memref<3x128xi32, #tpu.memory_space<vmem>> -> memref<1x128xi32, #tpu.memory_space<vmem>>
        %dma_start3A_313 = tpu.memref_squeeze %dma_start3A_312 : memref<1x128xi32, #tpu.memory_space<vmem>> -> memref<128xi32, #tpu.memory_space<vmem>>
        %dma_start3A_314 = arith.constant 0 : i32
        %dma_start3A_315 = tpu.memref_slice %arg3[%add3A_309, %dma_start3A_314] : memref<2592x128xi32, #tpu.memory_space<hbm>> -> memref<1x128xi32, #tpu.memory_space<hbm>>
        %dma_start3A_316 = tpu.memref_squeeze %dma_start3A_315 : memref<1x128xi32, #tpu.memory_space<hbm>> -> memref<128xi32, #tpu.memory_space<hbm>>
        %dma_start3A_317 = arith.constant 0 : i32
        %dma_start3A_318 = tpu.memref_slice %arg9[%dma_start3A_310, %dma_start3A_317] : memref<3x128xi32, #tpu.memory_space<vmem>> -> memref<1x128xi32, #tpu.memory_space<vmem>>
        %dma_start3A_319 = tpu.memref_squeeze %dma_start3A_318 : memref<1x128xi32, #tpu.memory_space<vmem>> -> memref<128xi32, #tpu.memory_space<vmem>>
        %dma_start3A_320 = arith.constant 0 : i32
        %dma_start3A_321 = tpu.memref_slice %arg3[%add3A_309, %dma_start3A_320] : memref<2592x128xi32, #tpu.memory_space<hbm>> -> memref<1x128xi32, #tpu.memory_space<hbm>>
        %dma_start3A_322 = tpu.memref_squeeze %dma_start3A_321 : memref<1x128xi32, #tpu.memory_space<hbm>> -> memref<128xi32, #tpu.memory_space<hbm>>
        tpu.enqueue_dma source(%dma_start3A_322 : memref<128xi32, #tpu.memory_space<hbm>>) target(%dma_start3A_319 : memref<128xi32, #tpu.memory_space<vmem>>) target_semaphore(%arg16 : memref<!tpu.dma_semaphore, #tpu.memory_space<semaphore_mem>>)
        %add3A_323 = arith.addi %select_n3A, %add3A_308 : i32
        %dma_start3A_324 = arith.constant 0 : i32
        %dma_start3A_325 = tpu.memref_slice %arg10[%while3A_37, %dma_start3A_324] : memref<3x128xi32, #tpu.memory_space<vmem>> -> memref<1x128xi32, #tpu.memory_space<vmem>>
        %dma_start3A_326 = tpu.memref_squeeze %dma_start3A_325 : memref<1x128xi32, #tpu.memory_space<vmem>> -> memref<128xi32, #tpu.memory_space<vmem>>
        %dma_start3A_327 = arith.constant 0 : i32
        %dma_start3A_328 = tpu.memref_slice %arg4[%add3A_323, %dma_start3A_327] : memref<2592x128xi32, #tpu.memory_space<hbm>> -> memref<1x128xi32, #tpu.memory_space<hbm>>
        %dma_start3A_329 = tpu.memref_squeeze %dma_start3A_328 : memref<1x128xi32, #tpu.memory_space<hbm>> -> memref<128xi32, #tpu.memory_space<hbm>>
        %dma_start3A_330 = arith.constant 0 : i32
        %dma_start3A_331 = tpu.memref_slice %arg10[%while3A_37, %dma_start3A_330] : memref<3x128xi32, #tpu.memory_space<vmem>> -> memref<1x128xi32, #tpu.memory_space<vmem>>
        %dma_start3A_332 = tpu.memref_squeeze %dma_start3A_331 : memref<1x128xi32, #tpu.memory_space<vmem>> -> memref<128xi32, #tpu.memory_space<vmem>>
        %dma_start3A_333 = arith.constant 0 : i32
        %dma_start3A_334 = tpu.memref_slice %arg4[%add3A_323, %dma_start3A_333] : memref<2592x128xi32, #tpu.memory_space<hbm>> -> memref<1x128xi32, #tpu.memory_space<hbm>>
        %dma_start3A_335 = tpu.memref_squeeze %dma_start3A_334 : memref<1x128xi32, #tpu.memory_space<hbm>> -> memref<128xi32, #tpu.memory_space<hbm>>
        tpu.enqueue_dma source(%dma_start3A_335 : memref<128xi32, #tpu.memory_space<hbm>>) target(%dma_start3A_332 : memref<128xi32, #tpu.memory_space<vmem>>) target_semaphore(%arg16 : memref<!tpu.dma_semaphore, #tpu.memory_space<semaphore_mem>>)
      } else {
      }
    }
    %barrier3A_47 = arith.constant 0 : index
    tpu.barrier barrier_id(%barrier3A_47)
    "tpu.region"() ({
      %run_scoped3A = tpu.sem_alloc : memref<!tpu.dma_semaphore, #tpu.memory_space<semaphore_mem>>
      %dma_start3A = arith.constant 0 : i32
      %dma_start3A_48 = tpu.memref_slice %arg5[%arg0, %mul3A_0, %dma_start3A] : memref<2x10112x128xf32, #tpu.memory_space<hbm>> -> memref<1x632x128xf32, #tpu.memory_space<hbm>>
      %dma_start3A_49 = tpu.memref_squeeze %dma_start3A_48 : memref<1x632x128xf32, #tpu.memory_space<hbm>> -> memref<632x128xf32, #tpu.memory_space<hbm>>
      %dma_start3A_50 = arith.constant 0 : i32
      %dma_start3A_51 = tpu.memref_slice %arg17[%mul3A_0, %dma_start3A_50] : memref<10112x128xf32, #tpu.memory_space<vmem_shared>> -> memref<632x128xf32, #tpu.memory_space<vmem_shared>>
      tpu.enqueue_dma source(%dma_start3A_51 : memref<632x128xf32, #tpu.memory_space<vmem_shared>>) target(%dma_start3A_49 : memref<632x128xf32, #tpu.memory_space<hbm>>) target_semaphore(%run_scoped3A : memref<!tpu.dma_semaphore, #tpu.memory_space<semaphore_mem>>)
      %dma_wait3A = arith.constant 0 : i32
      %dma_wait3A_52 = tpu.memref_slice %arg5[%arg0, %mul3A_0, %dma_wait3A] : memref<2x10112x128xf32, #tpu.memory_space<hbm>> -> memref<1x632x128xf32, #tpu.memory_space<hbm>>
      %dma_wait3A_53 = tpu.memref_squeeze %dma_wait3A_52 : memref<1x632x128xf32, #tpu.memory_space<hbm>> -> memref<632x128xf32, #tpu.memory_space<hbm>>
      %dma_wait3A_54 = arith.constant 0 : i32
      %dma_wait3A_55 = tpu.memref_slice %arg17[%mul3A_0, %dma_wait3A_54] : memref<10112x128xf32, #tpu.memory_space<vmem_shared>> -> memref<632x128xf32, #tpu.memory_space<vmem_shared>>
      tpu.wait_dma2 semaphore(%run_scoped3A : memref<!tpu.dma_semaphore, #tpu.memory_space<semaphore_mem>>) src(%dma_wait3A_55 : memref<632x128xf32, #tpu.memory_space<vmem_shared>>) dst(%dma_wait3A_53 : memref<632x128xf32, #tpu.memory_space<hbm>>)
      tpu.yield
    }) : () -> ()
    return
  }
}

module attributes {stable_mosaic.version = 14 : i64} {
  func.func @_mm_body(%arg0: i32, %arg1: memref<1000x128xf32, #tpu.memory_space<vmem>>, %arg2: memref<128x128xf32, #tpu.memory_space<vmem>>, %arg3: memref<1000x128xf32, #tpu.memory_space<vmem>>) attributes {dimension_semantics = [#tpu.dimension_semantics<arbitrary>], iteration_bounds = array<i64: 10>, scalar_prefetch = 0 : i64, scratch_operands = 0 : i64, tpu.core_type = #tpu.core_type<tc>, window_params = [{transform_indices = @transform_0, window_bounds = array<i64: 1000, 128>}, {pipeline_mode = #tpu.pipeline_mode<synchronous>, transform_indices = @transform_1, window_bounds = array<i64: 128, 128>}, {transform_indices = @transform_2, window_bounds = array<i64: 1000, 128>}]} {
    %get3A = arith.constant 0 : index
    %get3A_0 = arith.constant 0 : index
    %get3A_1 = vector.load %arg1[%get3A, %get3A_0] : memref<1000x128xf32, #tpu.memory_space<vmem>>, vector<1000x128xf32>
    %get3A_2 = arith.constant 0 : index
    %get3A_3 = arith.constant 0 : index
    %get3A_4 = vector.load %arg2[%get3A_2, %get3A_3] : memref<128x128xf32, #tpu.memory_space<vmem>>, vector<128x128xf32>
    %dot_general3A = arith.constant dense<0.000000e+00> : vector<1000x128xf32>
    %dot_general3A_5 = tpu.matmul %get3A_1, %get3A_4, %dot_general3A {dimension_numbers = #tpu.dot_dimension_numbers<[1], [0], [0], [1], [0, 0, 1, 1], [], []>, transpose_lhs_hint = false} : vector<1000x128xf32>, vector<128x128xf32>, vector<1000x128xf32> -> vector<1000x128xf32>
    %swap3A = arith.constant 0 : index
    %swap3A_6 = arith.constant 0 : index
    %swap3A_7 = vector.load %arg3[%swap3A, %swap3A_6] : memref<1000x128xf32, #tpu.memory_space<vmem>>, vector<1000x128xf32>
    tpu.vector_store %arg3[%swap3A, %swap3A_6], %dot_general3A_5 {strides = array<i32>} : memref<1000x128xf32, #tpu.memory_space<vmem>>, vector<1000x128xf32>,
    return
  }
  func.func @transform_0(%arg0: i32) -> (i32, i32) {
    %c0_i32 = arith.constant 0 : i32
    %c0_i32_0 = arith.constant 0 : i32
    return %arg0, %c0_i32 : i32, i32
  }
  func.func @transform_1(%arg0: i32) -> (i32, i32) {
    %c0_i32 = arith.constant 0 : i32
    %c0_i32_0 = arith.constant 0 : i32
    %c0_i32_1 = arith.constant 0 : i32
    return %c0_i32, %c0_i32_0 : i32, i32
  }
  func.func @transform_2(%arg0: i32) -> (i32, i32) {
    %c0_i32 = arith.constant 0 : i32
    %c0_i32_0 = arith.constant 0 : i32
    return %arg0, %c0_i32 : i32, i32
  }
}

module attributes {stable_mosaic.version = 14 : i64} {
  func.func @_scale_body(%arg0: i32, %arg1: memref<2x1000x128xf32, #tpu.memory_space<vmem>>, %arg2: memref<1000x128xf32, #tpu.memory_space<vmem>>, %arg3: memref<1000x128xf32, #tpu.memory_space<vmem>>, %arg4: memref<1000x128xf32, #tpu.memory_space<vmem>>) attributes {dimension_semantics = [#tpu.dimension_semantics<arbitrary>], iteration_bounds = array<i64: 10>, scalar_prefetch = 0 : i64, scratch_operands = 0 : i64, tpu.core_type = #tpu.core_type<tc>, window_params = [{transform_indices = @transform_0, window_bounds = array<i64: 2, 1000, 128>}, {transform_indices = @transform_1, window_bounds = array<i64: 1000, 128>}, {transform_indices = @transform_2, window_bounds = array<i64: 1000, 128>}, {transform_indices = @transform_3, window_bounds = array<i64: 1000, 128>}]} {
    %get3A = arith.constant 0 : index
    %get3A_0 = arith.constant 0 : index
    %get3A_1 = arith.constant 0 : index
    %get3A_2 = vector.load %arg1[%get3A, %get3A_0, %get3A_1] : memref<2x1000x128xf32, #tpu.memory_space<vmem>>, vector<1x1000x128xf32>
    %get3A_3 = vector.shape_cast %get3A_2 : vector<1x1000x128xf32> to vector<1000x128xf32>
    %add3A = arith.constant 1.000000e+00 : f32
    %add3A_4 = vector.broadcast %add3A : f32 to vector<1000x128xf32>
    %add3A_5 = arith.addf %add3A_4, %get3A_3 : vector<1000x128xf32>
    %get3A_6 = arith.constant 1 : index
    %get3A_7 = arith.constant 0 : index
    %get3A_8 = arith.constant 0 : index
    %get3A_9 = vector.load %arg1[%get3A_6, %get3A_7, %get3A_8] : memref<2x1000x128xf32, #tpu.memory_space<vmem>>, vector<1x1000x128xf32>
    %get3A_10 = vector.shape_cast %get3A_9 : vector<1x1000x128xf32> to vector<1000x128xf32>
    %add3A_11 = arith.addf %add3A_5, %get3A_10 : vector<1000x128xf32>
    %rsqrt3A = math.rsqrt %add3A_11 : vector<1000x128xf32>
    %swap3A = arith.constant 0 : index
    %swap3A_12 = arith.constant 0 : index
    %swap3A_13 = vector.load %arg3[%swap3A, %swap3A_12] : memref<1000x128xf32, #tpu.memory_space<vmem>>, vector<1000x128xf32>
    tpu.vector_store %arg3[%swap3A, %swap3A_12], %rsqrt3A {strides = array<i32>} : memref<1000x128xf32, #tpu.memory_space<vmem>>, vector<1000x128xf32>,
    %get3A_14 = arith.constant 0 : index
    %get3A_15 = arith.constant 0 : index
    %get3A_16 = vector.load %arg2[%get3A_14, %get3A_15] : memref<1000x128xf32, #tpu.memory_space<vmem>>, vector<1000x128xf32>
    %mul3A = arith.mulf %rsqrt3A, %get3A_16 : vector<1000x128xf32>
    %swap3A_17 = arith.constant 0 : index
    %swap3A_18 = arith.constant 0 : index
    %swap3A_19 = vector.load %arg4[%swap3A_17, %swap3A_18] : memref<1000x128xf32, #tpu.memory_space<vmem>>, vector<1000x128xf32>
    tpu.vector_store %arg4[%swap3A_17, %swap3A_18], %mul3A {strides = array<i32>} : memref<1000x128xf32, #tpu.memory_space<vmem>>, vector<1000x128xf32>,
    return
  }
  func.func @transform_0(%arg0: i32) -> (i32, i32, i32) {
    %c0_i32 = arith.constant 0 : i32
    %c0_i32_0 = arith.constant 0 : i32
    %c0_i32_1 = arith.constant 0 : i32
    return %c0_i32, %arg0, %c0_i32_0 : i32, i32, i32
  }
  func.func @transform_1(%arg0: i32) -> (i32, i32) {
    %c0_i32 = arith.constant 0 : i32
    %c0_i32_0 = arith.constant 0 : i32
    return %arg0, %c0_i32 : i32, i32
  }
  func.func @transform_2(%arg0: i32) -> (i32, i32) {
    %c0_i32 = arith.constant 0 : i32
    %c0_i32_0 = arith.constant 0 : i32
    return %arg0, %c0_i32 : i32, i32
  }
  func.func @transform_3(%arg0: i32) -> (i32, i32) {
    %c0_i32 = arith.constant 0 : i32
    %c0_i32_0 = arith.constant 0 : i32
    return %arg0, %c0_i32 : i32, i32
  }
}

module attributes {stable_mosaic.version = 14 : i64} {
  func.func @_l2_body(%arg0: i32, %arg1: memref<2x1000x128xf32, #tpu.memory_space<vmem>>, %arg2: memref<1000x128xf32, #tpu.memory_space<vmem>>, %arg3: memref<1000x128xf32, #tpu.memory_space<vmem>>, %arg4: memref<1x128xf32, #tpu.memory_space<vmem>>, %arg5: memref<128x128xf32, #tpu.memory_space<vmem>>, %arg6: memref<1000x128xf32, #tpu.memory_space<vmem>>) attributes {dimension_semantics = [#tpu.dimension_semantics<arbitrary>], iteration_bounds = array<i64: 10>, scalar_prefetch = 0 : i64, scratch_operands = 0 : i64, tpu.core_type = #tpu.core_type<tc>, window_params = [{transform_indices = @transform_0, window_bounds = array<i64: 2, 1000, 128>}, {transform_indices = @transform_1, window_bounds = array<i64: 1000, 128>}, {transform_indices = @transform_2, window_bounds = array<i64: 1000, 128>}, {pipeline_mode = #tpu.pipeline_mode<synchronous>, transform_indices = @transform_3, window_bounds = array<i64: 1, 128>}, {pipeline_mode = #tpu.pipeline_mode<synchronous>, transform_indices = @transform_4, window_bounds = array<i64: 128, 128>}, {transform_indices = @transform_5, window_bounds = array<i64: 1000, 128>}]} {
    %get3A = arith.constant 0 : index
    %get3A_0 = arith.constant 0 : index
    %get3A_1 = arith.constant 0 : index
    %get3A_2 = vector.load %arg1[%get3A, %get3A_0, %get3A_1] : memref<2x1000x128xf32, #tpu.memory_space<vmem>>, vector<1x1000x128xf32>
    %get3A_3 = vector.shape_cast %get3A_2 : vector<1x1000x128xf32> to vector<1000x128xf32>
    %get3A_4 = arith.constant 1 : index
    %get3A_5 = arith.constant 0 : index
    %get3A_6 = arith.constant 0 : index
    %get3A_7 = vector.load %arg1[%get3A_4, %get3A_5, %get3A_6] : memref<2x1000x128xf32, #tpu.memory_space<vmem>>, vector<1x1000x128xf32>
    %get3A_8 = vector.shape_cast %get3A_7 : vector<1x1000x128xf32> to vector<1000x128xf32>
    %add3A = arith.addf %get3A_3, %get3A_8 : vector<1000x128xf32>
    %get3A_9 = arith.constant 0 : index
    %get3A_10 = arith.constant 0 : index
    %get3A_11 = vector.load %arg2[%get3A_9, %get3A_10] : memref<1000x128xf32, #tpu.memory_space<vmem>>, vector<1000x128xf32>
    %add3A_12 = arith.addf %add3A, %get3A_11 : vector<1000x128xf32>
    %get3A_13 = arith.constant 0 : index
    %get3A_14 = arith.constant 0 : index
    %get3A_15 = vector.load %arg3[%get3A_13, %get3A_14] : memref<1000x128xf32, #tpu.memory_space<vmem>>, vector<1000x128xf32>
    %mul3A = arith.mulf %get3A_15, %add3A_12 : vector<1000x128xf32>
    %get3A_16 = arith.constant 0 : index
    %get3A_17 = arith.constant 0 : index
    %get3A_18 = vector.load %arg4[%get3A_16, %get3A_17] : memref<1x128xf32, #tpu.memory_space<vmem>>, vector<1x128xf32>
    %add3A_19 = vector.broadcast %get3A_18 : vector<1x128xf32> to vector<1000x128xf32>
    %add3A_20 = arith.addf %mul3A, %add3A_19 : vector<1000x128xf32>
    %max3A = arith.constant 0.000000e+00 : f32
    %max3A_21 = vector.broadcast %max3A : f32 to vector<1000x128xf32>
    %max3A_22 = arith.maximumf %add3A_20, %max3A_21 : vector<1000x128xf32>
    %get3A_23 = arith.constant 0 : index
    %get3A_24 = arith.constant 0 : index
    %get3A_25 = vector.load %arg3[%get3A_23, %get3A_24] : memref<1000x128xf32, #tpu.memory_space<vmem>>, vector<1000x128xf32>
    %get3A_26 = arith.constant 0 : index
    %get3A_27 = arith.constant 0 : index
    %get3A_28 = vector.load %arg5[%get3A_26, %get3A_27] : memref<128x128xf32, #tpu.memory_space<vmem>>, vector<128x128xf32>
    %dot_general3A = arith.constant dense<0.000000e+00> : vector<1000x128xf32>
    %dot_general3A_29 = tpu.matmul %max3A_22, %get3A_28, %dot_general3A {dimension_numbers = #tpu.dot_dimension_numbers<[1], [0], [0], [1], [0, 0, 1, 1], [], []>, transpose_lhs_hint = false} : vector<1000x128xf32>, vector<128x128xf32>, vector<1000x128xf32> -> vector<1000x128xf32>
    %mul3A_30 = arith.mulf %get3A_25, %dot_general3A_29 : vector<1000x128xf32>
    %swap3A = arith.constant 0 : index
    %swap3A_31 = arith.constant 0 : index
    %swap3A_32 = vector.load %arg6[%swap3A, %swap3A_31] : memref<1000x128xf32, #tpu.memory_space<vmem>>, vector<1000x128xf32>
    tpu.vector_store %arg6[%swap3A, %swap3A_31], %mul3A_30 {strides = array<i32>} : memref<1000x128xf32, #tpu.memory_space<vmem>>, vector<1000x128xf32>,
    return
  }
  func.func @transform_0(%arg0: i32) -> (i32, i32, i32) {
    %c0_i32 = arith.constant 0 : i32
    %c0_i32_0 = arith.constant 0 : i32
    %c0_i32_1 = arith.constant 0 : i32
    return %c0_i32, %arg0, %c0_i32_0 : i32, i32, i32
  }
  func.func @transform_1(%arg0: i32) -> (i32, i32) {
    %c0_i32 = arith.constant 0 : i32
    %c0_i32_0 = arith.constant 0 : i32
    return %arg0, %c0_i32 : i32, i32
  }
  func.func @transform_2(%arg0: i32) -> (i32, i32) {
    %c0_i32 = arith.constant 0 : i32
    %c0_i32_0 = arith.constant 0 : i32
    return %arg0, %c0_i32 : i32, i32
  }
  func.func @transform_3(%arg0: i32) -> (i32, i32) {
    %c0_i32 = arith.constant 0 : i32
    %c0_i32_0 = arith.constant 0 : i32
    %c0_i32_1 = arith.constant 0 : i32
    return %c0_i32, %c0_i32_0 : i32, i32
  }
  func.func @transform_4(%arg0: i32) -> (i32, i32) {
    %c0_i32 = arith.constant 0 : i32
    %c0_i32_0 = arith.constant 0 : i32
    %c0_i32_1 = arith.constant 0 : i32
    return %c0_i32, %c0_i32_0 : i32, i32
  }
  func.func @transform_5(%arg0: i32) -> (i32, i32) {
    %c0_i32 = arith.constant 0 : i32
    %c0_i32_0 = arith.constant 0 : i32
    return %arg0, %c0_i32 : i32, i32
  }
}

module attributes {stable_mosaic.version = 14 : i64} {
  func.func @_fin_body(%arg0: i32, %arg1: memref<2x1000x128xf32, #tpu.memory_space<vmem>>, %arg2: memref<1000x128xf32, #tpu.memory_space<vmem>>, %arg3: memref<1000x128xf32, #tpu.memory_space<vmem>>, %arg4: memref<1x128xf32, #tpu.memory_space<vmem>>, %arg5: memref<1000x128xf32, #tpu.memory_space<vmem>>) attributes {dimension_semantics = [#tpu.dimension_semantics<arbitrary>], iteration_bounds = array<i64: 10>, scalar_prefetch = 0 : i64, scratch_operands = 0 : i64, tpu.core_type = #tpu.core_type<tc>, window_params = [{transform_indices = @transform_0, window_bounds = array<i64: 2, 1000, 128>}, {transform_indices = @transform_1, window_bounds = array<i64: 1000, 128>}, {transform_indices = @transform_2, window_bounds = array<i64: 1000, 128>}, {pipeline_mode = #tpu.pipeline_mode<synchronous>, transform_indices = @transform_3, window_bounds = array<i64: 1, 128>}, {transform_indices = @transform_4, window_bounds = array<i64: 1000, 128>}]} {
    %get3A = arith.constant 0 : index
    %get3A_0 = arith.constant 0 : index
    %get3A_1 = vector.load %arg3[%get3A, %get3A_0] : memref<1000x128xf32, #tpu.memory_space<vmem>>, vector<1000x128xf32>
    %get3A_2 = arith.constant 0 : index
    %get3A_3 = arith.constant 0 : index
    %get3A_4 = arith.constant 0 : index
    %get3A_5 = vector.load %arg1[%get3A_2, %get3A_3, %get3A_4] : memref<2x1000x128xf32, #tpu.memory_space<vmem>>, vector<1x1000x128xf32>
    %get3A_6 = vector.shape_cast %get3A_5 : vector<1x1000x128xf32> to vector<1000x128xf32>
    %get3A_7 = arith.constant 1 : index
    %get3A_8 = arith.constant 0 : index
    %get3A_9 = arith.constant 0 : index
    %get3A_10 = vector.load %arg1[%get3A_7, %get3A_8, %get3A_9] : memref<2x1000x128xf32, #tpu.memory_space<vmem>>, vector<1x1000x128xf32>
    %get3A_11 = vector.shape_cast %get3A_10 : vector<1x1000x128xf32> to vector<1000x128xf32>
    %add3A = arith.addf %get3A_6, %get3A_11 : vector<1000x128xf32>
    %get3A_12 = arith.constant 0 : index
    %get3A_13 = arith.constant 0 : index
    %get3A_14 = vector.load %arg2[%get3A_12, %get3A_13] : memref<1000x128xf32, #tpu.memory_space<vmem>>, vector<1000x128xf32>
    %add3A_15 = arith.addf %add3A, %get3A_14 : vector<1000x128xf32>
    %mul3A = arith.mulf %get3A_1, %add3A_15 : vector<1000x128xf32>
    %get3A_16 = arith.constant 0 : index
    %get3A_17 = arith.constant 0 : index
    %get3A_18 = vector.load %arg4[%get3A_16, %get3A_17] : memref<1x128xf32, #tpu.memory_space<vmem>>, vector<1x128xf32>
    %add3A_19 = vector.broadcast %get3A_18 : vector<1x128xf32> to vector<1000x128xf32>
    %add3A_20 = arith.addf %mul3A, %add3A_19 : vector<1000x128xf32>
    %iota3A = tpu.iota {dimensions = array<i32: 1>} : vector<1000x128xi32>
    %lt3A = arith.constant 64 : i32
    %lt3A_21 = vector.broadcast %lt3A : i32 to vector<1000x128xi32>
    %lt3A_22 = arith.cmpi slt, %iota3A, %lt3A_21 : vector<1000x128xi32>
    %jit3A = arith.constant 0xFF800000 : f32
    %broadcast_in_dim3A = vector.broadcast %jit3A : f32 to vector<1000x128xf32>
    %select_n3A = arith.select %lt3A_22, %add3A_20, %broadcast_in_dim3A : vector<1000x128xi1>, vector<1000x128xf32>
    %reduce_max3A = arith.constant dense<0xFF800000> : vector<1000xf32>
    %reduce_max3A_23 = vector.multi_reduction <maximumf>, %select_n3A, %reduce_max3A [1] : vector<1000x128xf32> to vector<1000xf32>
    %broadcast_in_dim3A_24 = vector.shape_cast %reduce_max3A_23 : vector<1000xf32> to vector<1000x1xf32>
    %sub3A = vector.broadcast %broadcast_in_dim3A_24 : vector<1000x1xf32> to vector<1000x128xf32>
    %sub3A_25 = arith.subf %add3A_20, %sub3A : vector<1000x128xf32>
    %exp3A = math.exp %sub3A_25 : vector<1000x128xf32>
    %jit3A_26 = arith.constant 0.000000e+00 : f32
    %broadcast_in_dim3A_27 = vector.broadcast %jit3A_26 : f32 to vector<1000x128xf32>
    %select_n3A_28 = arith.select %lt3A_22, %exp3A, %broadcast_in_dim3A_27 : vector<1000x128xi1>, vector<1000x128xf32>
    %reduce_sum3A = arith.constant dense<0.000000e+00> : vector<1000xf32>
    %reduce_sum3A_29 = vector.multi_reduction <add>, %select_n3A_28, %reduce_sum3A [1] : vector<1000x128xf32> to vector<1000xf32>
    %broadcast_in_dim3A_30 = vector.shape_cast %reduce_sum3A_29 : vector<1000xf32> to vector<1000x1xf32>
    %sub3A_31 = vector.broadcast %broadcast_in_dim3A_24 : vector<1000x1xf32> to vector<1000x128xf32>
    %sub3A_32 = arith.subf %add3A_20, %sub3A_31 : vector<1000x128xf32>
    %log3A = math.log %broadcast_in_dim3A_30 : vector<1000x1xf32>
    %sub3A_33 = vector.broadcast %log3A : vector<1000x1xf32> to vector<1000x128xf32>
    %sub3A_34 = arith.subf %sub3A_32, %sub3A_33 : vector<1000x128xf32>
    %swap3A = arith.constant 0 : index
    %swap3A_35 = arith.constant 0 : index
    %swap3A_36 = vector.load %arg5[%swap3A, %swap3A_35] : memref<1000x128xf32, #tpu.memory_space<vmem>>, vector<1000x128xf32>
    tpu.vector_store %arg5[%swap3A, %swap3A_35], %sub3A_34 {strides = array<i32>} : memref<1000x128xf32, #tpu.memory_space<vmem>>, vector<1000x128xf32>,
    return
  }
  func.func @transform_0(%arg0: i32) -> (i32, i32, i32) {
    %c0_i32 = arith.constant 0 : i32
    %c0_i32_0 = arith.constant 0 : i32
    %c0_i32_1 = arith.constant 0 : i32
    return %c0_i32, %arg0, %c0_i32_0 : i32, i32, i32
  }
  func.func @transform_1(%arg0: i32) -> (i32, i32) {
    %c0_i32 = arith.constant 0 : i32
    %c0_i32_0 = arith.constant 0 : i32
    return %arg0, %c0_i32 : i32, i32
  }
  func.func @transform_2(%arg0: i32) -> (i32, i32) {
    %c0_i32 = arith.constant 0 : i32
    %c0_i32_0 = arith.constant 0 : i32
    return %arg0, %c0_i32 : i32, i32
  }
  func.func @transform_3(%arg0: i32) -> (i32, i32) {
    %c0_i32 = arith.constant 0 : i32
    %c0_i32_0 = arith.constant 0 : i32
    %c0_i32_1 = arith.constant 0 : i32
    return %c0_i32, %c0_i32_0 : i32, i32
  }
  func.func @transform_4(%arg0: i32) -> (i32, i32) {
    %c0_i32 = arith.constant 0 : i32
    %c0_i32_0 = arith.constant 0 : i32
    return %arg0, %c0_i32 : i32, i32
  }
}

</mosaic_0001>

<sc_bundles>
// kernel: kernel.12.cloned.1.call-start
scs
__scs_entry_jumppad:
0x0: {  	(pc) =	sbr.rel $0x88, $3  }
0x1: {  	(tag) =	ssettag $0x0;
	lr =	simm.s32 $0x1  }
0x2: {  	[smem:$0x3F9B] =	sst lr;
	_ =	strace $0xD0000000  }
0x3: {  	_ = 	snop  }
0x4: {  	_ = 	snop  }
0x5: {  	_ = 	snop  }
0x6: {  	_ = 	snop  }
0x7: {  	_ = 	snop  }
__scs_overlays_trampoline_lowered:
0x8: {  	[smem:$0x3FAA] =	sst s0  }
0x9: {  	[smem:$0x3FAB] =	sst s1  }
0xa: {  	[smem:$0x3FAC] =	sst s2  }
0xb: {  	[smem:$0x3FAD] =	sst s3  }
0xc: {  	[smem:$0x3FAE] =	sst s4  }
0xd: {  	[smem:$0x3FAF] =	sst s5  }
0xe: {  	[smem:$0x3FB0] =	sst s6  }
0xf: {  	[smem:$0x3FB1] =	sst s7  }
0x10: {  	[smem:$0x3FB2] =	sst s8  }
0x11: {  	[smem:$0x3FB3] =	sst s9;
	s0 =	simm.s32 @!p0 $0x0  }
0x12: {  	s1 =	sld [smem:$0x3F99];
	s0 =	simm.s32 @p0 $0x1  }
0x13: {  	[smem:$0x3FB4] =	sst s0;
	s0 =	simm.s32 @!p1 $0x0  }
0x14: {  	s2 =	sld [smem:$0x3F98];
	s0 =	simm.s32 @p1 $0x1  }
0x15: {  	[smem:$0x3FB5] =	sst s0;
	s0 =	simm.s32 @!p2 $0x0  }
0x16: {  	s3 =	sld [smem:$0x3FDB];
	s0 =	simm.s32 @p2 $0x1  }
0x17: {  	s4 =	simm.s32 $0x1BF5;
	[smem:$0x3FB7] =	sst s0  }
0x18: {  	s0 =	sld [smem:$0x3F9A];
	_ =	swait.ge [sflag:s4], $0x0  }
0x19: {  	s7 =	sld [smem:$0x3F9B]  }
0x1a: {  	s8 =	sadd.s32 $0xFFFFE003, lr  }
0x1b: {  	s9 =	sadd.s32 $0xFFFFFEF7, lr;
	s5 =	simm.s32 $0xFFFFFFFF;
	p2 =	slt.u32 s8, $0xFFFFF086  }
0x1c: {  	p1 =	slt.u32 s9, $0xF7A;
	s5 =	simm.s32 @!p2 $0x0  }
0x1d: {  	s5 =	simm.s32 @p1 $0x1;
	p0 =	seq.s32 s7, s2  }
0x1e: {  	s7 =	smul.u32 @!p0 $0xF7A, s2;
	p2 =	seq.s32 @!p0 s5, $0x0  }
0x1f: {  	s9 =	smul.u32 $0xF7A, s1;
	s8 =	simm.s32 @!p0 $0x1BF5;
	p2 =	por !p2, p0  }
0x20: {  	[sflag:s8] =	ssyncset.s32 @!p0 $0xFFFFF086;
	s6 =	sadd.s32 @!p0 s3, s7;
	s7 =	simm.s32 @!p0 $0x108  }
0x21: {  	s3 =	sadd.s32 s3, s9;
	s6 =	sadd.s32 @!p0 $0x88, s6;
	s7 =	simm.s32 @p2 $0x1082  }
0x22: {  	[simem:s7], [sflag:s8] =	dma.local @!p0 [hbm:s6], $0xF7A  }
0x23: {  	s9 =	sor.u32 $0xD0000000, s2;
	s6 =	simm.s32 $0x108;
	_ =	swait.ge @!p0 [sflag:s8], $0x0  }
0x24: {  	s3 =	sadd.s32 $0x88, s3;
	s6 =	simm.s32 @!p1 $0x1082;
	[sflag:s4] =	ssyncset.s32 $0xFFFFF086  }
0x25: {  	[simem:s6], [sflag:s4] =	dma.local [hbm:s3], $0xF7A  }
0x26: {  	[smem:$0x3F9B] =	sst s1;
	(tag) =	ssettag s2;
	_ =	strace s9  }
0x27: {  	s1 =	sld [smem:$0x3FAB]  }
0x28: {  	s2 =	sld [smem:$0x3FAC]  }
0x29: {  	s4 =	sld [smem:$0x3FAE]  }
0x2a: {  	p0 =	seq.s32 s5, $0x0;
	s5 =	sld [smem:$0x3FAF]  }
0x2b: {  	s6 =	sld [smem:$0x3FB0]  }
0x2c: {  	s7 =	sld [smem:$0x3FB1]  }
0x2d: {  	s3 =	simm.s32 $0x108;
	s8 =	sld [smem:$0x3FB2]  }
0x2e: {  	s3 =	simm.s32 @!p0 $0x1082;
	s9 =	sld [smem:$0x3FB3]  }
0x2f: {  	lr =	sadd.s32 s0, s3;
	s0 =	sld [smem:$0x3FAA]  }
0x30: {  	s3 =	sld [smem:$0x3FAD]  }
0x31: {  	[smem:$0x3FB6] =	sst s10  }
0x32: {  	s10 =	sld [smem:$0x3FB4];
	_ =	sdelay $0x3  }
0x33: {  	p0 =	seq.s32 s10, $0x1;
	s10 =	sld [smem:$0x3FB6];
	_ =	sdelay $0x3  }
0x34: {  	[smem:$0x3FB6] =	sst s10  }
0x35: {  	s10 =	sld [smem:$0x3FB5];
	_ =	sdelay $0x3  }
0x36: {  	p1 =	seq.s32 s10, $0x1;
	s10 =	sld [smem:$0x3FB6];
	_ =	sdelay $0x3  }
0x37: {  	[smem:$0x3FB6] =	sst s10  }
0x38: {  	s10 =	sld [smem:$0x3FB7]  }
0x39: {  	_ = 	snop;
	(pc) =	sbr.ind lr, $3  }
0x3a: {  	_ = 	snop  }
0x3b: {  	_ = 	snop  }
0x3c: {  	p2 =	seq.s32 s10, $0x1;
	s10 =	sld [smem:$0x3FB6]  }
0x3d: {  	_ =	shalt  }
0x3e: {  	_ =	shalt  }
0x3f: {  	_ =	shalt  }
0x40: {  	_ =	shalt  }
0x41: {  	_ =	shalt  }
0x42: {  	_ =	shalt  }
0x43: {  	_ =	shalt  }
0x44: {  	_ =	shalt  }
0x45: {  	_ =	shalt  }
0x46: {  	_ =	shalt  }
0x47: {  	_ =	shalt  }
0x48: {  	_ =	shalt  }
0x49: {  	_ =	shalt  }
0x4a: {  	_ =	shalt  }
0x4b: {  	_ =	shalt  }
0x4c: {  	_ =	shalt  }
0x4d: {  	_ =	shalt  }
0x4e: {  	_ =	shalt  }
0x4f: {  	_ =	shalt  }
0x50: {  	_ =	shalt  }
0x51: {  	_ =	shalt  }
0x52: {  	_ =	shalt  }
0x53: {  	_ =	shalt  }
0x54: {  	_ =	shalt  }
0x55: {  	_ =	shalt  }
0x56: {  	_ =	shalt  }
0x57: {  	_ =	shalt  }
0x58: {  	_ =	shalt  }
0x59: {  	_ =	shalt  }
0x5a: {  	_ =	shalt  }
0x5b: {  	_ =	shalt  }
0x5c: {  	_ =	shalt  }
0x5d: {  	_ =	shalt  }
0x5e: {  	_ =	shalt  }
0x5f: {  	_ =	shalt  }
0x60: {  	_ =	shalt  }
0x61: {  	_ =	shalt  }
0x62: {  	_ =	shalt  }
0x63: {  	_ =	shalt  }
0x64: {  	_ =	shalt  }
0x65: {  	_ =	shalt  }
0x66: {  	_ =	shalt  }
0x67: {  	_ =	shalt  }
0x68: {  	_ =	shalt  }
0x69: {  	_ =	shalt  }
0x6a: {  	_ =	shalt  }
0x6b: {  	_ =	shalt  }
0x6c: {  	_ =	shalt  }
0x6d: {  	_ =	shalt  }
0x6e: {  	_ =	shalt  }
0x6f: {  	_ =	shalt  }
0x70: {  	_ =	shalt  }
0x71: {  	_ =	shalt  }
0x72: {  	_ =	shalt  }
0x73: {  	_ =	shalt  }
0x74: {  	_ =	shalt  }
0x75: {  	_ =	shalt  }
0x76: {  	_ =	shalt  }
0x77: {  	_ =	shalt  }
0x78: {  	_ =	shalt  }
0x79: {  	_ =	shalt  }
0x7a: {  	_ =	shalt  }
0x7b: {  	_ =	shalt  }
0x7c: {  	_ =	shalt  }
0x7d: {  	_ =	shalt  }
0x7e: {  	_ =	shalt  }
0x7f: {  	_ =	shalt  }
0x80: {  	_ =	shalt  }
0x81: {  	_ =	shalt  }
0x82: {  	_ =	shalt  }
0x83: {  	_ =	shalt  }
0x84: {  	_ =	shalt  }
0x85: {  	_ =	shalt  }
0x86: {  	_ =	shalt  }
0x87: {  	_ =	shalt  }
.Lfunc_end0:
.L_simem_size_0:
called_computation.1_lowered:
.L_overlay_start_0:
0x88: {  	s2 =	sld [smem:$0x3FD9]  }
0x89: {  	s3 =	sld [smem:$0x3FFE];
	_ =	sdelay $0x1  }
0x8a: {  	s1 =	srdreg.scid  }
0x8b: {  	s0 =	sand.u32 $0x1, s1  }
0x8c: {  	s17 =	sshll.u32 s0, $0xA;
	s2 =	sadd.s32 s3, s2  }
0x8d: {  	s2 =	sadd.s32 s2, s17  }
0x8e: {  	[smem:$0x3FC2] =	sst s2  }
0x8f: {  	_ = 	snop  }
0x90: {  	s2 =	sld [smem:$0x3FD0];
	(tm) =	ssettm $0x1  }
0x91: {  	s18 =	sld [smem:$0x3FFB];
	_ =	sdelay $0x3  }
0x92: {  	_ =	strace s18  }
0x93: {  	s3 =	sld [smem:$0x3FFC];
	_ =	sdelay $0x3  }
0x94: {  	_ =	strace s3  }
0x95: {  	s3 =	sld [smem:$0x3FFD];
	_ =	sdelay $0x3  }
0x96: {  	_ =	strace s3  }
0x97: {  	_ =	strace $0x8FFFFFFF  }
0x98: {  	s19 =	sld [smem:$0x3FDB];
	_ =	sdelay $0x1  }
0x99: {  	s4 =	simm.s32 $_scs_section_size  }
0x9a: {  	s5 =	simm.s32 $_size__tile_overlayer_lowered;
	s6 =	simm.s32 $_tile_overlayer_lowered  }
0x9b: {  	s22 =	simm.s32 $0x1BFF;
	s21 =	sshll.u32 s6, $0x1;
	s3 =	sadd.s32 s4, s19  }
0x9c: {  	s7 =	simm.s32 $0x0;
	s20 =	sshll.u32 s5, $0x1;
	s5 =	sadd.s32 s21, s3  }
0x9d: {  	[timem:s7], [sflag:s22] =	dma.local [hbm:s5], s20  }
0x9e: {  	_ =	swait.ge [sflag:s22], s20  }
0x9f: {  	s4 =	ssub.s32 $0x0, s20;
	[sflag:s22] =	ssyncset.done $0x0  }
0xa0: {  	[sflag:s22] =	ssyncadd.s32 s4;
	_ =	sdelay $0x1  }
0xa1: {  	s23 =	simm.s32 $0x1B8B  }
0xa2: {  	_ =	swait.ge [sflag:s23], $0x1  }
0xa3: {  	[sflag:s23] =	ssyncset.done $0x0  }
0xa4: {  	s25 =	simm.s32 $0x1B8E;
	s24 =	sld [smem:$0x3FFE];
	[sflag:s23] =	ssyncadd.s32 $0xFFFFFFFF  }
0xa5: {  	s26 =	simm.s32 $execute0_lowered;
	[smem:$0x3FD2] =	sst s25  }
0xa6: {  	s5 =	sshll.u32 s26, $0x1;
	_ =	strace $0x80000049;
	[dreg:$0x1] =	wrdreg $0xFFFFFFFF  }
0xa7: {  	s28 =	simm.s32 $_size_execute0_lowered;
	s3 =	sadd.s32 s3, s5;
	[dreg:$0x0] =	wrdreg $0x0  }
0xa8: {  	s5 =	sshll.u32 s28, $0x1;
	[dreg:$0x2] =	wrdreg s3  }
0xa9: {  	[dreg:$0x3] =	wrdreg s5  }
0xaa: {  	[dreg:$0x4] =	wrdreg $0xC0  }
0xab: {  	_ =	task [dreg:s7], $0x5FFFF  }
0xac: {  	[dreg:$0x1] =	wrdreg $0xFFFFFFFF  }
0xad: {  	[dreg:$0x0] =	wrdreg $0x60  }
0xae: {  	[dreg:$0x2] =	wrdreg s24  }
0xaf: {  	[dreg:$0x3] =	wrdreg s2  }
0xb0: {  	[dreg:$0x4] =	wrdreg $0xC4000  }
0xb1: {  	[dreg:$0x5] =	wrdreg $0x9  }
0xb2: {  	_ =	task.clear_ibuf [dreg:s7], $0x6FFFF;
	_ =	strace $0x90000049  }
0xb3: {  	s29 =	simm.s32 $0x9;
	_ =	strace $0x8000004B  }
0xb4: {  	_ =	swait.ge [sflag:s29], $0x1  }
0xb5: {  	[sflag:s29] =	ssyncadd.s32 $0xFFFFFFFF  }
0xb6: {  	_ =	strace $0x9000004B  }
0xb7: {  	_ =	sfence  }
0xb8: {  	s30 =	sld [smem:$0x0];
	_ =	sdelay $0x2  }
0xb9: {  	s31 =	sshll.u32 s1, $0xD;
	s1 =	sshrl.u32 s1, $0x2  }
0xba: {  	s3 =	sand.u32 $0x4000, s31;
	s1 =	sadd.s32 s1, s30  }
0xbb: {  	s0 =	sor.u32 s3, s0;
	s1 =	sshll.u32 s1, $0x11  }
0xbc: {  	s0 =	sor.u32 s1, s0  }
0xbd: {  	s0 =	sadd.s32 $0x8F2B, s0  }
0xbe: {  	[sflag:s0] =	ssyncadd.remote.s32 $0x1  }
0xbf: {  	_ =	sfence.sel $0xFFFF  }
0xc0: {  	[dreg:$0x0] =	wrdreg $0xFFFFFFFF;
	(pc) =	sbr.abs _section_cstart, $3  }
0xc1: {  	[dreg:$0x1] =	wrdreg $0xFFFFFFFF  }
0xc2: {  	_ =	task.clear_ibuf [dreg:s7], $0x2FFFF;
	_ =	strace $0x9FFFFFFF  }
0xc3: {  	(tm) =	ssettm $0x7FFFFFFF  }
tec
execute0_lowered:
.L_overlay_start_1:
0x0: {  	(tag) =	ssettag $0x1  }
0x1: {  	s0 =	rddreg [dreg:$0x0]  }
0x2: {  	s2 =	rddreg [dreg:$0x1]  }
0x3: {  	s1 =	rddreg [dreg:$0x2];
	s3 =	srdreg.scid  }
0x4: {  	s11 =	stileid.u32;
	s21 =	simm.s32 $0xC040;
	s22 =	simm.s32 $0x2000  }
0x5: {  	s23 =	simm.s32 $0xC0C0;
	s24 =	simm.s32 $0x6000;
	s25 =	simm.s32 $0xC140  }
0x6: {  	s26 =	simm.s32 $0xA000;
	s28 =	simm.s32 $0x5;
	s29 =	simm.s32 $0x4000  }
0x7: {  	s30 =	simm.s32 $0x6;
	s31 =	simm.s32 $0x8000;
	s7 =	smul.u32 $0x13C00, s11  }
0x8: {  	s5 =	sand.u32 $0x1, s3;
	s3 =	simm.s32 $0x0;
	s13 =	smul.u32 $0x4F000, s11  }
0x9: {  	s4 =	sadd.s32 $0xC800, s0;
	s10 =	smul.u32 $0xF, s11;
	[smem:$0x7FF] =	sst s3  }
0xa: {  	s11 =	smul.u32 $0x93, s11;
	_ =	strace $0x8000004A;
	[dreg:$0x6] =	wrdreg s21  }
0xb: {  	s9 =	sadd.s32 $0x2600, s0;
	s6 =	smul.u32 $0x13C000, s5;
	[dreg:$0x7] =	wrdreg s22  }
0xc: {  	s8 =	ssub.s32 $0x2, s5;
	p0 =	seq.s32 s5, $0x0;
	[dreg:$0x8] =	wrdreg s23  }
0xd: {  	s14 =	sshrl.u32 s8, $0x1;
	s10 =	sadd.s32 $0x930, s10;
	[dreg:$0x9] =	wrdreg s24  }
0xe: {  	s21 =	simm.s32 $0xC080;
	s22 =	simm.s32 $0xC280;
	[dreg:$0xa] =	wrdreg s25  }
0xf: {  	s23 =	simm.s32 $0xC100;
	s24 =	simm.s32 $0xC300;
	[dreg:$0xb] =	wrdreg s26  }
0x10: {  	s25 =	simm.s32 $0x4;
	s26 =	simm.s32 $0x40;
	s6 =	sadd.s32 s7, s6  }
0x11: {  	s7 =	sshrl.u32 s13, $0x2;
	s10 =	smov.u32 @p0 s11;
	s11 =	simm.s32 $0x31  }
0x12: {  	s6 =	sshrl.u32 s6, $0x3;
	s5 =	sadd.s32 s7, s1;
	s10 =	sshll.u32 s10, $0x4  }
0x13: {  	s11 =	simm.s32 @!p0 $0x5;
	s0 =	sadd.s32 s6, s0;
	s7 =	sadd.s32 $0x10000, s5  }
0x14: {  	s6 =	ssub.s32 s8, s14;
	s15 =	sadd.s32 $0xFFFFFFFF, s11;
	[dreg:$0xc] =	wrdreg s7  }
0x15: {  	s12 =	sadd.s32 $0x10, s10;
	s18 =	sadd.s32 $0x4000, s5;
	[dreg:$0x4] =	wrdreg s15  }
0x16: {  	s8 =	sadd.s32 s9, s10;
	s19 =	sadd.s32 $0x8000, s5;
	[dreg:$0x13] =	wrdreg s18  }
0x17: {  	s16 =	smul.u32 $0x30, s11;
	s20 =	sadd.s32 $0xC000, s5;
	[dreg:$0x14] =	wrdreg s19  }
0x18: {  	s7 =	sadd.s32 s2, s10;
	s13 =	sadd.s32 s2, s12;
	[dreg:$0x15] =	wrdreg s20  }
0x19: {  	s10 =	sadd.s32 $0x20, s10;
	s12 =	sadd.s32 s9, s12;
	[dreg:$0xd] =	wrdreg s13  }
0x1a: {  	s0 =	sadd.s32 $0x33A00, s0;
	s17 =	smax.u32 s6, $0x1;
	[dreg:$0xe] =	wrdreg s12  }
0x1b: {  	s18 =	simm.s32 $0x7;
	s19 =	simm.s32 $0xC000;
	[dreg:$0x11] =	wrdreg s0  }
0x1c: {  	s20 =	simm.s32 $0xC200;
	s6 =	simm.s32 $0x2;
	[dreg:$0x12] =	wrdreg s17  }
0x1d: {  	s2 =	sadd.s32 s2, s10;
	s9 =	sadd.s32 s9, s10;
	[dreg:$0x5] =	wrdreg s16  }
0x1e: {  	s0 =	simm.s32 $0x1;
	s10 =	simm.s32 $0x0;
	[dreg:$0xf] =	wrdreg s2  }
0x1f: {  	v0 =	vimm.f32 $0.0e+00;
	[dreg:$0x10] =	wrdreg s9;
	s2 =	simm.s32 $0x80;
	s9 =	simm.s32 $0x3  }
.LBB2_1:
0x20: {  	s11 =	simm.s32 $0x0;
	s12 =	simm.s32 $0x200  }
.LBB2_2:
0x21: {  	p0 =	sne.s32 s12, $0xFE00;
	[tilespmem:s11+$0x70] =	vst v0  }
0x22: {  	[tilespmem:s11+$0x0] =	vst v0  }
0x23: {  	[tilespmem:s11+$0x10] =	vst v0  }
.Ltmp0:
0x24: {  	[tilespmem:s11+$0x20] =	vst v0;
	(pc) =	sbr.rel @p0 .LBB2_2-.Ltmp0, $4  }
0x25: {  	[tilespmem:s11+$0x30] =	vst v0  }
0x26: {  	[tilespmem:s11+$0x40] =	vst v0  }
0x27: {  	[tilespmem:s11+$0x50] =	vst v0  }
0x28: {  	[tilespmem:s11+$0x60] =	vst v0;
	s11 =	sshra.s32 s12, $0x2;
	s12 =	sadd.s32 $0x200, s12  }
0x29: {  	[tilespmem:s11+$0x70] =	vst v0  }
0x2a: {  	[tilespmem:s11+$0x0] =	vst v0  }
0x2b: {  	[tilespmem:s11+$0x10] =	vst v0  }
0x2c: {  	[tilespmem:s11+$0x20] =	vst v0  }
0x2d: {  	[tilespmem:s11+$0x30] =	vst v0  }
0x2e: {  	[tilespmem:s11+$0x40] =	vst v0  }
0x2f: {  	[tilespmem:s11+$0x50] =	vst v0  }
0x30: {  	[tilespmem:s11+$0x60] =	vst v0;
	s11 =	simm.s32 $0x0  }
0x31: {  	[spmem:s5] =	stream.linear.scatter [tilespmem:s11], [sflag:$0x7], $0x4000, $0x38;
	v63 =	vld [tilespmem:$0x0]  }
0x32: {  	_ =	swait.ge [sflag:s18], $0x4000  }
0x33: {  	[sflag:s18] =	ssyncset.done $0x0  }
0x34: {  	s12 =	rddreg [dreg:$0x13];
	[sflag:s18] =	ssyncadd.s32 $0xFFFFC000  }
0x35: {  	[spmem:s12] =	stream.linear.scatter [tilespmem:s11], [sflag:$0x7], $0x4000, $0x38;
	v63 =	vld [tilespmem:$0x0]  }
0x36: {  	_ =	swait.ge [sflag:s18], $0x4000  }
0x37: {  	[sflag:s18] =	ssyncset.done $0x0  }
0x38: {  	s16 =	rddreg [dreg:$0x14];
	[sflag:s18] =	ssyncadd.s32 $0xFFFFC000  }
0x39: {  	[spmem:s16] =	stream.linear.scatter [tilespmem:s11], [sflag:$0x7], $0x4000, $0x38;
	v63 =	vld [tilespmem:$0x0]  }
0x3a: {  	_ =	swait.ge [sflag:s18], $0x4000  }
0x3b: {  	[sflag:s18] =	ssyncset.done $0x0  }
0x3c: {  	s17 =	rddreg [dreg:$0x15];
	[sflag:s18] =	ssyncadd.s32 $0xFFFFC000  }
0x3d: {  	[spmem:s17] =	stream.linear.scatter [tilespmem:s11], [sflag:$0x7], $0x4000, $0x38;
	v63 =	vld [tilespmem:$0x0]  }
0x3e: {  	_ =	swait.ge [sflag:s18], $0x4000  }
0x3f: {  	[sflag:s18] =	ssyncset.done $0x0  }
0x40: {  	s13 =	rddreg [dreg:$0xc];
	[sflag:s18] =	ssyncadd.s32 $0xFFFFC000  }
0x41: {  	[spmem:s13] =	stream.linear.scatter [tilespmem:s11], [sflag:$0x7], $0x3C00, $0x38;
	v63 =	vld [tilespmem:$0x0]  }
0x42: {  	_ =	swait.ge [sflag:s18], $0x3C00  }
0x43: {  	[sflag:s18] =	ssyncset.done $0x0  }
0x44: {  	[sflag:s18] =	ssyncadd.s32 $0xFFFFC400  }
0x45: {  	[bflag:$0x0] =	sbarrier.arrive $0xFFFF  }
0x46: {  	[tilespmem:s19], [sflag:$0x4] =	stream.linear.gather [hbm4b:s7+s11], $0x80, $0x38;
	v63 =	vld [tilespmem:$0x0]  }
0x47: {  	_ = 	snop  }
0x48: {  	[tilespmem:s20], [sflag:$0x4] =	stream.linear.gather [hbm4b:s8+s11], $0x80, $0x38;
	v63 =	vld [tilespmem:$0x0]  }
0x49: {  	s14 =	rddreg [dreg:$0xd]  }
0x4a: {  	[tilespmem:s21], [sflag:$0x5] =	stream.linear.gather [hbm4b:s14+s11], $0x80, $0x38;
	v63 =	vld [tilespmem:$0x0]  }
0x4b: {  	s15 =	rddreg [dreg:$0xe]  }
0x4c: {  	[tilespmem:s22], [sflag:$0x5] =	stream.linear.gather [hbm4b:s15+s11], $0x80, $0x38;
	v63 =	vld [tilespmem:$0x0]  }
0x4d: {  	s16 =	rddreg [dreg:$0xf]  }
0x4e: {  	[tilespmem:s23], [sflag:$0x6] =	stream.linear.gather [hbm4b:s16+s11], $0x80, $0x38;
	v63 =	vld [tilespmem:$0x0]  }
0x4f: {  	s12 =	simm.s32 $0x0;
	s17 =	rddreg [dreg:$0x10]  }
0x50: {  	[tilespmem:s24], [sflag:$0x6] =	stream.linear.gather [hbm4b:s17+s11], $0x80, $0x38;
	v63 =	vld [tilespmem:$0x0]  }
.LBB2_4:
0x51: {  	_ =	swait.ge [sflag:s25], $0x80  }
0x52: {  	[sflag:s25] =	ssyncset.done $0x0  }
0x53: {  	[sflag:s25] =	ssyncadd.s32 $0xFFFFFF80  }
0x54: {  	_ =	swait.ge [sflag:s25], $0x80  }
0x55: {  	[sflag:s25] =	ssyncset.done $0x0  }
0x56: {  	s13 =	rddreg [dreg:$0x6];
	[sflag:s25] =	ssyncadd.s32 $0xFFFFFF80  }
0x57: {  	[tilespmem:s3], [sflag:$0x1] =	stream.indirect.gather [hbm4b:s4+s26], $0x80, s19, s26, $0xb8;
	v63 =	vld [tilespmem:$0x0]  }
0x58: {  	s14 =	rddreg [dreg:$0x7]  }
0x59: {  	[tilespmem:s14], [sflag:$0x4] =	stream.indirect.gather [hbm4b:s4+s26], $0x80, s13, s26, $0xb8;
	v63 =	vld [tilespmem:$0x0]  }
0x5a: {  	_ =	swait.ge [sflag:s28], $0x80  }
0x5b: {  	[sflag:s28] =	ssyncset.done $0x0  }
0x5c: {  	[sflag:s28] =	ssyncadd.s32 $0xFFFFFF80  }
0x5d: {  	_ =	swait.ge [sflag:s28], $0x80  }
0x5e: {  	[sflag:s28] =	ssyncset.done $0x0  }
0x5f: {  	s16 =	rddreg [dreg:$0x8];
	[sflag:s28] =	ssyncadd.s32 $0xFFFFFF80  }
0x60: {  	[tilespmem:s29], [sflag:$0x2] =	stream.indirect.gather [hbm4b:s4+s26], $0x80, s21, s26, $0xb8;
	v63 =	vld [tilespmem:$0x0]  }
0x61: {  	s17 =	rddreg [dreg:$0x9]  }
0x62: {  	[tilespmem:s17], [sflag:$0x5] =	stream.indirect.gather [hbm4b:s4+s26], $0x80, s16, s26, $0xb8;
	v63 =	vld [tilespmem:$0x0]  }
0x63: {  	_ =	swait.ge [sflag:s30], $0x80  }
0x64: {  	[sflag:s30] =	ssyncset.done $0x0  }
0x65: {  	[sflag:s30] =	ssyncadd.s32 $0xFFFFFF80  }
0x66: {  	_ =	swait.ge [sflag:s30], $0x80  }
0x67: {  	[sflag:s30] =	ssyncset.done $0x0  }
0x68: {  	s14 =	rddreg [dreg:$0xa];
	[sflag:s30] =	ssyncadd.s32 $0xFFFFFF80  }
0x69: {  	[tilespmem:s31], [sflag:$0x3] =	stream.indirect.gather [hbm4b:s4+s26], $0x80, s23, s26, $0xb8;
	v63 =	vld [tilespmem:$0x0]  }
0x6a: {  	s15 =	rddreg [dreg:$0xb]  }
0x6b: {  	[tilespmem:s15], [sflag:$0x6] =	stream.indirect.gather [hbm4b:s4+s26], $0x80, s14, s26, $0xb8;
	v63 =	vld [tilespmem:$0x0]  }
0x6c: {  	_ =	swait.ge [sflag:s0], $0x2000  }
0x6d: {  	[sflag:s0] =	ssyncset.done $0x0  }
0x6e: {  	[sflag:s0] =	ssyncadd.s32 $0xFFFFE000  }
0x6f: {  	_ =	swait.ge [sflag:s25], $0x2000  }
0x70: {  	[sflag:s25] =	ssyncset.done $0x0  }
0x71: {  	[sflag:s25] =	ssyncadd.s32 $0xFFFFE000  }
0x72: {  	[spmem:s1] =	stream.indirect.scatter.add.f32 [tilespmem:s3], [sflag:$0x1], $0x80, s20, s2, $0xb8;
	v63 =	vld [tilespmem:$0x0]  }
0x73: {  	_ =	swait.ge [sflag:s6], $0x2000  }
0x74: {  	[sflag:s6] =	ssyncset.done $0x0  }
0x75: {  	[sflag:s6] =	ssyncadd.s32 $0xFFFFE000  }
0x76: {  	_ =	swait.ge [sflag:s28], $0x2000  }
0x77: {  	[sflag:s28] =	ssyncset.done $0x0  }
0x78: {  	[sflag:s28] =	ssyncadd.s32 $0xFFFFE000  }
0x79: {  	[spmem:s1] =	stream.indirect.scatter.add.f32 [tilespmem:s29], [sflag:$0x2], $0x80, s22, s2, $0xb8;
	v63 =	vld [tilespmem:$0x0]  }
0x7a: {  	_ =	swait.ge [sflag:s9], $0x2000  }
0x7b: {  	[sflag:s9] =	ssyncset.done $0x0  }
0x7c: {  	[sflag:s9] =	ssyncadd.s32 $0xFFFFE000  }
0x7d: {  	_ =	swait.ge [sflag:s30], $0x2000  }
0x7e: {  	[sflag:s30] =	ssyncset.done $0x0  }
0x7f: {  	[sflag:s30] =	ssyncadd.s32 $0xFFFFE000  }
0x80: {  	[spmem:s1] =	stream.indirect.scatter.add.f32 [tilespmem:s31], [sflag:$0x3], $0x80, s24, s2, $0xb8;
	v63 =	vld [tilespmem:$0x0]  }
0x81: {  	_ =	swait.ge [sflag:s0], $0x4000  }
0x82: {  	s16 =	rddreg [dreg:$0x4]  }
0x83: {  	[sflag:s0] =	ssyncset.done $0x0;
	p0 =	slt.u32 s12, s16  }
0x84: {  	[sflag:s0] =	ssyncadd.s32 $0xFFFFC000;
	s13 =	sadd.s32 @p0 s11, s7  }
0x85: {  	s15 =	simm.s32 @p0 $0x0;
	s16 =	simm.s32 @p0 $0xC000;
	s14 =	sadd.s32 @p0 $0x30, s13  }
0x86: {  	[tilespmem:s16], [sflag:$0x4] =	stream.linear.gather @p0 [hbm4b:s14+s15], $0x80, $0x38;
	v63 =	vld [tilespmem:$0x0]  }
0x87: {  	s14 =	sadd.s32 @p0 s11, s8  }
0x88: {  	s17 =	simm.s32 @p0 $0xC200;
	s16 =	sadd.s32 @p0 $0x30, s14  }
0x89: {  	[tilespmem:s17], [sflag:$0x4] =	stream.linear.gather @p0 [hbm4b:s16+s15], $0x80, $0x38;
	v63 =	vld [tilespmem:$0x0]  }
0x8a: {  	s16 =	simm.s32 @p0 $0x2  }
0x8b: {  	_ =	swait.ge @p0 [sflag:s16], $0x4000  }
0x8c: {  	[sflag:s16] =	ssyncset.done @p0 $0x0  }
0x8d: {  	s17 =	simm.s32 @p0 $0xC080;
	[sflag:s16] =	ssyncadd.s32 @p0 $0xFFFFC000;
	s16 =	sadd.s32 @p0 $0x40, s13  }
0x8e: {  	[tilespmem:s17], [sflag:$0x5] =	stream.linear.gather @p0 [hbm4b:s16+s15], $0x80, $0x38;
	v63 =	vld [tilespmem:$0x0]  }
0x8f: {  	s16 =	sadd.s32 @p0 $0x40, s14;
	s17 =	simm.s32 @p0 $0xC280  }
0x90: {  	[tilespmem:s17], [sflag:$0x5] =	stream.linear.gather @p0 [hbm4b:s16+s15], $0x80, $0x38;
	v63 =	vld [tilespmem:$0x0]  }
0x91: {  	s16 =	simm.s32 @p0 $0x3  }
0x92: {  	_ =	swait.ge @p0 [sflag:s16], $0x4000  }
0x93: {  	[sflag:s16] =	ssyncset.done @p0 $0x0  }
0x94: {  	s13 =	sadd.s32 @p0 $0x50, s13;
	[sflag:s16] =	ssyncadd.s32 @p0 $0xFFFFC000;
	s16 =	simm.s32 @p0 $0xC100  }
0x95: {  	[tilespmem:s16], [sflag:$0x6] =	stream.linear.gather @p0 [hbm4b:s13+s15], $0x80, $0x38;
	v63 =	vld [tilespmem:$0x0]  }
0x96: {  	s13 =	sadd.s32 @p0 $0x50, s14;
	s14 =	simm.s32 @p0 $0xC300  }
0x97: {  	[tilespmem:s14], [sflag:$0x6] =	stream.linear.gather @p0 [hbm4b:s13+s15], $0x80, $0x38;
	v63 =	vld [tilespmem:$0x0]  }
0x98: {  	s13 =	simm.s32 @!p0 $0x2  }
0x99: {  	_ =	swait.ge @!p0 [sflag:s13], $0x4000  }
0x9a: {  	[sflag:s13] =	ssyncset.done @!p0 $0x0  }
0x9b: {  	[sflag:s13] =	ssyncadd.s32 @!p0 $0xFFFFC000;
	s13 =	simm.s32 @!p0 $0x3  }
0x9c: {  	_ =	swait.ge @!p0 [sflag:s13], $0x4000  }
0x9d: {  	s11 =	sadd.s32 $0x30, s11;
	s17 =	rddreg [dreg:$0x5]  }
0x9e: {  	p1 =	sne.s32 s17, s11  }
.Ltmp1:
0x9f: {  	_ = 	snop;
	(pc) =	sbr.rel @p1 .LBB2_4-.Ltmp1, $3  }
0xa0: {  	_ =	sdelay $0x1  }
0xa1: {  	[sflag:s13] =	ssyncset.done @!p0 $0x0  }
0xa2: {  	s12 =	sadd.s32 $0x1, s12;
	[sflag:s13] =	ssyncadd.s32 @!p0 $0xFFFFC000  }
0xa3: {  	s11 =	stileid.u32  }
0xa4: {  	[bflag:$0x0] =	sbarrier.arrive $0xFFFF;
	s11 =	sshll.u32 s11, $0x6  }
0xa5: {  	s12 =	sshrl.u32 s5, $0x3;
	s13 =	rddreg [dreg:$0x11];
	s11 =	sor.u32 $0x1C07, s11  }
0xa6: {  	[hbm:s13], [sflag:s11] =	dma.local [spmem:s12], $0x2780  }
0xa7: {  	_ =	swait.ge [sflag:s18], $0x2780  }
0xa8: {  	s10 =	sadd.s32 $0x1, s10;
	s17 =	rddreg [dreg:$0x12]  }
0xa9: {  	p0 =	sne.s32 s10, s17  }
.Ltmp2:
0xaa: {  	_ = 	snop;
	(pc) =	sbr.rel @p0 .LBB2_1-.Ltmp2, $3  }
0xab: {  	_ =	sdelay $0x1  }
0xac: {  	[sflag:s18] =	ssyncset.done $0x0  }
0xad: {  	[sflag:s18] =	ssyncadd.s32 $0xFFFFD880  }
0xae: {  	_ =	sfence.sel $0x180000  }
0xaf: {  	[bflag:$0x0] =	sbarrier.arrive $0xFFFF  }
0xb0: {  	_ =	strace $0x9000004A  }
0xb1: {  	s0 =	stileid.u32;
	[bflag:$0x2] =	sbarrier.arrive $0xFFFF  }
0xb2: {  	p0 =	sne.s32 s0, $0x0;
	s0 =	rddreg [dreg:$0x3]  }
0xb3: {  	s0 =	sadd.s32 @!p0 $0x100000, s0  }
0xb4: {  	[sflag:s0] =	ssyncadd.tile.s32 @!p0 $0x1;
	_ =	shalt  }
.Lfunc_end2:
_tile_overlayer_lowered:
.L_overlay_start_2:
0xb5: {  	(tag) =	ssettag $0x2  }
0xb6: {  	s0 =	rddreg [dreg:$0x0];
	s2 =	stileid.u32  }
0xb7: {  	s1 =	rddreg [dreg:$0x1];
	p0 =	sne.s32 s2, $0x0  }
0xb8: {  	s3 =	rddreg [dreg:$0x2];
	[bflag:$0x3] =	sbarrier.arrive $0xFFFF;
	s2 =	simm.s32 @!p0 $0x1C07  }
0xb9: {  	[timem:s3], [sflag:s2] =	dma.local @!p0 [hbm:s0], s1  }
0xba: {  	s0 =	simm.s32 @!p0 $0x7  }
0xbb: {  	_ =	swait.ge @!p0 [sflag:s0], s1  }
0xbc: {  	s1 =	ssub.s32 @!p0 $0x0, s1;
	[sflag:s0] =	ssyncset.done @!p0 $0x0  }
0xbd: {  	[sflag:s0] =	ssyncadd.s32 @!p0 s1  }
0xbe: {  	[bflag:$0x3] =	sbarrier.arrive $0xFFFF  }
0xbf: {  	_ =	shalt  }

// kernel: kernel.15.cloned.1.call-start
scs
__scs_entry_jumppad:
0x0: {  	(pc) =	sbr.rel $0x88, $3  }
0x1: {  	(tag) =	ssettag $0x0;
	lr =	simm.s32 $0x1  }
0x2: {  	[smem:$0x3F9B] =	sst lr;
	_ =	strace $0xD0000000  }
0x3: {  	_ = 	snop  }
0x4: {  	_ = 	snop  }
0x5: {  	_ = 	snop  }
0x6: {  	_ = 	snop  }
0x7: {  	_ = 	snop  }
__scs_overlays_trampoline_lowered:
0x8: {  	[smem:$0x3FAA] =	sst s0  }
0x9: {  	[smem:$0x3FAB] =	sst s1  }
0xa: {  	[smem:$0x3FAC] =	sst s2  }
0xb: {  	[smem:$0x3FAD] =	sst s3  }
0xc: {  	[smem:$0x3FAE] =	sst s4  }
0xd: {  	[smem:$0x3FAF] =	sst s5  }
0xe: {  	[smem:$0x3FB0] =	sst s6  }
0xf: {  	[smem:$0x3FB1] =	sst s7  }
0x10: {  	[smem:$0x3FB2] =	sst s8  }
0x11: {  	[smem:$0x3FB3] =	sst s9;
	s0 =	simm.s32 @!p0 $0x0  }
0x12: {  	s1 =	sld [smem:$0x3F99];
	s0 =	simm.s32 @p0 $0x1  }
0x13: {  	[smem:$0x3FB4] =	sst s0;
	s0 =	simm.s32 @!p1 $0x0  }
0x14: {  	s2 =	sld [smem:$0x3F98];
	s0 =	simm.s32 @p1 $0x1  }
0x15: {  	[smem:$0x3FB5] =	sst s0;
	s0 =	simm.s32 @!p2 $0x0  }
0x16: {  	s3 =	sld [smem:$0x3FDB];
	s0 =	simm.s32 @p2 $0x1  }
0x17: {  	s4 =	simm.s32 $0x1BF5;
	[smem:$0x3FB7] =	sst s0  }
0x18: {  	s0 =	sld [smem:$0x3F9A];
	_ =	swait.ge [sflag:s4], $0x0  }
0x19: {  	s7 =	sld [smem:$0x3F9B]  }
0x1a: {  	s8 =	sadd.s32 $0xFFFFE003, lr  }
0x1b: {  	s9 =	sadd.s32 $0xFFFFFEF7, lr;
	s5 =	simm.s32 $0xFFFFFFFF;
	p2 =	slt.u32 s8, $0xFFFFF086  }
0x1c: {  	p1 =	slt.u32 s9, $0xF7A;
	s5 =	simm.s32 @!p2 $0x0  }
0x1d: {  	s5 =	simm.s32 @p1 $0x1;
	p0 =	seq.s32 s7, s2  }
0x1e: {  	s7 =	smul.u32 @!p0 $0xF7A, s2;
	p2 =	seq.s32 @!p0 s5, $0x0  }
0x1f: {  	s9 =	smul.u32 $0xF7A, s1;
	s8 =	simm.s32 @!p0 $0x1BF5;
	p2 =	por !p2, p0  }
0x20: {  	[sflag:s8] =	ssyncset.s32 @!p0 $0xFFFFF086;
	s6 =	sadd.s32 @!p0 s3, s7;
	s7 =	simm.s32 @!p0 $0x108  }
0x21: {  	s3 =	sadd.s32 s3, s9;
	s6 =	sadd.s32 @!p0 $0x88, s6;
	s7 =	simm.s32 @p2 $0x1082  }
0x22: {  	[simem:s7], [sflag:s8] =	dma.local @!p0 [hbm:s6], $0xF7A  }
0x23: {  	s9 =	sor.u32 $0xD0000000, s2;
	s6 =	simm.s32 $0x108;
	_ =	swait.ge @!p0 [sflag:s8], $0x0  }
0x24: {  	s3 =	sadd.s32 $0x88, s3;
	s6 =	simm.s32 @!p1 $0x1082;
	[sflag:s4] =	ssyncset.s32 $0xFFFFF086  }
0x25: {  	[simem:s6], [sflag:s4] =	dma.local [hbm:s3], $0xF7A  }
0x26: {  	[smem:$0x3F9B] =	sst s1;
	(tag) =	ssettag s2;
	_ =	strace s9  }
0x27: {  	s1 =	sld [smem:$0x3FAB]  }
0x28: {  	s2 =	sld [smem:$0x3FAC]  }
0x29: {  	s4 =	sld [smem:$0x3FAE]  }
0x2a: {  	p0 =	seq.s32 s5, $0x0;
	s5 =	sld [smem:$0x3FAF]  }
0x2b: {  	s6 =	sld [smem:$0x3FB0]  }
0x2c: {  	s7 =	sld [smem:$0x3FB1]  }
0x2d: {  	s3 =	simm.s32 $0x108;
	s8 =	sld [smem:$0x3FB2]  }
0x2e: {  	s3 =	simm.s32 @!p0 $0x1082;
	s9 =	sld [smem:$0x3FB3]  }
0x2f: {  	lr =	sadd.s32 s0, s3;
	s0 =	sld [smem:$0x3FAA]  }
0x30: {  	s3 =	sld [smem:$0x3FAD]  }
0x31: {  	[smem:$0x3FB6] =	sst s10  }
0x32: {  	s10 =	sld [smem:$0x3FB4];
	_ =	sdelay $0x3  }
0x33: {  	p0 =	seq.s32 s10, $0x1;
	s10 =	sld [smem:$0x3FB6];
	_ =	sdelay $0x3  }
0x34: {  	[smem:$0x3FB6] =	sst s10  }
0x35: {  	s10 =	sld [smem:$0x3FB5];
	_ =	sdelay $0x3  }
0x36: {  	p1 =	seq.s32 s10, $0x1;
	s10 =	sld [smem:$0x3FB6];
	_ =	sdelay $0x3  }
0x37: {  	[smem:$0x3FB6] =	sst s10  }
0x38: {  	s10 =	sld [smem:$0x3FB7]  }
0x39: {  	_ = 	snop;
	(pc) =	sbr.ind lr, $3  }
0x3a: {  	_ = 	snop  }
0x3b: {  	_ = 	snop  }
0x3c: {  	p2 =	seq.s32 s10, $0x1;
	s10 =	sld [smem:$0x3FB6]  }
0x3d: {  	_ =	shalt  }
0x3e: {  	_ =	shalt  }
0x3f: {  	_ =	shalt  }
0x40: {  	_ =	shalt  }
0x41: {  	_ =	shalt  }
0x42: {  	_ =	shalt  }
0x43: {  	_ =	shalt  }
0x44: {  	_ =	shalt  }
0x45: {  	_ =	shalt  }
0x46: {  	_ =	shalt  }
0x47: {  	_ =	shalt  }
0x48: {  	_ =	shalt  }
0x49: {  	_ =	shalt  }
0x4a: {  	_ =	shalt  }
0x4b: {  	_ =	shalt  }
0x4c: {  	_ =	shalt  }
0x4d: {  	_ =	shalt  }
0x4e: {  	_ =	shalt  }
0x4f: {  	_ =	shalt  }
0x50: {  	_ =	shalt  }
0x51: {  	_ =	shalt  }
0x52: {  	_ =	shalt  }
0x53: {  	_ =	shalt  }
0x54: {  	_ =	shalt  }
0x55: {  	_ =	shalt  }
0x56: {  	_ =	shalt  }
0x57: {  	_ =	shalt  }
0x58: {  	_ =	shalt  }
0x59: {  	_ =	shalt  }
0x5a: {  	_ =	shalt  }
0x5b: {  	_ =	shalt  }
0x5c: {  	_ =	shalt  }
0x5d: {  	_ =	shalt  }
0x5e: {  	_ =	shalt  }
0x5f: {  	_ =	shalt  }
0x60: {  	_ =	shalt  }
0x61: {  	_ =	shalt  }
0x62: {  	_ =	shalt  }
0x63: {  	_ =	shalt  }
0x64: {  	_ =	shalt  }
0x65: {  	_ =	shalt  }
0x66: {  	_ =	shalt  }
0x67: {  	_ =	shalt  }
0x68: {  	_ =	shalt  }
0x69: {  	_ =	shalt  }
0x6a: {  	_ =	shalt  }
0x6b: {  	_ =	shalt  }
0x6c: {  	_ =	shalt  }
0x6d: {  	_ =	shalt  }
0x6e: {  	_ =	shalt  }
0x6f: {  	_ =	shalt  }
0x70: {  	_ =	shalt  }
0x71: {  	_ =	shalt  }
0x72: {  	_ =	shalt  }
0x73: {  	_ =	shalt  }
0x74: {  	_ =	shalt  }
0x75: {  	_ =	shalt  }
0x76: {  	_ =	shalt  }
0x77: {  	_ =	shalt  }
0x78: {  	_ =	shalt  }
0x79: {  	_ =	shalt  }
0x7a: {  	_ =	shalt  }
0x7b: {  	_ =	shalt  }
0x7c: {  	_ =	shalt  }
0x7d: {  	_ =	shalt  }
0x7e: {  	_ =	shalt  }
0x7f: {  	_ =	shalt  }
0x80: {  	_ =	shalt  }
0x81: {  	_ =	shalt  }
0x82: {  	_ =	shalt  }
0x83: {  	_ =	shalt  }
0x84: {  	_ =	shalt  }
0x85: {  	_ =	shalt  }
0x86: {  	_ =	shalt  }
0x87: {  	_ =	shalt  }
.Lfunc_end0:
.L_simem_size_0:
called_computation.2_lowered:
.L_overlay_start_0:
0x88: {  	s2 =	sld [smem:$0x3FD9]  }
0x89: {  	s3 =	sld [smem:$0x3FFE];
	_ =	sdelay $0x1  }
0x8a: {  	s1 =	srdreg.scid  }
0x8b: {  	s0 =	sand.u32 $0x1, s1  }
0x8c: {  	s17 =	sshll.u32 s0, $0xA;
	s2 =	sadd.s32 s3, s2  }
0x8d: {  	s2 =	sadd.s32 s2, s17  }
0x8e: {  	[smem:$0x3FC2] =	sst s2  }
0x8f: {  	_ = 	snop  }
0x90: {  	s2 =	sld [smem:$0x3FD0];
	(tm) =	ssettm $0x1  }
0x91: {  	s18 =	sld [smem:$0x3FFB];
	_ =	sdelay $0x3  }
0x92: {  	_ =	strace s18  }
0x93: {  	s3 =	sld [smem:$0x3FFC];
	_ =	sdelay $0x3  }
0x94: {  	_ =	strace s3  }
0x95: {  	s3 =	sld [smem:$0x3FFD];
	_ =	sdelay $0x3  }
0x96: {  	_ =	strace s3  }
0x97: {  	_ =	strace $0x8FFFFFFF  }
0x98: {  	s19 =	sld [smem:$0x3FDB];
	_ =	sdelay $0x1  }
0x99: {  	s4 =	simm.s32 $_scs_section_size  }
0x9a: {  	s5 =	simm.s32 $_size__tile_overlayer_lowered;
	s6 =	simm.s32 $_tile_overlayer_lowered  }
0x9b: {  	s22 =	simm.s32 $0x1BFF;
	s21 =	sshll.u32 s6, $0x1;
	s3 =	sadd.s32 s4, s19  }
0x9c: {  	s7 =	simm.s32 $0x0;
	s20 =	sshll.u32 s5, $0x1;
	s5 =	sadd.s32 s21, s3  }
0x9d: {  	[timem:s7], [sflag:s22] =	dma.local [hbm:s5], s20  }
0x9e: {  	_ =	swait.ge [sflag:s22], s20  }
0x9f: {  	s4 =	ssub.s32 $0x0, s20;
	[sflag:s22] =	ssyncset.done $0x0  }
0xa0: {  	[sflag:s22] =	ssyncadd.s32 s4;
	_ =	sdelay $0x1  }
0xa1: {  	s23 =	simm.s32 $0x1B8B  }
0xa2: {  	_ =	swait.ge [sflag:s23], $0x1  }
0xa3: {  	[sflag:s23] =	ssyncset.done $0x0  }
0xa4: {  	s25 =	simm.s32 $0x1B8E;
	s24 =	sld [smem:$0x3FFE];
	[sflag:s23] =	ssyncadd.s32 $0xFFFFFFFF  }
0xa5: {  	s26 =	simm.s32 $execute0_lowered;
	[smem:$0x3FD2] =	sst s25  }
0xa6: {  	s5 =	sshll.u32 s26, $0x1;
	_ =	strace $0x8000004C;
	[dreg:$0x1] =	wrdreg $0xFFFFFFFF  }
0xa7: {  	s28 =	simm.s32 $_size_execute0_lowered;
	s3 =	sadd.s32 s3, s5;
	[dreg:$0x0] =	wrdreg $0x0  }
0xa8: {  	s5 =	sshll.u32 s28, $0x1;
	[dreg:$0x2] =	wrdreg s3  }
0xa9: {  	[dreg:$0x3] =	wrdreg s5  }
0xaa: {  	[dreg:$0x4] =	wrdreg $0xC0  }
0xab: {  	_ =	task [dreg:s7], $0x5FFFF  }
0xac: {  	[dreg:$0x1] =	wrdreg $0xFFFFFFFF  }
0xad: {  	[dreg:$0x0] =	wrdreg $0x60  }
0xae: {  	[dreg:$0x2] =	wrdreg s24  }
0xaf: {  	[dreg:$0x3] =	wrdreg s2  }
0xb0: {  	[dreg:$0x4] =	wrdreg $0xC4000  }
0xb1: {  	[dreg:$0x5] =	wrdreg $0x9  }
0xb2: {  	_ =	task.clear_ibuf [dreg:s7], $0x6FFFF;
	_ =	strace $0x9000004C  }
0xb3: {  	s29 =	simm.s32 $0x9;
	_ =	strace $0x8000004E  }
0xb4: {  	_ =	swait.ge [sflag:s29], $0x1  }
0xb5: {  	[sflag:s29] =	ssyncadd.s32 $0xFFFFFFFF  }
0xb6: {  	_ =	strace $0x9000004E  }
0xb7: {  	_ =	sfence  }
0xb8: {  	s30 =	sld [smem:$0x0];
	_ =	sdelay $0x2  }
0xb9: {  	s31 =	sshll.u32 s1, $0xD;
	s1 =	sshrl.u32 s1, $0x2  }
0xba: {  	s3 =	sand.u32 $0x4000, s31;
	s1 =	sadd.s32 s1, s30  }
0xbb: {  	s0 =	sor.u32 s3, s0;
	s1 =	sshll.u32 s1, $0x11  }
0xbc: {  	s0 =	sor.u32 s1, s0  }
0xbd: {  	s0 =	sadd.s32 $0x8F2B, s0  }
0xbe: {  	[sflag:s0] =	ssyncadd.remote.s32 $0x1  }
0xbf: {  	_ =	sfence.sel $0xFFFF  }
0xc0: {  	[dreg:$0x0] =	wrdreg $0xFFFFFFFF;
	(pc) =	sbr.abs _section_cstart, $3  }
0xc1: {  	[dreg:$0x1] =	wrdreg $0xFFFFFFFF  }
0xc2: {  	_ =	task.clear_ibuf [dreg:s7], $0x2FFFF;
	_ =	strace $0x9FFFFFFF  }
0xc3: {  	(tm) =	ssettm $0x7FFFFFFF  }
tec
execute0_lowered:
.L_overlay_start_1:
0x0: {  	(tag) =	ssettag $0x1  }
0x1: {  	s0 =	rddreg [dreg:$0x0]  }
0x2: {  	s2 =	rddreg [dreg:$0x1]  }
0x3: {  	s1 =	rddreg [dreg:$0x2];
	s3 =	srdreg.scid  }
0x4: {  	s11 =	stileid.u32;
	s21 =	simm.s32 $0xC040;
	s22 =	simm.s32 $0x2000  }
0x5: {  	s23 =	simm.s32 $0xC0C0;
	s24 =	simm.s32 $0x6000;
	s25 =	simm.s32 $0xC140  }
0x6: {  	s26 =	simm.s32 $0xA000;
	s28 =	simm.s32 $0x5;
	s29 =	simm.s32 $0x4000  }
0x7: {  	s30 =	simm.s32 $0x6;
	s31 =	simm.s32 $0x8000;
	s7 =	smul.u32 $0x13C00, s11  }
0x8: {  	s5 =	sand.u32 $0x1, s3;
	s3 =	simm.s32 $0x0;
	s13 =	smul.u32 $0x4F000, s11  }
0x9: {  	s4 =	sadd.s32 $0xC800, s0;
	s10 =	smul.u32 $0xF, s11;
	[smem:$0x7FF] =	sst s3  }
0xa: {  	s11 =	smul.u32 $0x93, s11;
	_ =	strace $0x8000004D;
	[dreg:$0x6] =	wrdreg s21  }
0xb: {  	s9 =	sadd.s32 $0x2600, s0;
	s6 =	smul.u32 $0x13C000, s5;
	[dreg:$0x7] =	wrdreg s22  }
0xc: {  	s8 =	ssub.s32 $0x2, s5;
	p0 =	seq.s32 s5, $0x0;
	[dreg:$0x8] =	wrdreg s23  }
0xd: {  	s14 =	sshrl.u32 s8, $0x1;
	s10 =	sadd.s32 $0x930, s10;
	[dreg:$0x9] =	wrdreg s24  }
0xe: {  	s21 =	simm.s32 $0xC080;
	s22 =	simm.s32 $0xC280;
	[dreg:$0xa] =	wrdreg s25  }
0xf: {  	s23 =	simm.s32 $0xC100;
	s24 =	simm.s32 $0xC300;
	[dreg:$0xb] =	wrdreg s26  }
0x10: {  	s25 =	simm.s32 $0x4;
	s26 =	simm.s32 $0x40;
	s6 =	sadd.s32 s7, s6  }
0x11: {  	s7 =	sshrl.u32 s13, $0x2;
	s10 =	smov.u32 @p0 s11;
	s11 =	simm.s32 $0x31  }
0x12: {  	s6 =	sshrl.u32 s6, $0x3;
	s5 =	sadd.s32 s7, s1;
	s10 =	sshll.u32 s10, $0x4  }
0x13: {  	s11 =	simm.s32 @!p0 $0x5;
	s0 =	sadd.s32 s6, s0;
	s7 =	sadd.s32 $0x10000, s5  }
0x14: {  	s6 =	ssub.s32 s8, s14;
	s15 =	sadd.s32 $0xFFFFFFFF, s11;
	[dreg:$0xc] =	wrdreg s7  }
0x15: {  	s12 =	sadd.s32 $0x10, s10;
	s18 =	sadd.s32 $0x4000, s5;
	[dreg:$0x4] =	wrdreg s15  }
0x16: {  	s8 =	sadd.s32 s9, s10;
	s19 =	sadd.s32 $0x8000, s5;
	[dreg:$0x13] =	wrdreg s18  }
0x17: {  	s16 =	smul.u32 $0x30, s11;
	s20 =	sadd.s32 $0xC000, s5;
	[dreg:$0x14] =	wrdreg s19  }
0x18: {  	s7 =	sadd.s32 s2, s10;
	s13 =	sadd.s32 s2, s12;
	[dreg:$0x15] =	wrdreg s20  }
0x19: {  	s10 =	sadd.s32 $0x20, s10;
	s12 =	sadd.s32 s9, s12;
	[dreg:$0xd] =	wrdreg s13  }
0x1a: {  	s0 =	sadd.s32 $0x33A00, s0;
	s17 =	smax.u32 s6, $0x1;
	[dreg:$0xe] =	wrdreg s12  }
0x1b: {  	s18 =	simm.s32 $0x7;
	s19 =	simm.s32 $0xC000;
	[dreg:$0x11] =	wrdreg s0  }
0x1c: {  	s20 =	simm.s32 $0xC200;
	s6 =	simm.s32 $0x2;
	[dreg:$0x12] =	wrdreg s17  }
0x1d: {  	s2 =	sadd.s32 s2, s10;
	s9 =	sadd.s32 s9, s10;
	[dreg:$0x5] =	wrdreg s16  }
0x1e: {  	s0 =	simm.s32 $0x1;
	s10 =	simm.s32 $0x0;
	[dreg:$0xf] =	wrdreg s2  }
0x1f: {  	v0 =	vimm.f32 $0.0e+00;
	[dreg:$0x10] =	wrdreg s9;
	s2 =	simm.s32 $0x80;
	s9 =	simm.s32 $0x3  }
.LBB2_1:
0x20: {  	s11 =	simm.s32 $0x0;
	s12 =	simm.s32 $0x200  }
.LBB2_2:
0x21: {  	p0 =	sne.s32 s12, $0xFE00;
	[tilespmem:s11+$0x70] =	vst v0  }
0x22: {  	[tilespmem:s11+$0x0] =	vst v0  }
0x23: {  	[tilespmem:s11+$0x10] =	vst v0  }
.Ltmp0:
0x24: {  	[tilespmem:s11+$0x20] =	vst v0;
	(pc) =	sbr.rel @p0 .LBB2_2-.Ltmp0, $4  }
0x25: {  	[tilespmem:s11+$0x30] =	vst v0  }
0x26: {  	[tilespmem:s11+$0x40] =	vst v0  }
0x27: {  	[tilespmem:s11+$0x50] =	vst v0  }
0x28: {  	[tilespmem:s11+$0x60] =	vst v0;
	s11 =	sshra.s32 s12, $0x2;
	s12 =	sadd.s32 $0x200, s12  }
0x29: {  	[tilespmem:s11+$0x70] =	vst v0  }
0x2a: {  	[tilespmem:s11+$0x0] =	vst v0  }
0x2b: {  	[tilespmem:s11+$0x10] =	vst v0  }
0x2c: {  	[tilespmem:s11+$0x20] =	vst v0  }
0x2d: {  	[tilespmem:s11+$0x30] =	vst v0  }
0x2e: {  	[tilespmem:s11+$0x40] =	vst v0  }
0x2f: {  	[tilespmem:s11+$0x50] =	vst v0  }
0x30: {  	[tilespmem:s11+$0x60] =	vst v0;
	s11 =	simm.s32 $0x0  }
0x31: {  	[spmem:s5] =	stream.linear.scatter [tilespmem:s11], [sflag:$0x7], $0x4000, $0x38;
	v63 =	vld [tilespmem:$0x0]  }
0x32: {  	_ =	swait.ge [sflag:s18], $0x4000  }
0x33: {  	[sflag:s18] =	ssyncset.done $0x0  }
0x34: {  	s12 =	rddreg [dreg:$0x13];
	[sflag:s18] =	ssyncadd.s32 $0xFFFFC000  }
0x35: {  	[spmem:s12] =	stream.linear.scatter [tilespmem:s11], [sflag:$0x7], $0x4000, $0x38;
	v63 =	vld [tilespmem:$0x0]  }
0x36: {  	_ =	swait.ge [sflag:s18], $0x4000  }
0x37: {  	[sflag:s18] =	ssyncset.done $0x0  }
0x38: {  	s16 =	rddreg [dreg:$0x14];
	[sflag:s18] =	ssyncadd.s32 $0xFFFFC000  }
0x39: {  	[spmem:s16] =	stream.linear.scatter [tilespmem:s11], [sflag:$0x7], $0x4000, $0x38;
	v63 =	vld [tilespmem:$0x0]  }
0x3a: {  	_ =	swait.ge [sflag:s18], $0x4000  }
0x3b: {  	[sflag:s18] =	ssyncset.done $0x0  }
0x3c: {  	s17 =	rddreg [dreg:$0x15];
	[sflag:s18] =	ssyncadd.s32 $0xFFFFC000  }
0x3d: {  	[spmem:s17] =	stream.linear.scatter [tilespmem:s11], [sflag:$0x7], $0x4000, $0x38;
	v63 =	vld [tilespmem:$0x0]  }
0x3e: {  	_ =	swait.ge [sflag:s18], $0x4000  }
0x3f: {  	[sflag:s18] =	ssyncset.done $0x0  }
0x40: {  	s13 =	rddreg [dreg:$0xc];
	[sflag:s18] =	ssyncadd.s32 $0xFFFFC000  }
0x41: {  	[spmem:s13] =	stream.linear.scatter [tilespmem:s11], [sflag:$0x7], $0x3C00, $0x38;
	v63 =	vld [tilespmem:$0x0]  }
0x42: {  	_ =	swait.ge [sflag:s18], $0x3C00  }
0x43: {  	[sflag:s18] =	ssyncset.done $0x0  }
0x44: {  	[sflag:s18] =	ssyncadd.s32 $0xFFFFC400  }
0x45: {  	[bflag:$0x0] =	sbarrier.arrive $0xFFFF  }
0x46: {  	[tilespmem:s19], [sflag:$0x4] =	stream.linear.gather [hbm4b:s7+s11], $0x80, $0x38;
	v63 =	vld [tilespmem:$0x0]  }
0x47: {  	_ = 	snop  }
0x48: {  	[tilespmem:s20], [sflag:$0x4] =	stream.linear.gather [hbm4b:s8+s11], $0x80, $0x38;
	v63 =	vld [tilespmem:$0x0]  }
0x49: {  	s14 =	rddreg [dreg:$0xd]  }
0x4a: {  	[tilespmem:s21], [sflag:$0x5] =	stream.linear.gather [hbm4b:s14+s11], $0x80, $0x38;
	v63 =	vld [tilespmem:$0x0]  }
0x4b: {  	s15 =	rddreg [dreg:$0xe]  }
0x4c: {  	[tilespmem:s22], [sflag:$0x5] =	stream.linear.gather [hbm4b:s15+s11], $0x80, $0x38;
	v63 =	vld [tilespmem:$0x0]  }
0x4d: {  	s16 =	rddreg [dreg:$0xf]  }
0x4e: {  	[tilespmem:s23], [sflag:$0x6] =	stream.linear.gather [hbm4b:s16+s11], $0x80, $0x38;
	v63 =	vld [tilespmem:$0x0]  }
0x4f: {  	s12 =	simm.s32 $0x0;
	s17 =	rddreg [dreg:$0x10]  }
0x50: {  	[tilespmem:s24], [sflag:$0x6] =	stream.linear.gather [hbm4b:s17+s11], $0x80, $0x38;
	v63 =	vld [tilespmem:$0x0]  }
.LBB2_4:
0x51: {  	_ =	swait.ge [sflag:s25], $0x80  }
0x52: {  	[sflag:s25] =	ssyncset.done $0x0  }
0x53: {  	[sflag:s25] =	ssyncadd.s32 $0xFFFFFF80  }
0x54: {  	_ =	swait.ge [sflag:s25], $0x80  }
0x55: {  	[sflag:s25] =	ssyncset.done $0x0  }
0x56: {  	s13 =	rddreg [dreg:$0x6];
	[sflag:s25] =	ssyncadd.s32 $0xFFFFFF80  }
0x57: {  	[tilespmem:s3], [sflag:$0x1] =	stream.indirect.gather [hbm4b:s4+s26], $0x80, s19, s26, $0xb8;
	v63 =	vld [tilespmem:$0x0]  }
0x58: {  	s14 =	rddreg [dreg:$0x7]  }
0x59: {  	[tilespmem:s14], [sflag:$0x4] =	stream.indirect.gather [hbm4b:s4+s26], $0x80, s13, s26, $0xb8;
	v63 =	vld [tilespmem:$0x0]  }
0x5a: {  	_ =	swait.ge [sflag:s28], $0x80  }
0x5b: {  	[sflag:s28] =	ssyncset.done $0x0  }
0x5c: {  	[sflag:s28] =	ssyncadd.s32 $0xFFFFFF80  }
0x5d: {  	_ =	swait.ge [sflag:s28], $0x80  }
0x5e: {  	[sflag:s28] =	ssyncset.done $0x0  }
0x5f: {  	s16 =	rddreg [dreg:$0x8];
	[sflag:s28] =	ssyncadd.s32 $0xFFFFFF80  }
0x60: {  	[tilespmem:s29], [sflag:$0x2] =	stream.indirect.gather [hbm4b:s4+s26], $0x80, s21, s26, $0xb8;
	v63 =	vld [tilespmem:$0x0]  }
0x61: {  	s17 =	rddreg [dreg:$0x9]  }
0x62: {  	[tilespmem:s17], [sflag:$0x5] =	stream.indirect.gather [hbm4b:s4+s26], $0x80, s16, s26, $0xb8;
	v63 =	vld [tilespmem:$0x0]  }
0x63: {  	_ =	swait.ge [sflag:s30], $0x80  }
0x64: {  	[sflag:s30] =	ssyncset.done $0x0  }
0x65: {  	[sflag:s30] =	ssyncadd.s32 $0xFFFFFF80  }
0x66: {  	_ =	swait.ge [sflag:s30], $0x80  }
0x67: {  	[sflag:s30] =	ssyncset.done $0x0  }
0x68: {  	s14 =	rddreg [dreg:$0xa];
	[sflag:s30] =	ssyncadd.s32 $0xFFFFFF80  }
0x69: {  	[tilespmem:s31], [sflag:$0x3] =	stream.indirect.gather [hbm4b:s4+s26], $0x80, s23, s26, $0xb8;
	v63 =	vld [tilespmem:$0x0]  }
0x6a: {  	s15 =	rddreg [dreg:$0xb]  }
0x6b: {  	[tilespmem:s15], [sflag:$0x6] =	stream.indirect.gather [hbm4b:s4+s26], $0x80, s14, s26, $0xb8;
	v63 =	vld [tilespmem:$0x0]  }
0x6c: {  	_ =	swait.ge [sflag:s0], $0x2000  }
0x6d: {  	[sflag:s0] =	ssyncset.done $0x0  }
0x6e: {  	[sflag:s0] =	ssyncadd.s32 $0xFFFFE000  }
0x6f: {  	_ =	swait.ge [sflag:s25], $0x2000  }
0x70: {  	[sflag:s25] =	ssyncset.done $0x0  }
0x71: {  	[sflag:s25] =	ssyncadd.s32 $0xFFFFE000  }
0x72: {  	[spmem:s1] =	stream.indirect.scatter.add.f32 [tilespmem:s3], [sflag:$0x1], $0x80, s20, s2, $0xb8;
	v63 =	vld [tilespmem:$0x0]  }
0x73: {  	_ =	swait.ge [sflag:s6], $0x2000  }
0x74: {  	[sflag:s6] =	ssyncset.done $0x0  }
0x75: {  	[sflag:s6] =	ssyncadd.s32 $0xFFFFE000  }
0x76: {  	_ =	swait.ge [sflag:s28], $0x2000  }
0x77: {  	[sflag:s28] =	ssyncset.done $0x0  }
0x78: {  	[sflag:s28] =	ssyncadd.s32 $0xFFFFE000  }
0x79: {  	[spmem:s1] =	stream.indirect.scatter.add.f32 [tilespmem:s29], [sflag:$0x2], $0x80, s22, s2, $0xb8;
	v63 =	vld [tilespmem:$0x0]  }
0x7a: {  	_ =	swait.ge [sflag:s9], $0x2000  }
0x7b: {  	[sflag:s9] =	ssyncset.done $0x0  }
0x7c: {  	[sflag:s9] =	ssyncadd.s32 $0xFFFFE000  }
0x7d: {  	_ =	swait.ge [sflag:s30], $0x2000  }
0x7e: {  	[sflag:s30] =	ssyncset.done $0x0  }
0x7f: {  	[sflag:s30] =	ssyncadd.s32 $0xFFFFE000  }
0x80: {  	[spmem:s1] =	stream.indirect.scatter.add.f32 [tilespmem:s31], [sflag:$0x3], $0x80, s24, s2, $0xb8;
	v63 =	vld [tilespmem:$0x0]  }
0x81: {  	_ =	swait.ge [sflag:s0], $0x4000  }
0x82: {  	s16 =	rddreg [dreg:$0x4]  }
0x83: {  	[sflag:s0] =	ssyncset.done $0x0;
	p0 =	slt.u32 s12, s16  }
0x84: {  	[sflag:s0] =	ssyncadd.s32 $0xFFFFC000;
	s13 =	sadd.s32 @p0 s11, s7  }
0x85: {  	s15 =	simm.s32 @p0 $0x0;
	s16 =	simm.s32 @p0 $0xC000;
	s14 =	sadd.s32 @p0 $0x30, s13  }
0x86: {  	[tilespmem:s16], [sflag:$0x4] =	stream.linear.gather @p0 [hbm4b:s14+s15], $0x80, $0x38;
	v63 =	vld [tilespmem:$0x0]  }
0x87: {  	s14 =	sadd.s32 @p0 s11, s8  }
0x88: {  	s17 =	simm.s32 @p0 $0xC200;
	s16 =	sadd.s32 @p0 $0x30, s14  }
0x89: {  	[tilespmem:s17], [sflag:$0x4] =	stream.linear.gather @p0 [hbm4b:s16+s15], $0x80, $0x38;
	v63 =	vld [tilespmem:$0x0]  }
0x8a: {  	s16 =	simm.s32 @p0 $0x2  }
0x8b: {  	_ =	swait.ge @p0 [sflag:s16], $0x4000  }
0x8c: {  	[sflag:s16] =	ssyncset.done @p0 $0x0  }
0x8d: {  	s17 =	simm.s32 @p0 $0xC080;
	[sflag:s16] =	ssyncadd.s32 @p0 $0xFFFFC000;
	s16 =	sadd.s32 @p0 $0x40, s13  }
0x8e: {  	[tilespmem:s17], [sflag:$0x5] =	stream.linear.gather @p0 [hbm4b:s16+s15], $0x80, $0x38;
	v63 =	vld [tilespmem:$0x0]  }
0x8f: {  	s16 =	sadd.s32 @p0 $0x40, s14;
	s17 =	simm.s32 @p0 $0xC280  }
0x90: {  	[tilespmem:s17], [sflag:$0x5] =	stream.linear.gather @p0 [hbm4b:s16+s15], $0x80, $0x38;
	v63 =	vld [tilespmem:$0x0]  }
0x91: {  	s16 =	simm.s32 @p0 $0x3  }
0x92: {  	_ =	swait.ge @p0 [sflag:s16], $0x4000  }
0x93: {  	[sflag:s16] =	ssyncset.done @p0 $0x0  }
0x94: {  	s13 =	sadd.s32 @p0 $0x50, s13;
	[sflag:s16] =	ssyncadd.s32 @p0 $0xFFFFC000;
	s16 =	simm.s32 @p0 $0xC100  }
0x95: {  	[tilespmem:s16], [sflag:$0x6] =	stream.linear.gather @p0 [hbm4b:s13+s15], $0x80, $0x38;
	v63 =	vld [tilespmem:$0x0]  }
0x96: {  	s13 =	sadd.s32 @p0 $0x50, s14;
	s14 =	simm.s32 @p0 $0xC300  }
0x97: {  	[tilespmem:s14], [sflag:$0x6] =	stream.linear.gather @p0 [hbm4b:s13+s15], $0x80, $0x38;
	v63 =	vld [tilespmem:$0x0]  }
0x98: {  	s13 =	simm.s32 @!p0 $0x2  }
0x99: {  	_ =	swait.ge @!p0 [sflag:s13], $0x4000  }
0x9a: {  	[sflag:s13] =	ssyncset.done @!p0 $0x0  }
0x9b: {  	[sflag:s13] =	ssyncadd.s32 @!p0 $0xFFFFC000;
	s13 =	simm.s32 @!p0 $0x3  }
0x9c: {  	_ =	swait.ge @!p0 [sflag:s13], $0x4000  }
0x9d: {  	s11 =	sadd.s32 $0x30, s11;
	s17 =	rddreg [dreg:$0x5]  }
0x9e: {  	p1 =	sne.s32 s17, s11  }
.Ltmp1:
0x9f: {  	_ = 	snop;
	(pc) =	sbr.rel @p1 .LBB2_4-.Ltmp1, $3  }
0xa0: {  	_ =	sdelay $0x1  }
0xa1: {  	[sflag:s13] =	ssyncset.done @!p0 $0x0  }
0xa2: {  	s12 =	sadd.s32 $0x1, s12;
	[sflag:s13] =	ssyncadd.s32 @!p0 $0xFFFFC000  }
0xa3: {  	s11 =	stileid.u32  }
0xa4: {  	[bflag:$0x0] =	sbarrier.arrive $0xFFFF;
	s11 =	sshll.u32 s11, $0x6  }
0xa5: {  	s12 =	sshrl.u32 s5, $0x3;
	s13 =	rddreg [dreg:$0x11];
	s11 =	sor.u32 $0x1C07, s11  }
0xa6: {  	[hbm:s13], [sflag:s11] =	dma.local [spmem:s12], $0x2780  }
0xa7: {  	_ =	swait.ge [sflag:s18], $0x2780  }
0xa8: {  	s10 =	sadd.s32 $0x1, s10;
	s17 =	rddreg [dreg:$0x12]  }
0xa9: {  	p0 =	sne.s32 s10, s17  }
.Ltmp2:
0xaa: {  	_ = 	snop;
	(pc) =	sbr.rel @p0 .LBB2_1-.Ltmp2, $3  }
0xab: {  	_ =	sdelay $0x1  }
0xac: {  	[sflag:s18] =	ssyncset.done $0x0  }
0xad: {  	[sflag:s18] =	ssyncadd.s32 $0xFFFFD880  }
0xae: {  	_ =	sfence.sel $0x180000  }
0xaf: {  	[bflag:$0x0] =	sbarrier.arrive $0xFFFF  }
0xb0: {  	_ =	strace $0x9000004D  }
0xb1: {  	s0 =	stileid.u32;
	[bflag:$0x2] =	sbarrier.arrive $0xFFFF  }
0xb2: {  	p0 =	sne.s32 s0, $0x0;
	s0 =	rddreg [dreg:$0x3]  }
0xb3: {  	s0 =	sadd.s32 @!p0 $0x100000, s0  }
0xb4: {  	[sflag:s0] =	ssyncadd.tile.s32 @!p0 $0x1;
	_ =	shalt  }
.Lfunc_end2:
_tile_overlayer_lowered:
.L_overlay_start_2:
0xb5: {  	(tag) =	ssettag $0x2  }
0xb6: {  	s0 =	rddreg [dreg:$0x0];
	s2 =	stileid.u32  }
0xb7: {  	s1 =	rddreg [dreg:$0x1];
	p0 =	sne.s32 s2, $0x0  }
0xb8: {  	s3 =	rddreg [dreg:$0x2];
	[bflag:$0x3] =	sbarrier.arrive $0xFFFF;
	s2 =	simm.s32 @!p0 $0x1C07  }
0xb9: {  	[timem:s3], [sflag:s2] =	dma.local @!p0 [hbm:s0], s1  }
0xba: {  	s0 =	simm.s32 @!p0 $0x7  }
0xbb: {  	_ =	swait.ge @!p0 [sflag:s0], s1  }
0xbc: {  	s1 =	ssub.s32 @!p0 $0x0, s1;
	[sflag:s0] =	ssyncset.done @!p0 $0x0  }
0xbd: {  	[sflag:s0] =	ssyncadd.s32 @!p0 s1  }
0xbe: {  	[bflag:$0x3] =	sbarrier.arrive $0xFFFF  }
0xbf: {  	_ =	shalt  }

// kernel: kernel.9.cloned.1.call-start
scs
__scs_entry_jumppad:
0x0: {  	(pc) =	sbr.rel $0x88, $3  }
0x1: {  	(tag) =	ssettag $0x0;
	lr =	simm.s32 $0x1  }
0x2: {  	[smem:$0x3F9B] =	sst lr;
	_ =	strace $0xD0000000  }
0x3: {  	_ = 	snop  }
0x4: {  	_ = 	snop  }
0x5: {  	_ = 	snop  }
0x6: {  	_ = 	snop  }
0x7: {  	_ = 	snop  }
__scs_overlays_trampoline_lowered:
0x8: {  	[smem:$0x3FAA] =	sst s0  }
0x9: {  	[smem:$0x3FAB] =	sst s1  }
0xa: {  	[smem:$0x3FAC] =	sst s2  }
0xb: {  	[smem:$0x3FAD] =	sst s3  }
0xc: {  	[smem:$0x3FAE] =	sst s4  }
0xd: {  	[smem:$0x3FAF] =	sst s5  }
0xe: {  	[smem:$0x3FB0] =	sst s6  }
0xf: {  	[smem:$0x3FB1] =	sst s7  }
0x10: {  	[smem:$0x3FB2] =	sst s8  }
0x11: {  	[smem:$0x3FB3] =	sst s9;
	s0 =	simm.s32 @!p0 $0x0  }
0x12: {  	s1 =	sld [smem:$0x3F99];
	s0 =	simm.s32 @p0 $0x1  }
0x13: {  	[smem:$0x3FB4] =	sst s0;
	s0 =	simm.s32 @!p1 $0x0  }
0x14: {  	s2 =	sld [smem:$0x3F98];
	s0 =	simm.s32 @p1 $0x1  }
0x15: {  	[smem:$0x3FB5] =	sst s0;
	s0 =	simm.s32 @!p2 $0x0  }
0x16: {  	s3 =	sld [smem:$0x3FDB];
	s0 =	simm.s32 @p2 $0x1  }
0x17: {  	s4 =	simm.s32 $0x1BF5;
	[smem:$0x3FB7] =	sst s0  }
0x18: {  	s0 =	sld [smem:$0x3F9A];
	_ =	swait.ge [sflag:s4], $0x0  }
0x19: {  	s7 =	sld [smem:$0x3F9B]  }
0x1a: {  	s8 =	sadd.s32 $0xFFFFE003, lr  }
0x1b: {  	s9 =	sadd.s32 $0xFFFFFEF7, lr;
	s5 =	simm.s32 $0xFFFFFFFF;
	p2 =	slt.u32 s8, $0xFFFFF086  }
0x1c: {  	p1 =	slt.u32 s9, $0xF7A;
	s5 =	simm.s32 @!p2 $0x0  }
0x1d: {  	s5 =	simm.s32 @p1 $0x1;
	p0 =	seq.s32 s7, s2  }
0x1e: {  	s7 =	smul.u32 @!p0 $0xF7A, s2;
	p2 =	seq.s32 @!p0 s5, $0x0  }
0x1f: {  	s9 =	smul.u32 $0xF7A, s1;
	s8 =	simm.s32 @!p0 $0x1BF5;
	p2 =	por !p2, p0  }
0x20: {  	[sflag:s8] =	ssyncset.s32 @!p0 $0xFFFFF086;
	s6 =	sadd.s32 @!p0 s3, s7;
	s7 =	simm.s32 @!p0 $0x108  }
0x21: {  	s3 =	sadd.s32 s3, s9;
	s6 =	sadd.s32 @!p0 $0x88, s6;
	s7 =	simm.s32 @p2 $0x1082  }
0x22: {  	[simem:s7], [sflag:s8] =	dma.local @!p0 [hbm:s6], $0xF7A  }
0x23: {  	s9 =	sor.u32 $0xD0000000, s2;
	s6 =	simm.s32 $0x108;
	_ =	swait.ge @!p0 [sflag:s8], $0x0  }
0x24: {  	s3 =	sadd.s32 $0x88, s3;
	s6 =	simm.s32 @!p1 $0x1082;
	[sflag:s4] =	ssyncset.s32 $0xFFFFF086  }
0x25: {  	[simem:s6], [sflag:s4] =	dma.local [hbm:s3], $0xF7A  }
0x26: {  	[smem:$0x3F9B] =	sst s1;
	(tag) =	ssettag s2;
	_ =	strace s9  }
0x27: {  	s1 =	sld [smem:$0x3FAB]  }
0x28: {  	s2 =	sld [smem:$0x3FAC]  }
0x29: {  	s4 =	sld [smem:$0x3FAE]  }
0x2a: {  	p0 =	seq.s32 s5, $0x0;
	s5 =	sld [smem:$0x3FAF]  }
0x2b: {  	s6 =	sld [smem:$0x3FB0]  }
0x2c: {  	s7 =	sld [smem:$0x3FB1]  }
0x2d: {  	s3 =	simm.s32 $0x108;
	s8 =	sld [smem:$0x3FB2]  }
0x2e: {  	s3 =	simm.s32 @!p0 $0x1082;
	s9 =	sld [smem:$0x3FB3]  }
0x2f: {  	lr =	sadd.s32 s0, s3;
	s0 =	sld [smem:$0x3FAA]  }
0x30: {  	s3 =	sld [smem:$0x3FAD]  }
0x31: {  	[smem:$0x3FB6] =	sst s10  }
0x32: {  	s10 =	sld [smem:$0x3FB4];
	_ =	sdelay $0x3  }
0x33: {  	p0 =	seq.s32 s10, $0x1;
	s10 =	sld [smem:$0x3FB6];
	_ =	sdelay $0x3  }
0x34: {  	[smem:$0x3FB6] =	sst s10  }
0x35: {  	s10 =	sld [smem:$0x3FB5];
	_ =	sdelay $0x3  }
0x36: {  	p1 =	seq.s32 s10, $0x1;
	s10 =	sld [smem:$0x3FB6];
	_ =	sdelay $0x3  }
0x37: {  	[smem:$0x3FB6] =	sst s10  }
0x38: {  	s10 =	sld [smem:$0x3FB7]  }
0x39: {  	_ = 	snop;
	(pc) =	sbr.ind lr, $3  }
0x3a: {  	_ = 	snop  }
0x3b: {  	_ = 	snop  }
0x3c: {  	p2 =	seq.s32 s10, $0x1;
	s10 =	sld [smem:$0x3FB6]  }
0x3d: {  	_ =	shalt  }
0x3e: {  	_ =	shalt  }
0x3f: {  	_ =	shalt  }
0x40: {  	_ =	shalt  }
0x41: {  	_ =	shalt  }
0x42: {  	_ =	shalt  }
0x43: {  	_ =	shalt  }
0x44: {  	_ =	shalt  }
0x45: {  	_ =	shalt  }
0x46: {  	_ =	shalt  }
0x47: {  	_ =	shalt  }
0x48: {  	_ =	shalt  }
0x49: {  	_ =	shalt  }
0x4a: {  	_ =	shalt  }
0x4b: {  	_ =	shalt  }
0x4c: {  	_ =	shalt  }
0x4d: {  	_ =	shalt  }
0x4e: {  	_ =	shalt  }
0x4f: {  	_ =	shalt  }
0x50: {  	_ =	shalt  }
0x51: {  	_ =	shalt  }
0x52: {  	_ =	shalt  }
0x53: {  	_ =	shalt  }
0x54: {  	_ =	shalt  }
0x55: {  	_ =	shalt  }
0x56: {  	_ =	shalt  }
0x57: {  	_ =	shalt  }
0x58: {  	_ =	shalt  }
0x59: {  	_ =	shalt  }
0x5a: {  	_ =	shalt  }
0x5b: {  	_ =	shalt  }
0x5c: {  	_ =	shalt  }
0x5d: {  	_ =	shalt  }
0x5e: {  	_ =	shalt  }
0x5f: {  	_ =	shalt  }
0x60: {  	_ =	shalt  }
0x61: {  	_ =	shalt  }
0x62: {  	_ =	shalt  }
0x63: {  	_ =	shalt  }
0x64: {  	_ =	shalt  }
0x65: {  	_ =	shalt  }
0x66: {  	_ =	shalt  }
0x67: {  	_ =	shalt  }
0x68: {  	_ =	shalt  }
0x69: {  	_ =	shalt  }
0x6a: {  	_ =	shalt  }
0x6b: {  	_ =	shalt  }
0x6c: {  	_ =	shalt  }
0x6d: {  	_ =	shalt  }
0x6e: {  	_ =	shalt  }
0x6f: {  	_ =	shalt  }
0x70: {  	_ =	shalt  }
0x71: {  	_ =	shalt  }
0x72: {  	_ =	shalt  }
0x73: {  	_ =	shalt  }
0x74: {  	_ =	shalt  }
0x75: {  	_ =	shalt  }
0x76: {  	_ =	shalt  }
0x77: {  	_ =	shalt  }
0x78: {  	_ =	shalt  }
0x79: {  	_ =	shalt  }
0x7a: {  	_ =	shalt  }
0x7b: {  	_ =	shalt  }
0x7c: {  	_ =	shalt  }
0x7d: {  	_ =	shalt  }
0x7e: {  	_ =	shalt  }
0x7f: {  	_ =	shalt  }
0x80: {  	_ =	shalt  }
0x81: {  	_ =	shalt  }
0x82: {  	_ =	shalt  }
0x83: {  	_ =	shalt  }
0x84: {  	_ =	shalt  }
0x85: {  	_ =	shalt  }
0x86: {  	_ =	shalt  }
0x87: {  	_ =	shalt  }
.Lfunc_end0:
.L_simem_size_0:
called_computation_lowered:
.L_overlay_start_0:
0x88: {  	s2 =	sld [smem:$0x3FD9]  }
0x89: {  	s3 =	sld [smem:$0x3FFE];
	_ =	sdelay $0x1  }
0x8a: {  	s1 =	srdreg.scid  }
0x8b: {  	s0 =	sand.u32 $0x1, s1  }
0x8c: {  	s16 =	sshll.u32 s0, $0xA;
	s2 =	sadd.s32 s3, s2  }
0x8d: {  	s2 =	sadd.s32 s2, s16  }
0x8e: {  	[smem:$0x3FC2] =	sst s2  }
0x8f: {  	_ = 	snop  }
0x90: {  	(tm) =	ssettm $0x1  }
0x91: {  	s17 =	sld [smem:$0x3FFB];
	_ =	sdelay $0x3  }
0x92: {  	_ =	strace s17  }
0x93: {  	s2 =	sld [smem:$0x3FFC];
	_ =	sdelay $0x3  }
0x94: {  	_ =	strace s2  }
0x95: {  	s2 =	sld [smem:$0x3FFD];
	_ =	sdelay $0x3  }
0x96: {  	_ =	strace s2  }
0x97: {  	_ =	strace $0x8FFFFFFF  }
0x98: {  	s18 =	sld [smem:$0x3FDB];
	_ =	sdelay $0x1  }
0x99: {  	s19 =	simm.s32 $_scs_section_size  }
0x9a: {  	s4 =	simm.s32 $_size__tile_overlayer_lowered;
	s5 =	simm.s32 $_tile_overlayer_lowered  }
0x9b: {  	s22 =	simm.s32 $0x1BFF;
	s21 =	sshll.u32 s5, $0x1;
	s2 =	sadd.s32 s19, s18  }
0x9c: {  	s6 =	simm.s32 $0x0;
	s20 =	sshll.u32 s4, $0x1;
	s4 =	sadd.s32 s21, s2  }
0x9d: {  	[timem:s6], [sflag:s22] =	dma.local [hbm:s4], s20  }
0x9e: {  	_ =	swait.ge [sflag:s22], s20  }
0x9f: {  	s3 =	ssub.s32 $0x0, s20;
	[sflag:s22] =	ssyncset.done $0x0  }
0xa0: {  	[sflag:s22] =	ssyncadd.s32 s3;
	_ =	sdelay $0x1  }
0xa1: {  	s23 =	simm.s32 $0x1B8B  }
0xa2: {  	_ =	swait.ge [sflag:s23], $0x1  }
0xa3: {  	[sflag:s23] =	ssyncset.done $0x0  }
0xa4: {  	s25 =	simm.s32 $0x1B8E;
	s24 =	sld [smem:$0x3FFE];
	[sflag:s23] =	ssyncadd.s32 $0xFFFFFFFF  }
0xa5: {  	s26 =	simm.s32 $execute0_lowered;
	[smem:$0x3FD2] =	sst s25  }
0xa6: {  	s4 =	sshll.u32 s26, $0x1;
	_ =	strace $0x80000046;
	[dreg:$0x1] =	wrdreg $0xFFFFFFFF  }
0xa7: {  	s28 =	simm.s32 $_size_execute0_lowered;
	s2 =	sadd.s32 s2, s4;
	[dreg:$0x0] =	wrdreg $0x0  }
0xa8: {  	s4 =	sshll.u32 s28, $0x1;
	[dreg:$0x2] =	wrdreg s2  }
0xa9: {  	[dreg:$0x3] =	wrdreg s4  }
0xaa: {  	[dreg:$0x4] =	wrdreg $0xC0  }
0xab: {  	_ =	task [dreg:s6], $0x5FFFF  }
0xac: {  	[dreg:$0x1] =	wrdreg $0xFFFFFFFF  }
0xad: {  	[dreg:$0x0] =	wrdreg $0x60  }
0xae: {  	[dreg:$0x2] =	wrdreg s24  }
0xaf: {  	[dreg:$0x3] =	wrdreg $0x42000  }
0xb0: {  	[dreg:$0x4] =	wrdreg $0x9  }
0xb1: {  	_ =	task.clear_ibuf [dreg:s6], $0x5FFFF;
	_ =	strace $0x90000046  }
0xb2: {  	s29 =	simm.s32 $0x9;
	_ =	strace $0x80000048  }
0xb3: {  	_ =	swait.ge [sflag:s29], $0x1  }
0xb4: {  	[sflag:s29] =	ssyncadd.s32 $0xFFFFFFFF  }
0xb5: {  	_ =	strace $0x90000048  }
0xb6: {  	_ =	sfence  }
0xb7: {  	s30 =	sld [smem:$0x0];
	_ =	sdelay $0x2  }
0xb8: {  	s31 =	sshll.u32 s1, $0xD;
	s1 =	sshrl.u32 s1, $0x2  }
0xb9: {  	s3 =	sand.u32 $0x4000, s31;
	s1 =	sadd.s32 s1, s30  }
0xba: {  	s0 =	sor.u32 s3, s0;
	s1 =	sshll.u32 s1, $0x11  }
0xbb: {  	s0 =	sor.u32 s1, s0  }
0xbc: {  	s0 =	sadd.s32 $0x8F2B, s0  }
0xbd: {  	[sflag:s0] =	ssyncadd.remote.s32 $0x1  }
0xbe: {  	_ =	sfence.sel $0xFFFF  }
0xbf: {  	[dreg:$0x0] =	wrdreg $0xFFFFFFFF;
	(pc) =	sbr.abs _section_cstart, $3  }
0xc0: {  	[dreg:$0x1] =	wrdreg $0xFFFFFFFF  }
0xc1: {  	_ =	task.clear_ibuf [dreg:s6], $0x2FFFF;
	_ =	strace $0x9FFFFFFF  }
0xc2: {  	(tm) =	ssettm $0x7FFFFFFF  }
0xc3: {  	_ =	shalt  }
tec
execute0_lowered:
.L_overlay_start_1:
0x0: {  	(tag) =	ssettag $0x1  }
0x1: {  	s4 =	rddreg [dreg:$0x0]  }
0x2: {  	s1 =	rddreg [dreg:$0x1];
	s2 =	srdreg.scid  }
0x3: {  	s0 =	rddreg [dreg:$0x2];
	s12 =	sand.u32 $0x1, s2  }
0x4: {  	s3 =	simm.s32 $0x0;
	s2 =	stileid.u32;
	s5 =	smul.u32 $0x13C000, s12  }
0x5: {  	s18 =	simm.s32 $0x4080;
	s19 =	simm.s32 $0x4100;
	s6 =	smul.u32 $0x13C00, s2  }
0x6: {  	s20 =	simm.s32 $0x1;
	s21 =	simm.s32 $0x80;
	s7 =	smul.u32 $0x4F000, s2  }
0x7: {  	s22 =	simm.s32 $0x2;
	s23 =	simm.s32 $0x3;
	s11 =	smul.u32 $0xA2, s2  }
0x8: {  	s24 =	simm.s32 $0x0;
	[smem:$0x7FF] =	sst s3;
	s14 =	smul.u32 $0x51, s12  }
0x9: {  	s13 =	sadd.s32 $0x2600, s4;
	_ =	strace $0x80000047;
	s15 =	smul.u32 $0xA20, s2  }
0xa: {  	s26 =	sshll.u32 s2, $0x1;
	s28 =	ssub.s32 $0x2, s12;
	s16 =	smul.u32 $0x510, s12  }
0xb: {  	s10 =	sshrl.u32 s28, $0x1;
	s5 =	sadd.s32 s6, s5;
	s6 =	sor.u32 s12, s26  }
0xc: {  	s29 =	sshrl.u32 s7, $0x2;
	s10 =	ssub.s32 s28, s10;
	s14 =	sadd.s32 s14, s11  }
0xd: {  	s15 =	sadd.s32 s15, s13;
	s5 =	sshrl.u32 s5, $0x3;
	s8 =	smul.u32 $0x2880, s6  }
0xe: {  	s6 =	sshll.u32 s6, $0x7;
	s10 =	smax.u32 s10, $0x1;
	s14 =	sshll.u32 s14, $0x4  }
0xf: {  	s9 =	sadd.s32 s5, s4;
	s4 =	sadd.s32 s29, s1;
	s6 =	sand.u32 $0x380, s6  }
0x10: {  	s17 =	sadd.s32 s14, s13;
	s14 =	sadd.s32 s16, s15;
	s16 =	simm.s32 $0x4  }
0x11: {  	s30 =	sand.u32 $0x7FC00, s8;
	s5 =	sadd.s32 $0x10000, s4;
	s31 =	sshrl.u32 s8, $0x3  }
0x12: {  	s9 =	sadd.s32 $0xC800, s9;
	s11 =	sadd.s32 $0x4000, s4;
	s12 =	sadd.s32 $0x8000, s4  }
0x13: {  	s15 =	sadd.s32 $0x30, s17;
	s6 =	sor.u32 s6, s30;
	s8 =	sadd.s32 s13, s31  }
0x14: {  	s17 =	simm.s32 $0x4000;
	s6 =	sshrl.u32 s6, $0x3;
	s7 =	sadd.s32 $0x10, s8  }
0x15: {  	v0 =	vimm.f32 $0.0e+00;
	v1 =	vimm.f32 $1.000000000e+00;
	s8 =	sadd.s32 $0x20, s8;
	s6 =	sadd.s32 s13, s6;
	s13 =	sadd.s32 $0xC000, s4  }
.LBB2_1:
0x16: {  	s25 =	simm.s32 $0x0;
	s26 =	simm.s32 $0x200  }
.LBB2_2:
0x17: {  	p0 =	sne.s32 s26, $0xFE00;
	[tilespmem:s25+$0x70] =	vst v0  }
0x18: {  	[tilespmem:s25+$0x0] =	vst v0  }
0x19: {  	[tilespmem:s25+$0x10] =	vst v0  }
.Ltmp0:
0x1a: {  	[tilespmem:s25+$0x20] =	vst v0;
	(pc) =	sbr.rel @p0 .LBB2_2-.Ltmp0, $4  }
0x1b: {  	[tilespmem:s25+$0x30] =	vst v0  }
0x1c: {  	[tilespmem:s25+$0x40] =	vst v0  }
0x1d: {  	[tilespmem:s25+$0x50] =	vst v0  }
0x1e: {  	[tilespmem:s25+$0x60] =	vst v0;
	s25 =	sshra.s32 s26, $0x2;
	s26 =	sadd.s32 $0x200, s26  }
0x1f: {  	[tilespmem:s25+$0x70] =	vst v0  }
0x20: {  	[tilespmem:s25+$0x0] =	vst v0  }
0x21: {  	[tilespmem:s25+$0x10] =	vst v0  }
0x22: {  	[tilespmem:s25+$0x20] =	vst v0  }
0x23: {  	[tilespmem:s25+$0x30] =	vst v0  }
0x24: {  	[tilespmem:s25+$0x40] =	vst v0  }
0x25: {  	[tilespmem:s25+$0x50] =	vst v0  }
0x26: {  	[tilespmem:s25+$0x60] =	vst v0;
	s31 =	simm.s32 $0x0  }
0x27: {  	[spmem:s4] =	stream.linear.scatter [tilespmem:s31], [sflag:$0x4], $0x4000, $0x38;
	[tilespmem:$0x17E00] =	vst v63  }
0x28: {  	_ =	swait.ge [sflag:s16], $0x4000  }
0x29: {  	[sflag:s16] =	ssyncset.done $0x0  }
0x2a: {  	[sflag:s16] =	ssyncadd.s32 $0xFFFFC000  }
0x2b: {  	[spmem:s11] =	stream.linear.scatter [tilespmem:s31], [sflag:$0x4], $0x4000, $0x38;
	[tilespmem:$0x17E00] =	vst v63  }
0x2c: {  	_ =	swait.ge [sflag:s16], $0x4000  }
0x2d: {  	[sflag:s16] =	ssyncset.done $0x0  }
0x2e: {  	[sflag:s16] =	ssyncadd.s32 $0xFFFFC000  }
0x2f: {  	[spmem:s12] =	stream.linear.scatter [tilespmem:s31], [sflag:$0x4], $0x4000, $0x38;
	[tilespmem:$0x17E00] =	vst v63  }
0x30: {  	_ =	swait.ge [sflag:s16], $0x4000  }
0x31: {  	[sflag:s16] =	ssyncset.done $0x0  }
0x32: {  	[sflag:s16] =	ssyncadd.s32 $0xFFFFC000  }
0x33: {  	[spmem:s13] =	stream.linear.scatter [tilespmem:s31], [sflag:$0x4], $0x4000, $0x38;
	[tilespmem:$0x17E00] =	vst v63  }
0x34: {  	_ =	swait.ge [sflag:s16], $0x4000  }
0x35: {  	[sflag:s16] =	ssyncset.done $0x0  }
0x36: {  	[sflag:s16] =	ssyncadd.s32 $0xFFFFC000  }
0x37: {  	[spmem:s5] =	stream.linear.scatter [tilespmem:s31], [sflag:$0x4], $0x3C00, $0x38;
	[tilespmem:$0x17E00] =	vst v63  }
0x38: {  	_ =	swait.ge [sflag:s16], $0x3C00  }
0x39: {  	[sflag:s16] =	ssyncset.done $0x0  }
0x3a: {  	s25 =	simm.s32 $0x0;
	s26 =	simm.s32 $0x200;
	[sflag:s16] =	ssyncadd.s32 $0xFFFFC400  }
.LBB2_4:
0x3b: {  	p0 =	sne.s32 s26, $0xFE00;
	[tilespmem:s25+$0x70] =	vst v1  }
0x3c: {  	[tilespmem:s25+$0x0] =	vst v1  }
0x3d: {  	[tilespmem:s25+$0x10] =	vst v1  }
.Ltmp1:
0x3e: {  	[tilespmem:s25+$0x20] =	vst v1;
	(pc) =	sbr.rel @p0 .LBB2_4-.Ltmp1, $4  }
0x3f: {  	[tilespmem:s25+$0x30] =	vst v1  }
0x40: {  	[tilespmem:s25+$0x40] =	vst v1  }
0x41: {  	[tilespmem:s25+$0x50] =	vst v1  }
0x42: {  	[tilespmem:s25+$0x60] =	vst v1;
	s25 =	sshra.s32 s26, $0x2;
	s26 =	sadd.s32 $0x200, s26  }
0x43: {  	[tilespmem:s25+$0x70] =	vst v1  }
0x44: {  	[tilespmem:s25+$0x0] =	vst v1  }
0x45: {  	[tilespmem:s25+$0x10] =	vst v1  }
0x46: {  	[tilespmem:s25+$0x20] =	vst v1  }
0x47: {  	[tilespmem:s25+$0x30] =	vst v1  }
0x48: {  	[tilespmem:s25+$0x40] =	vst v1  }
0x49: {  	[tilespmem:s25+$0x50] =	vst v1  }
0x4a: {  	[tilespmem:s25+$0x60] =	vst v1  }
0x4b: {  	s29 =	simm.s32 $0x0;
	[bflag:$0x0] =	sbarrier.arrive $0xFFFF  }
0x4c: {  	[tilespmem:s17], [sflag:$0x1] =	stream.linear.gather [hbm4b:s6+s29], $0x80, $0x38;
	[tilespmem:$0x17E00] =	vst v63  }
0x4d: {  	_ = 	snop  }
0x4e: {  	[tilespmem:s18], [sflag:$0x2] =	stream.linear.gather [hbm4b:s7+s29], $0x80, $0x38;
	[tilespmem:$0x17E00] =	vst v63  }
0x4f: {  	_ = 	snop  }
0x50: {  	[tilespmem:s19], [sflag:$0x3] =	stream.linear.gather [hbm4b:s8+s29], $0x80, $0x38;
	[tilespmem:$0x17E00] =	vst v63  }
0x51: {  	_ =	swait.ge [sflag:s20], $0x80  }
0x52: {  	[sflag:s20] =	ssyncset.done $0x0  }
0x53: {  	[sflag:s20] =	ssyncadd.s32 $0xFFFFFF80  }
0x54: {  	[spmem:s1] =	stream.indirect.scatter.add.f32 [tilespmem:s3], [sflag:$0x1], $0x80, s17, s21, $0xb8;
	[tilespmem:$0x17E00] =	vst v63  }
0x55: {  	_ =	swait.ge [sflag:s22], $0x80  }
0x56: {  	[sflag:s22] =	ssyncset.done $0x0  }
0x57: {  	[sflag:s22] =	ssyncadd.s32 $0xFFFFFF80  }
0x58: {  	[spmem:s1] =	stream.indirect.scatter.add.f32 [tilespmem:s3], [sflag:$0x2], $0x80, s18, s21, $0xb8;
	[tilespmem:$0x17E00] =	vst v63  }
0x59: {  	_ =	swait.ge [sflag:s23], $0x80  }
0x5a: {  	[sflag:s23] =	ssyncset.done $0x0  }
0x5b: {  	[sflag:s23] =	ssyncadd.s32 $0xFFFFFF80  }
0x5c: {  	[spmem:s1] =	stream.indirect.scatter.add.f32 [tilespmem:s3], [sflag:$0x3], $0x80, s19, s21, $0xb8;
	[tilespmem:$0x17E00] =	vst v63  }
0x5d: {  	_ =	swait.ge [sflag:s20], $0x4000  }
0x5e: {  	[sflag:s20] =	ssyncset.done $0x0  }
0x5f: {  	s30 =	sadd.s32 $0x0, s15;
	[sflag:s20] =	ssyncadd.s32 $0xFFFFC000  }
0x60: {  	[tilespmem:s17], [sflag:$0x1] =	stream.linear.gather [hbm4b:s30+s3], $0x80, $0x38;
	[tilespmem:$0x17E00] =	vst v63  }
0x61: {  	_ =	swait.ge [sflag:s22], $0x4000  }
0x62: {  	s26 =	sadd.s32 $0x0, s14;
	[sflag:s22] =	ssyncset.done $0x0  }
0x63: {  	s31 =	sadd.s32 $0x40, s26;
	[sflag:s22] =	ssyncadd.s32 $0xFFFFC000  }
0x64: {  	[tilespmem:s18], [sflag:$0x2] =	stream.linear.gather [hbm4b:s31+s3], $0x80, $0x38;
	[tilespmem:$0x17E00] =	vst v63  }
0x65: {  	_ =	swait.ge [sflag:s23], $0x4000  }
0x66: {  	[sflag:s23] =	ssyncset.done $0x0  }
0x67: {  	s25 =	simm.s32 $0x30;
	s26 =	sadd.s32 $0x50, s26;
	[sflag:s23] =	ssyncadd.s32 $0xFFFFC000  }
.LBB2_6:
0x68: {  	[tilespmem:s19], [sflag:$0x3] =	stream.linear.gather [hbm4b:s26+s3], $0x80, $0x38;
	[tilespmem:$0x17E00] =	vst v63  }
0x69: {  	s26 =	smov.u32 s25  }
0x6a: {  	p0 =	sne.s32 s25, $0x4B0;
	s25 =	sadd.s32 $0x30, s25;
	_ =	swait.ge [sflag:s20], $0x80  }
0x6b: {  	[sflag:s20] =	ssyncset.done $0x0  }
0x6c: {  	[sflag:s20] =	ssyncadd.s32 $0xFFFFFF80  }
0x6d: {  	[spmem:s1] =	stream.indirect.scatter.add.f32 [tilespmem:s3], [sflag:$0x1], $0x80, s17, s21, $0xb8;
	[tilespmem:$0x17E00] =	vst v63  }
0x6e: {  	_ =	swait.ge [sflag:s22], $0x80  }
0x6f: {  	[sflag:s22] =	ssyncset.done $0x0  }
0x70: {  	[sflag:s22] =	ssyncadd.s32 $0xFFFFFF80  }
0x71: {  	[spmem:s1] =	stream.indirect.scatter.add.f32 [tilespmem:s3], [sflag:$0x2], $0x80, s18, s21, $0xb8;
	[tilespmem:$0x17E00] =	vst v63  }
0x72: {  	_ =	swait.ge [sflag:s23], $0x80  }
0x73: {  	[sflag:s23] =	ssyncset.done $0x0  }
0x74: {  	[sflag:s23] =	ssyncadd.s32 $0xFFFFFF80  }
0x75: {  	[spmem:s1] =	stream.indirect.scatter.add.f32 [tilespmem:s3], [sflag:$0x3], $0x80, s19, s21, $0xb8;
	[tilespmem:$0x17E00] =	vst v63  }
0x76: {  	_ =	swait.ge [sflag:s20], $0x4000  }
0x77: {  	[sflag:s20] =	ssyncset.done $0x0  }
0x78: {  	s28 =	sadd.s32 s26, s15;
	[sflag:s20] =	ssyncadd.s32 $0xFFFFC000  }
0x79: {  	[tilespmem:s17], [sflag:$0x1] =	stream.linear.gather [hbm4b:s28+s3], $0x80, $0x38;
	[tilespmem:$0x17E00] =	vst v63  }
0x7a: {  	_ =	swait.ge [sflag:s22], $0x4000  }
0x7b: {  	s26 =	sadd.s32 s26, s14;
	[sflag:s22] =	ssyncset.done $0x0  }
.Ltmp2:
0x7c: {  	s28 =	sadd.s32 $0x40, s26;
	[sflag:s22] =	ssyncadd.s32 $0xFFFFC000;
	(pc) =	sbr.rel @p0 .LBB2_6-.Ltmp2, $4  }
0x7d: {  	[tilespmem:s18], [sflag:$0x2] =	stream.linear.gather [hbm4b:s28+s3], $0x80, $0x38;
	[tilespmem:$0x17E00] =	vst v63  }
0x7e: {  	_ =	swait.ge [sflag:s23], $0x4000  }
0x7f: {  	[sflag:s23] =	ssyncset.done $0x0  }
0x80: {  	s26 =	sadd.s32 $0x50, s26;
	[sflag:s23] =	ssyncadd.s32 $0xFFFFC000  }
0x81: {  	[tilespmem:s19], [sflag:$0x3] =	stream.linear.gather [hbm4b:s26+s3], $0x80, $0x38;
	[tilespmem:$0x17E00] =	vst v63  }
0x82: {  	_ =	swait.ge [sflag:s20], $0x80  }
0x83: {  	[sflag:s20] =	ssyncset.done $0x0  }
0x84: {  	[sflag:s20] =	ssyncadd.s32 $0xFFFFFF80  }
0x85: {  	[spmem:s1] =	stream.indirect.scatter.add.f32 [tilespmem:s3], [sflag:$0x1], $0x80, s17, s21, $0xb8;
	[tilespmem:$0x17E00] =	vst v63  }
0x86: {  	_ =	swait.ge [sflag:s22], $0x80  }
0x87: {  	[sflag:s22] =	ssyncset.done $0x0  }
0x88: {  	[sflag:s22] =	ssyncadd.s32 $0xFFFFFF80  }
0x89: {  	[spmem:s1] =	stream.indirect.scatter.add.f32 [tilespmem:s3], [sflag:$0x2], $0x80, s18, s21, $0xb8;
	[tilespmem:$0x17E00] =	vst v63  }
0x8a: {  	_ =	swait.ge [sflag:s23], $0x80  }
0x8b: {  	[sflag:s23] =	ssyncset.done $0x0  }
0x8c: {  	[sflag:s23] =	ssyncadd.s32 $0xFFFFFF80  }
0x8d: {  	[spmem:s1] =	stream.indirect.scatter.add.f32 [tilespmem:s3], [sflag:$0x3], $0x80, s19, s21, $0xb8;
	[tilespmem:$0x17E00] =	vst v63  }
0x8e: {  	_ =	swait.ge [sflag:s20], $0x4000  }
0x8f: {  	[sflag:s20] =	ssyncset.done $0x0  }
0x90: {  	[sflag:s20] =	ssyncadd.s32 $0xFFFFC000  }
0x91: {  	_ =	swait.ge [sflag:s22], $0x4000  }
0x92: {  	[sflag:s22] =	ssyncset.done $0x0  }
0x93: {  	[sflag:s22] =	ssyncadd.s32 $0xFFFFC000  }
0x94: {  	_ =	swait.ge [sflag:s23], $0x4000  }
0x95: {  	s25 =	sshll.u32 s2, $0x6;
	s24 =	sadd.s32 $0x1, s24;
	[sflag:s23] =	ssyncset.done $0x0  }
0x96: {  	s31 =	sshrl.u32 s4, $0x3;
	p0 =	sne.s32 s24, s10;
	[sflag:s23] =	ssyncadd.s32 $0xFFFFC000  }
.Ltmp3:
0x97: {  	s25 =	sor.u32 $0x1C04, s25;
	[bflag:$0x0] =	sbarrier.arrive $0xFFFF;
	(pc) =	sbr.rel @p0 .LBB2_1-.Ltmp3, $4  }
0x98: {  	[hbm:s9], [sflag:s25] =	dma.local [spmem:s31], $0x2780  }
0x99: {  	_ =	swait.ge [sflag:s16], $0x2780  }
0x9a: {  	[sflag:s16] =	ssyncset.done $0x0  }
0x9b: {  	[sflag:s16] =	ssyncadd.s32 $0xFFFFD880  }
0x9c: {  	_ =	sfence.sel $0x180000  }
0x9d: {  	[bflag:$0x0] =	sbarrier.arrive $0xFFFF  }
0x9e: {  	p0 =	sne.s32 s2, $0x0;
	_ =	strace $0x90000047  }
0x9f: {  	s0 =	sadd.s32 @!p0 $0x100000, s0;
	[bflag:$0x2] =	sbarrier.arrive $0xFFFF  }
0xa0: {  	[sflag:s0] =	ssyncadd.tile.s32 @!p0 $0x1;
	_ =	shalt  }
.Lfunc_end2:
_tile_overlayer_lowered:
.L_overlay_start_2:
0xa1: {  	(tag) =	ssettag $0x2  }
0xa2: {  	s0 =	rddreg [dreg:$0x0];
	s2 =	stileid.u32  }
0xa3: {  	s1 =	rddreg [dreg:$0x1];
	p0 =	sne.s32 s2, $0x0  }
0xa4: {  	s3 =	rddreg [dreg:$0x2];
	[bflag:$0x3] =	sbarrier.arrive $0xFFFF;
	s2 =	simm.s32 @!p0 $0x1C04  }
0xa5: {  	[timem:s3], [sflag:s2] =	dma.local @!p0 [hbm:s0], s1  }
0xa6: {  	s0 =	simm.s32 @!p0 $0x4  }
0xa7: {  	_ =	swait.ge @!p0 [sflag:s0], s1  }
0xa8: {  	s1 =	ssub.s32 @!p0 $0x0, s1;
	[sflag:s0] =	ssyncset.done @!p0 $0x0  }
0xa9: {  	[sflag:s0] =	ssyncadd.s32 @!p0 s1  }
0xaa: {  	[bflag:$0x3] =	sbarrier.arrive $0xFFFF  }
0xab: {  	_ =	shalt  }

</sc_bundles>
